<compile_context>
chip_gen: v7x
topology: tpu7x:2x2x1
jax: 0.10.2.dev20260603
libtpu: 0.0.44.dev20260713+nightly
codegen_flags: <defaults>
</compile_context>

<pallas_src>
import functools

import jax
import jax.numpy as jnp
from jax import lax
from jax.experimental import pallas as pl
from jax.experimental.pallas import tpu as pltpu
from jax.experimental.pallas import tpu_sc as plsc

MP, MM, FF, BB = 8192, 16384, 64, 16
NNZ = 134217
NC, NS, LANES = 2, 16, 16
CH = 128
NB = 3
NB2 = 3
NNZP = ((NNZ + NS * CH * NB - 1) // (NS * CH * NB)) * (NS * CH * NB)
NNZ_PER_TILE = NNZP // NS
NCH = NNZ_PER_TILE // CH
LAST_FULL = NNZ // NNZ_PER_TILE
TAIL_VALID = NNZ - LAST_FULL * NNZ_PER_TILE
TAIL_Z0 = (TAIL_VALID // LANES) * LANES
B_PER_CORE = BB // NC
RPT = MP // NS
FV = FF // LANES
ZR = 32


def _sc_body(x_hbm, rows_hbm, cols_hbm, vals_hbm, out_hbm,
             rows_v, cabs_v, vals_v, gbuf, sbuf, zeros_v, acc_sh,
             gsem, ssem):
    cid = lax.axis_index("c")
    sid = lax.axis_index("s")

    def zloop(i, _):
        for f in range(FV):
            zeros_v[i, pl.ds(f * LANES, LANES)] = jnp.zeros((LANES,), jnp.float32)
        return 0
    lax.fori_loop(0, ZR, zloop, 0)

    izero = jnp.zeros((LANES,), jnp.int32)
    fzero = jnp.zeros((LANES,), jnp.float32)

    @pl.when(sid == LAST_FULL)
    def _():
        def ztail(i, _):
            sl = pl.ds(TAIL_Z0 + i * LANES, LANES)
            rows_v[sl] = izero
            cabs_v[sl] = izero
            vals_v[sl] = fzero
            return 0
        lax.fori_loop(0, (NNZ_PER_TILE - TAIL_Z0) // LANES, ztail, 0)
        pltpu.sync_copy(rows_hbm.at[pl.ds(sid * NNZ_PER_TILE, TAIL_VALID)],
                        rows_v.at[pl.ds(0, TAIL_VALID)])
        pltpu.sync_copy(cols_hbm.at[pl.ds(sid * NNZ_PER_TILE, TAIL_VALID)],
                        cabs_v.at[pl.ds(0, TAIL_VALID)])
        pltpu.sync_copy(vals_hbm.at[pl.ds(sid * NNZ_PER_TILE, TAIL_VALID)],
                        vals_v.at[pl.ds(0, TAIL_VALID)])

    @pl.when(sid != LAST_FULL)
    def _():
        pltpu.sync_copy(rows_hbm.at[pl.ds(sid * NNZ_PER_TILE, NNZ_PER_TILE)],
                        rows_v)
        pltpu.sync_copy(cols_hbm.at[pl.ds(sid * NNZ_PER_TILE, NNZ_PER_TILE)],
                        cabs_v)
        pltpu.sync_copy(vals_hbm.at[pl.ds(sid * NNZ_PER_TILE, NNZ_PER_TILE)],
                        vals_v)

    for r in range(RPT // ZR):
        pltpu.sync_copy(zeros_v,
                        acc_sh.at[pl.ds(sid * RPT + r * ZR, ZR)])

    def cadd(base):
        def cloop(i, _):
            sl = pl.ds(i * LANES, LANES)
            cabs_v[sl] = cabs_v[sl] + base
            return 0
        lax.fori_loop(0, NNZ_PER_TILE // LANES, cloop, 0)

    cadd(cid * B_PER_CORE * MM)
    plsc.subcore_barrier()

    def batch_body(bi, _):
        b = cid * B_PER_CORE + bi

        for t in range(NB):
            pltpu.async_copy(x_hbm.at[cabs_v.at[pl.ds(t * CH, CH)]],
                             gbuf.at[t], gsem.at[t])

        def round_body(jr, _):
            for u in range(NB):
                j = jr * NB + u
                us = u % NB2

                pltpu.make_async_copy(
                    x_hbm.at[cabs_v.at[pl.ds(j * CH, CH)]],
                    gbuf.at[u], gsem.at[u]).wait()

                @pl.when(j >= NB2)
                def _():
                    pltpu.make_async_copy(
                        sbuf.at[us], acc_sh.at[rows_v.at[pl.ds(j * CH, CH)]],
                        ssem.at[us]).wait()

                def scale_body(g, _):
                    v16 = vals_v[pl.ds(j * CH + g * LANES, LANES)]
                    for k in range(LANES):
                        bv = lax.gather(
                            v16, jnp.full((LANES, 1), k, jnp.int32),
                            lax.GatherDimensionNumbers(
                                offset_dims=(), collapsed_slice_dims=(0,),
                                start_index_map=(0,)),
                            (1,),
                            mode=lax.GatherScatterMode.PROMISE_IN_BOUNDS)
                        i = g * LANES + k
                        for f in range(FV):
                            sl = pl.ds(f * LANES, LANES)
                            sbuf[us, i, sl] = gbuf[u, i, sl] * bv
                    return 0
                lax.fori_loop(0, CH // LANES, scale_body, 0)

                pltpu.async_copy(sbuf.at[us],
                                 acc_sh.at[rows_v.at[pl.ds(j * CH, CH)]],
                                 ssem.at[us], add=True)

                @pl.when(j + NB < NCH)
                def _():
                    pltpu.async_copy(
                        x_hbm.at[cabs_v.at[pl.ds((j + NB) * CH, CH)]],
                        gbuf.at[u], gsem.at[u])
            return 0
        lax.fori_loop(0, NCH // NB, round_body, 0)

        for t in range(NB2):
            j2 = NCH - NB2 + t
            pltpu.make_async_copy(
                sbuf.at[j2 % NB2], acc_sh.at[rows_v.at[pl.ds(j2 * CH, CH)]],
                ssem.at[j2 % NB2]).wait()

        plsc.subcore_barrier()

        pltpu.sync_copy(acc_sh.at[pl.ds(sid * RPT, RPT)],
                        out_hbm.at[pl.ds(b * MP + sid * RPT, RPT)])

        @pl.when(bi + 1 < B_PER_CORE)
        def _():
            for r in range(RPT // ZR):
                pltpu.sync_copy(
                    zeros_v, acc_sh.at[pl.ds(sid * RPT + r * ZR, ZR)])
            cadd(MM)

        plsc.subcore_barrier()
        return 0

    lax.fori_loop(0, B_PER_CORE, batch_body, 0)


def kernel(x, vals, rows, cols):
    x2d = x.reshape(BB * MM, FF)

    mesh = plsc.VectorSubcoreMesh(
        core_axis_name="c", subcore_axis_name="s",
        num_cores=NC, num_subcores=NS)

    f = functools.partial(
        pl.kernel,
        out_type=jax.ShapeDtypeStruct((BB * MP, FF), jnp.float32),
        mesh=mesh,
        compiler_params=pltpu.CompilerParams(use_tc_tiling_on_sc=False),
        scratch_types=[
            pltpu.VMEM((NNZ_PER_TILE,), jnp.int32),
            pltpu.VMEM((NNZ_PER_TILE,), jnp.int32),
            pltpu.VMEM((NNZ_PER_TILE,), jnp.float32),
            pltpu.VMEM((NB, CH, FF), jnp.float32),
            pltpu.VMEM((NB2, CH, FF), jnp.float32),
            pltpu.VMEM((ZR, FF), jnp.float32),
            pltpu.VMEM_SHARED((MP, FF), jnp.float32),
            pltpu.SemaphoreType.DMA((NB,)),
            pltpu.SemaphoreType.DMA((NB2,)),
        ],
    )(_sc_body)

    out2d = f(x2d, rows, cols, vals)
    return out2d.reshape(BB, MP, FF)

# --- scband reference (transcript-rebuilt; emitter-appended) ---
"""Pipeline reference for scband-mesh-pool-trans-3633542332722 (READ-ONLY COPY).

The authoritative reference and input builder live on the scoring server;
editing this copy changes nothing except your own understanding.
"""

import jax, jax.numpy as jnp
import numpy as np

Mp, M, F, B = 8192, 16384, 64, 16
NNZ = int(Mp * M * 0.001)


def setup_inputs(seed: int = 0) -> dict:
    key = jax.random.key(seed)
    kx, kv = jax.random.split(key)
    x = jax.random.normal(kx, (B, M, F), dtype=jnp.float32)
    # Sparse pooling/Laplacian matrix L [Mp, M] in COO form (constructor constant)
    rng = np.random.default_rng(0)
    rows = jnp.asarray(rng.integers(0, Mp, NNZ), dtype=jnp.int32)
    cols = jnp.asarray(rng.integers(0, M, NNZ), dtype=jnp.int32)
    vals = jax.random.normal(kv, (NNZ,), dtype=jnp.float32) * 0.1
    return {"x": x, "vals": vals, "rows": rows, "cols": cols}


def reference(x, vals, rows, cols):
    # poolwT: out[b] = L @ x[b]  with L sparse [Mp, M], x [B, M, F]
    # Original TF code reshapes x to [M, F*B] and does sparse_tensor_dense_matmul;
    # mathematically identical to a gather (by col), scale (by val), scatter-add (by row).
    gathered = jnp.take(x, cols, axis=1) * vals[None, :, None]   # [B, NNZ, F]
    g = jnp.transpose(gathered, (1, 0, 2))                        # [NNZ, B, F]
    pooled = jax.ops.segment_sum(g, rows, num_segments=Mp)        # [Mp, B, F]
    return jnp.transpose(pooled, (1, 0, 2))                       # [B, Mp, F]

if __name__ == "__main__":
    import jax
    _d = setup_inputs()
    print(jax.jit(kernel)(*tuple(_d.values())))

</pallas_src>

<mosaic_0001>
#map = affine_map<(d0, d1) -> (0, 0)>
#map1 = affine_map<(d0, d1) -> (0)>
module attributes {stable_mosaic.version = 14 : i64} {
  func.func @_sc_body(%arg0: i32, %arg1: i32, %arg2: memref<262144x64xf32, #tpu.memory_space<hbm>>, %arg3: memref<134217xi32, #tpu.memory_space<hbm>>, %arg4: memref<134217xi32, #tpu.memory_space<hbm>>, %arg5: memref<134217xf32, #tpu.memory_space<hbm>>, %arg6: memref<131072x64xf32, #tpu.memory_space<hbm>>, %arg7: memref<8448xi32, #tpu.memory_space<vmem>>, %arg8: memref<8448xi32, #tpu.memory_space<vmem>>, %arg9: memref<8448xf32, #tpu.memory_space<vmem>>, %arg10: memref<3x128x64xf32, #tpu.memory_space<vmem>>, %arg11: memref<3x128x64xf32, #tpu.memory_space<vmem>>, %arg12: memref<32x64xf32, #tpu.memory_space<vmem>>, %arg13: memref<8192x64xf32, #tpu.memory_space<vmem_shared>>, %arg14: memref<3x!tpu.dma_semaphore, #tpu.memory_space<semaphore_mem>>, %arg15: memref<3x!tpu.dma_semaphore, #tpu.memory_space<semaphore_mem>>) attributes {dimension_semantics = [#tpu.dimension_semantics<core_parallel>, #tpu.dimension_semantics<subcore_parallel>], iteration_bounds = array<i64: 2, 16>, scalar_prefetch = 0 : i64, scratch_operands = 9 : i64, tpu.core_type = #tpu.core_type<sc_vector_subcore>, window_params = [{transform_indices = #map}, {transform_indices = #map1}, {transform_indices = #map1}, {transform_indices = #map1}, {transform_indices = #map}]} {
    %scan3A = arith.constant 0 : i32
    %scan3A_0 = arith.constant 0 : i32
    %scan3A_1 = arith.constant 32 : i32
    %scan3A_2 = arith.addi %scan3A_0, %scan3A_1 : i32
    %scan3A_3 = arith.constant 1 : i32
    %scan3A_4 = scf.for %scan3A_95 = %scan3A_0 to %scan3A_2 step %scan3A_3 iter_args(%scan3A_96 = %scan3A) -> (i32)  : i32 {
      %broadcast_in_dim3A_97 = arith.constant 0.000000e+00 : f32
      %broadcast_in_dim3A_98 = vector.broadcast %broadcast_in_dim3A_97 : f32 to vector<16xf32>
      %swap3A = arith.index_cast %scan3A_95 : i32 to index
      %swap3A_99 = arith.constant 0 : index
      %swap3A_100 = tpu.vector_load %arg12[%swap3A, %swap3A_99] {strides = array<i32>} : memref<32x64xf32, #tpu.memory_space<vmem>>, vector<1x16xf32>,
      %swap3A_101 = vector.shape_cast %swap3A_100 : vector<1x16xf32> to vector<16xf32>
      %swap3A_102 = vector.shape_cast %broadcast_in_dim3A_98 : vector<16xf32> to vector<1x16xf32>
      tpu.vector_store %arg12[%swap3A, %swap3A_99], %swap3A_102 {strides = array<i32>} : memref<32x64xf32, #tpu.memory_space<vmem>>, vector<1x16xf32>,
      %broadcast_in_dim3A_103 = arith.constant 0.000000e+00 : f32
      %broadcast_in_dim3A_104 = vector.broadcast %broadcast_in_dim3A_103 : f32 to vector<16xf32>
      %swap3A_105 = arith.index_cast %scan3A_95 : i32 to index
      %swap3A_106 = arith.constant 16 : index
      %swap3A_107 = tpu.vector_load %arg12[%swap3A_105, %swap3A_106] {strides = array<i32>} : memref<32x64xf32, #tpu.memory_space<vmem>>, vector<1x16xf32>,
      %swap3A_108 = vector.shape_cast %swap3A_107 : vector<1x16xf32> to vector<16xf32>
      %swap3A_109 = vector.shape_cast %broadcast_in_dim3A_104 : vector<16xf32> to vector<1x16xf32>
      tpu.vector_store %arg12[%swap3A_105, %swap3A_106], %swap3A_109 {strides = array<i32>} : memref<32x64xf32, #tpu.memory_space<vmem>>, vector<1x16xf32>,
      %broadcast_in_dim3A_110 = arith.constant 0.000000e+00 : f32
      %broadcast_in_dim3A_111 = vector.broadcast %broadcast_in_dim3A_110 : f32 to vector<16xf32>
      %swap3A_112 = arith.index_cast %scan3A_95 : i32 to index
      %swap3A_113 = arith.constant 32 : index
      %swap3A_114 = tpu.vector_load %arg12[%swap3A_112, %swap3A_113] {strides = array<i32>} : memref<32x64xf32, #tpu.memory_space<vmem>>, vector<1x16xf32>,
      %swap3A_115 = vector.shape_cast %swap3A_114 : vector<1x16xf32> to vector<16xf32>
      %swap3A_116 = vector.shape_cast %broadcast_in_dim3A_111 : vector<16xf32> to vector<1x16xf32>
      tpu.vector_store %arg12[%swap3A_112, %swap3A_113], %swap3A_116 {strides = array<i32>} : memref<32x64xf32, #tpu.memory_space<vmem>>, vector<1x16xf32>,
      %broadcast_in_dim3A_117 = arith.constant 0.000000e+00 : f32
      %broadcast_in_dim3A_118 = vector.broadcast %broadcast_in_dim3A_117 : f32 to vector<16xf32>
      %swap3A_119 = arith.index_cast %scan3A_95 : i32 to index
      %swap3A_120 = arith.constant 48 : index
      %swap3A_121 = tpu.vector_load %arg12[%swap3A_119, %swap3A_120] {strides = array<i32>} : memref<32x64xf32, #tpu.memory_space<vmem>>, vector<1x16xf32>,
      %swap3A_122 = vector.shape_cast %swap3A_121 : vector<1x16xf32> to vector<16xf32>
      %swap3A_123 = vector.shape_cast %broadcast_in_dim3A_118 : vector<16xf32> to vector<1x16xf32>
      tpu.vector_store %arg12[%swap3A_119, %swap3A_120], %swap3A_123 {strides = array<i32>} : memref<32x64xf32, #tpu.memory_space<vmem>>, vector<1x16xf32>,
      %scan3A_124 = arith.constant 0 : i32
      scf.yield %scan3A_124 : i32
    }
    %scan3A_5 = arith.constant 32 : i32
    %broadcast_in_dim3A = arith.constant 0 : i32
    %broadcast_in_dim3A_6 = vector.broadcast %broadcast_in_dim3A : i32 to vector<16xi32>
    %broadcast_in_dim3A_7 = arith.constant 0.000000e+00 : f32
    %broadcast_in_dim3A_8 = vector.broadcast %broadcast_in_dim3A_7 : f32 to vector<16xf32>
    %eq3A = arith.constant 15 : i32
    %eq3A_9 = arith.cmpi eq, %arg1, %eq3A : i32
    %convert_element_type3A = arith.extui %eq3A_9 : i1 to i32
    %cond3A = arith.constant 0 : i32
    %cond3A_10 = arith.cmpi ne, %convert_element_type3A, %cond3A : i32
    scf.if %cond3A_10 {
      %scan3A_95 = arith.constant 0 : i32
      %scan3A_96 = arith.constant 0 : i32
      %scan3A_97 = arith.constant 60 : i32
      %scan3A_98 = arith.addi %scan3A_96, %scan3A_97 : i32
      %scan3A_99 = arith.constant 1 : i32
      %scan3A_100 = scf.for %scan3A_108 = %scan3A_96 to %scan3A_98 step %scan3A_99 iter_args(%scan3A_109 = %scan3A_95) -> (i32)  : i32 {
        %mul3A_110 = arith.constant 16 : i32
        %mul3A_111 = arith.muli %scan3A_108, %mul3A_110 : i32
        %add3A_112 = arith.constant 7488 : i32
        %add3A_113 = arith.addi %add3A_112, %mul3A_111 : i32
        %swap3A = arith.index_cast %add3A_113 : i32 to index
        %swap3A_114 = tpu.vector_load %arg7[%swap3A] {strides = array<i32>} : memref<8448xi32, #tpu.memory_space<vmem>>, vector<16xi32>,
        %swap3A_115 = vector.shape_cast %swap3A_114 : vector<16xi32> to vector<16xi32>
        %swap3A_116 = vector.shape_cast %broadcast_in_dim3A_6 : vector<16xi32> to vector<16xi32>
        tpu.vector_store %arg7[%swap3A], %swap3A_116 {strides = array<i32>} : memref<8448xi32, #tpu.memory_space<vmem>>, vector<16xi32>,
        %swap3A_117 = arith.index_cast %add3A_113 : i32 to index
        %swap3A_118 = tpu.vector_load %arg8[%swap3A_117] {strides = array<i32>} : memref<8448xi32, #tpu.memory_space<vmem>>, vector<16xi32>,
        %swap3A_119 = vector.shape_cast %swap3A_118 : vector<16xi32> to vector<16xi32>
        %swap3A_120 = vector.shape_cast %broadcast_in_dim3A_6 : vector<16xi32> to vector<16xi32>
        tpu.vector_store %arg8[%swap3A_117], %swap3A_120 {strides = array<i32>} : memref<8448xi32, #tpu.memory_space<vmem>>, vector<16xi32>,
        %swap3A_121 = arith.index_cast %add3A_113 : i32 to index
        %swap3A_122 = tpu.vector_load %arg9[%swap3A_121] {strides = array<i32>} : memref<8448xf32, #tpu.memory_space<vmem>>, vector<16xf32>,
        %swap3A_123 = vector.shape_cast %swap3A_122 : vector<16xf32> to vector<16xf32>
        %swap3A_124 = vector.shape_cast %broadcast_in_dim3A_8 : vector<16xf32> to vector<16xf32>
        tpu.vector_store %arg9[%swap3A_121], %swap3A_124 {strides = array<i32>} : memref<8448xf32, #tpu.memory_space<vmem>>, vector<16xf32>,
        %scan3A_125 = arith.constant 0 : i32
        scf.yield %scan3A_125 : i32
      }
      %scan3A_101 = arith.constant 60 : i32
      %mul3A_102 = arith.constant 8448 : i32
      %mul3A_103 = arith.muli %arg1, %mul3A_102 : i32
      "tpu.region"() ({
        %run_scoped3A = tpu.sem_alloc : memref<!tpu.dma_semaphore, #tpu.memory_space<semaphore_mem>>
        %dma_start3A = arith.constant 0 : i32
        %dma_start3A_108 = tpu.memref_slice %arg7[%dma_start3A] : memref<8448xi32, #tpu.memory_space<vmem>> -> memref<7497xi32, #tpu.memory_space<vmem>>
        %dma_start3A_109 = tpu.memref_slice %arg3[%mul3A_103] : memref<134217xi32, #tpu.memory_space<hbm>> -> memref<7497xi32, #tpu.memory_space<hbm>>
        %dma_start3A_110 = arith.constant 0 : i32
        %dma_start3A_111 = tpu.memref_slice %arg7[%dma_start3A_110] : memref<8448xi32, #tpu.memory_space<vmem>> -> memref<7497xi32, #tpu.memory_space<vmem>>
        %dma_start3A_112 = tpu.memref_slice %arg3[%mul3A_103] : memref<134217xi32, #tpu.memory_space<hbm>> -> memref<7497xi32, #tpu.memory_space<hbm>>
        tpu.enqueue_dma source(%dma_start3A_112 : memref<7497xi32, #tpu.memory_space<hbm>>) target(%dma_start3A_111 : memref<7497xi32, #tpu.memory_space<vmem>>) target_semaphore(%run_scoped3A : memref<!tpu.dma_semaphore, #tpu.memory_space<semaphore_mem>>)
        %dma_wait3A = arith.constant 0 : i32
        %dma_wait3A_113 = tpu.memref_slice %arg7[%dma_wait3A] : memref<8448xi32, #tpu.memory_space<vmem>> -> memref<7497xi32, #tpu.memory_space<vmem>>
        %dma_wait3A_114 = tpu.memref_slice %arg3[%mul3A_103] : memref<134217xi32, #tpu.memory_space<hbm>> -> memref<7497xi32, #tpu.memory_space<hbm>>
        %dma_wait3A_115 = arith.constant 0 : i32
        %dma_wait3A_116 = tpu.memref_slice %arg7[%dma_wait3A_115] : memref<8448xi32, #tpu.memory_space<vmem>> -> memref<7497xi32, #tpu.memory_space<vmem>>
        %dma_wait3A_117 = tpu.memref_slice %arg3[%mul3A_103] : memref<134217xi32, #tpu.memory_space<hbm>> -> memref<7497xi32, #tpu.memory_space<hbm>>
        tpu.wait_dma2 semaphore(%run_scoped3A : memref<!tpu.dma_semaphore, #tpu.memory_space<semaphore_mem>>) src(%dma_wait3A_117 : memref<7497xi32, #tpu.memory_space<hbm>>) dst(%dma_wait3A_116 : memref<7497xi32, #tpu.memory_space<vmem>>)
        tpu.yield
      }) : () -> ()
      %mul3A_104 = arith.constant 8448 : i32
      %mul3A_105 = arith.muli %arg1, %mul3A_104 : i32
      "tpu.region"() ({
        %run_scoped3A = tpu.sem_alloc : memref<!tpu.dma_semaphore, #tpu.memory_space<semaphore_mem>>
        %dma_start3A = arith.constant 0 : i32
        %dma_start3A_108 = tpu.memref_slice %arg8[%dma_start3A] : memref<8448xi32, #tpu.memory_space<vmem>> -> memref<7497xi32, #tpu.memory_space<vmem>>
        %dma_start3A_109 = tpu.memref_slice %arg4[%mul3A_105] : memref<134217xi32, #tpu.memory_space<hbm>> -> memref<7497xi32, #tpu.memory_space<hbm>>
        %dma_start3A_110 = arith.constant 0 : i32
        %dma_start3A_111 = tpu.memref_slice %arg8[%dma_start3A_110] : memref<8448xi32, #tpu.memory_space<vmem>> -> memref<7497xi32, #tpu.memory_space<vmem>>
        %dma_start3A_112 = tpu.memref_slice %arg4[%mul3A_105] : memref<134217xi32, #tpu.memory_space<hbm>> -> memref<7497xi32, #tpu.memory_space<hbm>>
        tpu.enqueue_dma source(%dma_start3A_112 : memref<7497xi32, #tpu.memory_space<hbm>>) target(%dma_start3A_111 : memref<7497xi32, #tpu.memory_space<vmem>>) target_semaphore(%run_scoped3A : memref<!tpu.dma_semaphore, #tpu.memory_space<semaphore_mem>>)
        %dma_wait3A = arith.constant 0 : i32
        %dma_wait3A_113 = tpu.memref_slice %arg8[%dma_wait3A] : memref<8448xi32, #tpu.memory_space<vmem>> -> memref<7497xi32, #tpu.memory_space<vmem>>
        %dma_wait3A_114 = tpu.memref_slice %arg4[%mul3A_105] : memref<134217xi32, #tpu.memory_space<hbm>> -> memref<7497xi32, #tpu.memory_space<hbm>>
        %dma_wait3A_115 = arith.constant 0 : i32
        %dma_wait3A_116 = tpu.memref_slice %arg8[%dma_wait3A_115] : memref<8448xi32, #tpu.memory_space<vmem>> -> memref<7497xi32, #tpu.memory_space<vmem>>
        %dma_wait3A_117 = tpu.memref_slice %arg4[%mul3A_105] : memref<134217xi32, #tpu.memory_space<hbm>> -> memref<7497xi32, #tpu.memory_space<hbm>>
        tpu.wait_dma2 semaphore(%run_scoped3A : memref<!tpu.dma_semaphore, #tpu.memory_space<semaphore_mem>>) src(%dma_wait3A_117 : memref<7497xi32, #tpu.memory_space<hbm>>) dst(%dma_wait3A_116 : memref<7497xi32, #tpu.memory_space<vmem>>)
        tpu.yield
      }) : () -> ()
      %mul3A_106 = arith.constant 8448 : i32
      %mul3A_107 = arith.muli %arg1, %mul3A_106 : i32
      "tpu.region"() ({
        %run_scoped3A = tpu.sem_alloc : memref<!tpu.dma_semaphore, #tpu.memory_space<semaphore_mem>>
        %dma_start3A = arith.constant 0 : i32
        %dma_start3A_108 = tpu.memref_slice %arg9[%dma_start3A] : memref<8448xf32, #tpu.memory_space<vmem>> -> memref<7497xf32, #tpu.memory_space<vmem>>
        %dma_start3A_109 = tpu.memref_slice %arg5[%mul3A_107] : memref<134217xf32, #tpu.memory_space<hbm>> -> memref<7497xf32, #tpu.memory_space<hbm>>
        %dma_start3A_110 = arith.constant 0 : i32
        %dma_start3A_111 = tpu.memref_slice %arg9[%dma_start3A_110] : memref<8448xf32, #tpu.memory_space<vmem>> -> memref<7497xf32, #tpu.memory_space<vmem>>
        %dma_start3A_112 = tpu.memref_slice %arg5[%mul3A_107] : memref<134217xf32, #tpu.memory_space<hbm>> -> memref<7497xf32, #tpu.memory_space<hbm>>
        tpu.enqueue_dma source(%dma_start3A_112 : memref<7497xf32, #tpu.memory_space<hbm>>) target(%dma_start3A_111 : memref<7497xf32, #tpu.memory_space<vmem>>) target_semaphore(%run_scoped3A : memref<!tpu.dma_semaphore, #tpu.memory_space<semaphore_mem>>)
        %dma_wait3A = arith.constant 0 : i32
        %dma_wait3A_113 = tpu.memref_slice %arg9[%dma_wait3A] : memref<8448xf32, #tpu.memory_space<vmem>> -> memref<7497xf32, #tpu.memory_space<vmem>>
        %dma_wait3A_114 = tpu.memref_slice %arg5[%mul3A_107] : memref<134217xf32, #tpu.memory_space<hbm>> -> memref<7497xf32, #tpu.memory_space<hbm>>
        %dma_wait3A_115 = arith.constant 0 : i32
        %dma_wait3A_116 = tpu.memref_slice %arg9[%dma_wait3A_115] : memref<8448xf32, #tpu.memory_space<vmem>> -> memref<7497xf32, #tpu.memory_space<vmem>>
        %dma_wait3A_117 = tpu.memref_slice %arg5[%mul3A_107] : memref<134217xf32, #tpu.memory_space<hbm>> -> memref<7497xf32, #tpu.memory_space<hbm>>
        tpu.wait_dma2 semaphore(%run_scoped3A : memref<!tpu.dma_semaphore, #tpu.memory_space<semaphore_mem>>) src(%dma_wait3A_117 : memref<7497xf32, #tpu.memory_space<hbm>>) dst(%dma_wait3A_116 : memref<7497xf32, #tpu.memory_space<vmem>>)
        tpu.yield
      }) : () -> ()
    } else {
    }
    %ne3A = arith.constant 15 : i32
    %ne3A_11 = arith.cmpi ne, %arg1, %ne3A : i32
    %convert_element_type3A_12 = arith.extui %ne3A_11 : i1 to i32
    %cond3A_13 = arith.constant 0 : i32
    %cond3A_14 = arith.cmpi ne, %convert_element_type3A_12, %cond3A_13 : i32
    scf.if %cond3A_14 {
      %mul3A_95 = arith.constant 8448 : i32
      %mul3A_96 = arith.muli %arg1, %mul3A_95 : i32
      "tpu.region"() ({
        %run_scoped3A = tpu.sem_alloc : memref<!tpu.dma_semaphore, #tpu.memory_space<semaphore_mem>>
        %dma_start3A = tpu.memref_slice %arg3[%mul3A_96] : memref<134217xi32, #tpu.memory_space<hbm>> -> memref<8448xi32, #tpu.memory_space<hbm>>
        %dma_start3A_101 = tpu.memref_slice %arg3[%mul3A_96] : memref<134217xi32, #tpu.memory_space<hbm>> -> memref<8448xi32, #tpu.memory_space<hbm>>
        tpu.enqueue_dma source(%dma_start3A_101 : memref<8448xi32, #tpu.memory_space<hbm>>) target(%arg7 : memref<8448xi32, #tpu.memory_space<vmem>>) target_semaphore(%run_scoped3A : memref<!tpu.dma_semaphore, #tpu.memory_space<semaphore_mem>>)
        %dma_wait3A = tpu.memref_slice %arg3[%mul3A_96] : memref<134217xi32, #tpu.memory_space<hbm>> -> memref<8448xi32, #tpu.memory_space<hbm>>
        %dma_wait3A_102 = tpu.memref_slice %arg3[%mul3A_96] : memref<134217xi32, #tpu.memory_space<hbm>> -> memref<8448xi32, #tpu.memory_space<hbm>>
        tpu.wait_dma2 semaphore(%run_scoped3A : memref<!tpu.dma_semaphore, #tpu.memory_space<semaphore_mem>>) src(%dma_wait3A_102 : memref<8448xi32, #tpu.memory_space<hbm>>) dst(%arg7 : memref<8448xi32, #tpu.memory_space<vmem>>)
        tpu.yield
      }) : () -> ()
      %mul3A_97 = arith.constant 8448 : i32
      %mul3A_98 = arith.muli %arg1, %mul3A_97 : i32
      "tpu.region"() ({
        %run_scoped3A = tpu.sem_alloc : memref<!tpu.dma_semaphore, #tpu.memory_space<semaphore_mem>>
        %dma_start3A = tpu.memref_slice %arg4[%mul3A_98] : memref<134217xi32, #tpu.memory_space<hbm>> -> memref<8448xi32, #tpu.memory_space<hbm>>
        %dma_start3A_101 = tpu.memref_slice %arg4[%mul3A_98] : memref<134217xi32, #tpu.memory_space<hbm>> -> memref<8448xi32, #tpu.memory_space<hbm>>
        tpu.enqueue_dma source(%dma_start3A_101 : memref<8448xi32, #tpu.memory_space<hbm>>) target(%arg8 : memref<8448xi32, #tpu.memory_space<vmem>>) target_semaphore(%run_scoped3A : memref<!tpu.dma_semaphore, #tpu.memory_space<semaphore_mem>>)
        %dma_wait3A = tpu.memref_slice %arg4[%mul3A_98] : memref<134217xi32, #tpu.memory_space<hbm>> -> memref<8448xi32, #tpu.memory_space<hbm>>
        %dma_wait3A_102 = tpu.memref_slice %arg4[%mul3A_98] : memref<134217xi32, #tpu.memory_space<hbm>> -> memref<8448xi32, #tpu.memory_space<hbm>>
        tpu.wait_dma2 semaphore(%run_scoped3A : memref<!tpu.dma_semaphore, #tpu.memory_space<semaphore_mem>>) src(%dma_wait3A_102 : memref<8448xi32, #tpu.memory_space<hbm>>) dst(%arg8 : memref<8448xi32, #tpu.memory_space<vmem>>)
        tpu.yield
      }) : () -> ()
      %mul3A_99 = arith.constant 8448 : i32
      %mul3A_100 = arith.muli %arg1, %mul3A_99 : i32
      "tpu.region"() ({
        %run_scoped3A = tpu.sem_alloc : memref<!tpu.dma_semaphore, #tpu.memory_space<semaphore_mem>>
        %dma_start3A = tpu.memref_slice %arg5[%mul3A_100] : memref<134217xf32, #tpu.memory_space<hbm>> -> memref<8448xf32, #tpu.memory_space<hbm>>
        %dma_start3A_101 = tpu.memref_slice %arg5[%mul3A_100] : memref<134217xf32, #tpu.memory_space<hbm>> -> memref<8448xf32, #tpu.memory_space<hbm>>
        tpu.enqueue_dma source(%dma_start3A_101 : memref<8448xf32, #tpu.memory_space<hbm>>) target(%arg9 : memref<8448xf32, #tpu.memory_space<vmem>>) target_semaphore(%run_scoped3A : memref<!tpu.dma_semaphore, #tpu.memory_space<semaphore_mem>>)
        %dma_wait3A = tpu.memref_slice %arg5[%mul3A_100] : memref<134217xf32, #tpu.memory_space<hbm>> -> memref<8448xf32, #tpu.memory_space<hbm>>
        %dma_wait3A_102 = tpu.memref_slice %arg5[%mul3A_100] : memref<134217xf32, #tpu.memory_space<hbm>> -> memref<8448xf32, #tpu.memory_space<hbm>>
        tpu.wait_dma2 semaphore(%run_scoped3A : memref<!tpu.dma_semaphore, #tpu.memory_space<semaphore_mem>>) src(%dma_wait3A_102 : memref<8448xf32, #tpu.memory_space<hbm>>) dst(%arg9 : memref<8448xf32, #tpu.memory_space<vmem>>)
        tpu.yield
      }) : () -> ()
    } else {
    }
    %mul3A = arith.constant 512 : i32
    %mul3A_15 = arith.muli %arg1, %mul3A : i32
    %add3A = arith.constant 0 : i32
    %add3A_16 = arith.addi %mul3A_15, %add3A : i32
    "tpu.region"() ({
      %run_scoped3A = tpu.sem_alloc : memref<!tpu.dma_semaphore, #tpu.memory_space<semaphore_mem>>
      %dma_start3A = arith.constant 0 : i32
      %dma_start3A_95 = tpu.memref_slice %arg13[%add3A_16, %dma_start3A] : memref<8192x64xf32, #tpu.memory_space<vmem_shared>> -> memref<32x64xf32, #tpu.memory_space<vmem_shared>>
      %dma_start3A_96 = arith.constant 0 : i32
      %dma_start3A_97 = tpu.memref_slice %arg13[%add3A_16, %dma_start3A_96] : memref<8192x64xf32, #tpu.memory_space<vmem_shared>> -> memref<32x64xf32, #tpu.memory_space<vmem_shared>>
      tpu.enqueue_dma source(%arg12 : memref<32x64xf32, #tpu.memory_space<vmem>>) target(%dma_start3A_97 : memref<32x64xf32, #tpu.memory_space<vmem_shared>>) target_semaphore(%run_scoped3A : memref<!tpu.dma_semaphore, #tpu.memory_space<semaphore_mem>>)
      %dma_wait3A = arith.constant 0 : i32
      %dma_wait3A_98 = tpu.memref_slice %arg13[%add3A_16, %dma_wait3A] : memref<8192x64xf32, #tpu.memory_space<vmem_shared>> -> memref<32x64xf32, #tpu.memory_space<vmem_shared>>
      %dma_wait3A_99 = arith.constant 0 : i32
      %dma_wait3A_100 = tpu.memref_slice %arg13[%add3A_16, %dma_wait3A_99] : memref<8192x64xf32, #tpu.memory_space<vmem_shared>> -> memref<32x64xf32, #tpu.memory_space<vmem_shared>>
      tpu.wait_dma2 semaphore(%run_scoped3A : memref<!tpu.dma_semaphore, #tpu.memory_space<semaphore_mem>>) src(%arg12 : memref<32x64xf32, #tpu.memory_space<vmem>>) dst(%dma_wait3A_100 : memref<32x64xf32, #tpu.memory_space<vmem_shared>>)
      tpu.yield
    }) : () -> ()
    %mul3A_17 = arith.constant 512 : i32
    %mul3A_18 = arith.muli %arg1, %mul3A_17 : i32
    %add3A_19 = arith.constant 32 : i32
    %add3A_20 = arith.addi %mul3A_18, %add3A_19 : i32
    "tpu.region"() ({
      %run_scoped3A = tpu.sem_alloc : memref<!tpu.dma_semaphore, #tpu.memory_space<semaphore_mem>>
      %dma_start3A = arith.constant 0 : i32
      %dma_start3A_95 = tpu.memref_slice %arg13[%add3A_20, %dma_start3A] : memref<8192x64xf32, #tpu.memory_space<vmem_shared>> -> memref<32x64xf32, #tpu.memory_space<vmem_shared>>
      %dma_start3A_96 = arith.constant 0 : i32
      %dma_start3A_97 = tpu.memref_slice %arg13[%add3A_20, %dma_start3A_96] : memref<8192x64xf32, #tpu.memory_space<vmem_shared>> -> memref<32x64xf32, #tpu.memory_space<vmem_shared>>
      tpu.enqueue_dma source(%arg12 : memref<32x64xf32, #tpu.memory_space<vmem>>) target(%dma_start3A_97 : memref<32x64xf32, #tpu.memory_space<vmem_shared>>) target_semaphore(%run_scoped3A : memref<!tpu.dma_semaphore, #tpu.memory_space<semaphore_mem>>)
      %dma_wait3A = arith.constant 0 : i32
      %dma_wait3A_98 = tpu.memref_slice %arg13[%add3A_20, %dma_wait3A] : memref<8192x64xf32, #tpu.memory_space<vmem_shared>> -> memref<32x64xf32, #tpu.memory_space<vmem_shared>>
      %dma_wait3A_99 = arith.constant 0 : i32
      %dma_wait3A_100 = tpu.memref_slice %arg13[%add3A_20, %dma_wait3A_99] : memref<8192x64xf32, #tpu.memory_space<vmem_shared>> -> memref<32x64xf32, #tpu.memory_space<vmem_shared>>
      tpu.wait_dma2 semaphore(%run_scoped3A : memref<!tpu.dma_semaphore, #tpu.memory_space<semaphore_mem>>) src(%arg12 : memref<32x64xf32, #tpu.memory_space<vmem>>) dst(%dma_wait3A_100 : memref<32x64xf32, #tpu.memory_space<vmem_shared>>)
      tpu.yield
    }) : () -> ()
    %mul3A_21 = arith.constant 512 : i32
    %mul3A_22 = arith.muli %arg1, %mul3A_21 : i32
    %add3A_23 = arith.constant 64 : i32
    %add3A_24 = arith.addi %mul3A_22, %add3A_23 : i32
    "tpu.region"() ({
      %run_scoped3A = tpu.sem_alloc : memref<!tpu.dma_semaphore, #tpu.memory_space<semaphore_mem>>
      %dma_start3A = arith.constant 0 : i32
      %dma_start3A_95 = tpu.memref_slice %arg13[%add3A_24, %dma_start3A] : memref<8192x64xf32, #tpu.memory_space<vmem_shared>> -> memref<32x64xf32, #tpu.memory_space<vmem_shared>>
      %dma_start3A_96 = arith.constant 0 : i32
      %dma_start3A_97 = tpu.memref_slice %arg13[%add3A_24, %dma_start3A_96] : memref<8192x64xf32, #tpu.memory_space<vmem_shared>> -> memref<32x64xf32, #tpu.memory_space<vmem_shared>>
      tpu.enqueue_dma source(%arg12 : memref<32x64xf32, #tpu.memory_space<vmem>>) target(%dma_start3A_97 : memref<32x64xf32, #tpu.memory_space<vmem_shared>>) target_semaphore(%run_scoped3A : memref<!tpu.dma_semaphore, #tpu.memory_space<semaphore_mem>>)
      %dma_wait3A = arith.constant 0 : i32
      %dma_wait3A_98 = tpu.memref_slice %arg13[%add3A_24, %dma_wait3A] : memref<8192x64xf32, #tpu.memory_space<vmem_shared>> -> memref<32x64xf32, #tpu.memory_space<vmem_shared>>
      %dma_wait3A_99 = arith.constant 0 : i32
      %dma_wait3A_100 = tpu.memref_slice %arg13[%add3A_24, %dma_wait3A_99] : memref<8192x64xf32, #tpu.memory_space<vmem_shared>> -> memref<32x64xf32, #tpu.memory_space<vmem_shared>>
      tpu.wait_dma2 semaphore(%run_scoped3A : memref<!tpu.dma_semaphore, #tpu.memory_space<semaphore_mem>>) src(%arg12 : memref<32x64xf32, #tpu.memory_space<vmem>>) dst(%dma_wait3A_100 : memref<32x64xf32, #tpu.memory_space<vmem_shared>>)
      tpu.yield
    }) : () -> ()
    %mul3A_25 = arith.constant 512 : i32
    %mul3A_26 = arith.muli %arg1, %mul3A_25 : i32
    %add3A_27 = arith.constant 96 : i32
    %add3A_28 = arith.addi %mul3A_26, %add3A_27 : i32
    "tpu.region"() ({
      %run_scoped3A = tpu.sem_alloc : memref<!tpu.dma_semaphore, #tpu.memory_space<semaphore_mem>>
      %dma_start3A = arith.constant 0 : i32
      %dma_start3A_95 = tpu.memref_slice %arg13[%add3A_28, %dma_start3A] : memref<8192x64xf32, #tpu.memory_space<vmem_shared>> -> memref<32x64xf32, #tpu.memory_space<vmem_shared>>
      %dma_start3A_96 = arith.constant 0 : i32
      %dma_start3A_97 = tpu.memref_slice %arg13[%add3A_28, %dma_start3A_96] : memref<8192x64xf32, #tpu.memory_space<vmem_shared>> -> memref<32x64xf32, #tpu.memory_space<vmem_shared>>
      tpu.enqueue_dma source(%arg12 : memref<32x64xf32, #tpu.memory_space<vmem>>) target(%dma_start3A_97 : memref<32x64xf32, #tpu.memory_space<vmem_shared>>) target_semaphore(%run_scoped3A : memref<!tpu.dma_semaphore, #tpu.memory_space<semaphore_mem>>)
      %dma_wait3A = arith.constant 0 : i32
      %dma_wait3A_98 = tpu.memref_slice %arg13[%add3A_28, %dma_wait3A] : memref<8192x64xf32, #tpu.memory_space<vmem_shared>> -> memref<32x64xf32, #tpu.memory_space<vmem_shared>>
      %dma_wait3A_99 = arith.constant 0 : i32
      %dma_wait3A_100 = tpu.memref_slice %arg13[%add3A_28, %dma_wait3A_99] : memref<8192x64xf32, #tpu.memory_space<vmem_shared>> -> memref<32x64xf32, #tpu.memory_space<vmem_shared>>
      tpu.wait_dma2 semaphore(%run_scoped3A : memref<!tpu.dma_semaphore, #tpu.memory_space<semaphore_mem>>) src(%arg12 : memref<32x64xf32, #tpu.memory_space<vmem>>) dst(%dma_wait3A_100 : memref<32x64xf32, #tpu.memory_space<vmem_shared>>)
      tpu.yield
    }) : () -> ()
    %mul3A_29 = arith.constant 512 : i32
    %mul3A_30 = arith.muli %arg1, %mul3A_29 : i32
    %add3A_31 = arith.constant 128 : i32
    %add3A_32 = arith.addi %mul3A_30, %add3A_31 : i32
    "tpu.region"() ({
      %run_scoped3A = tpu.sem_alloc : memref<!tpu.dma_semaphore, #tpu.memory_space<semaphore_mem>>
      %dma_start3A = arith.constant 0 : i32
      %dma_start3A_95 = tpu.memref_slice %arg13[%add3A_32, %dma_start3A] : memref<8192x64xf32, #tpu.memory_space<vmem_shared>> -> memref<32x64xf32, #tpu.memory_space<vmem_shared>>
      %dma_start3A_96 = arith.constant 0 : i32
      %dma_start3A_97 = tpu.memref_slice %arg13[%add3A_32, %dma_start3A_96] : memref<8192x64xf32, #tpu.memory_space<vmem_shared>> -> memref<32x64xf32, #tpu.memory_space<vmem_shared>>
      tpu.enqueue_dma source(%arg12 : memref<32x64xf32, #tpu.memory_space<vmem>>) target(%dma_start3A_97 : memref<32x64xf32, #tpu.memory_space<vmem_shared>>) target_semaphore(%run_scoped3A : memref<!tpu.dma_semaphore, #tpu.memory_space<semaphore_mem>>)
      %dma_wait3A = arith.constant 0 : i32
      %dma_wait3A_98 = tpu.memref_slice %arg13[%add3A_32, %dma_wait3A] : memref<8192x64xf32, #tpu.memory_space<vmem_shared>> -> memref<32x64xf32, #tpu.memory_space<vmem_shared>>
      %dma_wait3A_99 = arith.constant 0 : i32
      %dma_wait3A_100 = tpu.memref_slice %arg13[%add3A_32, %dma_wait3A_99] : memref<8192x64xf32, #tpu.memory_space<vmem_shared>> -> memref<32x64xf32, #tpu.memory_space<vmem_shared>>
      tpu.wait_dma2 semaphore(%run_scoped3A : memref<!tpu.dma_semaphore, #tpu.memory_space<semaphore_mem>>) src(%arg12 : memref<32x64xf32, #tpu.memory_space<vmem>>) dst(%dma_wait3A_100 : memref<32x64xf32, #tpu.memory_space<vmem_shared>>)
      tpu.yield
    }) : () -> ()
    %mul3A_33 = arith.constant 512 : i32
    %mul3A_34 = arith.muli %arg1, %mul3A_33 : i32
    %add3A_35 = arith.constant 160 : i32
    %add3A_36 = arith.addi %mul3A_34, %add3A_35 : i32
    "tpu.region"() ({
      %run_scoped3A = tpu.sem_alloc : memref<!tpu.dma_semaphore, #tpu.memory_space<semaphore_mem>>
      %dma_start3A = arith.constant 0 : i32
      %dma_start3A_95 = tpu.memref_slice %arg13[%add3A_36, %dma_start3A] : memref<8192x64xf32, #tpu.memory_space<vmem_shared>> -> memref<32x64xf32, #tpu.memory_space<vmem_shared>>
      %dma_start3A_96 = arith.constant 0 : i32
      %dma_start3A_97 = tpu.memref_slice %arg13[%add3A_36, %dma_start3A_96] : memref<8192x64xf32, #tpu.memory_space<vmem_shared>> -> memref<32x64xf32, #tpu.memory_space<vmem_shared>>
      tpu.enqueue_dma source(%arg12 : memref<32x64xf32, #tpu.memory_space<vmem>>) target(%dma_start3A_97 : memref<32x64xf32, #tpu.memory_space<vmem_shared>>) target_semaphore(%run_scoped3A : memref<!tpu.dma_semaphore, #tpu.memory_space<semaphore_mem>>)
      %dma_wait3A = arith.constant 0 : i32
      %dma_wait3A_98 = tpu.memref_slice %arg13[%add3A_36, %dma_wait3A] : memref<8192x64xf32, #tpu.memory_space<vmem_shared>> -> memref<32x64xf32, #tpu.memory_space<vmem_shared>>
      %dma_wait3A_99 = arith.constant 0 : i32
      %dma_wait3A_100 = tpu.memref_slice %arg13[%add3A_36, %dma_wait3A_99] : memref<8192x64xf32, #tpu.memory_space<vmem_shared>> -> memref<32x64xf32, #tpu.memory_space<vmem_shared>>
      tpu.wait_dma2 semaphore(%run_scoped3A : memref<!tpu.dma_semaphore, #tpu.memory_space<semaphore_mem>>) src(%arg12 : memref<32x64xf32, #tpu.memory_space<vmem>>) dst(%dma_wait3A_100 : memref<32x64xf32, #tpu.memory_space<vmem_shared>>)
      tpu.yield
    }) : () -> ()
    %mul3A_37 = arith.constant 512 : i32
    %mul3A_38 = arith.muli %arg1, %mul3A_37 : i32
    %add3A_39 = arith.constant 192 : i32
    %add3A_40 = arith.addi %mul3A_38, %add3A_39 : i32
    "tpu.region"() ({
      %run_scoped3A = tpu.sem_alloc : memref<!tpu.dma_semaphore, #tpu.memory_space<semaphore_mem>>
      %dma_start3A = arith.constant 0 : i32
      %dma_start3A_95 = tpu.memref_slice %arg13[%add3A_40, %dma_start3A] : memref<8192x64xf32, #tpu.memory_space<vmem_shared>> -> memref<32x64xf32, #tpu.memory_space<vmem_shared>>
      %dma_start3A_96 = arith.constant 0 : i32
      %dma_start3A_97 = tpu.memref_slice %arg13[%add3A_40, %dma_start3A_96] : memref<8192x64xf32, #tpu.memory_space<vmem_shared>> -> memref<32x64xf32, #tpu.memory_space<vmem_shared>>
      tpu.enqueue_dma source(%arg12 : memref<32x64xf32, #tpu.memory_space<vmem>>) target(%dma_start3A_97 : memref<32x64xf32, #tpu.memory_space<vmem_shared>>) target_semaphore(%run_scoped3A : memref<!tpu.dma_semaphore, #tpu.memory_space<semaphore_mem>>)
      %dma_wait3A = arith.constant 0 : i32
      %dma_wait3A_98 = tpu.memref_slice %arg13[%add3A_40, %dma_wait3A] : memref<8192x64xf32, #tpu.memory_space<vmem_shared>> -> memref<32x64xf32, #tpu.memory_space<vmem_shared>>
      %dma_wait3A_99 = arith.constant 0 : i32
      %dma_wait3A_100 = tpu.memref_slice %arg13[%add3A_40, %dma_wait3A_99] : memref<8192x64xf32, #tpu.memory_space<vmem_shared>> -> memref<32x64xf32, #tpu.memory_space<vmem_shared>>
      tpu.wait_dma2 semaphore(%run_scoped3A : memref<!tpu.dma_semaphore, #tpu.memory_space<semaphore_mem>>) src(%arg12 : memref<32x64xf32, #tpu.memory_space<vmem>>) dst(%dma_wait3A_100 : memref<32x64xf32, #tpu.memory_space<vmem_shared>>)
      tpu.yield
    }) : () -> ()
    %mul3A_41 = arith.constant 512 : i32
    %mul3A_42 = arith.muli %arg1, %mul3A_41 : i32
    %add3A_43 = arith.constant 224 : i32
    %add3A_44 = arith.addi %mul3A_42, %add3A_43 : i32
    "tpu.region"() ({
      %run_scoped3A = tpu.sem_alloc : memref<!tpu.dma_semaphore, #tpu.memory_space<semaphore_mem>>
      %dma_start3A = arith.constant 0 : i32
      %dma_start3A_95 = tpu.memref_slice %arg13[%add3A_44, %dma_start3A] : memref<8192x64xf32, #tpu.memory_space<vmem_shared>> -> memref<32x64xf32, #tpu.memory_space<vmem_shared>>
      %dma_start3A_96 = arith.constant 0 : i32
      %dma_start3A_97 = tpu.memref_slice %arg13[%add3A_44, %dma_start3A_96] : memref<8192x64xf32, #tpu.memory_space<vmem_shared>> -> memref<32x64xf32, #tpu.memory_space<vmem_shared>>
      tpu.enqueue_dma source(%arg12 : memref<32x64xf32, #tpu.memory_space<vmem>>) target(%dma_start3A_97 : memref<32x64xf32, #tpu.memory_space<vmem_shared>>) target_semaphore(%run_scoped3A : memref<!tpu.dma_semaphore, #tpu.memory_space<semaphore_mem>>)
      %dma_wait3A = arith.constant 0 : i32
      %dma_wait3A_98 = tpu.memref_slice %arg13[%add3A_44, %dma_wait3A] : memref<8192x64xf32, #tpu.memory_space<vmem_shared>> -> memref<32x64xf32, #tpu.memory_space<vmem_shared>>
      %dma_wait3A_99 = arith.constant 0 : i32
      %dma_wait3A_100 = tpu.memref_slice %arg13[%add3A_44, %dma_wait3A_99] : memref<8192x64xf32, #tpu.memory_space<vmem_shared>> -> memref<32x64xf32, #tpu.memory_space<vmem_shared>>
      tpu.wait_dma2 semaphore(%run_scoped3A : memref<!tpu.dma_semaphore, #tpu.memory_space<semaphore_mem>>) src(%arg12 : memref<32x64xf32, #tpu.memory_space<vmem>>) dst(%dma_wait3A_100 : memref<32x64xf32, #tpu.memory_space<vmem_shared>>)
      tpu.yield
    }) : () -> ()
    %mul3A_45 = arith.constant 512 : i32
    %mul3A_46 = arith.muli %arg1, %mul3A_45 : i32
    %add3A_47 = arith.constant 256 : i32
    %add3A_48 = arith.addi %mul3A_46, %add3A_47 : i32
    "tpu.region"() ({
      %run_scoped3A = tpu.sem_alloc : memref<!tpu.dma_semaphore, #tpu.memory_space<semaphore_mem>>
      %dma_start3A = arith.constant 0 : i32
      %dma_start3A_95 = tpu.memref_slice %arg13[%add3A_48, %dma_start3A] : memref<8192x64xf32, #tpu.memory_space<vmem_shared>> -> memref<32x64xf32, #tpu.memory_space<vmem_shared>>
      %dma_start3A_96 = arith.constant 0 : i32
      %dma_start3A_97 = tpu.memref_slice %arg13[%add3A_48, %dma_start3A_96] : memref<8192x64xf32, #tpu.memory_space<vmem_shared>> -> memref<32x64xf32, #tpu.memory_space<vmem_shared>>
      tpu.enqueue_dma source(%arg12 : memref<32x64xf32, #tpu.memory_space<vmem>>) target(%dma_start3A_97 : memref<32x64xf32, #tpu.memory_space<vmem_shared>>) target_semaphore(%run_scoped3A : memref<!tpu.dma_semaphore, #tpu.memory_space<semaphore_mem>>)
      %dma_wait3A = arith.constant 0 : i32
      %dma_wait3A_98 = tpu.memref_slice %arg13[%add3A_48, %dma_wait3A] : memref<8192x64xf32, #tpu.memory_space<vmem_shared>> -> memref<32x64xf32, #tpu.memory_space<vmem_shared>>
      %dma_wait3A_99 = arith.constant 0 : i32
      %dma_wait3A_100 = tpu.memref_slice %arg13[%add3A_48, %dma_wait3A_99] : memref<8192x64xf32, #tpu.memory_space<vmem_shared>> -> memref<32x64xf32, #tpu.memory_space<vmem_shared>>
      tpu.wait_dma2 semaphore(%run_scoped3A : memref<!tpu.dma_semaphore, #tpu.memory_space<semaphore_mem>>) src(%arg12 : memref<32x64xf32, #tpu.memory_space<vmem>>) dst(%dma_wait3A_100 : memref<32x64xf32, #tpu.memory_space<vmem_shared>>)
      tpu.yield
    }) : () -> ()
    %mul3A_49 = arith.constant 512 : i32
    %mul3A_50 = arith.muli %arg1, %mul3A_49 : i32
    %add3A_51 = arith.constant 288 : i32
    %add3A_52 = arith.addi %mul3A_50, %add3A_51 : i32
    "tpu.region"() ({
      %run_scoped3A = tpu.sem_alloc : memref<!tpu.dma_semaphore, #tpu.memory_space<semaphore_mem>>
      %dma_start3A = arith.constant 0 : i32
      %dma_start3A_95 = tpu.memref_slice %arg13[%add3A_52, %dma_start3A] : memref<8192x64xf32, #tpu.memory_space<vmem_shared>> -> memref<32x64xf32, #tpu.memory_space<vmem_shared>>
      %dma_start3A_96 = arith.constant 0 : i32
      %dma_start3A_97 = tpu.memref_slice %arg13[%add3A_52, %dma_start3A_96] : memref<8192x64xf32, #tpu.memory_space<vmem_shared>> -> memref<32x64xf32, #tpu.memory_space<vmem_shared>>
      tpu.enqueue_dma source(%arg12 : memref<32x64xf32, #tpu.memory_space<vmem>>) target(%dma_start3A_97 : memref<32x64xf32, #tpu.memory_space<vmem_shared>>) target_semaphore(%run_scoped3A : memref<!tpu.dma_semaphore, #tpu.memory_space<semaphore_mem>>)
      %dma_wait3A = arith.constant 0 : i32
      %dma_wait3A_98 = tpu.memref_slice %arg13[%add3A_52, %dma_wait3A] : memref<8192x64xf32, #tpu.memory_space<vmem_shared>> -> memref<32x64xf32, #tpu.memory_space<vmem_shared>>
      %dma_wait3A_99 = arith.constant 0 : i32
      %dma_wait3A_100 = tpu.memref_slice %arg13[%add3A_52, %dma_wait3A_99] : memref<8192x64xf32, #tpu.memory_space<vmem_shared>> -> memref<32x64xf32, #tpu.memory_space<vmem_shared>>
      tpu.wait_dma2 semaphore(%run_scoped3A : memref<!tpu.dma_semaphore, #tpu.memory_space<semaphore_mem>>) src(%arg12 : memref<32x64xf32, #tpu.memory_space<vmem>>) dst(%dma_wait3A_100 : memref<32x64xf32, #tpu.memory_space<vmem_shared>>)
      tpu.yield
    }) : () -> ()
    %mul3A_53 = arith.constant 512 : i32
    %mul3A_54 = arith.muli %arg1, %mul3A_53 : i32
    %add3A_55 = arith.constant 320 : i32
    %add3A_56 = arith.addi %mul3A_54, %add3A_55 : i32
    "tpu.region"() ({
      %run_scoped3A = tpu.sem_alloc : memref<!tpu.dma_semaphore, #tpu.memory_space<semaphore_mem>>
      %dma_start3A = arith.constant 0 : i32
      %dma_start3A_95 = tpu.memref_slice %arg13[%add3A_56, %dma_start3A] : memref<8192x64xf32, #tpu.memory_space<vmem_shared>> -> memref<32x64xf32, #tpu.memory_space<vmem_shared>>
      %dma_start3A_96 = arith.constant 0 : i32
      %dma_start3A_97 = tpu.memref_slice %arg13[%add3A_56, %dma_start3A_96] : memref<8192x64xf32, #tpu.memory_space<vmem_shared>> -> memref<32x64xf32, #tpu.memory_space<vmem_shared>>
      tpu.enqueue_dma source(%arg12 : memref<32x64xf32, #tpu.memory_space<vmem>>) target(%dma_start3A_97 : memref<32x64xf32, #tpu.memory_space<vmem_shared>>) target_semaphore(%run_scoped3A : memref<!tpu.dma_semaphore, #tpu.memory_space<semaphore_mem>>)
      %dma_wait3A = arith.constant 0 : i32
      %dma_wait3A_98 = tpu.memref_slice %arg13[%add3A_56, %dma_wait3A] : memref<8192x64xf32, #tpu.memory_space<vmem_shared>> -> memref<32x64xf32, #tpu.memory_space<vmem_shared>>
      %dma_wait3A_99 = arith.constant 0 : i32
      %dma_wait3A_100 = tpu.memref_slice %arg13[%add3A_56, %dma_wait3A_99] : memref<8192x64xf32, #tpu.memory_space<vmem_shared>> -> memref<32x64xf32, #tpu.memory_space<vmem_shared>>
      tpu.wait_dma2 semaphore(%run_scoped3A : memref<!tpu.dma_semaphore, #tpu.memory_space<semaphore_mem>>) src(%arg12 : memref<32x64xf32, #tpu.memory_space<vmem>>) dst(%dma_wait3A_100 : memref<32x64xf32, #tpu.memory_space<vmem_shared>>)
      tpu.yield
    }) : () -> ()
    %mul3A_57 = arith.constant 512 : i32
    %mul3A_58 = arith.muli %arg1, %mul3A_57 : i32
    %add3A_59 = arith.constant 352 : i32
    %add3A_60 = arith.addi %mul3A_58, %add3A_59 : i32
    "tpu.region"() ({
      %run_scoped3A = tpu.sem_alloc : memref<!tpu.dma_semaphore, #tpu.memory_space<semaphore_mem>>
      %dma_start3A = arith.constant 0 : i32
      %dma_start3A_95 = tpu.memref_slice %arg13[%add3A_60, %dma_start3A] : memref<8192x64xf32, #tpu.memory_space<vmem_shared>> -> memref<32x64xf32, #tpu.memory_space<vmem_shared>>
      %dma_start3A_96 = arith.constant 0 : i32
      %dma_start3A_97 = tpu.memref_slice %arg13[%add3A_60, %dma_start3A_96] : memref<8192x64xf32, #tpu.memory_space<vmem_shared>> -> memref<32x64xf32, #tpu.memory_space<vmem_shared>>
      tpu.enqueue_dma source(%arg12 : memref<32x64xf32, #tpu.memory_space<vmem>>) target(%dma_start3A_97 : memref<32x64xf32, #tpu.memory_space<vmem_shared>>) target_semaphore(%run_scoped3A : memref<!tpu.dma_semaphore, #tpu.memory_space<semaphore_mem>>)
      %dma_wait3A = arith.constant 0 : i32
      %dma_wait3A_98 = tpu.memref_slice %arg13[%add3A_60, %dma_wait3A] : memref<8192x64xf32, #tpu.memory_space<vmem_shared>> -> memref<32x64xf32, #tpu.memory_space<vmem_shared>>
      %dma_wait3A_99 = arith.constant 0 : i32
      %dma_wait3A_100 = tpu.memref_slice %arg13[%add3A_60, %dma_wait3A_99] : memref<8192x64xf32, #tpu.memory_space<vmem_shared>> -> memref<32x64xf32, #tpu.memory_space<vmem_shared>>
      tpu.wait_dma2 semaphore(%run_scoped3A : memref<!tpu.dma_semaphore, #tpu.memory_space<semaphore_mem>>) src(%arg12 : memref<32x64xf32, #tpu.memory_space<vmem>>) dst(%dma_wait3A_100 : memref<32x64xf32, #tpu.memory_space<vmem_shared>>)
      tpu.yield
    }) : () -> ()
    %mul3A_61 = arith.constant 512 : i32
    %mul3A_62 = arith.muli %arg1, %mul3A_61 : i32
    %add3A_63 = arith.constant 384 : i32
    %add3A_64 = arith.addi %mul3A_62, %add3A_63 : i32
    "tpu.region"() ({
      %run_scoped3A = tpu.sem_alloc : memref<!tpu.dma_semaphore, #tpu.memory_space<semaphore_mem>>
      %dma_start3A = arith.constant 0 : i32
      %dma_start3A_95 = tpu.memref_slice %arg13[%add3A_64, %dma_start3A] : memref<8192x64xf32, #tpu.memory_space<vmem_shared>> -> memref<32x64xf32, #tpu.memory_space<vmem_shared>>
      %dma_start3A_96 = arith.constant 0 : i32
      %dma_start3A_97 = tpu.memref_slice %arg13[%add3A_64, %dma_start3A_96] : memref<8192x64xf32, #tpu.memory_space<vmem_shared>> -> memref<32x64xf32, #tpu.memory_space<vmem_shared>>
      tpu.enqueue_dma source(%arg12 : memref<32x64xf32, #tpu.memory_space<vmem>>) target(%dma_start3A_97 : memref<32x64xf32, #tpu.memory_space<vmem_shared>>) target_semaphore(%run_scoped3A : memref<!tpu.dma_semaphore, #tpu.memory_space<semaphore_mem>>)
      %dma_wait3A = arith.constant 0 : i32
      %dma_wait3A_98 = tpu.memref_slice %arg13[%add3A_64, %dma_wait3A] : memref<8192x64xf32, #tpu.memory_space<vmem_shared>> -> memref<32x64xf32, #tpu.memory_space<vmem_shared>>
      %dma_wait3A_99 = arith.constant 0 : i32
      %dma_wait3A_100 = tpu.memref_slice %arg13[%add3A_64, %dma_wait3A_99] : memref<8192x64xf32, #tpu.memory_space<vmem_shared>> -> memref<32x64xf32, #tpu.memory_space<vmem_shared>>
      tpu.wait_dma2 semaphore(%run_scoped3A : memref<!tpu.dma_semaphore, #tpu.memory_space<semaphore_mem>>) src(%arg12 : memref<32x64xf32, #tpu.memory_space<vmem>>) dst(%dma_wait3A_100 : memref<32x64xf32, #tpu.memory_space<vmem_shared>>)
      tpu.yield
    }) : () -> ()
    %mul3A_65 = arith.constant 512 : i32
    %mul3A_66 = arith.muli %arg1, %mul3A_65 : i32
    %add3A_67 = arith.constant 416 : i32
    %add3A_68 = arith.addi %mul3A_66, %add3A_67 : i32
    "tpu.region"() ({
      %run_scoped3A = tpu.sem_alloc : memref<!tpu.dma_semaphore, #tpu.memory_space<semaphore_mem>>
      %dma_start3A = arith.constant 0 : i32
      %dma_start3A_95 = tpu.memref_slice %arg13[%add3A_68, %dma_start3A] : memref<8192x64xf32, #tpu.memory_space<vmem_shared>> -> memref<32x64xf32, #tpu.memory_space<vmem_shared>>
      %dma_start3A_96 = arith.constant 0 : i32
      %dma_start3A_97 = tpu.memref_slice %arg13[%add3A_68, %dma_start3A_96] : memref<8192x64xf32, #tpu.memory_space<vmem_shared>> -> memref<32x64xf32, #tpu.memory_space<vmem_shared>>
      tpu.enqueue_dma source(%arg12 : memref<32x64xf32, #tpu.memory_space<vmem>>) target(%dma_start3A_97 : memref<32x64xf32, #tpu.memory_space<vmem_shared>>) target_semaphore(%run_scoped3A : memref<!tpu.dma_semaphore, #tpu.memory_space<semaphore_mem>>)
      %dma_wait3A = arith.constant 0 : i32
      %dma_wait3A_98 = tpu.memref_slice %arg13[%add3A_68, %dma_wait3A] : memref<8192x64xf32, #tpu.memory_space<vmem_shared>> -> memref<32x64xf32, #tpu.memory_space<vmem_shared>>
      %dma_wait3A_99 = arith.constant 0 : i32
      %dma_wait3A_100 = tpu.memref_slice %arg13[%add3A_68, %dma_wait3A_99] : memref<8192x64xf32, #tpu.memory_space<vmem_shared>> -> memref<32x64xf32, #tpu.memory_space<vmem_shared>>
      tpu.wait_dma2 semaphore(%run_scoped3A : memref<!tpu.dma_semaphore, #tpu.memory_space<semaphore_mem>>) src(%arg12 : memref<32x64xf32, #tpu.memory_space<vmem>>) dst(%dma_wait3A_100 : memref<32x64xf32, #tpu.memory_space<vmem_shared>>)
      tpu.yield
    }) : () -> ()
    %mul3A_69 = arith.constant 512 : i32
    %mul3A_70 = arith.muli %arg1, %mul3A_69 : i32
    %add3A_71 = arith.constant 448 : i32
    %add3A_72 = arith.addi %mul3A_70, %add3A_71 : i32
    "tpu.region"() ({
      %run_scoped3A = tpu.sem_alloc : memref<!tpu.dma_semaphore, #tpu.memory_space<semaphore_mem>>
      %dma_start3A = arith.constant 0 : i32
      %dma_start3A_95 = tpu.memref_slice %arg13[%add3A_72, %dma_start3A] : memref<8192x64xf32, #tpu.memory_space<vmem_shared>> -> memref<32x64xf32, #tpu.memory_space<vmem_shared>>
      %dma_start3A_96 = arith.constant 0 : i32
      %dma_start3A_97 = tpu.memref_slice %arg13[%add3A_72, %dma_start3A_96] : memref<8192x64xf32, #tpu.memory_space<vmem_shared>> -> memref<32x64xf32, #tpu.memory_space<vmem_shared>>
      tpu.enqueue_dma source(%arg12 : memref<32x64xf32, #tpu.memory_space<vmem>>) target(%dma_start3A_97 : memref<32x64xf32, #tpu.memory_space<vmem_shared>>) target_semaphore(%run_scoped3A : memref<!tpu.dma_semaphore, #tpu.memory_space<semaphore_mem>>)
      %dma_wait3A = arith.constant 0 : i32
      %dma_wait3A_98 = tpu.memref_slice %arg13[%add3A_72, %dma_wait3A] : memref<8192x64xf32, #tpu.memory_space<vmem_shared>> -> memref<32x64xf32, #tpu.memory_space<vmem_shared>>
      %dma_wait3A_99 = arith.constant 0 : i32
      %dma_wait3A_100 = tpu.memref_slice %arg13[%add3A_72, %dma_wait3A_99] : memref<8192x64xf32, #tpu.memory_space<vmem_shared>> -> memref<32x64xf32, #tpu.memory_space<vmem_shared>>
      tpu.wait_dma2 semaphore(%run_scoped3A : memref<!tpu.dma_semaphore, #tpu.memory_space<semaphore_mem>>) src(%arg12 : memref<32x64xf32, #tpu.memory_space<vmem>>) dst(%dma_wait3A_100 : memref<32x64xf32, #tpu.memory_space<vmem_shared>>)
      tpu.yield
    }) : () -> ()
    %mul3A_73 = arith.constant 512 : i32
    %mul3A_74 = arith.muli %arg1, %mul3A_73 : i32
    %add3A_75 = arith.constant 480 : i32
    %add3A_76 = arith.addi %mul3A_74, %add3A_75 : i32
    "tpu.region"() ({
      %run_scoped3A = tpu.sem_alloc : memref<!tpu.dma_semaphore, #tpu.memory_space<semaphore_mem>>
      %dma_start3A = arith.constant 0 : i32
      %dma_start3A_95 = tpu.memref_slice %arg13[%add3A_76, %dma_start3A] : memref<8192x64xf32, #tpu.memory_space<vmem_shared>> -> memref<32x64xf32, #tpu.memory_space<vmem_shared>>
      %dma_start3A_96 = arith.constant 0 : i32
      %dma_start3A_97 = tpu.memref_slice %arg13[%add3A_76, %dma_start3A_96] : memref<8192x64xf32, #tpu.memory_space<vmem_shared>> -> memref<32x64xf32, #tpu.memory_space<vmem_shared>>
      tpu.enqueue_dma source(%arg12 : memref<32x64xf32, #tpu.memory_space<vmem>>) target(%dma_start3A_97 : memref<32x64xf32, #tpu.memory_space<vmem_shared>>) target_semaphore(%run_scoped3A : memref<!tpu.dma_semaphore, #tpu.memory_space<semaphore_mem>>)
      %dma_wait3A = arith.constant 0 : i32
      %dma_wait3A_98 = tpu.memref_slice %arg13[%add3A_76, %dma_wait3A] : memref<8192x64xf32, #tpu.memory_space<vmem_shared>> -> memref<32x64xf32, #tpu.memory_space<vmem_shared>>
      %dma_wait3A_99 = arith.constant 0 : i32
      %dma_wait3A_100 = tpu.memref_slice %arg13[%add3A_76, %dma_wait3A_99] : memref<8192x64xf32, #tpu.memory_space<vmem_shared>> -> memref<32x64xf32, #tpu.memory_space<vmem_shared>>
      tpu.wait_dma2 semaphore(%run_scoped3A : memref<!tpu.dma_semaphore, #tpu.memory_space<semaphore_mem>>) src(%arg12 : memref<32x64xf32, #tpu.memory_space<vmem>>) dst(%dma_wait3A_100 : memref<32x64xf32, #tpu.memory_space<vmem_shared>>)
      tpu.yield
    }) : () -> ()
    %mul3A_77 = arith.constant 8 : i32
    %mul3A_78 = arith.muli %arg0, %mul3A_77 : i32
    %mul3A_79 = arith.constant 16384 : i32
    %mul3A_80 = arith.muli %mul3A_78, %mul3A_79 : i32
    %scan3A_81 = arith.constant 0 : i32
    %scan3A_82 = arith.constant 0 : i32
    %scan3A_83 = arith.constant 528 : i32
    %scan3A_84 = arith.addi %scan3A_82, %scan3A_83 : i32
    %scan3A_85 = arith.constant 1 : i32
    %scan3A_86 = scf.for %scan3A_95 = %scan3A_82 to %scan3A_84 step %scan3A_85 iter_args(%scan3A_96 = %scan3A_81) -> (i32)  : i32 {
      %mul3A_97 = arith.constant 16 : i32
      %mul3A_98 = arith.muli %scan3A_95, %mul3A_97 : i32
      %get3A = arith.index_cast %mul3A_98 : i32 to index
      %get3A_99 = tpu.vector_load %arg8[%get3A] {strides = array<i32>} : memref<8448xi32, #tpu.memory_space<vmem>>, vector<16xi32>,
      %get3A_100 = vector.shape_cast %get3A_99 : vector<16xi32> to vector<16xi32>
      %add3A_101 = vector.broadcast %mul3A_80 : i32 to vector<16xi32>
      %add3A_102 = arith.addi %get3A_100, %add3A_101 : vector<16xi32>
      %swap3A = arith.index_cast %mul3A_98 : i32 to index
      %swap3A_103 = tpu.vector_load %arg8[%swap3A] {strides = array<i32>} : memref<8448xi32, #tpu.memory_space<vmem>>, vector<16xi32>,
      %swap3A_104 = vector.shape_cast %swap3A_103 : vector<16xi32> to vector<16xi32>
      %swap3A_105 = vector.shape_cast %add3A_102 : vector<16xi32> to vector<16xi32>
      tpu.vector_store %arg8[%swap3A], %swap3A_105 {strides = array<i32>} : memref<8448xi32, #tpu.memory_space<vmem>>, vector<16xi32>,
      %scan3A_106 = arith.constant 0 : i32
      scf.yield %scan3A_106 : i32
    }
    %scan3A_87 = arith.constant 528 : i32
    %barrier3A = arith.constant 0 : index
    tpu.barrier barrier_id(%barrier3A)
    %scan3A_88 = arith.constant 0 : i32
    %scan3A_89 = arith.constant 0 : i32
    %scan3A_90 = arith.constant 8 : i32
    %scan3A_91 = arith.addi %scan3A_89, %scan3A_90 : i32
    %scan3A_92 = arith.constant 1 : i32
    %scan3A_93 = scf.for %scan3A_95 = %scan3A_89 to %scan3A_91 step %scan3A_92 iter_args(%scan3A_96 = %scan3A_88) -> (i32)  : i32 {
      %mul3A_97 = arith.constant 8 : i32
      %mul3A_98 = arith.muli %arg0, %mul3A_97 : i32
      %add3A_99 = arith.addi %mul3A_98, %scan3A_95 : i32
      %dma_start3A = arith.constant 0 : i32
      %dma_start3A_100 = arith.constant 0 : i32
      %dma_start3A_101 = arith.constant 0 : i32
      %dma_start3A_102 = arith.constant 0 : i32
      %dma_start3A_103 = tpu.memref_slice %arg10[%dma_start3A, %dma_start3A_101, %dma_start3A_102] : memref<3x128x64xf32, #tpu.memory_space<vmem>> -> memref<1x128x64xf32, #tpu.memory_space<vmem>>
      %dma_start3A_104 = tpu.memref_squeeze %dma_start3A_103 : memref<1x128x64xf32, #tpu.memory_space<vmem>> -> memref<128x64xf32, #tpu.memory_space<vmem>>
      %dma_start3A_105 = arith.constant 0 : i32
      %dma_start3A_106 = tpu.memref_slice %arg8[%dma_start3A_105] : memref<8448xi32, #tpu.memory_space<vmem>> -> memref<128xi32, #tpu.memory_space<vmem>>
      %dma_start3A_107 = arith.constant 0 : i32
      %dma_start3A_108 = arith.constant 0 : i32
      %dma_start3A_109 = tpu.memref_slice %arg2[%dma_start3A_107, %dma_start3A_108] : memref<262144x64xf32, #tpu.memory_space<hbm>> -> memref<262144x64xf32, #tpu.memory_space<hbm>>
      %dma_start3A_110 = tpu.memref_slice %arg14[%dma_start3A_100] : memref<3x!tpu.dma_semaphore, #tpu.memory_space<semaphore_mem>> -> memref<1x!tpu.dma_semaphore, #tpu.memory_space<semaphore_mem>>
      %dma_start3A_111 = tpu.memref_squeeze %dma_start3A_110 : memref<1x!tpu.dma_semaphore, #tpu.memory_space<semaphore_mem>> -> memref<!tpu.dma_semaphore, #tpu.memory_space<semaphore_mem>>
      tpu.enqueue_indirect_dma source(%dma_start3A_109 : memref<262144x64xf32, #tpu.memory_space<hbm>>) target(%dma_start3A_104 : memref<128x64xf32, #tpu.memory_space<vmem>>) offsets(%dma_start3A_106 : memref<128xi32, #tpu.memory_space<vmem>>) semaphore(%dma_start3A_111 : memref<!tpu.dma_semaphore, #tpu.memory_space<semaphore_mem>>)
      %dma_start3A_112 = arith.constant 1 : i32
      %dma_start3A_113 = arith.constant 1 : i32
      %dma_start3A_114 = arith.constant 0 : i32
      %dma_start3A_115 = arith.constant 0 : i32
      %dma_start3A_116 = tpu.memref_slice %arg10[%dma_start3A_112, %dma_start3A_114, %dma_start3A_115] : memref<3x128x64xf32, #tpu.memory_space<vmem>> -> memref<1x128x64xf32, #tpu.memory_space<vmem>>
      %dma_start3A_117 = tpu.memref_squeeze %dma_start3A_116 : memref<1x128x64xf32, #tpu.memory_space<vmem>> -> memref<128x64xf32, #tpu.memory_space<vmem>>
      %dma_start3A_118 = arith.constant 128 : i32
      %dma_start3A_119 = tpu.memref_slice %arg8[%dma_start3A_118] : memref<8448xi32, #tpu.memory_space<vmem>> -> memref<128xi32, #tpu.memory_space<vmem>>
      %dma_start3A_120 = arith.constant 0 : i32
      %dma_start3A_121 = arith.constant 0 : i32
      %dma_start3A_122 = tpu.memref_slice %arg2[%dma_start3A_120, %dma_start3A_121] : memref<262144x64xf32, #tpu.memory_space<hbm>> -> memref<262144x64xf32, #tpu.memory_space<hbm>>
      %dma_start3A_123 = tpu.memref_slice %arg14[%dma_start3A_113] : memref<3x!tpu.dma_semaphore, #tpu.memory_space<semaphore_mem>> -> memref<1x!tpu.dma_semaphore, #tpu.memory_space<semaphore_mem>>
      %dma_start3A_124 = tpu.memref_squeeze %dma_start3A_123 : memref<1x!tpu.dma_semaphore, #tpu.memory_space<semaphore_mem>> -> memref<!tpu.dma_semaphore, #tpu.memory_space<semaphore_mem>>
      tpu.enqueue_indirect_dma source(%dma_start3A_122 : memref<262144x64xf32, #tpu.memory_space<hbm>>) target(%dma_start3A_117 : memref<128x64xf32, #tpu.memory_space<vmem>>) offsets(%dma_start3A_119 : memref<128xi32, #tpu.memory_space<vmem>>) semaphore(%dma_start3A_124 : memref<!tpu.dma_semaphore, #tpu.memory_space<semaphore_mem>>)
      %dma_start3A_125 = arith.constant 2 : i32
      %dma_start3A_126 = arith.constant 2 : i32
      %dma_start3A_127 = arith.constant 0 : i32
      %dma_start3A_128 = arith.constant 0 : i32
      %dma_start3A_129 = tpu.memref_slice %arg10[%dma_start3A_125, %dma_start3A_127, %dma_start3A_128] : memref<3x128x64xf32, #tpu.memory_space<vmem>> -> memref<1x128x64xf32, #tpu.memory_space<vmem>>
      %dma_start3A_130 = tpu.memref_squeeze %dma_start3A_129 : memref<1x128x64xf32, #tpu.memory_space<vmem>> -> memref<128x64xf32, #tpu.memory_space<vmem>>
      %dma_start3A_131 = arith.constant 256 : i32
      %dma_start3A_132 = tpu.memref_slice %arg8[%dma_start3A_131] : memref<8448xi32, #tpu.memory_space<vmem>> -> memref<128xi32, #tpu.memory_space<vmem>>
      %dma_start3A_133 = arith.constant 0 : i32
      %dma_start3A_134 = arith.constant 0 : i32
      %dma_start3A_135 = tpu.memref_slice %arg2[%dma_start3A_133, %dma_start3A_134] : memref<262144x64xf32, #tpu.memory_space<hbm>> -> memref<262144x64xf32, #tpu.memory_space<hbm>>
      %dma_start3A_136 = tpu.memref_slice %arg14[%dma_start3A_126] : memref<3x!tpu.dma_semaphore, #tpu.memory_space<semaphore_mem>> -> memref<1x!tpu.dma_semaphore, #tpu.memory_space<semaphore_mem>>
      %dma_start3A_137 = tpu.memref_squeeze %dma_start3A_136 : memref<1x!tpu.dma_semaphore, #tpu.memory_space<semaphore_mem>> -> memref<!tpu.dma_semaphore, #tpu.memory_space<semaphore_mem>>
      tpu.enqueue_indirect_dma source(%dma_start3A_135 : memref<262144x64xf32, #tpu.memory_space<hbm>>) target(%dma_start3A_130 : memref<128x64xf32, #tpu.memory_space<vmem>>) offsets(%dma_start3A_132 : memref<128xi32, #tpu.memory_space<vmem>>) semaphore(%dma_start3A_137 : memref<!tpu.dma_semaphore, #tpu.memory_space<semaphore_mem>>)
      %scan3A_138 = arith.constant 0 : i32
      %scan3A_139 = arith.constant 0 : i32
      %scan3A_140 = arith.constant 22 : i32
      %scan3A_141 = arith.addi %scan3A_139, %scan3A_140 : i32
      %scan3A_142 = arith.constant 1 : i32
      %scan3A_143 = scf.for %scan3A_199 = %scan3A_139 to %scan3A_141 step %scan3A_142 iter_args(%scan3A_200 = %scan3A_138) -> (i32)  : i32 {
        %mul3A_201 = arith.constant 3 : i32
        %mul3A_202 = arith.muli %scan3A_199, %mul3A_201 : i32
        %add3A_203 = arith.constant 0 : i32
        %add3A_204 = arith.addi %mul3A_202, %add3A_203 : i32
        %mul3A_205 = arith.constant 128 : i32
        %mul3A_206 = arith.muli %add3A_204, %mul3A_205 : i32
        %dma_wait3A_207 = arith.constant 0 : i32
        %dma_wait3A_208 = arith.constant 0 : i32
        %dma_wait3A_209 = arith.constant 0 : i32
        %dma_wait3A_210 = arith.constant 0 : i32
        %dma_wait3A_211 = tpu.memref_slice %arg10[%dma_wait3A_207, %dma_wait3A_209, %dma_wait3A_210] : memref<3x128x64xf32, #tpu.memory_space<vmem>> -> memref<1x128x64xf32, #tpu.memory_space<vmem>>
        %dma_wait3A_212 = tpu.memref_squeeze %dma_wait3A_211 : memref<1x128x64xf32, #tpu.memory_space<vmem>> -> memref<128x64xf32, #tpu.memory_space<vmem>>
        %dma_wait3A_213 = tpu.memref_slice %arg8[%mul3A_206] : memref<8448xi32, #tpu.memory_space<vmem>> -> memref<128xi32, #tpu.memory_space<vmem>>
        %dma_wait3A_214 = arith.constant 0 : i32
        %dma_wait3A_215 = arith.constant 0 : i32
        %dma_wait3A_216 = tpu.memref_slice %arg2[%dma_wait3A_214, %dma_wait3A_215] : memref<262144x64xf32, #tpu.memory_space<hbm>> -> memref<262144x64xf32, #tpu.memory_space<hbm>>
        %dma_wait3A_217 = tpu.memref_slice %arg14[%dma_wait3A_208] : memref<3x!tpu.dma_semaphore, #tpu.memory_space<semaphore_mem>> -> memref<1x!tpu.dma_semaphore, #tpu.memory_space<semaphore_mem>>
        %dma_wait3A_218 = tpu.memref_squeeze %dma_wait3A_217 : memref<1x!tpu.dma_semaphore, #tpu.memory_space<semaphore_mem>> -> memref<!tpu.dma_semaphore, #tpu.memory_space<semaphore_mem>>
        tpu.wait_indirect_dma semaphore(%dma_wait3A_218 : memref<!tpu.dma_semaphore, #tpu.memory_space<semaphore_mem>>) src(%dma_wait3A_216 : memref<262144x64xf32, #tpu.memory_space<hbm>>) dst(%dma_wait3A_212 : memref<128x64xf32, #tpu.memory_space<vmem>>)
        %ge3A = arith.constant 3 : i32
        %ge3A_219 = arith.cmpi sge, %add3A_204, %ge3A : i32
        %convert_element_type3A_220 = arith.extui %ge3A_219 : i1 to i32
        %cond3A_221 = arith.constant 0 : i32
        %cond3A_222 = arith.cmpi ne, %convert_element_type3A_220, %cond3A_221 : i32
        scf.if %cond3A_222 {
          %mul3A_354 = arith.constant 128 : i32
          %mul3A_355 = arith.muli %add3A_204, %mul3A_354 : i32
          %dma_wait3A_356 = arith.constant 0 : i32
          %dma_wait3A_357 = arith.constant 0 : i32
          %dma_wait3A_358 = arith.constant 0 : i32
          %dma_wait3A_359 = arith.constant 0 : i32
          %dma_wait3A_360 = tpu.memref_slice %arg11[%dma_wait3A_356, %dma_wait3A_358, %dma_wait3A_359] : memref<3x128x64xf32, #tpu.memory_space<vmem>> -> memref<1x128x64xf32, #tpu.memory_space<vmem>>
          %dma_wait3A_361 = tpu.memref_squeeze %dma_wait3A_360 : memref<1x128x64xf32, #tpu.memory_space<vmem>> -> memref<128x64xf32, #tpu.memory_space<vmem>>
          %dma_wait3A_362 = tpu.memref_slice %arg7[%mul3A_355] : memref<8448xi32, #tpu.memory_space<vmem>> -> memref<128xi32, #tpu.memory_space<vmem>>
          %dma_wait3A_363 = arith.constant 0 : i32
          %dma_wait3A_364 = arith.constant 0 : i32
          %dma_wait3A_365 = tpu.memref_slice %arg13[%dma_wait3A_363, %dma_wait3A_364] : memref<8192x64xf32, #tpu.memory_space<vmem_shared>> -> memref<8192x64xf32, #tpu.memory_space<vmem_shared>>
          %dma_wait3A_366 = tpu.memref_slice %arg15[%dma_wait3A_357] : memref<3x!tpu.dma_semaphore, #tpu.memory_space<semaphore_mem>> -> memref<1x!tpu.dma_semaphore, #tpu.memory_space<semaphore_mem>>
          %dma_wait3A_367 = tpu.memref_squeeze %dma_wait3A_366 : memref<1x!tpu.dma_semaphore, #tpu.memory_space<semaphore_mem>> -> memref<!tpu.dma_semaphore, #tpu.memory_space<semaphore_mem>>
          tpu.wait_indirect_dma semaphore(%dma_wait3A_367 : memref<!tpu.dma_semaphore, #tpu.memory_space<semaphore_mem>>) src(%dma_wait3A_361 : memref<128x64xf32, #tpu.memory_space<vmem>>) dst(%dma_wait3A_365 : memref<8192x64xf32, #tpu.memory_space<vmem_shared>>)
        } else {
        }
        %scan3A_223 = arith.constant 0 : i32
        %scan3A_224 = arith.constant 0 : i32
        %scan3A_225 = arith.constant 8 : i32
        %scan3A_226 = arith.addi %scan3A_224, %scan3A_225 : i32
        %scan3A_227 = arith.constant 1 : i32
        %scan3A_228 = scf.for %scan3A_354 = %scan3A_224 to %scan3A_226 step %scan3A_227 iter_args(%scan3A_355 = %scan3A_223) -> (i32)  : i32 {
          %mul3A_356 = arith.constant 128 : i32
          %mul3A_357 = arith.muli %add3A_204, %mul3A_356 : i32
          %mul3A_358 = arith.constant 16 : i32
          %mul3A_359 = arith.muli %scan3A_354, %mul3A_358 : i32
          %add3A_360 = arith.addi %mul3A_357, %mul3A_359 : i32
          %get3A = arith.index_cast %add3A_360 : i32 to index
          %get3A_361 = tpu.vector_load %arg9[%get3A] {strides = array<i32>} : memref<8448xf32, #tpu.memory_space<vmem>>, vector<16xf32>,
          %get3A_362 = vector.shape_cast %get3A_361 : vector<16xf32> to vector<16xf32>
          %broadcast_in_dim3A_363 = arith.constant 0 : i32
          %broadcast_in_dim3A_364 = vector.broadcast %broadcast_in_dim3A_363 : i32 to vector<16x1xi32>
          %gather3A = vector.shape_cast %broadcast_in_dim3A_364 : vector<16x1xi32> to vector<16xi32>
          %gather3A_365 = tpu.dynamic_gather %get3A_362[%gather3A] in [0] : vector<16xf32>, vector<16xi32> -> vector<16xf32>
          %mul3A_366 = arith.constant 16 : i32
          %mul3A_367 = arith.muli %scan3A_354, %mul3A_366 : i32
          %add3A_368 = arith.constant 0 : i32
          %add3A_369 = arith.addi %mul3A_367, %add3A_368 : i32
          %get3A_370 = arith.constant 0 : i32
          %get3A_371 = arith.index_cast %get3A_370 : i32 to index
          %get3A_372 = arith.index_cast %add3A_369 : i32 to index
          %get3A_373 = arith.constant 0 : index
          %get3A_374 = tpu.vector_load %arg10[%get3A_371, %get3A_372, %get3A_373] {strides = array<i32>} : memref<3x128x64xf32, #tpu.memory_space<vmem>>, vector<1x1x16xf32>,
          %get3A_375 = vector.shape_cast %get3A_374 : vector<1x1x16xf32> to vector<16xf32>
          %mul3A_376 = arith.mulf %get3A_375, %gather3A_365 : vector<16xf32>
          %swap3A = arith.constant 0 : i32
          %swap3A_377 = arith.index_cast %swap3A : i32 to index
          %swap3A_378 = arith.index_cast %add3A_369 : i32 to index
          %swap3A_379 = arith.constant 0 : index
          %swap3A_380 = tpu.vector_load %arg11[%swap3A_377, %swap3A_378, %swap3A_379] {strides = array<i32>} : memref<3x128x64xf32, #tpu.memory_space<vmem>>, vector<1x1x16xf32>,
          %swap3A_381 = vector.shape_cast %swap3A_380 : vector<1x1x16xf32> to vector<16xf32>
          %swap3A_382 = vector.shape_cast %mul3A_376 : vector<16xf32> to vector<1x1x16xf32>
          tpu.vector_store %arg11[%swap3A_377, %swap3A_378, %swap3A_379], %swap3A_382 {strides = array<i32>} : memref<3x128x64xf32, #tpu.memory_space<vmem>>, vector<1x1x16xf32>,
          %get3A_383 = arith.constant 0 : i32
          %get3A_384 = arith.index_cast %get3A_383 : i32 to index
          %get3A_385 = arith.index_cast %add3A_369 : i32 to index
          %get3A_386 = arith.constant 16 : index
          %get3A_387 = tpu.vector_load %arg10[%get3A_384, %get3A_385, %get3A_386] {strides = array<i32>} : memref<3x128x64xf32, #tpu.memory_space<vmem>>, vector<1x1x16xf32>,
          %get3A_388 = vector.shape_cast %get3A_387 : vector<1x1x16xf32> to vector<16xf32>
          %mul3A_389 = arith.mulf %get3A_388, %gather3A_365 : vector<16xf32>
          %swap3A_390 = arith.constant 0 : i32
          %swap3A_391 = arith.index_cast %swap3A_390 : i32 to index
          %swap3A_392 = arith.index_cast %add3A_369 : i32 to index
          %swap3A_393 = arith.constant 16 : index
          %swap3A_394 = tpu.vector_load %arg11[%swap3A_391, %swap3A_392, %swap3A_393] {strides = array<i32>} : memref<3x128x64xf32, #tpu.memory_space<vmem>>, vector<1x1x16xf32>,
          %swap3A_395 = vector.shape_cast %swap3A_394 : vector<1x1x16xf32> to vector<16xf32>
          %swap3A_396 = vector.shape_cast %mul3A_389 : vector<16xf32> to vector<1x1x16xf32>
          tpu.vector_store %arg11[%swap3A_391, %swap3A_392, %swap3A_393], %swap3A_396 {strides = array<i32>} : memref<3x128x64xf32, #tpu.memory_space<vmem>>, vector<1x1x16xf32>,
          %get3A_397 = arith.constant 0 : i32
          %get3A_398 = arith.index_cast %get3A_397 : i32 to index
          %get3A_399 = arith.index_cast %add3A_369 : i32 to index
          %get3A_400 = arith.constant 32 : index
          %get3A_401 = tpu.vector_load %arg10[%get3A_398, %get3A_399, %get3A_400] {strides = array<i32>} : memref<3x128x64xf32, #tpu.memory_space<vmem>>, vector<1x1x16xf32>,
          %get3A_402 = vector.shape_cast %get3A_401 : vector<1x1x16xf32> to vector<16xf32>
          %mul3A_403 = arith.mulf %get3A_402, %gather3A_365 : vector<16xf32>
          %swap3A_404 = arith.constant 0 : i32
          %swap3A_405 = arith.index_cast %swap3A_404 : i32 to index
          %swap3A_406 = arith.index_cast %add3A_369 : i32 to index
          %swap3A_407 = arith.constant 32 : index
          %swap3A_408 = tpu.vector_load %arg11[%swap3A_405, %swap3A_406, %swap3A_407] {strides = array<i32>} : memref<3x128x64xf32, #tpu.memory_space<vmem>>, vector<1x1x16xf32>,
          %swap3A_409 = vector.shape_cast %swap3A_408 : vector<1x1x16xf32> to vector<16xf32>
          %swap3A_410 = vector.shape_cast %mul3A_403 : vector<16xf32> to vector<1x1x16xf32>
          tpu.vector_store %arg11[%swap3A_405, %swap3A_406, %swap3A_407], %swap3A_410 {strides = array<i32>} : memref<3x128x64xf32, #tpu.memory_space<vmem>>, vector<1x1x16xf32>,
          %get3A_411 = arith.constant 0 : i32
          %get3A_412 = arith.index_cast %get3A_411 : i32 to index
          %get3A_413 = arith.index_cast %add3A_369 : i32 to index
          %get3A_414 = arith.constant 48 : index
          %get3A_415 = tpu.vector_load %arg10[%get3A_412, %get3A_413, %get3A_414] {strides = array<i32>} : memref<3x128x64xf32, #tpu.memory_space<vmem>>, vector<1x1x16xf32>,
          %get3A_416 = vector.shape_cast %get3A_415 : vector<1x1x16xf32> to vector<16xf32>
          %mul3A_417 = arith.mulf %get3A_416, %gather3A_365 : vector<16xf32>
          %swap3A_418 = arith.constant 0 : i32
          %swap3A_419 = arith.index_cast %swap3A_418 : i32 to index
          %swap3A_420 = arith.index_cast %add3A_369 : i32 to index
          %swap3A_421 = arith.constant 48 : index
          %swap3A_422 = tpu.vector_load %arg11[%swap3A_419, %swap3A_420, %swap3A_421] {strides = array<i32>} : memref<3x128x64xf32, #tpu.memory_space<vmem>>, vector<1x1x16xf32>,
          %swap3A_423 = vector.shape_cast %swap3A_422 : vector<1x1x16xf32> to vector<16xf32>
          %swap3A_424 = vector.shape_cast %mul3A_417 : vector<16xf32> to vector<1x1x16xf32>
          tpu.vector_store %arg11[%swap3A_419, %swap3A_420, %swap3A_421], %swap3A_424 {strides = array<i32>} : memref<3x128x64xf32, #tpu.memory_space<vmem>>, vector<1x1x16xf32>,
          %broadcast_in_dim3A_425 = arith.constant 1 : i32
          %broadcast_in_dim3A_426 = vector.broadcast %broadcast_in_dim3A_425 : i32 to vector<16x1xi32>
          %gather3A_427 = vector.shape_cast %broadcast_in_dim3A_426 : vector<16x1xi32> to vector<16xi32>
          %gather3A_428 = tpu.dynamic_gather %get3A_362[%gather3A_427] in [0] : vector<16xf32>, vector<16xi32> -> vector<16xf32>
          %mul3A_429 = arith.constant 16 : i32
          %mul3A_430 = arith.muli %scan3A_354, %mul3A_429 : i32
          %add3A_431 = arith.constant 1 : i32
          %add3A_432 = arith.addi %mul3A_430, %add3A_431 : i32
          %get3A_433 = arith.constant 0 : i32
          %get3A_434 = arith.index_cast %get3A_433 : i32 to index
          %get3A_435 = arith.index_cast %add3A_432 : i32 to index
          %get3A_436 = arith.constant 0 : index
          %get3A_437 = tpu.vector_load %arg10[%get3A_434, %get3A_435, %get3A_436] {strides = array<i32>} : memref<3x128x64xf32, #tpu.memory_space<vmem>>, vector<1x1x16xf32>,
          %get3A_438 = vector.shape_cast %get3A_437 : vector<1x1x16xf32> to vector<16xf32>
          %mul3A_439 = arith.mulf %get3A_438, %gather3A_428 : vector<16xf32>
          %swap3A_440 = arith.constant 0 : i32
          %swap3A_441 = arith.index_cast %swap3A_440 : i32 to index
          %swap3A_442 = arith.index_cast %add3A_432 : i32 to index
          %swap3A_443 = arith.constant 0 : index
          %swap3A_444 = tpu.vector_load %arg11[%swap3A_441, %swap3A_442, %swap3A_443] {strides = array<i32>} : memref<3x128x64xf32, #tpu.memory_space<vmem>>, vector<1x1x16xf32>,
          %swap3A_445 = vector.shape_cast %swap3A_444 : vector<1x1x16xf32> to vector<16xf32>
          %swap3A_446 = vector.shape_cast %mul3A_439 : vector<16xf32> to vector<1x1x16xf32>
          tpu.vector_store %arg11[%swap3A_441, %swap3A_442, %swap3A_443], %swap3A_446 {strides = array<i32>} : memref<3x128x64xf32, #tpu.memory_space<vmem>>, vector<1x1x16xf32>,
          %get3A_447 = arith.constant 0 : i32
          %get3A_448 = arith.index_cast %get3A_447 : i32 to index
          %get3A_449 = arith.index_cast %add3A_432 : i32 to index
          %get3A_450 = arith.constant 16 : index
          %get3A_451 = tpu.vector_load %arg10[%get3A_448, %get3A_449, %get3A_450] {strides = array<i32>} : memref<3x128x64xf32, #tpu.memory_space<vmem>>, vector<1x1x16xf32>,
          %get3A_452 = vector.shape_cast %get3A_451 : vector<1x1x16xf32> to vector<16xf32>
          %mul3A_453 = arith.mulf %get3A_452, %gather3A_428 : vector<16xf32>
          %swap3A_454 = arith.constant 0 : i32
          %swap3A_455 = arith.index_cast %swap3A_454 : i32 to index
          %swap3A_456 = arith.index_cast %add3A_432 : i32 to index
          %swap3A_457 = arith.constant 16 : index
          %swap3A_458 = tpu.vector_load %arg11[%swap3A_455, %swap3A_456, %swap3A_457] {strides = array<i32>} : memref<3x128x64xf32, #tpu.memory_space<vmem>>, vector<1x1x16xf32>,
          %swap3A_459 = vector.shape_cast %swap3A_458 : vector<1x1x16xf32> to vector<16xf32>
          %swap3A_460 = vector.shape_cast %mul3A_453 : vector<16xf32> to vector<1x1x16xf32>
          tpu.vector_store %arg11[%swap3A_455, %swap3A_456, %swap3A_457], %swap3A_460 {strides = array<i32>} : memref<3x128x64xf32, #tpu.memory_space<vmem>>, vector<1x1x16xf32>,
          %get3A_461 = arith.constant 0 : i32
          %get3A_462 = arith.index_cast %get3A_461 : i32 to index
          %get3A_463 = arith.index_cast %add3A_432 : i32 to index
          %get3A_464 = arith.constant 32 : index
          %get3A_465 = tpu.vector_load %arg10[%get3A_462, %get3A_463, %get3A_464] {strides = array<i32>} : memref<3x128x64xf32, #tpu.memory_space<vmem>>, vector<1x1x16xf32>,
          %get3A_466 = vector.shape_cast %get3A_465 : vector<1x1x16xf32> to vector<16xf32>
          %mul3A_467 = arith.mulf %get3A_466, %gather3A_428 : vector<16xf32>
          %swap3A_468 = arith.constant 0 : i32
          %swap3A_469 = arith.index_cast %swap3A_468 : i32 to index
          %swap3A_470 = arith.index_cast %add3A_432 : i32 to index
          %swap3A_471 = arith.constant 32 : index
          %swap3A_472 = tpu.vector_load %arg11[%swap3A_469, %swap3A_470, %swap3A_471] {strides = array<i32>} : memref<3x128x64xf32, #tpu.memory_space<vmem>>, vector<1x1x16xf32>,
          %swap3A_473 = vector.shape_cast %swap3A_472 : vector<1x1x16xf32> to vector<16xf32>
          %swap3A_474 = vector.shape_cast %mul3A_467 : vector<16xf32> to vector<1x1x16xf32>
          tpu.vector_store %arg11[%swap3A_469, %swap3A_470, %swap3A_471], %swap3A_474 {strides = array<i32>} : memref<3x128x64xf32, #tpu.memory_space<vmem>>, vector<1x1x16xf32>,
          %get3A_475 = arith.constant 0 : i32
          %get3A_476 = arith.index_cast %get3A_475 : i32 to index
          %get3A_477 = arith.index_cast %add3A_432 : i32 to index
          %get3A_478 = arith.constant 48 : index
          %get3A_479 = tpu.vector_load %arg10[%get3A_476, %get3A_477, %get3A_478] {strides = array<i32>} : memref<3x128x64xf32, #tpu.memory_space<vmem>>, vector<1x1x16xf32>,
          %get3A_480 = vector.shape_cast %get3A_479 : vector<1x1x16xf32> to vector<16xf32>
          %mul3A_481 = arith.mulf %get3A_480, %gather3A_428 : vector<16xf32>
          %swap3A_482 = arith.constant 0 : i32
          %swap3A_483 = arith.index_cast %swap3A_482 : i32 to index
          %swap3A_484 = arith.index_cast %add3A_432 : i32 to index
          %swap3A_485 = arith.constant 48 : index
          %swap3A_486 = tpu.vector_load %arg11[%swap3A_483, %swap3A_484, %swap3A_485] {strides = array<i32>} : memref<3x128x64xf32, #tpu.memory_space<vmem>>, vector<1x1x16xf32>,
          %swap3A_487 = vector.shape_cast %swap3A_486 : vector<1x1x16xf32> to vector<16xf32>
          %swap3A_488 = vector.shape_cast %mul3A_481 : vector<16xf32> to vector<1x1x16xf32>
          tpu.vector_store %arg11[%swap3A_483, %swap3A_484, %swap3A_485], %swap3A_488 {strides = array<i32>} : memref<3x128x64xf32, #tpu.memory_space<vmem>>, vector<1x1x16xf32>,
          %broadcast_in_dim3A_489 = arith.constant 2 : i32
          %broadcast_in_dim3A_490 = vector.broadcast %broadcast_in_dim3A_489 : i32 to vector<16x1xi32>
          %gather3A_491 = vector.shape_cast %broadcast_in_dim3A_490 : vector<16x1xi32> to vector<16xi32>
          %gather3A_492 = tpu.dynamic_gather %get3A_362[%gather3A_491] in [0] : vector<16xf32>, vector<16xi32> -> vector<16xf32>
          %mul3A_493 = arith.constant 16 : i32
          %mul3A_494 = arith.muli %scan3A_354, %mul3A_493 : i32
          %add3A_495 = arith.constant 2 : i32
          %add3A_496 = arith.addi %mul3A_494, %add3A_495 : i32
          %get3A_497 = arith.constant 0 : i32
          %get3A_498 = arith.index_cast %get3A_497 : i32 to index
          %get3A_499 = arith.index_cast %add3A_496 : i32 to index
          %get3A_500 = arith.constant 0 : index
          %get3A_501 = tpu.vector_load %arg10[%get3A_498, %get3A_499, %get3A_500] {strides = array<i32>} : memref<3x128x64xf32, #tpu.memory_space<vmem>>, vector<1x1x16xf32>,
          %get3A_502 = vector.shape_cast %get3A_501 : vector<1x1x16xf32> to vector<16xf32>
          %mul3A_503 = arith.mulf %get3A_502, %gather3A_492 : vector<16xf32>
          %swap3A_504 = arith.constant 0 : i32
          %swap3A_505 = arith.index_cast %swap3A_504 : i32 to index
          %swap3A_506 = arith.index_cast %add3A_496 : i32 to index
          %swap3A_507 = arith.constant 0 : index
          %swap3A_508 = tpu.vector_load %arg11[%swap3A_505, %swap3A_506, %swap3A_507] {strides = array<i32>} : memref<3x128x64xf32, #tpu.memory_space<vmem>>, vector<1x1x16xf32>,
          %swap3A_509 = vector.shape_cast %swap3A_508 : vector<1x1x16xf32> to vector<16xf32>
          %swap3A_510 = vector.shape_cast %mul3A_503 : vector<16xf32> to vector<1x1x16xf32>
          tpu.vector_store %arg11[%swap3A_505, %swap3A_506, %swap3A_507], %swap3A_510 {strides = array<i32>} : memref<3x128x64xf32, #tpu.memory_space<vmem>>, vector<1x1x16xf32>,
          %get3A_511 = arith.constant 0 : i32
          %get3A_512 = arith.index_cast %get3A_511 : i32 to index
          %get3A_513 = arith.index_cast %add3A_496 : i32 to index
          %get3A_514 = arith.constant 16 : index
          %get3A_515 = tpu.vector_load %arg10[%get3A_512, %get3A_513, %get3A_514] {strides = array<i32>} : memref<3x128x64xf32, #tpu.memory_space<vmem>>, vector<1x1x16xf32>,
          %get3A_516 = vector.shape_cast %get3A_515 : vector<1x1x16xf32> to vector<16xf32>
          %mul3A_517 = arith.mulf %get3A_516, %gather3A_492 : vector<16xf32>
          %swap3A_518 = arith.constant 0 : i32
          %swap3A_519 = arith.index_cast %swap3A_518 : i32 to index
          %swap3A_520 = arith.index_cast %add3A_496 : i32 to index
          %swap3A_521 = arith.constant 16 : index
          %swap3A_522 = tpu.vector_load %arg11[%swap3A_519, %swap3A_520, %swap3A_521] {strides = array<i32>} : memref<3x128x64xf32, #tpu.memory_space<vmem>>, vector<1x1x16xf32>,
          %swap3A_523 = vector.shape_cast %swap3A_522 : vector<1x1x16xf32> to vector<16xf32>
          %swap3A_524 = vector.shape_cast %mul3A_517 : vector<16xf32> to vector<1x1x16xf32>
          tpu.vector_store %arg11[%swap3A_519, %swap3A_520, %swap3A_521], %swap3A_524 {strides = array<i32>} : memref<3x128x64xf32, #tpu.memory_space<vmem>>, vector<1x1x16xf32>,
          %get3A_525 = arith.constant 0 : i32
          %get3A_526 = arith.index_cast %get3A_525 : i32 to index
          %get3A_527 = arith.index_cast %add3A_496 : i32 to index
          %get3A_528 = arith.constant 32 : index
          %get3A_529 = tpu.vector_load %arg10[%get3A_526, %get3A_527, %get3A_528] {strides = array<i32>} : memref<3x128x64xf32, #tpu.memory_space<vmem>>, vector<1x1x16xf32>,
          %get3A_530 = vector.shape_cast %get3A_529 : vector<1x1x16xf32> to vector<16xf32>
          %mul3A_531 = arith.mulf %get3A_530, %gather3A_492 : vector<16xf32>
          %swap3A_532 = arith.constant 0 : i32
          %swap3A_533 = arith.index_cast %swap3A_532 : i32 to index
          %swap3A_534 = arith.index_cast %add3A_496 : i32 to index
          %swap3A_535 = arith.constant 32 : index
          %swap3A_536 = tpu.vector_load %arg11[%swap3A_533, %swap3A_534, %swap3A_535] {strides = array<i32>} : memref<3x128x64xf32, #tpu.memory_space<vmem>>, vector<1x1x16xf32>,
          %swap3A_537 = vector.shape_cast %swap3A_536 : vector<1x1x16xf32> to vector<16xf32>
          %swap3A_538 = vector.shape_cast %mul3A_531 : vector<16xf32> to vector<1x1x16xf32>
          tpu.vector_store %arg11[%swap3A_533, %swap3A_534, %swap3A_535], %swap3A_538 {strides = array<i32>} : memref<3x128x64xf32, #tpu.memory_space<vmem>>, vector<1x1x16xf32>,
          %get3A_539 = arith.constant 0 : i32
          %get3A_540 = arith.index_cast %get3A_539 : i32 to index
          %get3A_541 = arith.index_cast %add3A_496 : i32 to index
          %get3A_542 = arith.constant 48 : index
          %get3A_543 = tpu.vector_load %arg10[%get3A_540, %get3A_541, %get3A_542] {strides = array<i32>} : memref<3x128x64xf32, #tpu.memory_space<vmem>>, vector<1x1x16xf32>,
          %get3A_544 = vector.shape_cast %get3A_543 : vector<1x1x16xf32> to vector<16xf32>
          %mul3A_545 = arith.mulf %get3A_544, %gather3A_492 : vector<16xf32>
          %swap3A_546 = arith.constant 0 : i32
          %swap3A_547 = arith.index_cast %swap3A_546 : i32 to index
          %swap3A_548 = arith.index_cast %add3A_496 : i32 to index
          %swap3A_549 = arith.constant 48 : index
          %swap3A_550 = tpu.vector_load %arg11[%swap3A_547, %swap3A_548, %swap3A_549] {strides = array<i32>} : memref<3x128x64xf32, #tpu.memory_space<vmem>>, vector<1x1x16xf32>,
          %swap3A_551 = vector.shape_cast %swap3A_550 : vector<1x1x16xf32> to vector<16xf32>
          %swap3A_552 = vector.shape_cast %mul3A_545 : vector<16xf32> to vector<1x1x16xf32>
          tpu.vector_store %arg11[%swap3A_547, %swap3A_548, %swap3A_549], %swap3A_552 {strides = array<i32>} : memref<3x128x64xf32, #tpu.memory_space<vmem>>, vector<1x1x16xf32>,
          %broadcast_in_dim3A_553 = arith.constant 3 : i32
          %broadcast_in_dim3A_554 = vector.broadcast %broadcast_in_dim3A_553 : i32 to vector<16x1xi32>
          %gather3A_555 = vector.shape_cast %broadcast_in_dim3A_554 : vector<16x1xi32> to vector<16xi32>
          %gather3A_556 = tpu.dynamic_gather %get3A_362[%gather3A_555] in [0] : vector<16xf32>, vector<16xi32> -> vector<16xf32>
          %mul3A_557 = arith.constant 16 : i32
          %mul3A_558 = arith.muli %scan3A_354, %mul3A_557 : i32
          %add3A_559 = arith.constant 3 : i32
          %add3A_560 = arith.addi %mul3A_558, %add3A_559 : i32
          %get3A_561 = arith.constant 0 : i32
          %get3A_562 = arith.index_cast %get3A_561 : i32 to index
          %get3A_563 = arith.index_cast %add3A_560 : i32 to index
          %get3A_564 = arith.constant 0 : index
          %get3A_565 = tpu.vector_load %arg10[%get3A_562, %get3A_563, %get3A_564] {strides = array<i32>} : memref<3x128x64xf32, #tpu.memory_space<vmem>>, vector<1x1x16xf32>,
          %get3A_566 = vector.shape_cast %get3A_565 : vector<1x1x16xf32> to vector<16xf32>
          %mul3A_567 = arith.mulf %get3A_566, %gather3A_556 : vector<16xf32>
          %swap3A_568 = arith.constant 0 : i32
          %swap3A_569 = arith.index_cast %swap3A_568 : i32 to index
          %swap3A_570 = arith.index_cast %add3A_560 : i32 to index
          %swap3A_571 = arith.constant 0 : index
          %swap3A_572 = tpu.vector_load %arg11[%swap3A_569, %swap3A_570, %swap3A_571] {strides = array<i32>} : memref<3x128x64xf32, #tpu.memory_space<vmem>>, vector<1x1x16xf32>,
          %swap3A_573 = vector.shape_cast %swap3A_572 : vector<1x1x16xf32> to vector<16xf32>
          %swap3A_574 = vector.shape_cast %mul3A_567 : vector<16xf32> to vector<1x1x16xf32>
          tpu.vector_store %arg11[%swap3A_569, %swap3A_570, %swap3A_571], %swap3A_574 {strides = array<i32>} : memref<3x128x64xf32, #tpu.memory_space<vmem>>, vector<1x1x16xf32>,
          %get3A_575 = arith.constant 0 : i32
          %get3A_576 = arith.index_cast %get3A_575 : i32 to index
          %get3A_577 = arith.index_cast %add3A_560 : i32 to index
          %get3A_578 = arith.constant 16 : index
          %get3A_579 = tpu.vector_load %arg10[%get3A_576, %get3A_577, %get3A_578] {strides = array<i32>} : memref<3x128x64xf32, #tpu.memory_space<vmem>>, vector<1x1x16xf32>,
          %get3A_580 = vector.shape_cast %get3A_579 : vector<1x1x16xf32> to vector<16xf32>
          %mul3A_581 = arith.mulf %get3A_580, %gather3A_556 : vector<16xf32>
          %swap3A_582 = arith.constant 0 : i32
          %swap3A_583 = arith.index_cast %swap3A_582 : i32 to index
          %swap3A_584 = arith.index_cast %add3A_560 : i32 to index
          %swap3A_585 = arith.constant 16 : index
          %swap3A_586 = tpu.vector_load %arg11[%swap3A_583, %swap3A_584, %swap3A_585] {strides = array<i32>} : memref<3x128x64xf32, #tpu.memory_space<vmem>>, vector<1x1x16xf32>,
          %swap3A_587 = vector.shape_cast %swap3A_586 : vector<1x1x16xf32> to vector<16xf32>
          %swap3A_588 = vector.shape_cast %mul3A_581 : vector<16xf32> to vector<1x1x16xf32>
          tpu.vector_store %arg11[%swap3A_583, %swap3A_584, %swap3A_585], %swap3A_588 {strides = array<i32>} : memref<3x128x64xf32, #tpu.memory_space<vmem>>, vector<1x1x16xf32>,
          %get3A_589 = arith.constant 0 : i32
          %get3A_590 = arith.index_cast %get3A_589 : i32 to index
          %get3A_591 = arith.index_cast %add3A_560 : i32 to index
          %get3A_592 = arith.constant 32 : index
          %get3A_593 = tpu.vector_load %arg10[%get3A_590, %get3A_591, %get3A_592] {strides = array<i32>} : memref<3x128x64xf32, #tpu.memory_space<vmem>>, vector<1x1x16xf32>,
          %get3A_594 = vector.shape_cast %get3A_593 : vector<1x1x16xf32> to vector<16xf32>
          %mul3A_595 = arith.mulf %get3A_594, %gather3A_556 : vector<16xf32>
          %swap3A_596 = arith.constant 0 : i32
          %swap3A_597 = arith.index_cast %swap3A_596 : i32 to index
          %swap3A_598 = arith.index_cast %add3A_560 : i32 to index
          %swap3A_599 = arith.constant 32 : index
          %swap3A_600 = tpu.vector_load %arg11[%swap3A_597, %swap3A_598, %swap3A_599] {strides = array<i32>} : memref<3x128x64xf32, #tpu.memory_space<vmem>>, vector<1x1x16xf32>,
          %swap3A_601 = vector.shape_cast %swap3A_600 : vector<1x1x16xf32> to vector<16xf32>
          %swap3A_602 = vector.shape_cast %mul3A_595 : vector<16xf32> to vector<1x1x16xf32>
          tpu.vector_store %arg11[%swap3A_597, %swap3A_598, %swap3A_599], %swap3A_602 {strides = array<i32>} : memref<3x128x64xf32, #tpu.memory_space<vmem>>, vector<1x1x16xf32>,
          %get3A_603 = arith.constant 0 : i32
          %get3A_604 = arith.index_cast %get3A_603 : i32 to index
          %get3A_605 = arith.index_cast %add3A_560 : i32 to index
          %get3A_606 = arith.constant 48 : index
          %get3A_607 = tpu.vector_load %arg10[%get3A_604, %get3A_605, %get3A_606] {strides = array<i32>} : memref<3x128x64xf32, #tpu.memory_space<vmem>>, vector<1x1x16xf32>,
          %get3A_608 = vector.shape_cast %get3A_607 : vector<1x1x16xf32> to vector<16xf32>
          %mul3A_609 = arith.mulf %get3A_608, %gather3A_556 : vector<16xf32>
          %swap3A_610 = arith.constant 0 : i32
          %swap3A_611 = arith.index_cast %swap3A_610 : i32 to index
          %swap3A_612 = arith.index_cast %add3A_560 : i32 to index
          %swap3A_613 = arith.constant 48 : index
          %swap3A_614 = tpu.vector_load %arg11[%swap3A_611, %swap3A_612, %swap3A_613] {strides = array<i32>} : memref<3x128x64xf32, #tpu.memory_space<vmem>>, vector<1x1x16xf32>,
          %swap3A_615 = vector.shape_cast %swap3A_614 : vector<1x1x16xf32> to vector<16xf32>
          %swap3A_616 = vector.shape_cast %mul3A_609 : vector<16xf32> to vector<1x1x16xf32>
          tpu.vector_store %arg11[%swap3A_611, %swap3A_612, %swap3A_613], %swap3A_616 {strides = array<i32>} : memref<3x128x64xf32, #tpu.memory_space<vmem>>, vector<1x1x16xf32>,
          %broadcast_in_dim3A_617 = arith.constant 4 : i32
          %broadcast_in_dim3A_618 = vector.broadcast %broadcast_in_dim3A_617 : i32 to vector<16x1xi32>
          %gather3A_619 = vector.shape_cast %broadcast_in_dim3A_618 : vector<16x1xi32> to vector<16xi32>
          %gather3A_620 = tpu.dynamic_gather %get3A_362[%gather3A_619] in [0] : vector<16xf32>, vector<16xi32> -> vector<16xf32>
          %mul3A_621 = arith.constant 16 : i32
          %mul3A_622 = arith.muli %scan3A_354, %mul3A_621 : i32
          %add3A_623 = arith.constant 4 : i32
          %add3A_624 = arith.addi %mul3A_622, %add3A_623 : i32
          %get3A_625 = arith.constant 0 : i32
          %get3A_626 = arith.index_cast %get3A_625 : i32 to index
          %get3A_627 = arith.index_cast %add3A_624 : i32 to index
          %get3A_628 = arith.constant 0 : index
          %get3A_629 = tpu.vector_load %arg10[%get3A_626, %get3A_627, %get3A_628] {strides = array<i32>} : memref<3x128x64xf32, #tpu.memory_space<vmem>>, vector<1x1x16xf32>,
          %get3A_630 = vector.shape_cast %get3A_629 : vector<1x1x16xf32> to vector<16xf32>
          %mul3A_631 = arith.mulf %get3A_630, %gather3A_620 : vector<16xf32>
          %swap3A_632 = arith.constant 0 : i32
          %swap3A_633 = arith.index_cast %swap3A_632 : i32 to index
          %swap3A_634 = arith.index_cast %add3A_624 : i32 to index
          %swap3A_635 = arith.constant 0 : index
          %swap3A_636 = tpu.vector_load %arg11[%swap3A_633, %swap3A_634, %swap3A_635] {strides = array<i32>} : memref<3x128x64xf32, #tpu.memory_space<vmem>>, vector<1x1x16xf32>,
          %swap3A_637 = vector.shape_cast %swap3A_636 : vector<1x1x16xf32> to vector<16xf32>
          %swap3A_638 = vector.shape_cast %mul3A_631 : vector<16xf32> to vector<1x1x16xf32>
          tpu.vector_store %arg11[%swap3A_633, %swap3A_634, %swap3A_635], %swap3A_638 {strides = array<i32>} : memref<3x128x64xf32, #tpu.memory_space<vmem>>, vector<1x1x16xf32>,
          %get3A_639 = arith.constant 0 : i32
          %get3A_640 = arith.index_cast %get3A_639 : i32 to index
          %get3A_641 = arith.index_cast %add3A_624 : i32 to index
          %get3A_642 = arith.constant 16 : index
          %get3A_643 = tpu.vector_load %arg10[%get3A_640, %get3A_641, %get3A_642] {strides = array<i32>} : memref<3x128x64xf32, #tpu.memory_space<vmem>>, vector<1x1x16xf32>,
          %get3A_644 = vector.shape_cast %get3A_643 : vector<1x1x16xf32> to vector<16xf32>
          %mul3A_645 = arith.mulf %get3A_644, %gather3A_620 : vector<16xf32>
          %swap3A_646 = arith.constant 0 : i32
          %swap3A_647 = arith.index_cast %swap3A_646 : i32 to index
          %swap3A_648 = arith.index_cast %add3A_624 : i32 to index
          %swap3A_649 = arith.constant 16 : index
          %swap3A_650 = tpu.vector_load %arg11[%swap3A_647, %swap3A_648, %swap3A_649] {strides = array<i32>} : memref<3x128x64xf32, #tpu.memory_space<vmem>>, vector<1x1x16xf32>,
          %swap3A_651 = vector.shape_cast %swap3A_650 : vector<1x1x16xf32> to vector<16xf32>
          %swap3A_652 = vector.shape_cast %mul3A_645 : vector<16xf32> to vector<1x1x16xf32>
          tpu.vector_store %arg11[%swap3A_647, %swap3A_648, %swap3A_649], %swap3A_652 {strides = array<i32>} : memref<3x128x64xf32, #tpu.memory_space<vmem>>, vector<1x1x16xf32>,
          %get3A_653 = arith.constant 0 : i32
          %get3A_654 = arith.index_cast %get3A_653 : i32 to index
          %get3A_655 = arith.index_cast %add3A_624 : i32 to index
          %get3A_656 = arith.constant 32 : index
          %get3A_657 = tpu.vector_load %arg10[%get3A_654, %get3A_655, %get3A_656] {strides = array<i32>} : memref<3x128x64xf32, #tpu.memory_space<vmem>>, vector<1x1x16xf32>,
          %get3A_658 = vector.shape_cast %get3A_657 : vector<1x1x16xf32> to vector<16xf32>
          %mul3A_659 = arith.mulf %get3A_658, %gather3A_620 : vector<16xf32>
          %swap3A_660 = arith.constant 0 : i32
          %swap3A_661 = arith.index_cast %swap3A_660 : i32 to index
          %swap3A_662 = arith.index_cast %add3A_624 : i32 to index
          %swap3A_663 = arith.constant 32 : index
          %swap3A_664 = tpu.vector_load %arg11[%swap3A_661, %swap3A_662, %swap3A_663] {strides = array<i32>} : memref<3x128x64xf32, #tpu.memory_space<vmem>>, vector<1x1x16xf32>,
          %swap3A_665 = vector.shape_cast %swap3A_664 : vector<1x1x16xf32> to vector<16xf32>
          %swap3A_666 = vector.shape_cast %mul3A_659 : vector<16xf32> to vector<1x1x16xf32>
          tpu.vector_store %arg11[%swap3A_661, %swap3A_662, %swap3A_663], %swap3A_666 {strides = array<i32>} : memref<3x128x64xf32, #tpu.memory_space<vmem>>, vector<1x1x16xf32>,
          %get3A_667 = arith.constant 0 : i32
          %get3A_668 = arith.index_cast %get3A_667 : i32 to index
          %get3A_669 = arith.index_cast %add3A_624 : i32 to index
          %get3A_670 = arith.constant 48 : index
          %get3A_671 = tpu.vector_load %arg10[%get3A_668, %get3A_669, %get3A_670] {strides = array<i32>} : memref<3x128x64xf32, #tpu.memory_space<vmem>>, vector<1x1x16xf32>,
          %get3A_672 = vector.shape_cast %get3A_671 : vector<1x1x16xf32> to vector<16xf32>
          %mul3A_673 = arith.mulf %get3A_672, %gather3A_620 : vector<16xf32>
          %swap3A_674 = arith.constant 0 : i32
          %swap3A_675 = arith.index_cast %swap3A_674 : i32 to index
          %swap3A_676 = arith.index_cast %add3A_624 : i32 to index
          %swap3A_677 = arith.constant 48 : index
          %swap3A_678 = tpu.vector_load %arg11[%swap3A_675, %swap3A_676, %swap3A_677] {strides = array<i32>} : memref<3x128x64xf32, #tpu.memory_space<vmem>>, vector<1x1x16xf32>,
          %swap3A_679 = vector.shape_cast %swap3A_678 : vector<1x1x16xf32> to vector<16xf32>
          %swap3A_680 = vector.shape_cast %mul3A_673 : vector<16xf32> to vector<1x1x16xf32>
          tpu.vector_store %arg11[%swap3A_675, %swap3A_676, %swap3A_677], %swap3A_680 {strides = array<i32>} : memref<3x128x64xf32, #tpu.memory_space<vmem>>, vector<1x1x16xf32>,
          %broadcast_in_dim3A_681 = arith.constant 5 : i32
          %broadcast_in_dim3A_682 = vector.broadcast %broadcast_in_dim3A_681 : i32 to vector<16x1xi32>
          %gather3A_683 = vector.shape_cast %broadcast_in_dim3A_682 : vector<16x1xi32> to vector<16xi32>
          %gather3A_684 = tpu.dynamic_gather %get3A_362[%gather3A_683] in [0] : vector<16xf32>, vector<16xi32> -> vector<16xf32>
          %mul3A_685 = arith.constant 16 : i32
          %mul3A_686 = arith.muli %scan3A_354, %mul3A_685 : i32
          %add3A_687 = arith.constant 5 : i32
          %add3A_688 = arith.addi %mul3A_686, %add3A_687 : i32
          %get3A_689 = arith.constant 0 : i32
          %get3A_690 = arith.index_cast %get3A_689 : i32 to index
          %get3A_691 = arith.index_cast %add3A_688 : i32 to index
          %get3A_692 = arith.constant 0 : index
          %get3A_693 = tpu.vector_load %arg10[%get3A_690, %get3A_691, %get3A_692] {strides = array<i32>} : memref<3x128x64xf32, #tpu.memory_space<vmem>>, vector<1x1x16xf32>,
          %get3A_694 = vector.shape_cast %get3A_693 : vector<1x1x16xf32> to vector<16xf32>
          %mul3A_695 = arith.mulf %get3A_694, %gather3A_684 : vector<16xf32>
          %swap3A_696 = arith.constant 0 : i32
          %swap3A_697 = arith.index_cast %swap3A_696 : i32 to index
          %swap3A_698 = arith.index_cast %add3A_688 : i32 to index
          %swap3A_699 = arith.constant 0 : index
          %swap3A_700 = tpu.vector_load %arg11[%swap3A_697, %swap3A_698, %swap3A_699] {strides = array<i32>} : memref<3x128x64xf32, #tpu.memory_space<vmem>>, vector<1x1x16xf32>,
          %swap3A_701 = vector.shape_cast %swap3A_700 : vector<1x1x16xf32> to vector<16xf32>
          %swap3A_702 = vector.shape_cast %mul3A_695 : vector<16xf32> to vector<1x1x16xf32>
          tpu.vector_store %arg11[%swap3A_697, %swap3A_698, %swap3A_699], %swap3A_702 {strides = array<i32>} : memref<3x128x64xf32, #tpu.memory_space<vmem>>, vector<1x1x16xf32>,
          %get3A_703 = arith.constant 0 : i32
          %get3A_704 = arith.index_cast %get3A_703 : i32 to index
          %get3A_705 = arith.index_cast %add3A_688 : i32 to index
          %get3A_706 = arith.constant 16 : index
          %get3A_707 = tpu.vector_load %arg10[%get3A_704, %get3A_705, %get3A_706] {strides = array<i32>} : memref<3x128x64xf32, #tpu.memory_space<vmem>>, vector<1x1x16xf32>,
          %get3A_708 = vector.shape_cast %get3A_707 : vector<1x1x16xf32> to vector<16xf32>
          %mul3A_709 = arith.mulf %get3A_708, %gather3A_684 : vector<16xf32>
          %swap3A_710 = arith.constant 0 : i32
          %swap3A_711 = arith.index_cast %swap3A_710 : i32 to index
          %swap3A_712 = arith.index_cast %add3A_688 : i32 to index
          %swap3A_713 = arith.constant 16 : index
          %swap3A_714 = tpu.vector_load %arg11[%swap3A_711, %swap3A_712, %swap3A_713] {strides = array<i32>} : memref<3x128x64xf32, #tpu.memory_space<vmem>>, vector<1x1x16xf32>,
          %swap3A_715 = vector.shape_cast %swap3A_714 : vector<1x1x16xf32> to vector<16xf32>
          %swap3A_716 = vector.shape_cast %mul3A_709 : vector<16xf32> to vector<1x1x16xf32>
          tpu.vector_store %arg11[%swap3A_711, %swap3A_712, %swap3A_713], %swap3A_716 {strides = array<i32>} : memref<3x128x64xf32, #tpu.memory_space<vmem>>, vector<1x1x16xf32>,
          %get3A_717 = arith.constant 0 : i32
          %get3A_718 = arith.index_cast %get3A_717 : i32 to index
          %get3A_719 = arith.index_cast %add3A_688 : i32 to index
          %get3A_720 = arith.constant 32 : index
          %get3A_721 = tpu.vector_load %arg10[%get3A_718, %get3A_719, %get3A_720] {strides = array<i32>} : memref<3x128x64xf32, #tpu.memory_space<vmem>>, vector<1x1x16xf32>,
          %get3A_722 = vector.shape_cast %get3A_721 : vector<1x1x16xf32> to vector<16xf32>
          %mul3A_723 = arith.mulf %get3A_722, %gather3A_684 : vector<16xf32>
          %swap3A_724 = arith.constant 0 : i32
          %swap3A_725 = arith.index_cast %swap3A_724 : i32 to index
          %swap3A_726 = arith.index_cast %add3A_688 : i32 to index
          %swap3A_727 = arith.constant 32 : index
          %swap3A_728 = tpu.vector_load %arg11[%swap3A_725, %swap3A_726, %swap3A_727] {strides = array<i32>} : memref<3x128x64xf32, #tpu.memory_space<vmem>>, vector<1x1x16xf32>,
          %swap3A_729 = vector.shape_cast %swap3A_728 : vector<1x1x16xf32> to vector<16xf32>
          %swap3A_730 = vector.shape_cast %mul3A_723 : vector<16xf32> to vector<1x1x16xf32>
          tpu.vector_store %arg11[%swap3A_725, %swap3A_726, %swap3A_727], %swap3A_730 {strides = array<i32>} : memref<3x128x64xf32, #tpu.memory_space<vmem>>, vector<1x1x16xf32>,
          %get3A_731 = arith.constant 0 : i32
          %get3A_732 = arith.index_cast %get3A_731 : i32 to index
          %get3A_733 = arith.index_cast %add3A_688 : i32 to index
          %get3A_734 = arith.constant 48 : index
          %get3A_735 = tpu.vector_load %arg10[%get3A_732, %get3A_733, %get3A_734] {strides = array<i32>} : memref<3x128x64xf32, #tpu.memory_space<vmem>>, vector<1x1x16xf32>,
          %get3A_736 = vector.shape_cast %get3A_735 : vector<1x1x16xf32> to vector<16xf32>
          %mul3A_737 = arith.mulf %get3A_736, %gather3A_684 : vector<16xf32>
          %swap3A_738 = arith.constant 0 : i32
          %swap3A_739 = arith.index_cast %swap3A_738 : i32 to index
          %swap3A_740 = arith.index_cast %add3A_688 : i32 to index
          %swap3A_741 = arith.constant 48 : index
          %swap3A_742 = tpu.vector_load %arg11[%swap3A_739, %swap3A_740, %swap3A_741] {strides = array<i32>} : memref<3x128x64xf32, #tpu.memory_space<vmem>>, vector<1x1x16xf32>,
          %swap3A_743 = vector.shape_cast %swap3A_742 : vector<1x1x16xf32> to vector<16xf32>
          %swap3A_744 = vector.shape_cast %mul3A_737 : vector<16xf32> to vector<1x1x16xf32>
          tpu.vector_store %arg11[%swap3A_739, %swap3A_740, %swap3A_741], %swap3A_744 {strides = array<i32>} : memref<3x128x64xf32, #tpu.memory_space<vmem>>, vector<1x1x16xf32>,
          %broadcast_in_dim3A_745 = arith.constant 6 : i32
          %broadcast_in_dim3A_746 = vector.broadcast %broadcast_in_dim3A_745 : i32 to vector<16x1xi32>
          %gather3A_747 = vector.shape_cast %broadcast_in_dim3A_746 : vector<16x1xi32> to vector<16xi32>
          %gather3A_748 = tpu.dynamic_gather %get3A_362[%gather3A_747] in [0] : vector<16xf32>, vector<16xi32> -> vector<16xf32>
          %mul3A_749 = arith.constant 16 : i32
          %mul3A_750 = arith.muli %scan3A_354, %mul3A_749 : i32
          %add3A_751 = arith.constant 6 : i32
          %add3A_752 = arith.addi %mul3A_750, %add3A_751 : i32
          %get3A_753 = arith.constant 0 : i32
          %get3A_754 = arith.index_cast %get3A_753 : i32 to index
          %get3A_755 = arith.index_cast %add3A_752 : i32 to index
          %get3A_756 = arith.constant 0 : index
          %get3A_757 = tpu.vector_load %arg10[%get3A_754, %get3A_755, %get3A_756] {strides = array<i32>} : memref<3x128x64xf32, #tpu.memory_space<vmem>>, vector<1x1x16xf32>,
          %get3A_758 = vector.shape_cast %get3A_757 : vector<1x1x16xf32> to vector<16xf32>
          %mul3A_759 = arith.mulf %get3A_758, %gather3A_748 : vector<16xf32>
          %swap3A_760 = arith.constant 0 : i32
          %swap3A_761 = arith.index_cast %swap3A_760 : i32 to index
          %swap3A_762 = arith.index_cast %add3A_752 : i32 to index
          %swap3A_763 = arith.constant 0 : index
          %swap3A_764 = tpu.vector_load %arg11[%swap3A_761, %swap3A_762, %swap3A_763] {strides = array<i32>} : memref<3x128x64xf32, #tpu.memory_space<vmem>>, vector<1x1x16xf32>,
          %swap3A_765 = vector.shape_cast %swap3A_764 : vector<1x1x16xf32> to vector<16xf32>
          %swap3A_766 = vector.shape_cast %mul3A_759 : vector<16xf32> to vector<1x1x16xf32>
          tpu.vector_store %arg11[%swap3A_761, %swap3A_762, %swap3A_763], %swap3A_766 {strides = array<i32>} : memref<3x128x64xf32, #tpu.memory_space<vmem>>, vector<1x1x16xf32>,
          %get3A_767 = arith.constant 0 : i32
          %get3A_768 = arith.index_cast %get3A_767 : i32 to index
          %get3A_769 = arith.index_cast %add3A_752 : i32 to index
          %get3A_770 = arith.constant 16 : index
          %get3A_771 = tpu.vector_load %arg10[%get3A_768, %get3A_769, %get3A_770] {strides = array<i32>} : memref<3x128x64xf32, #tpu.memory_space<vmem>>, vector<1x1x16xf32>,
          %get3A_772 = vector.shape_cast %get3A_771 : vector<1x1x16xf32> to vector<16xf32>
          %mul3A_773 = arith.mulf %get3A_772, %gather3A_748 : vector<16xf32>
          %swap3A_774 = arith.constant 0 : i32
          %swap3A_775 = arith.index_cast %swap3A_774 : i32 to index
          %swap3A_776 = arith.index_cast %add3A_752 : i32 to index
          %swap3A_777 = arith.constant 16 : index
          %swap3A_778 = tpu.vector_load %arg11[%swap3A_775, %swap3A_776, %swap3A_777] {strides = array<i32>} : memref<3x128x64xf32, #tpu.memory_space<vmem>>, vector<1x1x16xf32>,
          %swap3A_779 = vector.shape_cast %swap3A_778 : vector<1x1x16xf32> to vector<16xf32>
          %swap3A_780 = vector.shape_cast %mul3A_773 : vector<16xf32> to vector<1x1x16xf32>
          tpu.vector_store %arg11[%swap3A_775, %swap3A_776, %swap3A_777], %swap3A_780 {strides = array<i32>} : memref<3x128x64xf32, #tpu.memory_space<vmem>>, vector<1x1x16xf32>,
          %get3A_781 = arith.constant 0 : i32
          %get3A_782 = arith.index_cast %get3A_781 : i32 to index
          %get3A_783 = arith.index_cast %add3A_752 : i32 to index
          %get3A_784 = arith.constant 32 : index
          %get3A_785 = tpu.vector_load %arg10[%get3A_782, %get3A_783, %get3A_784] {strides = array<i32>} : memref<3x128x64xf32, #tpu.memory_space<vmem>>, vector<1x1x16xf32>,
          %get3A_786 = vector.shape_cast %get3A_785 : vector<1x1x16xf32> to vector<16xf32>
          %mul3A_787 = arith.mulf %get3A_786, %gather3A_748 : vector<16xf32>
          %swap3A_788 = arith.constant 0 : i32
          %swap3A_789 = arith.index_cast %swap3A_788 : i32 to index
          %swap3A_790 = arith.index_cast %add3A_752 : i32 to index
          %swap3A_791 = arith.constant 32 : index
          %swap3A_792 = tpu.vector_load %arg11[%swap3A_789, %swap3A_790, %swap3A_791] {strides = array<i32>} : memref<3x128x64xf32, #tpu.memory_space<vmem>>, vector<1x1x16xf32>,
          %swap3A_793 = vector.shape_cast %swap3A_792 : vector<1x1x16xf32> to vector<16xf32>
          %swap3A_794 = vector.shape_cast %mul3A_787 : vector<16xf32> to vector<1x1x16xf32>
          tpu.vector_store %arg11[%swap3A_789, %swap3A_790, %swap3A_791], %swap3A_794 {strides = array<i32>} : memref<3x128x64xf32, #tpu.memory_space<vmem>>, vector<1x1x16xf32>,
          %get3A_795 = arith.constant 0 : i32
          %get3A_796 = arith.index_cast %get3A_795 : i32 to index
          %get3A_797 = arith.index_cast %add3A_752 : i32 to index
          %get3A_798 = arith.constant 48 : index
          %get3A_799 = tpu.vector_load %arg10[%get3A_796, %get3A_797, %get3A_798] {strides = array<i32>} : memref<3x128x64xf32, #tpu.memory_space<vmem>>, vector<1x1x16xf32>,
          %get3A_800 = vector.shape_cast %get3A_799 : vector<1x1x16xf32> to vector<16xf32>
          %mul3A_801 = arith.mulf %get3A_800, %gather3A_748 : vector<16xf32>
          %swap3A_802 = arith.constant 0 : i32
          %swap3A_803 = arith.index_cast %swap3A_802 : i32 to index
          %swap3A_804 = arith.index_cast %add3A_752 : i32 to index
          %swap3A_805 = arith.constant 48 : index
          %swap3A_806 = tpu.vector_load %arg11[%swap3A_803, %swap3A_804, %swap3A_805] {strides = array<i32>} : memref<3x128x64xf32, #tpu.memory_space<vmem>>, vector<1x1x16xf32>,
          %swap3A_807 = vector.shape_cast %swap3A_806 : vector<1x1x16xf32> to vector<16xf32>
          %swap3A_808 = vector.shape_cast %mul3A_801 : vector<16xf32> to vector<1x1x16xf32>
          tpu.vector_store %arg11[%swap3A_803, %swap3A_804, %swap3A_805], %swap3A_808 {strides = array<i32>} : memref<3x128x64xf32, #tpu.memory_space<vmem>>, vector<1x1x16xf32>,
          %broadcast_in_dim3A_809 = arith.constant 7 : i32
          %broadcast_in_dim3A_810 = vector.broadcast %broadcast_in_dim3A_809 : i32 to vector<16x1xi32>
          %gather3A_811 = vector.shape_cast %broadcast_in_dim3A_810 : vector<16x1xi32> to vector<16xi32>
          %gather3A_812 = tpu.dynamic_gather %get3A_362[%gather3A_811] in [0] : vector<16xf32>, vector<16xi32> -> vector<16xf32>
          %mul3A_813 = arith.constant 16 : i32
          %mul3A_814 = arith.muli %scan3A_354, %mul3A_813 : i32
          %add3A_815 = arith.constant 7 : i32
          %add3A_816 = arith.addi %mul3A_814, %add3A_815 : i32
          %get3A_817 = arith.constant 0 : i32
          %get3A_818 = arith.index_cast %get3A_817 : i32 to index
          %get3A_819 = arith.index_cast %add3A_816 : i32 to index
          %get3A_820 = arith.constant 0 : index
          %get3A_821 = tpu.vector_load %arg10[%get3A_818, %get3A_819, %get3A_820] {strides = array<i32>} : memref<3x128x64xf32, #tpu.memory_space<vmem>>, vector<1x1x16xf32>,
          %get3A_822 = vector.shape_cast %get3A_821 : vector<1x1x16xf32> to vector<16xf32>
          %mul3A_823 = arith.mulf %get3A_822, %gather3A_812 : vector<16xf32>
          %swap3A_824 = arith.constant 0 : i32
          %swap3A_825 = arith.index_cast %swap3A_824 : i32 to index
          %swap3A_826 = arith.index_cast %add3A_816 : i32 to index
          %swap3A_827 = arith.constant 0 : index
          %swap3A_828 = tpu.vector_load %arg11[%swap3A_825, %swap3A_826, %swap3A_827] {strides = array<i32>} : memref<3x128x64xf32, #tpu.memory_space<vmem>>, vector<1x1x16xf32>,
          %swap3A_829 = vector.shape_cast %swap3A_828 : vector<1x1x16xf32> to vector<16xf32>
          %swap3A_830 = vector.shape_cast %mul3A_823 : vector<16xf32> to vector<1x1x16xf32>
          tpu.vector_store %arg11[%swap3A_825, %swap3A_826, %swap3A_827], %swap3A_830 {strides = array<i32>} : memref<3x128x64xf32, #tpu.memory_space<vmem>>, vector<1x1x16xf32>,
          %get3A_831 = arith.constant 0 : i32
          %get3A_832 = arith.index_cast %get3A_831 : i32 to index
          %get3A_833 = arith.index_cast %add3A_816 : i32 to index
          %get3A_834 = arith.constant 16 : index
          %get3A_835 = tpu.vector_load %arg10[%get3A_832, %get3A_833, %get3A_834] {strides = array<i32>} : memref<3x128x64xf32, #tpu.memory_space<vmem>>, vector<1x1x16xf32>,
          %get3A_836 = vector.shape_cast %get3A_835 : vector<1x1x16xf32> to vector<16xf32>
          %mul3A_837 = arith.mulf %get3A_836, %gather3A_812 : vector<16xf32>
          %swap3A_838 = arith.constant 0 : i32
          %swap3A_839 = arith.index_cast %swap3A_838 : i32 to index
          %swap3A_840 = arith.index_cast %add3A_816 : i32 to index
          %swap3A_841 = arith.constant 16 : index
          %swap3A_842 = tpu.vector_load %arg11[%swap3A_839, %swap3A_840, %swap3A_841] {strides = array<i32>} : memref<3x128x64xf32, #tpu.memory_space<vmem>>, vector<1x1x16xf32>,
          %swap3A_843 = vector.shape_cast %swap3A_842 : vector<1x1x16xf32> to vector<16xf32>
          %swap3A_844 = vector.shape_cast %mul3A_837 : vector<16xf32> to vector<1x1x16xf32>
          tpu.vector_store %arg11[%swap3A_839, %swap3A_840, %swap3A_841], %swap3A_844 {strides = array<i32>} : memref<3x128x64xf32, #tpu.memory_space<vmem>>, vector<1x1x16xf32>,
          %get3A_845 = arith.constant 0 : i32
          %get3A_846 = arith.index_cast %get3A_845 : i32 to index
          %get3A_847 = arith.index_cast %add3A_816 : i32 to index
          %get3A_848 = arith.constant 32 : index
          %get3A_849 = tpu.vector_load %arg10[%get3A_846, %get3A_847, %get3A_848] {strides = array<i32>} : memref<3x128x64xf32, #tpu.memory_space<vmem>>, vector<1x1x16xf32>,
          %get3A_850 = vector.shape_cast %get3A_849 : vector<1x1x16xf32> to vector<16xf32>
          %mul3A_851 = arith.mulf %get3A_850, %gather3A_812 : vector<16xf32>
          %swap3A_852 = arith.constant 0 : i32
          %swap3A_853 = arith.index_cast %swap3A_852 : i32 to index
          %swap3A_854 = arith.index_cast %add3A_816 : i32 to index
          %swap3A_855 = arith.constant 32 : index
          %swap3A_856 = tpu.vector_load %arg11[%swap3A_853, %swap3A_854, %swap3A_855] {strides = array<i32>} : memref<3x128x64xf32, #tpu.memory_space<vmem>>, vector<1x1x16xf32>,
          %swap3A_857 = vector.shape_cast %swap3A_856 : vector<1x1x16xf32> to vector<16xf32>
          %swap3A_858 = vector.shape_cast %mul3A_851 : vector<16xf32> to vector<1x1x16xf32>
          tpu.vector_store %arg11[%swap3A_853, %swap3A_854, %swap3A_855], %swap3A_858 {strides = array<i32>} : memref<3x128x64xf32, #tpu.memory_space<vmem>>, vector<1x1x16xf32>,
          %get3A_859 = arith.constant 0 : i32
          %get3A_860 = arith.index_cast %get3A_859 : i32 to index
          %get3A_861 = arith.index_cast %add3A_816 : i32 to index
          %get3A_862 = arith.constant 48 : index
          %get3A_863 = tpu.vector_load %arg10[%get3A_860, %get3A_861, %get3A_862] {strides = array<i32>} : memref<3x128x64xf32, #tpu.memory_space<vmem>>, vector<1x1x16xf32>,
          %get3A_864 = vector.shape_cast %get3A_863 : vector<1x1x16xf32> to vector<16xf32>
          %mul3A_865 = arith.mulf %get3A_864, %gather3A_812 : vector<16xf32>
          %swap3A_866 = arith.constant 0 : i32
          %swap3A_867 = arith.index_cast %swap3A_866 : i32 to index
          %swap3A_868 = arith.index_cast %add3A_816 : i32 to index
          %swap3A_869 = arith.constant 48 : index
          %swap3A_870 = tpu.vector_load %arg11[%swap3A_867, %swap3A_868, %swap3A_869] {strides = array<i32>} : memref<3x128x64xf32, #tpu.memory_space<vmem>>, vector<1x1x16xf32>,
          %swap3A_871 = vector.shape_cast %swap3A_870 : vector<1x1x16xf32> to vector<16xf32>
          %swap3A_872 = vector.shape_cast %mul3A_865 : vector<16xf32> to vector<1x1x16xf32>
          tpu.vector_store %arg11[%swap3A_867, %swap3A_868, %swap3A_869], %swap3A_872 {strides = array<i32>} : memref<3x128x64xf32, #tpu.memory_space<vmem>>, vector<1x1x16xf32>,
          %broadcast_in_dim3A_873 = arith.constant 8 : i32
          %broadcast_in_dim3A_874 = vector.broadcast %broadcast_in_dim3A_873 : i32 to vector<16x1xi32>
          %gather3A_875 = vector.shape_cast %broadcast_in_dim3A_874 : vector<16x1xi32> to vector<16xi32>
          %gather3A_876 = tpu.dynamic_gather %get3A_362[%gather3A_875] in [0] : vector<16xf32>, vector<16xi32> -> vector<16xf32>
          %mul3A_877 = arith.constant 16 : i32
          %mul3A_878 = arith.muli %scan3A_354, %mul3A_877 : i32
          %add3A_879 = arith.constant 8 : i32
          %add3A_880 = arith.addi %mul3A_878, %add3A_879 : i32
          %get3A_881 = arith.constant 0 : i32
          %get3A_882 = arith.index_cast %get3A_881 : i32 to index
          %get3A_883 = arith.index_cast %add3A_880 : i32 to index
          %get3A_884 = arith.constant 0 : index
          %get3A_885 = tpu.vector_load %arg10[%get3A_882, %get3A_883, %get3A_884] {strides = array<i32>} : memref<3x128x64xf32, #tpu.memory_space<vmem>>, vector<1x1x16xf32>,
          %get3A_886 = vector.shape_cast %get3A_885 : vector<1x1x16xf32> to vector<16xf32>
          %mul3A_887 = arith.mulf %get3A_886, %gather3A_876 : vector<16xf32>
          %swap3A_888 = arith.constant 0 : i32
          %swap3A_889 = arith.index_cast %swap3A_888 : i32 to index
          %swap3A_890 = arith.index_cast %add3A_880 : i32 to index
          %swap3A_891 = arith.constant 0 : index
          %swap3A_892 = tpu.vector_load %arg11[%swap3A_889, %swap3A_890, %swap3A_891] {strides = array<i32>} : memref<3x128x64xf32, #tpu.memory_space<vmem>>, vector<1x1x16xf32>,
          %swap3A_893 = vector.shape_cast %swap3A_892 : vector<1x1x16xf32> to vector<16xf32>
          %swap3A_894 = vector.shape_cast %mul3A_887 : vector<16xf32> to vector<1x1x16xf32>
          tpu.vector_store %arg11[%swap3A_889, %swap3A_890, %swap3A_891], %swap3A_894 {strides = array<i32>} : memref<3x128x64xf32, #tpu.memory_space<vmem>>, vector<1x1x16xf32>,
          %get3A_895 = arith.constant 0 : i32
          %get3A_896 = arith.index_cast %get3A_895 : i32 to index
          %get3A_897 = arith.index_cast %add3A_880 : i32 to index
          %get3A_898 = arith.constant 16 : index
          %get3A_899 = tpu.vector_load %arg10[%get3A_896, %get3A_897, %get3A_898] {strides = array<i32>} : memref<3x128x64xf32, #tpu.memory_space<vmem>>, vector<1x1x16xf32>,
          %get3A_900 = vector.shape_cast %get3A_899 : vector<1x1x16xf32> to vector<16xf32>
          %mul3A_901 = arith.mulf %get3A_900, %gather3A_876 : vector<16xf32>
          %swap3A_902 = arith.constant 0 : i32
          %swap3A_903 = arith.index_cast %swap3A_902 : i32 to index
          %swap3A_904 = arith.index_cast %add3A_880 : i32 to index
          %swap3A_905 = arith.constant 16 : index
          %swap3A_906 = tpu.vector_load %arg11[%swap3A_903, %swap3A_904, %swap3A_905] {strides = array<i32>} : memref<3x128x64xf32, #tpu.memory_space<vmem>>, vector<1x1x16xf32>,
          %swap3A_907 = vector.shape_cast %swap3A_906 : vector<1x1x16xf32> to vector<16xf32>
          %swap3A_908 = vector.shape_cast %mul3A_901 : vector<16xf32> to vector<1x1x16xf32>
          tpu.vector_store %arg11[%swap3A_903, %swap3A_904, %swap3A_905], %swap3A_908 {strides = array<i32>} : memref<3x128x64xf32, #tpu.memory_space<vmem>>, vector<1x1x16xf32>,
          %get3A_909 = arith.constant 0 : i32
          %get3A_910 = arith.index_cast %get3A_909 : i32 to index
          %get3A_911 = arith.index_cast %add3A_880 : i32 to index
          %get3A_912 = arith.constant 32 : index
          %get3A_913 = tpu.vector_load %arg10[%get3A_910, %get3A_911, %get3A_912] {strides = array<i32>} : memref<3x128x64xf32, #tpu.memory_space<vmem>>, vector<1x1x16xf32>,
          %get3A_914 = vector.shape_cast %get3A_913 : vector<1x1x16xf32> to vector<16xf32>
          %mul3A_915 = arith.mulf %get3A_914, %gather3A_876 : vector<16xf32>
          %swap3A_916 = arith.constant 0 : i32
          %swap3A_917 = arith.index_cast %swap3A_916 : i32 to index
          %swap3A_918 = arith.index_cast %add3A_880 : i32 to index
          %swap3A_919 = arith.constant 32 : index
          %swap3A_920 = tpu.vector_load %arg11[%swap3A_917, %swap3A_918, %swap3A_919] {strides = array<i32>} : memref<3x128x64xf32, #tpu.memory_space<vmem>>, vector<1x1x16xf32>,
          %swap3A_921 = vector.shape_cast %swap3A_920 : vector<1x1x16xf32> to vector<16xf32>
          %swap3A_922 = vector.shape_cast %mul3A_915 : vector<16xf32> to vector<1x1x16xf32>
          tpu.vector_store %arg11[%swap3A_917, %swap3A_918, %swap3A_919], %swap3A_922 {strides = array<i32>} : memref<3x128x64xf32, #tpu.memory_space<vmem>>, vector<1x1x16xf32>,
          %get3A_923 = arith.constant 0 : i32
          %get3A_924 = arith.index_cast %get3A_923 : i32 to index
          %get3A_925 = arith.index_cast %add3A_880 : i32 to index
          %get3A_926 = arith.constant 48 : index
          %get3A_927 = tpu.vector_load %arg10[%get3A_924, %get3A_925, %get3A_926] {strides = array<i32>} : memref<3x128x64xf32, #tpu.memory_space<vmem>>, vector<1x1x16xf32>,
          %get3A_928 = vector.shape_cast %get3A_927 : vector<1x1x16xf32> to vector<16xf32>
          %mul3A_929 = arith.mulf %get3A_928, %gather3A_876 : vector<16xf32>
          %swap3A_930 = arith.constant 0 : i32
          %swap3A_931 = arith.index_cast %swap3A_930 : i32 to index
          %swap3A_932 = arith.index_cast %add3A_880 : i32 to index
          %swap3A_933 = arith.constant 48 : index
          %swap3A_934 = tpu.vector_load %arg11[%swap3A_931, %swap3A_932, %swap3A_933] {strides = array<i32>} : memref<3x128x64xf32, #tpu.memory_space<vmem>>, vector<1x1x16xf32>,
          %swap3A_935 = vector.shape_cast %swap3A_934 : vector<1x1x16xf32> to vector<16xf32>
          %swap3A_936 = vector.shape_cast %mul3A_929 : vector<16xf32> to vector<1x1x16xf32>
          tpu.vector_store %arg11[%swap3A_931, %swap3A_932, %swap3A_933], %swap3A_936 {strides = array<i32>} : memref<3x128x64xf32, #tpu.memory_space<vmem>>, vector<1x1x16xf32>,
          %broadcast_in_dim3A_937 = arith.constant 9 : i32
          %broadcast_in_dim3A_938 = vector.broadcast %broadcast_in_dim3A_937 : i32 to vector<16x1xi32>
          %gather3A_939 = vector.shape_cast %broadcast_in_dim3A_938 : vector<16x1xi32> to vector<16xi32>
          %gather3A_940 = tpu.dynamic_gather %get3A_362[%gather3A_939] in [0] : vector<16xf32>, vector<16xi32> -> vector<16xf32>
          %mul3A_941 = arith.constant 16 : i32
          %mul3A_942 = arith.muli %scan3A_354, %mul3A_941 : i32
          %add3A_943 = arith.constant 9 : i32
          %add3A_944 = arith.addi %mul3A_942, %add3A_943 : i32
          %get3A_945 = arith.constant 0 : i32
          %get3A_946 = arith.index_cast %get3A_945 : i32 to index
          %get3A_947 = arith.index_cast %add3A_944 : i32 to index
          %get3A_948 = arith.constant 0 : index
          %get3A_949 = tpu.vector_load %arg10[%get3A_946, %get3A_947, %get3A_948] {strides = array<i32>} : memref<3x128x64xf32, #tpu.memory_space<vmem>>, vector<1x1x16xf32>,
          %get3A_950 = vector.shape_cast %get3A_949 : vector<1x1x16xf32> to vector<16xf32>
          %mul3A_951 = arith.mulf %get3A_950, %gather3A_940 : vector<16xf32>
          %swap3A_952 = arith.constant 0 : i32
          %swap3A_953 = arith.index_cast %swap3A_952 : i32 to index
          %swap3A_954 = arith.index_cast %add3A_944 : i32 to index
          %swap3A_955 = arith.constant 0 : index
          %swap3A_956 = tpu.vector_load %arg11[%swap3A_953, %swap3A_954, %swap3A_955] {strides = array<i32>} : memref<3x128x64xf32, #tpu.memory_space<vmem>>, vector<1x1x16xf32>,
          %swap3A_957 = vector.shape_cast %swap3A_956 : vector<1x1x16xf32> to vector<16xf32>
          %swap3A_958 = vector.shape_cast %mul3A_951 : vector<16xf32> to vector<1x1x16xf32>
          tpu.vector_store %arg11[%swap3A_953, %swap3A_954, %swap3A_955], %swap3A_958 {strides = array<i32>} : memref<3x128x64xf32, #tpu.memory_space<vmem>>, vector<1x1x16xf32>,
          %get3A_959 = arith.constant 0 : i32
          %get3A_960 = arith.index_cast %get3A_959 : i32 to index
          %get3A_961 = arith.index_cast %add3A_944 : i32 to index
          %get3A_962 = arith.constant 16 : index
          %get3A_963 = tpu.vector_load %arg10[%get3A_960, %get3A_961, %get3A_962] {strides = array<i32>} : memref<3x128x64xf32, #tpu.memory_space<vmem>>, vector<1x1x16xf32>,
          %get3A_964 = vector.shape_cast %get3A_963 : vector<1x1x16xf32> to vector<16xf32>
          %mul3A_965 = arith.mulf %get3A_964, %gather3A_940 : vector<16xf32>
          %swap3A_966 = arith.constant 0 : i32
          %swap3A_967 = arith.index_cast %swap3A_966 : i32 to index
          %swap3A_968 = arith.index_cast %add3A_944 : i32 to index
          %swap3A_969 = arith.constant 16 : index
          %swap3A_970 = tpu.vector_load %arg11[%swap3A_967, %swap3A_968, %swap3A_969] {strides = array<i32>} : memref<3x128x64xf32, #tpu.memory_space<vmem>>, vector<1x1x16xf32>,
          %swap3A_971 = vector.shape_cast %swap3A_970 : vector<1x1x16xf32> to vector<16xf32>
          %swap3A_972 = vector.shape_cast %mul3A_965 : vector<16xf32> to vector<1x1x16xf32>
          tpu.vector_store %arg11[%swap3A_967, %swap3A_968, %swap3A_969], %swap3A_972 {strides = array<i32>} : memref<3x128x64xf32, #tpu.memory_space<vmem>>, vector<1x1x16xf32>,
          %get3A_973 = arith.constant 0 : i32
          %get3A_974 = arith.index_cast %get3A_973 : i32 to index
          %get3A_975 = arith.index_cast %add3A_944 : i32 to index
          %get3A_976 = arith.constant 32 : index
          %get3A_977 = tpu.vector_load %arg10[%get3A_974, %get3A_975, %get3A_976] {strides = array<i32>} : memref<3x128x64xf32, #tpu.memory_space<vmem>>, vector<1x1x16xf32>,
          %get3A_978 = vector.shape_cast %get3A_977 : vector<1x1x16xf32> to vector<16xf32>
          %mul3A_979 = arith.mulf %get3A_978, %gather3A_940 : vector<16xf32>
          %swap3A_980 = arith.constant 0 : i32
          %swap3A_981 = arith.index_cast %swap3A_980 : i32 to index
          %swap3A_982 = arith.index_cast %add3A_944 : i32 to index
          %swap3A_983 = arith.constant 32 : index
          %swap3A_984 = tpu.vector_load %arg11[%swap3A_981, %swap3A_982, %swap3A_983] {strides = array<i32>} : memref<3x128x64xf32, #tpu.memory_space<vmem>>, vector<1x1x16xf32>,
          %swap3A_985 = vector.shape_cast %swap3A_984 : vector<1x1x16xf32> to vector<16xf32>
          %swap3A_986 = vector.shape_cast %mul3A_979 : vector<16xf32> to vector<1x1x16xf32>
          tpu.vector_store %arg11[%swap3A_981, %swap3A_982, %swap3A_983], %swap3A_986 {strides = array<i32>} : memref<3x128x64xf32, #tpu.memory_space<vmem>>, vector<1x1x16xf32>,
          %get3A_987 = arith.constant 0 : i32
          %get3A_988 = arith.index_cast %get3A_987 : i32 to index
          %get3A_989 = arith.index_cast %add3A_944 : i32 to index
          %get3A_990 = arith.constant 48 : index
          %get3A_991 = tpu.vector_load %arg10[%get3A_988, %get3A_989, %get3A_990] {strides = array<i32>} : memref<3x128x64xf32, #tpu.memory_space<vmem>>, vector<1x1x16xf32>,
          %get3A_992 = vector.shape_cast %get3A_991 : vector<1x1x16xf32> to vector<16xf32>
          %mul3A_993 = arith.mulf %get3A_992, %gather3A_940 : vector<16xf32>
          %swap3A_994 = arith.constant 0 : i32
          %swap3A_995 = arith.index_cast %swap3A_994 : i32 to index
          %swap3A_996 = arith.index_cast %add3A_944 : i32 to index
          %swap3A_997 = arith.constant 48 : index
          %swap3A_998 = tpu.vector_load %arg11[%swap3A_995, %swap3A_996, %swap3A_997] {strides = array<i32>} : memref<3x128x64xf32, #tpu.memory_space<vmem>>, vector<1x1x16xf32>,
          %swap3A_999 = vector.shape_cast %swap3A_998 : vector<1x1x16xf32> to vector<16xf32>
          %swap3A_1000 = vector.shape_cast %mul3A_993 : vector<16xf32> to vector<1x1x16xf32>
          tpu.vector_store %arg11[%swap3A_995, %swap3A_996, %swap3A_997], %swap3A_1000 {strides = array<i32>} : memref<3x128x64xf32, #tpu.memory_space<vmem>>, vector<1x1x16xf32>,
          %broadcast_in_dim3A_1001 = arith.constant 10 : i32
          %broadcast_in_dim3A_1002 = vector.broadcast %broadcast_in_dim3A_1001 : i32 to vector<16x1xi32>
          %gather3A_1003 = vector.shape_cast %broadcast_in_dim3A_1002 : vector<16x1xi32> to vector<16xi32>
          %gather3A_1004 = tpu.dynamic_gather %get3A_362[%gather3A_1003] in [0] : vector<16xf32>, vector<16xi32> -> vector<16xf32>
          %mul3A_1005 = arith.constant 16 : i32
          %mul3A_1006 = arith.muli %scan3A_354, %mul3A_1005 : i32
          %add3A_1007 = arith.constant 10 : i32
          %add3A_1008 = arith.addi %mul3A_1006, %add3A_1007 : i32
          %get3A_1009 = arith.constant 0 : i32
          %get3A_1010 = arith.index_cast %get3A_1009 : i32 to index
          %get3A_1011 = arith.index_cast %add3A_1008 : i32 to index
          %get3A_1012 = arith.constant 0 : index
          %get3A_1013 = tpu.vector_load %arg10[%get3A_1010, %get3A_1011, %get3A_1012] {strides = array<i32>} : memref<3x128x64xf32, #tpu.memory_space<vmem>>, vector<1x1x16xf32>,
          %get3A_1014 = vector.shape_cast %get3A_1013 : vector<1x1x16xf32> to vector<16xf32>
          %mul3A_1015 = arith.mulf %get3A_1014, %gather3A_1004 : vector<16xf32>
          %swap3A_1016 = arith.constant 0 : i32
          %swap3A_1017 = arith.index_cast %swap3A_1016 : i32 to index
          %swap3A_1018 = arith.index_cast %add3A_1008 : i32 to index
          %swap3A_1019 = arith.constant 0 : index
          %swap3A_1020 = tpu.vector_load %arg11[%swap3A_1017, %swap3A_1018, %swap3A_1019] {strides = array<i32>} : memref<3x128x64xf32, #tpu.memory_space<vmem>>, vector<1x1x16xf32>,
          %swap3A_1021 = vector.shape_cast %swap3A_1020 : vector<1x1x16xf32> to vector<16xf32>
          %swap3A_1022 = vector.shape_cast %mul3A_1015 : vector<16xf32> to vector<1x1x16xf32>
          tpu.vector_store %arg11[%swap3A_1017, %swap3A_1018, %swap3A_1019], %swap3A_1022 {strides = array<i32>} : memref<3x128x64xf32, #tpu.memory_space<vmem>>, vector<1x1x16xf32>,
          %get3A_1023 = arith.constant 0 : i32
          %get3A_1024 = arith.index_cast %get3A_1023 : i32 to index
          %get3A_1025 = arith.index_cast %add3A_1008 : i32 to index
          %get3A_1026 = arith.constant 16 : index
          %get3A_1027 = tpu.vector_load %arg10[%get3A_1024, %get3A_1025, %get3A_1026] {strides = array<i32>} : memref<3x128x64xf32, #tpu.memory_space<vmem>>, vector<1x1x16xf32>,
          %get3A_1028 = vector.shape_cast %get3A_1027 : vector<1x1x16xf32> to vector<16xf32>
          %mul3A_1029 = arith.mulf %get3A_1028, %gather3A_1004 : vector<16xf32>
          %swap3A_1030 = arith.constant 0 : i32
          %swap3A_1031 = arith.index_cast %swap3A_1030 : i32 to index
          %swap3A_1032 = arith.index_cast %add3A_1008 : i32 to index
          %swap3A_1033 = arith.constant 16 : index
          %swap3A_1034 = tpu.vector_load %arg11[%swap3A_1031, %swap3A_1032, %swap3A_1033] {strides = array<i32>} : memref<3x128x64xf32, #tpu.memory_space<vmem>>, vector<1x1x16xf32>,
          %swap3A_1035 = vector.shape_cast %swap3A_1034 : vector<1x1x16xf32> to vector<16xf32>
          %swap3A_1036 = vector.shape_cast %mul3A_1029 : vector<16xf32> to vector<1x1x16xf32>
          tpu.vector_store %arg11[%swap3A_1031, %swap3A_1032, %swap3A_1033], %swap3A_1036 {strides = array<i32>} : memref<3x128x64xf32, #tpu.memory_space<vmem>>, vector<1x1x16xf32>,
          %get3A_1037 = arith.constant 0 : i32
          %get3A_1038 = arith.index_cast %get3A_1037 : i32 to index
          %get3A_1039 = arith.index_cast %add3A_1008 : i32 to index
          %get3A_1040 = arith.constant 32 : index
          %get3A_1041 = tpu.vector_load %arg10[%get3A_1038, %get3A_1039, %get3A_1040] {strides = array<i32>} : memref<3x128x64xf32, #tpu.memory_space<vmem>>, vector<1x1x16xf32>,
          %get3A_1042 = vector.shape_cast %get3A_1041 : vector<1x1x16xf32> to vector<16xf32>
          %mul3A_1043 = arith.mulf %get3A_1042, %gather3A_1004 : vector<16xf32>
          %swap3A_1044 = arith.constant 0 : i32
          %swap3A_1045 = arith.index_cast %swap3A_1044 : i32 to index
          %swap3A_1046 = arith.index_cast %add3A_1008 : i32 to index
          %swap3A_1047 = arith.constant 32 : index
          %swap3A_1048 = tpu.vector_load %arg11[%swap3A_1045, %swap3A_1046, %swap3A_1047] {strides = array<i32>} : memref<3x128x64xf32, #tpu.memory_space<vmem>>, vector<1x1x16xf32>,
          %swap3A_1049 = vector.shape_cast %swap3A_1048 : vector<1x1x16xf32> to vector<16xf32>
          %swap3A_1050 = vector.shape_cast %mul3A_1043 : vector<16xf32> to vector<1x1x16xf32>
          tpu.vector_store %arg11[%swap3A_1045, %swap3A_1046, %swap3A_1047], %swap3A_1050 {strides = array<i32>} : memref<3x128x64xf32, #tpu.memory_space<vmem>>, vector<1x1x16xf32>,
          %get3A_1051 = arith.constant 0 : i32
          %get3A_1052 = arith.index_cast %get3A_1051 : i32 to index
          %get3A_1053 = arith.index_cast %add3A_1008 : i32 to index
          %get3A_1054 = arith.constant 48 : index
          %get3A_1055 = tpu.vector_load %arg10[%get3A_1052, %get3A_1053, %get3A_1054] {strides = array<i32>} : memref<3x128x64xf32, #tpu.memory_space<vmem>>, vector<1x1x16xf32>,
          %get3A_1056 = vector.shape_cast %get3A_1055 : vector<1x1x16xf32> to vector<16xf32>
          %mul3A_1057 = arith.mulf %get3A_1056, %gather3A_1004 : vector<16xf32>
          %swap3A_1058 = arith.constant 0 : i32
          %swap3A_1059 = arith.index_cast %swap3A_1058 : i32 to index
          %swap3A_1060 = arith.index_cast %add3A_1008 : i32 to index
          %swap3A_1061 = arith.constant 48 : index
          %swap3A_1062 = tpu.vector_load %arg11[%swap3A_1059, %swap3A_1060, %swap3A_1061] {strides = array<i32>} : memref<3x128x64xf32, #tpu.memory_space<vmem>>, vector<1x1x16xf32>,
          %swap3A_1063 = vector.shape_cast %swap3A_1062 : vector<1x1x16xf32> to vector<16xf32>
          %swap3A_1064 = vector.shape_cast %mul3A_1057 : vector<16xf32> to vector<1x1x16xf32>
          tpu.vector_store %arg11[%swap3A_1059, %swap3A_1060, %swap3A_1061], %swap3A_1064 {strides = array<i32>} : memref<3x128x64xf32, #tpu.memory_space<vmem>>, vector<1x1x16xf32>,
          %broadcast_in_dim3A_1065 = arith.constant 11 : i32
          %broadcast_in_dim3A_1066 = vector.broadcast %broadcast_in_dim3A_1065 : i32 to vector<16x1xi32>
          %gather3A_1067 = vector.shape_cast %broadcast_in_dim3A_1066 : vector<16x1xi32> to vector<16xi32>
          %gather3A_1068 = tpu.dynamic_gather %get3A_362[%gather3A_1067] in [0] : vector<16xf32>, vector<16xi32> -> vector<16xf32>
          %mul3A_1069 = arith.constant 16 : i32
          %mul3A_1070 = arith.muli %scan3A_354, %mul3A_1069 : i32
          %add3A_1071 = arith.constant 11 : i32
          %add3A_1072 = arith.addi %mul3A_1070, %add3A_1071 : i32
          %get3A_1073 = arith.constant 0 : i32
          %get3A_1074 = arith.index_cast %get3A_1073 : i32 to index
          %get3A_1075 = arith.index_cast %add3A_1072 : i32 to index
          %get3A_1076 = arith.constant 0 : index
          %get3A_1077 = tpu.vector_load %arg10[%get3A_1074, %get3A_1075, %get3A_1076] {strides = array<i32>} : memref<3x128x64xf32, #tpu.memory_space<vmem>>, vector<1x1x16xf32>,
          %get3A_1078 = vector.shape_cast %get3A_1077 : vector<1x1x16xf32> to vector<16xf32>
          %mul3A_1079 = arith.mulf %get3A_1078, %gather3A_1068 : vector<16xf32>
          %swap3A_1080 = arith.constant 0 : i32
          %swap3A_1081 = arith.index_cast %swap3A_1080 : i32 to index
          %swap3A_1082 = arith.index_cast %add3A_1072 : i32 to index
          %swap3A_1083 = arith.constant 0 : index
          %swap3A_1084 = tpu.vector_load %arg11[%swap3A_1081, %swap3A_1082, %swap3A_1083] {strides = array<i32>} : memref<3x128x64xf32, #tpu.memory_space<vmem>>, vector<1x1x16xf32>,
          %swap3A_1085 = vector.shape_cast %swap3A_1084 : vector<1x1x16xf32> to vector<16xf32>
          %swap3A_1086 = vector.shape_cast %mul3A_1079 : vector<16xf32> to vector<1x1x16xf32>
          tpu.vector_store %arg11[%swap3A_1081, %swap3A_1082, %swap3A_1083], %swap3A_1086 {strides = array<i32>} : memref<3x128x64xf32, #tpu.memory_space<vmem>>, vector<1x1x16xf32>,
          %get3A_1087 = arith.constant 0 : i32
          %get3A_1088 = arith.index_cast %get3A_1087 : i32 to index
          %get3A_1089 = arith.index_cast %add3A_1072 : i32 to index
          %get3A_1090 = arith.constant 16 : index
          %get3A_1091 = tpu.vector_load %arg10[%get3A_1088, %get3A_1089, %get3A_1090] {strides = array<i32>} : memref<3x128x64xf32, #tpu.memory_space<vmem>>, vector<1x1x16xf32>,
          %get3A_1092 = vector.shape_cast %get3A_1091 : vector<1x1x16xf32> to vector<16xf32>
          %mul3A_1093 = arith.mulf %get3A_1092, %gather3A_1068 : vector<16xf32>
          %swap3A_1094 = arith.constant 0 : i32
          %swap3A_1095 = arith.index_cast %swap3A_1094 : i32 to index
          %swap3A_1096 = arith.index_cast %add3A_1072 : i32 to index
          %swap3A_1097 = arith.constant 16 : index
          %swap3A_1098 = tpu.vector_load %arg11[%swap3A_1095, %swap3A_1096, %swap3A_1097] {strides = array<i32>} : memref<3x128x64xf32, #tpu.memory_space<vmem>>, vector<1x1x16xf32>,
          %swap3A_1099 = vector.shape_cast %swap3A_1098 : vector<1x1x16xf32> to vector<16xf32>
          %swap3A_1100 = vector.shape_cast %mul3A_1093 : vector<16xf32> to vector<1x1x16xf32>
          tpu.vector_store %arg11[%swap3A_1095, %swap3A_1096, %swap3A_1097], %swap3A_1100 {strides = array<i32>} : memref<3x128x64xf32, #tpu.memory_space<vmem>>, vector<1x1x16xf32>,
          %get3A_1101 = arith.constant 0 : i32
          %get3A_1102 = arith.index_cast %get3A_1101 : i32 to index
          %get3A_1103 = arith.index_cast %add3A_1072 : i32 to index
          %get3A_1104 = arith.constant 32 : index
          %get3A_1105 = tpu.vector_load %arg10[%get3A_1102, %get3A_1103, %get3A_1104] {strides = array<i32>} : memref<3x128x64xf32, #tpu.memory_space<vmem>>, vector<1x1x16xf32>,
          %get3A_1106 = vector.shape_cast %get3A_1105 : vector<1x1x16xf32> to vector<16xf32>
          %mul3A_1107 = arith.mulf %get3A_1106, %gather3A_1068 : vector<16xf32>
          %swap3A_1108 = arith.constant 0 : i32
          %swap3A_1109 = arith.index_cast %swap3A_1108 : i32 to index
          %swap3A_1110 = arith.index_cast %add3A_1072 : i32 to index
          %swap3A_1111 = arith.constant 32 : index
          %swap3A_1112 = tpu.vector_load %arg11[%swap3A_1109, %swap3A_1110, %swap3A_1111] {strides = array<i32>} : memref<3x128x64xf32, #tpu.memory_space<vmem>>, vector<1x1x16xf32>,
          %swap3A_1113 = vector.shape_cast %swap3A_1112 : vector<1x1x16xf32> to vector<16xf32>
          %swap3A_1114 = vector.shape_cast %mul3A_1107 : vector<16xf32> to vector<1x1x16xf32>
          tpu.vector_store %arg11[%swap3A_1109, %swap3A_1110, %swap3A_1111], %swap3A_1114 {strides = array<i32>} : memref<3x128x64xf32, #tpu.memory_space<vmem>>, vector<1x1x16xf32>,
          %get3A_1115 = arith.constant 0 : i32
          %get3A_1116 = arith.index_cast %get3A_1115 : i32 to index
          %get3A_1117 = arith.index_cast %add3A_1072 : i32 to index
          %get3A_1118 = arith.constant 48 : index
          %get3A_1119 = tpu.vector_load %arg10[%get3A_1116, %get3A_1117, %get3A_1118] {strides = array<i32>} : memref<3x128x64xf32, #tpu.memory_space<vmem>>, vector<1x1x16xf32>,
          %get3A_1120 = vector.shape_cast %get3A_1119 : vector<1x1x16xf32> to vector<16xf32>
          %mul3A_1121 = arith.mulf %get3A_1120, %gather3A_1068 : vector<16xf32>
          %swap3A_1122 = arith.constant 0 : i32
          %swap3A_1123 = arith.index_cast %swap3A_1122 : i32 to index
          %swap3A_1124 = arith.index_cast %add3A_1072 : i32 to index
          %swap3A_1125 = arith.constant 48 : index
          %swap3A_1126 = tpu.vector_load %arg11[%swap3A_1123, %swap3A_1124, %swap3A_1125] {strides = array<i32>} : memref<3x128x64xf32, #tpu.memory_space<vmem>>, vector<1x1x16xf32>,
          %swap3A_1127 = vector.shape_cast %swap3A_1126 : vector<1x1x16xf32> to vector<16xf32>
          %swap3A_1128 = vector.shape_cast %mul3A_1121 : vector<16xf32> to vector<1x1x16xf32>
          tpu.vector_store %arg11[%swap3A_1123, %swap3A_1124, %swap3A_1125], %swap3A_1128 {strides = array<i32>} : memref<3x128x64xf32, #tpu.memory_space<vmem>>, vector<1x1x16xf32>,
          %broadcast_in_dim3A_1129 = arith.constant 12 : i32
          %broadcast_in_dim3A_1130 = vector.broadcast %broadcast_in_dim3A_1129 : i32 to vector<16x1xi32>
          %gather3A_1131 = vector.shape_cast %broadcast_in_dim3A_1130 : vector<16x1xi32> to vector<16xi32>
          %gather3A_1132 = tpu.dynamic_gather %get3A_362[%gather3A_1131] in [0] : vector<16xf32>, vector<16xi32> -> vector<16xf32>
          %mul3A_1133 = arith.constant 16 : i32
          %mul3A_1134 = arith.muli %scan3A_354, %mul3A_1133 : i32
          %add3A_1135 = arith.constant 12 : i32
          %add3A_1136 = arith.addi %mul3A_1134, %add3A_1135 : i32
          %get3A_1137 = arith.constant 0 : i32
          %get3A_1138 = arith.index_cast %get3A_1137 : i32 to index
          %get3A_1139 = arith.index_cast %add3A_1136 : i32 to index
          %get3A_1140 = arith.constant 0 : index
          %get3A_1141 = tpu.vector_load %arg10[%get3A_1138, %get3A_1139, %get3A_1140] {strides = array<i32>} : memref<3x128x64xf32, #tpu.memory_space<vmem>>, vector<1x1x16xf32>,
          %get3A_1142 = vector.shape_cast %get3A_1141 : vector<1x1x16xf32> to vector<16xf32>
          %mul3A_1143 = arith.mulf %get3A_1142, %gather3A_1132 : vector<16xf32>
          %swap3A_1144 = arith.constant 0 : i32
          %swap3A_1145 = arith.index_cast %swap3A_1144 : i32 to index
          %swap3A_1146 = arith.index_cast %add3A_1136 : i32 to index
          %swap3A_1147 = arith.constant 0 : index
          %swap3A_1148 = tpu.vector_load %arg11[%swap3A_1145, %swap3A_1146, %swap3A_1147] {strides = array<i32>} : memref<3x128x64xf32, #tpu.memory_space<vmem>>, vector<1x1x16xf32>,
          %swap3A_1149 = vector.shape_cast %swap3A_1148 : vector<1x1x16xf32> to vector<16xf32>
          %swap3A_1150 = vector.shape_cast %mul3A_1143 : vector<16xf32> to vector<1x1x16xf32>
          tpu.vector_store %arg11[%swap3A_1145, %swap3A_1146, %swap3A_1147], %swap3A_1150 {strides = array<i32>} : memref<3x128x64xf32, #tpu.memory_space<vmem>>, vector<1x1x16xf32>,
          %get3A_1151 = arith.constant 0 : i32
          %get3A_1152 = arith.index_cast %get3A_1151 : i32 to index
          %get3A_1153 = arith.index_cast %add3A_1136 : i32 to index
          %get3A_1154 = arith.constant 16 : index
          %get3A_1155 = tpu.vector_load %arg10[%get3A_1152, %get3A_1153, %get3A_1154] {strides = array<i32>} : memref<3x128x64xf32, #tpu.memory_space<vmem>>, vector<1x1x16xf32>,
          %get3A_1156 = vector.shape_cast %get3A_1155 : vector<1x1x16xf32> to vector<16xf32>
          %mul3A_1157 = arith.mulf %get3A_1156, %gather3A_1132 : vector<16xf32>
          %swap3A_1158 = arith.constant 0 : i32
          %swap3A_1159 = arith.index_cast %swap3A_1158 : i32 to index
          %swap3A_1160 = arith.index_cast %add3A_1136 : i32 to index
          %swap3A_1161 = arith.constant 16 : index
          %swap3A_1162 = tpu.vector_load %arg11[%swap3A_1159, %swap3A_1160, %swap3A_1161] {strides = array<i32>} : memref<3x128x64xf32, #tpu.memory_space<vmem>>, vector<1x1x16xf32>,
          %swap3A_1163 = vector.shape_cast %swap3A_1162 : vector<1x1x16xf32> to vector<16xf32>
          %swap3A_1164 = vector.shape_cast %mul3A_1157 : vector<16xf32> to vector<1x1x16xf32>
          tpu.vector_store %arg11[%swap3A_1159, %swap3A_1160, %swap3A_1161], %swap3A_1164 {strides = array<i32>} : memref<3x128x64xf32, #tpu.memory_space<vmem>>, vector<1x1x16xf32>,
          %get3A_1165 = arith.constant 0 : i32
          %get3A_1166 = arith.index_cast %get3A_1165 : i32 to index
          %get3A_1167 = arith.index_cast %add3A_1136 : i32 to index
          %get3A_1168 = arith.constant 32 : index
          %get3A_1169 = tpu.vector_load %arg10[%get3A_1166, %get3A_1167, %get3A_1168] {strides = array<i32>} : memref<3x128x64xf32, #tpu.memory_space<vmem>>, vector<1x1x16xf32>,
          %get3A_1170 = vector.shape_cast %get3A_1169 : vector<1x1x16xf32> to vector<16xf32>
          %mul3A_1171 = arith.mulf %get3A_1170, %gather3A_1132 : vector<16xf32>
          %swap3A_1172 = arith.constant 0 : i32
          %swap3A_1173 = arith.index_cast %swap3A_1172 : i32 to index
          %swap3A_1174 = arith.index_cast %add3A_1136 : i32 to index
          %swap3A_1175 = arith.constant 32 : index
          %swap3A_1176 = tpu.vector_load %arg11[%swap3A_1173, %swap3A_1174, %swap3A_1175] {strides = array<i32>} : memref<3x128x64xf32, #tpu.memory_space<vmem>>, vector<1x1x16xf32>,
          %swap3A_1177 = vector.shape_cast %swap3A_1176 : vector<1x1x16xf32> to vector<16xf32>
          %swap3A_1178 = vector.shape_cast %mul3A_1171 : vector<16xf32> to vector<1x1x16xf32>
          tpu.vector_store %arg11[%swap3A_1173, %swap3A_1174, %swap3A_1175], %swap3A_1178 {strides = array<i32>} : memref<3x128x64xf32, #tpu.memory_space<vmem>>, vector<1x1x16xf32>,
          %get3A_1179 = arith.constant 0 : i32
          %get3A_1180 = arith.index_cast %get3A_1179 : i32 to index
          %get3A_1181 = arith.index_cast %add3A_1136 : i32 to index
          %get3A_1182 = arith.constant 48 : index
          %get3A_1183 = tpu.vector_load %arg10[%get3A_1180, %get3A_1181, %get3A_1182] {strides = array<i32>} : memref<3x128x64xf32, #tpu.memory_space<vmem>>, vector<1x1x16xf32>,
          %get3A_1184 = vector.shape_cast %get3A_1183 : vector<1x1x16xf32> to vector<16xf32>
          %mul3A_1185 = arith.mulf %get3A_1184, %gather3A_1132 : vector<16xf32>
          %swap3A_1186 = arith.constant 0 : i32
          %swap3A_1187 = arith.index_cast %swap3A_1186 : i32 to index
          %swap3A_1188 = arith.index_cast %add3A_1136 : i32 to index
          %swap3A_1189 = arith.constant 48 : index
          %swap3A_1190 = tpu.vector_load %arg11[%swap3A_1187, %swap3A_1188, %swap3A_1189] {strides = array<i32>} : memref<3x128x64xf32, #tpu.memory_space<vmem>>, vector<1x1x16xf32>,
          %swap3A_1191 = vector.shape_cast %swap3A_1190 : vector<1x1x16xf32> to vector<16xf32>
          %swap3A_1192 = vector.shape_cast %mul3A_1185 : vector<16xf32> to vector<1x1x16xf32>
          tpu.vector_store %arg11[%swap3A_1187, %swap3A_1188, %swap3A_1189], %swap3A_1192 {strides = array<i32>} : memref<3x128x64xf32, #tpu.memory_space<vmem>>, vector<1x1x16xf32>,
          %broadcast_in_dim3A_1193 = arith.constant 13 : i32
          %broadcast_in_dim3A_1194 = vector.broadcast %broadcast_in_dim3A_1193 : i32 to vector<16x1xi32>
          %gather3A_1195 = vector.shape_cast %broadcast_in_dim3A_1194 : vector<16x1xi32> to vector<16xi32>
          %gather3A_1196 = tpu.dynamic_gather %get3A_362[%gather3A_1195] in [0] : vector<16xf32>, vector<16xi32> -> vector<16xf32>
          %mul3A_1197 = arith.constant 16 : i32
          %mul3A_1198 = arith.muli %scan3A_354, %mul3A_1197 : i32
          %add3A_1199 = arith.constant 13 : i32
          %add3A_1200 = arith.addi %mul3A_1198, %add3A_1199 : i32
          %get3A_1201 = arith.constant 0 : i32
          %get3A_1202 = arith.index_cast %get3A_1201 : i32 to index
          %get3A_1203 = arith.index_cast %add3A_1200 : i32 to index
          %get3A_1204 = arith.constant 0 : index
          %get3A_1205 = tpu.vector_load %arg10[%get3A_1202, %get3A_1203, %get3A_1204] {strides = array<i32>} : memref<3x128x64xf32, #tpu.memory_space<vmem>>, vector<1x1x16xf32>,
          %get3A_1206 = vector.shape_cast %get3A_1205 : vector<1x1x16xf32> to vector<16xf32>
          %mul3A_1207 = arith.mulf %get3A_1206, %gather3A_1196 : vector<16xf32>
          %swap3A_1208 = arith.constant 0 : i32
          %swap3A_1209 = arith.index_cast %swap3A_1208 : i32 to index
          %swap3A_1210 = arith.index_cast %add3A_1200 : i32 to index
          %swap3A_1211 = arith.constant 0 : index
          %swap3A_1212 = tpu.vector_load %arg11[%swap3A_1209, %swap3A_1210, %swap3A_1211] {strides = array<i32>} : memref<3x128x64xf32, #tpu.memory_space<vmem>>, vector<1x1x16xf32>,
          %swap3A_1213 = vector.shape_cast %swap3A_1212 : vector<1x1x16xf32> to vector<16xf32>
          %swap3A_1214 = vector.shape_cast %mul3A_1207 : vector<16xf32> to vector<1x1x16xf32>
          tpu.vector_store %arg11[%swap3A_1209, %swap3A_1210, %swap3A_1211], %swap3A_1214 {strides = array<i32>} : memref<3x128x64xf32, #tpu.memory_space<vmem>>, vector<1x1x16xf32>,
          %get3A_1215 = arith.constant 0 : i32
          %get3A_1216 = arith.index_cast %get3A_1215 : i32 to index
          %get3A_1217 = arith.index_cast %add3A_1200 : i32 to index
          %get3A_1218 = arith.constant 16 : index
          %get3A_1219 = tpu.vector_load %arg10[%get3A_1216, %get3A_1217, %get3A_1218] {strides = array<i32>} : memref<3x128x64xf32, #tpu.memory_space<vmem>>, vector<1x1x16xf32>,
          %get3A_1220 = vector.shape_cast %get3A_1219 : vector<1x1x16xf32> to vector<16xf32>
          %mul3A_1221 = arith.mulf %get3A_1220, %gather3A_1196 : vector<16xf32>
          %swap3A_1222 = arith.constant 0 : i32
          %swap3A_1223 = arith.index_cast %swap3A_1222 : i32 to index
          %swap3A_1224 = arith.index_cast %add3A_1200 : i32 to index
          %swap3A_1225 = arith.constant 16 : index
          %swap3A_1226 = tpu.vector_load %arg11[%swap3A_1223, %swap3A_1224, %swap3A_1225] {strides = array<i32>} : memref<3x128x64xf32, #tpu.memory_space<vmem>>, vector<1x1x16xf32>,
          %swap3A_1227 = vector.shape_cast %swap3A_1226 : vector<1x1x16xf32> to vector<16xf32>
          %swap3A_1228 = vector.shape_cast %mul3A_1221 : vector<16xf32> to vector<1x1x16xf32>
          tpu.vector_store %arg11[%swap3A_1223, %swap3A_1224, %swap3A_1225], %swap3A_1228 {strides = array<i32>} : memref<3x128x64xf32, #tpu.memory_space<vmem>>, vector<1x1x16xf32>,
          %get3A_1229 = arith.constant 0 : i32
          %get3A_1230 = arith.index_cast %get3A_1229 : i32 to index
          %get3A_1231 = arith.index_cast %add3A_1200 : i32 to index
          %get3A_1232 = arith.constant 32 : index
          %get3A_1233 = tpu.vector_load %arg10[%get3A_1230, %get3A_1231, %get3A_1232] {strides = array<i32>} : memref<3x128x64xf32, #tpu.memory_space<vmem>>, vector<1x1x16xf32>,
          %get3A_1234 = vector.shape_cast %get3A_1233 : vector<1x1x16xf32> to vector<16xf32>
          %mul3A_1235 = arith.mulf %get3A_1234, %gather3A_1196 : vector<16xf32>
          %swap3A_1236 = arith.constant 0 : i32
          %swap3A_1237 = arith.index_cast %swap3A_1236 : i32 to index
          %swap3A_1238 = arith.index_cast %add3A_1200 : i32 to index
          %swap3A_1239 = arith.constant 32 : index
          %swap3A_1240 = tpu.vector_load %arg11[%swap3A_1237, %swap3A_1238, %swap3A_1239] {strides = array<i32>} : memref<3x128x64xf32, #tpu.memory_space<vmem>>, vector<1x1x16xf32>,
          %swap3A_1241 = vector.shape_cast %swap3A_1240 : vector<1x1x16xf32> to vector<16xf32>
          %swap3A_1242 = vector.shape_cast %mul3A_1235 : vector<16xf32> to vector<1x1x16xf32>
          tpu.vector_store %arg11[%swap3A_1237, %swap3A_1238, %swap3A_1239], %swap3A_1242 {strides = array<i32>} : memref<3x128x64xf32, #tpu.memory_space<vmem>>, vector<1x1x16xf32>,
          %get3A_1243 = arith.constant 0 : i32
          %get3A_1244 = arith.index_cast %get3A_1243 : i32 to index
          %get3A_1245 = arith.index_cast %add3A_1200 : i32 to index
          %get3A_1246 = arith.constant 48 : index
          %get3A_1247 = tpu.vector_load %arg10[%get3A_1244, %get3A_1245, %get3A_1246] {strides = array<i32>} : memref<3x128x64xf32, #tpu.memory_space<vmem>>, vector<1x1x16xf32>,
          %get3A_1248 = vector.shape_cast %get3A_1247 : vector<1x1x16xf32> to vector<16xf32>
          %mul3A_1249 = arith.mulf %get3A_1248, %gather3A_1196 : vector<16xf32>
          %swap3A_1250 = arith.constant 0 : i32
          %swap3A_1251 = arith.index_cast %swap3A_1250 : i32 to index
          %swap3A_1252 = arith.index_cast %add3A_1200 : i32 to index
          %swap3A_1253 = arith.constant 48 : index
          %swap3A_1254 = tpu.vector_load %arg11[%swap3A_1251, %swap3A_1252, %swap3A_1253] {strides = array<i32>} : memref<3x128x64xf32, #tpu.memory_space<vmem>>, vector<1x1x16xf32>,
          %swap3A_1255 = vector.shape_cast %swap3A_1254 : vector<1x1x16xf32> to vector<16xf32>
          %swap3A_1256 = vector.shape_cast %mul3A_1249 : vector<16xf32> to vector<1x1x16xf32>
          tpu.vector_store %arg11[%swap3A_1251, %swap3A_1252, %swap3A_1253], %swap3A_1256 {strides = array<i32>} : memref<3x128x64xf32, #tpu.memory_space<vmem>>, vector<1x1x16xf32>,
          %broadcast_in_dim3A_1257 = arith.constant 14 : i32
          %broadcast_in_dim3A_1258 = vector.broadcast %broadcast_in_dim3A_1257 : i32 to vector<16x1xi32>
          %gather3A_1259 = vector.shape_cast %broadcast_in_dim3A_1258 : vector<16x1xi32> to vector<16xi32>
          %gather3A_1260 = tpu.dynamic_gather %get3A_362[%gather3A_1259] in [0] : vector<16xf32>, vector<16xi32> -> vector<16xf32>
          %mul3A_1261 = arith.constant 16 : i32
          %mul3A_1262 = arith.muli %scan3A_354, %mul3A_1261 : i32
          %add3A_1263 = arith.constant 14 : i32
          %add3A_1264 = arith.addi %mul3A_1262, %add3A_1263 : i32
          %get3A_1265 = arith.constant 0 : i32
          %get3A_1266 = arith.index_cast %get3A_1265 : i32 to index
          %get3A_1267 = arith.index_cast %add3A_1264 : i32 to index
          %get3A_1268 = arith.constant 0 : index
          %get3A_1269 = tpu.vector_load %arg10[%get3A_1266, %get3A_1267, %get3A_1268] {strides = array<i32>} : memref<3x128x64xf32, #tpu.memory_space<vmem>>, vector<1x1x16xf32>,
          %get3A_1270 = vector.shape_cast %get3A_1269 : vector<1x1x16xf32> to vector<16xf32>
          %mul3A_1271 = arith.mulf %get3A_1270, %gather3A_1260 : vector<16xf32>
          %swap3A_1272 = arith.constant 0 : i32
          %swap3A_1273 = arith.index_cast %swap3A_1272 : i32 to index
          %swap3A_1274 = arith.index_cast %add3A_1264 : i32 to index
          %swap3A_1275 = arith.constant 0 : index
          %swap3A_1276 = tpu.vector_load %arg11[%swap3A_1273, %swap3A_1274, %swap3A_1275] {strides = array<i32>} : memref<3x128x64xf32, #tpu.memory_space<vmem>>, vector<1x1x16xf32>,
          %swap3A_1277 = vector.shape_cast %swap3A_1276 : vector<1x1x16xf32> to vector<16xf32>
          %swap3A_1278 = vector.shape_cast %mul3A_1271 : vector<16xf32> to vector<1x1x16xf32>
          tpu.vector_store %arg11[%swap3A_1273, %swap3A_1274, %swap3A_1275], %swap3A_1278 {strides = array<i32>} : memref<3x128x64xf32, #tpu.memory_space<vmem>>, vector<1x1x16xf32>,
          %get3A_1279 = arith.constant 0 : i32
          %get3A_1280 = arith.index_cast %get3A_1279 : i32 to index
          %get3A_1281 = arith.index_cast %add3A_1264 : i32 to index
          %get3A_1282 = arith.constant 16 : index
          %get3A_1283 = tpu.vector_load %arg10[%get3A_1280, %get3A_1281, %get3A_1282] {strides = array<i32>} : memref<3x128x64xf32, #tpu.memory_space<vmem>>, vector<1x1x16xf32>,
          %get3A_1284 = vector.shape_cast %get3A_1283 : vector<1x1x16xf32> to vector<16xf32>
          %mul3A_1285 = arith.mulf %get3A_1284, %gather3A_1260 : vector<16xf32>
          %swap3A_1286 = arith.constant 0 : i32
          %swap3A_1287 = arith.index_cast %swap3A_1286 : i32 to index
          %swap3A_1288 = arith.index_cast %add3A_1264 : i32 to index
          %swap3A_1289 = arith.constant 16 : index
          %swap3A_1290 = tpu.vector_load %arg11[%swap3A_1287, %swap3A_1288, %swap3A_1289] {strides = array<i32>} : memref<3x128x64xf32, #tpu.memory_space<vmem>>, vector<1x1x16xf32>,
          %swap3A_1291 = vector.shape_cast %swap3A_1290 : vector<1x1x16xf32> to vector<16xf32>
          %swap3A_1292 = vector.shape_cast %mul3A_1285 : vector<16xf32> to vector<1x1x16xf32>
          tpu.vector_store %arg11[%swap3A_1287, %swap3A_1288, %swap3A_1289], %swap3A_1292 {strides = array<i32>} : memref<3x128x64xf32, #tpu.memory_space<vmem>>, vector<1x1x16xf32>,
          %get3A_1293 = arith.constant 0 : i32
          %get3A_1294 = arith.index_cast %get3A_1293 : i32 to index
          %get3A_1295 = arith.index_cast %add3A_1264 : i32 to index
          %get3A_1296 = arith.constant 32 : index
          %get3A_1297 = tpu.vector_load %arg10[%get3A_1294, %get3A_1295, %get3A_1296] {strides = array<i32>} : memref<3x128x64xf32, #tpu.memory_space<vmem>>, vector<1x1x16xf32>,
          %get3A_1298 = vector.shape_cast %get3A_1297 : vector<1x1x16xf32> to vector<16xf32>
          %mul3A_1299 = arith.mulf %get3A_1298, %gather3A_1260 : vector<16xf32>
          %swap3A_1300 = arith.constant 0 : i32
          %swap3A_1301 = arith.index_cast %swap3A_1300 : i32 to index
          %swap3A_1302 = arith.index_cast %add3A_1264 : i32 to index
          %swap3A_1303 = arith.constant 32 : index
          %swap3A_1304 = tpu.vector_load %arg11[%swap3A_1301, %swap3A_1302, %swap3A_1303] {strides = array<i32>} : memref<3x128x64xf32, #tpu.memory_space<vmem>>, vector<1x1x16xf32>,
          %swap3A_1305 = vector.shape_cast %swap3A_1304 : vector<1x1x16xf32> to vector<16xf32>
          %swap3A_1306 = vector.shape_cast %mul3A_1299 : vector<16xf32> to vector<1x1x16xf32>
          tpu.vector_store %arg11[%swap3A_1301, %swap3A_1302, %swap3A_1303], %swap3A_1306 {strides = array<i32>} : memref<3x128x64xf32, #tpu.memory_space<vmem>>, vector<1x1x16xf32>,
          %get3A_1307 = arith.constant 0 : i32
          %get3A_1308 = arith.index_cast %get3A_1307 : i32 to index
          %get3A_1309 = arith.index_cast %add3A_1264 : i32 to index
          %get3A_1310 = arith.constant 48 : index
          %get3A_1311 = tpu.vector_load %arg10[%get3A_1308, %get3A_1309, %get3A_1310] {strides = array<i32>} : memref<3x128x64xf32, #tpu.memory_space<vmem>>, vector<1x1x16xf32>,
          %get3A_1312 = vector.shape_cast %get3A_1311 : vector<1x1x16xf32> to vector<16xf32>
          %mul3A_1313 = arith.mulf %get3A_1312, %gather3A_1260 : vector<16xf32>
          %swap3A_1314 = arith.constant 0 : i32
          %swap3A_1315 = arith.index_cast %swap3A_1314 : i32 to index
          %swap3A_1316 = arith.index_cast %add3A_1264 : i32 to index
          %swap3A_1317 = arith.constant 48 : index
          %swap3A_1318 = tpu.vector_load %arg11[%swap3A_1315, %swap3A_1316, %swap3A_1317] {strides = array<i32>} : memref<3x128x64xf32, #tpu.memory_space<vmem>>, vector<1x1x16xf32>,
          %swap3A_1319 = vector.shape_cast %swap3A_1318 : vector<1x1x16xf32> to vector<16xf32>
          %swap3A_1320 = vector.shape_cast %mul3A_1313 : vector<16xf32> to vector<1x1x16xf32>
          tpu.vector_store %arg11[%swap3A_1315, %swap3A_1316, %swap3A_1317], %swap3A_1320 {strides = array<i32>} : memref<3x128x64xf32, #tpu.memory_space<vmem>>, vector<1x1x16xf32>,
          %broadcast_in_dim3A_1321 = arith.constant 15 : i32
          %broadcast_in_dim3A_1322 = vector.broadcast %broadcast_in_dim3A_1321 : i32 to vector<16x1xi32>
          %gather3A_1323 = vector.shape_cast %broadcast_in_dim3A_1322 : vector<16x1xi32> to vector<16xi32>
          %gather3A_1324 = tpu.dynamic_gather %get3A_362[%gather3A_1323] in [0] : vector<16xf32>, vector<16xi32> -> vector<16xf32>
          %mul3A_1325 = arith.constant 16 : i32
          %mul3A_1326 = arith.muli %scan3A_354, %mul3A_1325 : i32
          %add3A_1327 = arith.constant 15 : i32
          %add3A_1328 = arith.addi %mul3A_1326, %add3A_1327 : i32
          %get3A_1329 = arith.constant 0 : i32
          %get3A_1330 = arith.index_cast %get3A_1329 : i32 to index
          %get3A_1331 = arith.index_cast %add3A_1328 : i32 to index
          %get3A_1332 = arith.constant 0 : index
          %get3A_1333 = tpu.vector_load %arg10[%get3A_1330, %get3A_1331, %get3A_1332] {strides = array<i32>} : memref<3x128x64xf32, #tpu.memory_space<vmem>>, vector<1x1x16xf32>,
          %get3A_1334 = vector.shape_cast %get3A_1333 : vector<1x1x16xf32> to vector<16xf32>
          %mul3A_1335 = arith.mulf %get3A_1334, %gather3A_1324 : vector<16xf32>
          %swap3A_1336 = arith.constant 0 : i32
          %swap3A_1337 = arith.index_cast %swap3A_1336 : i32 to index
          %swap3A_1338 = arith.index_cast %add3A_1328 : i32 to index
          %swap3A_1339 = arith.constant 0 : index
          %swap3A_1340 = tpu.vector_load %arg11[%swap3A_1337, %swap3A_1338, %swap3A_1339] {strides = array<i32>} : memref<3x128x64xf32, #tpu.memory_space<vmem>>, vector<1x1x16xf32>,
          %swap3A_1341 = vector.shape_cast %swap3A_1340 : vector<1x1x16xf32> to vector<16xf32>
          %swap3A_1342 = vector.shape_cast %mul3A_1335 : vector<16xf32> to vector<1x1x16xf32>
          tpu.vector_store %arg11[%swap3A_1337, %swap3A_1338, %swap3A_1339], %swap3A_1342 {strides = array<i32>} : memref<3x128x64xf32, #tpu.memory_space<vmem>>, vector<1x1x16xf32>,
          %get3A_1343 = arith.constant 0 : i32
          %get3A_1344 = arith.index_cast %get3A_1343 : i32 to index
          %get3A_1345 = arith.index_cast %add3A_1328 : i32 to index
          %get3A_1346 = arith.constant 16 : index
          %get3A_1347 = tpu.vector_load %arg10[%get3A_1344, %get3A_1345, %get3A_1346] {strides = array<i32>} : memref<3x128x64xf32, #tpu.memory_space<vmem>>, vector<1x1x16xf32>,
          %get3A_1348 = vector.shape_cast %get3A_1347 : vector<1x1x16xf32> to vector<16xf32>
          %mul3A_1349 = arith.mulf %get3A_1348, %gather3A_1324 : vector<16xf32>
          %swap3A_1350 = arith.constant 0 : i32
          %swap3A_1351 = arith.index_cast %swap3A_1350 : i32 to index
          %swap3A_1352 = arith.index_cast %add3A_1328 : i32 to index
          %swap3A_1353 = arith.constant 16 : index
          %swap3A_1354 = tpu.vector_load %arg11[%swap3A_1351, %swap3A_1352, %swap3A_1353] {strides = array<i32>} : memref<3x128x64xf32, #tpu.memory_space<vmem>>, vector<1x1x16xf32>,
          %swap3A_1355 = vector.shape_cast %swap3A_1354 : vector<1x1x16xf32> to vector<16xf32>
          %swap3A_1356 = vector.shape_cast %mul3A_1349 : vector<16xf32> to vector<1x1x16xf32>
          tpu.vector_store %arg11[%swap3A_1351, %swap3A_1352, %swap3A_1353], %swap3A_1356 {strides = array<i32>} : memref<3x128x64xf32, #tpu.memory_space<vmem>>, vector<1x1x16xf32>,
          %get3A_1357 = arith.constant 0 : i32
          %get3A_1358 = arith.index_cast %get3A_1357 : i32 to index
          %get3A_1359 = arith.index_cast %add3A_1328 : i32 to index
          %get3A_1360 = arith.constant 32 : index
          %get3A_1361 = tpu.vector_load %arg10[%get3A_1358, %get3A_1359, %get3A_1360] {strides = array<i32>} : memref<3x128x64xf32, #tpu.memory_space<vmem>>, vector<1x1x16xf32>,
          %get3A_1362 = vector.shape_cast %get3A_1361 : vector<1x1x16xf32> to vector<16xf32>
          %mul3A_1363 = arith.mulf %get3A_1362, %gather3A_1324 : vector<16xf32>
          %swap3A_1364 = arith.constant 0 : i32
          %swap3A_1365 = arith.index_cast %swap3A_1364 : i32 to index
          %swap3A_1366 = arith.index_cast %add3A_1328 : i32 to index
          %swap3A_1367 = arith.constant 32 : index
          %swap3A_1368 = tpu.vector_load %arg11[%swap3A_1365, %swap3A_1366, %swap3A_1367] {strides = array<i32>} : memref<3x128x64xf32, #tpu.memory_space<vmem>>, vector<1x1x16xf32>,
          %swap3A_1369 = vector.shape_cast %swap3A_1368 : vector<1x1x16xf32> to vector<16xf32>
          %swap3A_1370 = vector.shape_cast %mul3A_1363 : vector<16xf32> to vector<1x1x16xf32>
          tpu.vector_store %arg11[%swap3A_1365, %swap3A_1366, %swap3A_1367], %swap3A_1370 {strides = array<i32>} : memref<3x128x64xf32, #tpu.memory_space<vmem>>, vector<1x1x16xf32>,
          %get3A_1371 = arith.constant 0 : i32
          %get3A_1372 = arith.index_cast %get3A_1371 : i32 to index
          %get3A_1373 = arith.index_cast %add3A_1328 : i32 to index
          %get3A_1374 = arith.constant 48 : index
          %get3A_1375 = tpu.vector_load %arg10[%get3A_1372, %get3A_1373, %get3A_1374] {strides = array<i32>} : memref<3x128x64xf32, #tpu.memory_space<vmem>>, vector<1x1x16xf32>,
          %get3A_1376 = vector.shape_cast %get3A_1375 : vector<1x1x16xf32> to vector<16xf32>
          %mul3A_1377 = arith.mulf %get3A_1376, %gather3A_1324 : vector<16xf32>
          %swap3A_1378 = arith.constant 0 : i32
          %swap3A_1379 = arith.index_cast %swap3A_1378 : i32 to index
          %swap3A_1380 = arith.index_cast %add3A_1328 : i32 to index
          %swap3A_1381 = arith.constant 48 : index
          %swap3A_1382 = tpu.vector_load %arg11[%swap3A_1379, %swap3A_1380, %swap3A_1381] {strides = array<i32>} : memref<3x128x64xf32, #tpu.memory_space<vmem>>, vector<1x1x16xf32>,
          %swap3A_1383 = vector.shape_cast %swap3A_1382 : vector<1x1x16xf32> to vector<16xf32>
          %swap3A_1384 = vector.shape_cast %mul3A_1377 : vector<16xf32> to vector<1x1x16xf32>
          tpu.vector_store %arg11[%swap3A_1379, %swap3A_1380, %swap3A_1381], %swap3A_1384 {strides = array<i32>} : memref<3x128x64xf32, #tpu.memory_space<vmem>>, vector<1x1x16xf32>,
          %scan3A_1385 = arith.constant 0 : i32
          scf.yield %scan3A_1385 : i32
        }
        %scan3A_229 = arith.constant 8 : i32
        %mul3A_230 = arith.constant 128 : i32
        %mul3A_231 = arith.muli %add3A_204, %mul3A_230 : i32
        %dma_start3A_232 = arith.constant 0 : i32
        %dma_start3A_233 = arith.constant 0 : i32
        %dma_start3A_234 = arith.constant 0 : i32
        %dma_start3A_235 = arith.constant 0 : i32
        %dma_start3A_236 = tpu.memref_slice %arg11[%dma_start3A_232, %dma_start3A_234, %dma_start3A_235] : memref<3x128x64xf32, #tpu.memory_space<vmem>> -> memref<1x128x64xf32, #tpu.memory_space<vmem>>
        %dma_start3A_237 = tpu.memref_squeeze %dma_start3A_236 : memref<1x128x64xf32, #tpu.memory_space<vmem>> -> memref<128x64xf32, #tpu.memory_space<vmem>>
        %dma_start3A_238 = tpu.memref_slice %arg7[%mul3A_231] : memref<8448xi32, #tpu.memory_space<vmem>> -> memref<128xi32, #tpu.memory_space<vmem>>
        %dma_start3A_239 = arith.constant 0 : i32
        %dma_start3A_240 = arith.constant 0 : i32
        %dma_start3A_241 = tpu.memref_slice %arg13[%dma_start3A_239, %dma_start3A_240] : memref<8192x64xf32, #tpu.memory_space<vmem_shared>> -> memref<8192x64xf32, #tpu.memory_space<vmem_shared>>
        %dma_start3A_242 = tpu.memref_slice %arg15[%dma_start3A_233] : memref<3x!tpu.dma_semaphore, #tpu.memory_space<semaphore_mem>> -> memref<1x!tpu.dma_semaphore, #tpu.memory_space<semaphore_mem>>
        %dma_start3A_243 = tpu.memref_squeeze %dma_start3A_242 : memref<1x!tpu.dma_semaphore, #tpu.memory_space<semaphore_mem>> -> memref<!tpu.dma_semaphore, #tpu.memory_space<semaphore_mem>>
        tpu.enqueue_indirect_dma source(%dma_start3A_237 : memref<128x64xf32, #tpu.memory_space<vmem>>) target(%dma_start3A_241 : memref<8192x64xf32, #tpu.memory_space<vmem_shared>>) offsets(%dma_start3A_238 : memref<128xi32, #tpu.memory_space<vmem>>) semaphore(%dma_start3A_243 : memref<!tpu.dma_semaphore, #tpu.memory_space<semaphore_mem>>) {add = true}
        %add3A_244 = arith.constant 3 : i32
        %add3A_245 = arith.addi %add3A_204, %add3A_244 : i32
        %lt3A_246 = arith.constant 66 : i32
        %lt3A_247 = arith.cmpi slt, %add3A_245, %lt3A_246 : i32
        %convert_element_type3A_248 = arith.extui %lt3A_247 : i1 to i32
        %cond3A_249 = arith.constant 0 : i32
        %cond3A_250 = arith.cmpi ne, %convert_element_type3A_248, %cond3A_249 : i32
        scf.if %cond3A_250 {
          %add3A_354 = arith.constant 3 : i32
          %add3A_355 = arith.addi %add3A_204, %add3A_354 : i32
          %mul3A_356 = arith.constant 128 : i32
          %mul3A_357 = arith.muli %add3A_355, %mul3A_356 : i32
          %dma_start3A_358 = arith.constant 0 : i32
          %dma_start3A_359 = arith.constant 0 : i32
          %dma_start3A_360 = arith.constant 0 : i32
          %dma_start3A_361 = arith.constant 0 : i32
          %dma_start3A_362 = tpu.memref_slice %arg10[%dma_start3A_358, %dma_start3A_360, %dma_start3A_361] : memref<3x128x64xf32, #tpu.memory_space<vmem>> -> memref<1x128x64xf32, #tpu.memory_space<vmem>>
          %dma_start3A_363 = tpu.memref_squeeze %dma_start3A_362 : memref<1x128x64xf32, #tpu.memory_space<vmem>> -> memref<128x64xf32, #tpu.memory_space<vmem>>
          %dma_start3A_364 = tpu.memref_slice %arg8[%mul3A_357] : memref<8448xi32, #tpu.memory_space<vmem>> -> memref<128xi32, #tpu.memory_space<vmem>>
          %dma_start3A_365 = arith.constant 0 : i32
          %dma_start3A_366 = arith.constant 0 : i32
          %dma_start3A_367 = tpu.memref_slice %arg2[%dma_start3A_365, %dma_start3A_366] : memref<262144x64xf32, #tpu.memory_space<hbm>> -> memref<262144x64xf32, #tpu.memory_space<hbm>>
          %dma_start3A_368 = tpu.memref_slice %arg14[%dma_start3A_359] : memref<3x!tpu.dma_semaphore, #tpu.memory_space<semaphore_mem>> -> memref<1x!tpu.dma_semaphore, #tpu.memory_space<semaphore_mem>>
          %dma_start3A_369 = tpu.memref_squeeze %dma_start3A_368 : memref<1x!tpu.dma_semaphore, #tpu.memory_space<semaphore_mem>> -> memref<!tpu.dma_semaphore, #tpu.memory_space<semaphore_mem>>
          tpu.enqueue_indirect_dma source(%dma_start3A_367 : memref<262144x64xf32, #tpu.memory_space<hbm>>) target(%dma_start3A_363 : memref<128x64xf32, #tpu.memory_space<vmem>>) offsets(%dma_start3A_364 : memref<128xi32, #tpu.memory_space<vmem>>) semaphore(%dma_start3A_369 : memref<!tpu.dma_semaphore, #tpu.memory_space<semaphore_mem>>)
        } else {
        }
        %mul3A_251 = arith.constant 3 : i32
        %mul3A_252 = arith.muli %scan3A_199, %mul3A_251 : i32
        %add3A_253 = arith.constant 1 : i32
        %add3A_254 = arith.addi %mul3A_252, %add3A_253 : i32
        %mul3A_255 = arith.constant 128 : i32
        %mul3A_256 = arith.muli %add3A_254, %mul3A_255 : i32
        %dma_wait3A_257 = arith.constant 1 : i32
        %dma_wait3A_258 = arith.constant 1 : i32
        %dma_wait3A_259 = arith.constant 0 : i32
        %dma_wait3A_260 = arith.constant 0 : i32
        %dma_wait3A_261 = tpu.memref_slice %arg10[%dma_wait3A_257, %dma_wait3A_259, %dma_wait3A_260] : memref<3x128x64xf32, #tpu.memory_space<vmem>> -> memref<1x128x64xf32, #tpu.memory_space<vmem>>
        %dma_wait3A_262 = tpu.memref_squeeze %dma_wait3A_261 : memref<1x128x64xf32, #tpu.memory_space<vmem>> -> memref<128x64xf32, #tpu.memory_space<vmem>>
        %dma_wait3A_263 = tpu.memref_slice %arg8[%mul3A_256] : memref<8448xi32, #tpu.memory_space<vmem>> -> memref<128xi32, #tpu.memory_space<vmem>>
        %dma_wait3A_264 = arith.constant 0 : i32
        %dma_wait3A_265 = arith.constant 0 : i32
        %dma_wait3A_266 = tpu.memref_slice %arg2[%dma_wait3A_264, %dma_wait3A_265] : memref<262144x64xf32, #tpu.memory_space<hbm>> -> memref<262144x64xf32, #tpu.memory_space<hbm>>
        %dma_wait3A_267 = tpu.memref_slice %arg14[%dma_wait3A_258] : memref<3x!tpu.dma_semaphore, #tpu.memory_space<semaphore_mem>> -> memref<1x!tpu.dma_semaphore, #tpu.memory_space<semaphore_mem>>
        %dma_wait3A_268 = tpu.memref_squeeze %dma_wait3A_267 : memref<1x!tpu.dma_semaphore, #tpu.memory_space<semaphore_mem>> -> memref<!tpu.dma_semaphore, #tpu.memory_space<semaphore_mem>>
        tpu.wait_indirect_dma semaphore(%dma_wait3A_268 : memref<!tpu.dma_semaphore, #tpu.memory_space<semaphore_mem>>) src(%dma_wait3A_266 : memref<262144x64xf32, #tpu.memory_space<hbm>>) dst(%dma_wait3A_262 : memref<128x64xf32, #tpu.memory_space<vmem>>)
        %ge3A_269 = arith.constant 3 : i32
        %ge3A_270 = arith.cmpi sge, %add3A_254, %ge3A_269 : i32
        %convert_element_type3A_271 = arith.extui %ge3A_270 : i1 to i32
        %cond3A_272 = arith.constant 0 : i32
        %cond3A_273 = arith.cmpi ne, %convert_element_type3A_271, %cond3A_272 : i32
        scf.if %cond3A_273 {
          %mul3A_354 = arith.constant 128 : i32
          %mul3A_355 = arith.muli %add3A_254, %mul3A_354 : i32
          %dma_wait3A_356 = arith.constant 1 : i32
          %dma_wait3A_357 = arith.constant 1 : i32
          %dma_wait3A_358 = arith.constant 0 : i32
          %dma_wait3A_359 = arith.constant 0 : i32
          %dma_wait3A_360 = tpu.memref_slice %arg11[%dma_wait3A_356, %dma_wait3A_358, %dma_wait3A_359] : memref<3x128x64xf32, #tpu.memory_space<vmem>> -> memref<1x128x64xf32, #tpu.memory_space<vmem>>
          %dma_wait3A_361 = tpu.memref_squeeze %dma_wait3A_360 : memref<1x128x64xf32, #tpu.memory_space<vmem>> -> memref<128x64xf32, #tpu.memory_space<vmem>>
          %dma_wait3A_362 = tpu.memref_slice %arg7[%mul3A_355] : memref<8448xi32, #tpu.memory_space<vmem>> -> memref<128xi32, #tpu.memory_space<vmem>>
          %dma_wait3A_363 = arith.constant 0 : i32
          %dma_wait3A_364 = arith.constant 0 : i32
          %dma_wait3A_365 = tpu.memref_slice %arg13[%dma_wait3A_363, %dma_wait3A_364] : memref<8192x64xf32, #tpu.memory_space<vmem_shared>> -> memref<8192x64xf32, #tpu.memory_space<vmem_shared>>
          %dma_wait3A_366 = tpu.memref_slice %arg15[%dma_wait3A_357] : memref<3x!tpu.dma_semaphore, #tpu.memory_space<semaphore_mem>> -> memref<1x!tpu.dma_semaphore, #tpu.memory_space<semaphore_mem>>
          %dma_wait3A_367 = tpu.memref_squeeze %dma_wait3A_366 : memref<1x!tpu.dma_semaphore, #tpu.memory_space<semaphore_mem>> -> memref<!tpu.dma_semaphore, #tpu.memory_space<semaphore_mem>>
          tpu.wait_indirect_dma semaphore(%dma_wait3A_367 : memref<!tpu.dma_semaphore, #tpu.memory_space<semaphore_mem>>) src(%dma_wait3A_361 : memref<128x64xf32, #tpu.memory_space<vmem>>) dst(%dma_wait3A_365 : memref<8192x64xf32, #tpu.memory_space<vmem_shared>>)
        } else {
        }
        %scan3A_274 = arith.constant 0 : i32
        %scan3A_275 = arith.constant 0 : i32
        %scan3A_276 = arith.constant 8 : i32
        %scan3A_277 = arith.addi %scan3A_275, %scan3A_276 : i32
        %scan3A_278 = arith.constant 1 : i32
        %scan3A_279 = scf.for %scan3A_354 = %scan3A_275 to %scan3A_277 step %scan3A_278 iter_args(%scan3A_355 = %scan3A_274) -> (i32)  : i32 {
          %mul3A_356 = arith.constant 128 : i32
          %mul3A_357 = arith.muli %add3A_254, %mul3A_356 : i32
          %mul3A_358 = arith.constant 16 : i32
          %mul3A_359 = arith.muli %scan3A_354, %mul3A_358 : i32
          %add3A_360 = arith.addi %mul3A_357, %mul3A_359 : i32
          %get3A = arith.index_cast %add3A_360 : i32 to index
          %get3A_361 = tpu.vector_load %arg9[%get3A] {strides = array<i32>} : memref<8448xf32, #tpu.memory_space<vmem>>, vector<16xf32>,
          %get3A_362 = vector.shape_cast %get3A_361 : vector<16xf32> to vector<16xf32>
          %broadcast_in_dim3A_363 = arith.constant 0 : i32
          %broadcast_in_dim3A_364 = vector.broadcast %broadcast_in_dim3A_363 : i32 to vector<16x1xi32>
          %gather3A = vector.shape_cast %broadcast_in_dim3A_364 : vector<16x1xi32> to vector<16xi32>
          %gather3A_365 = tpu.dynamic_gather %get3A_362[%gather3A] in [0] : vector<16xf32>, vector<16xi32> -> vector<16xf32>
          %mul3A_366 = arith.constant 16 : i32
          %mul3A_367 = arith.muli %scan3A_354, %mul3A_366 : i32
          %add3A_368 = arith.constant 0 : i32
          %add3A_369 = arith.addi %mul3A_367, %add3A_368 : i32
          %get3A_370 = arith.constant 1 : i32
          %get3A_371 = arith.index_cast %get3A_370 : i32 to index
          %get3A_372 = arith.index_cast %add3A_369 : i32 to index
          %get3A_373 = arith.constant 0 : index
          %get3A_374 = tpu.vector_load %arg10[%get3A_371, %get3A_372, %get3A_373] {strides = array<i32>} : memref<3x128x64xf32, #tpu.memory_space<vmem>>, vector<1x1x16xf32>,
          %get3A_375 = vector.shape_cast %get3A_374 : vector<1x1x16xf32> to vector<16xf32>
          %mul3A_376 = arith.mulf %get3A_375, %gather3A_365 : vector<16xf32>
          %swap3A = arith.constant 1 : i32
          %swap3A_377 = arith.index_cast %swap3A : i32 to index
          %swap3A_378 = arith.index_cast %add3A_369 : i32 to index
          %swap3A_379 = arith.constant 0 : index
          %swap3A_380 = tpu.vector_load %arg11[%swap3A_377, %swap3A_378, %swap3A_379] {strides = array<i32>} : memref<3x128x64xf32, #tpu.memory_space<vmem>>, vector<1x1x16xf32>,
          %swap3A_381 = vector.shape_cast %swap3A_380 : vector<1x1x16xf32> to vector<16xf32>
          %swap3A_382 = vector.shape_cast %mul3A_376 : vector<16xf32> to vector<1x1x16xf32>
          tpu.vector_store %arg11[%swap3A_377, %swap3A_378, %swap3A_379], %swap3A_382 {strides = array<i32>} : memref<3x128x64xf32, #tpu.memory_space<vmem>>, vector<1x1x16xf32>,
          %get3A_383 = arith.constant 1 : i32
          %get3A_384 = arith.index_cast %get3A_383 : i32 to index
          %get3A_385 = arith.index_cast %add3A_369 : i32 to index
          %get3A_386 = arith.constant 16 : index
          %get3A_387 = tpu.vector_load %arg10[%get3A_384, %get3A_385, %get3A_386] {strides = array<i32>} : memref<3x128x64xf32, #tpu.memory_space<vmem>>, vector<1x1x16xf32>,
          %get3A_388 = vector.shape_cast %get3A_387 : vector<1x1x16xf32> to vector<16xf32>
          %mul3A_389 = arith.mulf %get3A_388, %gather3A_365 : vector<16xf32>
          %swap3A_390 = arith.constant 1 : i32
          %swap3A_391 = arith.index_cast %swap3A_390 : i32 to index
          %swap3A_392 = arith.index_cast %add3A_369 : i32 to index
          %swap3A_393 = arith.constant 16 : index
          %swap3A_394 = tpu.vector_load %arg11[%swap3A_391, %swap3A_392, %swap3A_393] {strides = array<i32>} : memref<3x128x64xf32, #tpu.memory_space<vmem>>, vector<1x1x16xf32>,
          %swap3A_395 = vector.shape_cast %swap3A_394 : vector<1x1x16xf32> to vector<16xf32>
          %swap3A_396 = vector.shape_cast %mul3A_389 : vector<16xf32> to vector<1x1x16xf32>
          tpu.vector_store %arg11[%swap3A_391, %swap3A_392, %swap3A_393], %swap3A_396 {strides = array<i32>} : memref<3x128x64xf32, #tpu.memory_space<vmem>>, vector<1x1x16xf32>,
          %get3A_397 = arith.constant 1 : i32
          %get3A_398 = arith.index_cast %get3A_397 : i32 to index
          %get3A_399 = arith.index_cast %add3A_369 : i32 to index
          %get3A_400 = arith.constant 32 : index
          %get3A_401 = tpu.vector_load %arg10[%get3A_398, %get3A_399, %get3A_400] {strides = array<i32>} : memref<3x128x64xf32, #tpu.memory_space<vmem>>, vector<1x1x16xf32>,
          %get3A_402 = vector.shape_cast %get3A_401 : vector<1x1x16xf32> to vector<16xf32>
          %mul3A_403 = arith.mulf %get3A_402, %gather3A_365 : vector<16xf32>
          %swap3A_404 = arith.constant 1 : i32
          %swap3A_405 = arith.index_cast %swap3A_404 : i32 to index
          %swap3A_406 = arith.index_cast %add3A_369 : i32 to index
          %swap3A_407 = arith.constant 32 : index
          %swap3A_408 = tpu.vector_load %arg11[%swap3A_405, %swap3A_406, %swap3A_407] {strides = array<i32>} : memref<3x128x64xf32, #tpu.memory_space<vmem>>, vector<1x1x16xf32>,
          %swap3A_409 = vector.shape_cast %swap3A_408 : vector<1x1x16xf32> to vector<16xf32>
          %swap3A_410 = vector.shape_cast %mul3A_403 : vector<16xf32> to vector<1x1x16xf32>
          tpu.vector_store %arg11[%swap3A_405, %swap3A_406, %swap3A_407], %swap3A_410 {strides = array<i32>} : memref<3x128x64xf32, #tpu.memory_space<vmem>>, vector<1x1x16xf32>,
          %get3A_411 = arith.constant 1 : i32
          %get3A_412 = arith.index_cast %get3A_411 : i32 to index
          %get3A_413 = arith.index_cast %add3A_369 : i32 to index
          %get3A_414 = arith.constant 48 : index
          %get3A_415 = tpu.vector_load %arg10[%get3A_412, %get3A_413, %get3A_414] {strides = array<i32>} : memref<3x128x64xf32, #tpu.memory_space<vmem>>, vector<1x1x16xf32>,
          %get3A_416 = vector.shape_cast %get3A_415 : vector<1x1x16xf32> to vector<16xf32>
          %mul3A_417 = arith.mulf %get3A_416, %gather3A_365 : vector<16xf32>
          %swap3A_418 = arith.constant 1 : i32
          %swap3A_419 = arith.index_cast %swap3A_418 : i32 to index
          %swap3A_420 = arith.index_cast %add3A_369 : i32 to index
          %swap3A_421 = arith.constant 48 : index
          %swap3A_422 = tpu.vector_load %arg11[%swap3A_419, %swap3A_420, %swap3A_421] {strides = array<i32>} : memref<3x128x64xf32, #tpu.memory_space<vmem>>, vector<1x1x16xf32>,
          %swap3A_423 = vector.shape_cast %swap3A_422 : vector<1x1x16xf32> to vector<16xf32>
          %swap3A_424 = vector.shape_cast %mul3A_417 : vector<16xf32> to vector<1x1x16xf32>
          tpu.vector_store %arg11[%swap3A_419, %swap3A_420, %swap3A_421], %swap3A_424 {strides = array<i32>} : memref<3x128x64xf32, #tpu.memory_space<vmem>>, vector<1x1x16xf32>,
          %broadcast_in_dim3A_425 = arith.constant 1 : i32
          %broadcast_in_dim3A_426 = vector.broadcast %broadcast_in_dim3A_425 : i32 to vector<16x1xi32>
          %gather3A_427 = vector.shape_cast %broadcast_in_dim3A_426 : vector<16x1xi32> to vector<16xi32>
          %gather3A_428 = tpu.dynamic_gather %get3A_362[%gather3A_427] in [0] : vector<16xf32>, vector<16xi32> -> vector<16xf32>
          %mul3A_429 = arith.constant 16 : i32
          %mul3A_430 = arith.muli %scan3A_354, %mul3A_429 : i32
          %add3A_431 = arith.constant 1 : i32
          %add3A_432 = arith.addi %mul3A_430, %add3A_431 : i32
          %get3A_433 = arith.constant 1 : i32
          %get3A_434 = arith.index_cast %get3A_433 : i32 to index
          %get3A_435 = arith.index_cast %add3A_432 : i32 to index
          %get3A_436 = arith.constant 0 : index
          %get3A_437 = tpu.vector_load %arg10[%get3A_434, %get3A_435, %get3A_436] {strides = array<i32>} : memref<3x128x64xf32, #tpu.memory_space<vmem>>, vector<1x1x16xf32>,
          %get3A_438 = vector.shape_cast %get3A_437 : vector<1x1x16xf32> to vector<16xf32>
          %mul3A_439 = arith.mulf %get3A_438, %gather3A_428 : vector<16xf32>
          %swap3A_440 = arith.constant 1 : i32
          %swap3A_441 = arith.index_cast %swap3A_440 : i32 to index
          %swap3A_442 = arith.index_cast %add3A_432 : i32 to index
          %swap3A_443 = arith.constant 0 : index
          %swap3A_444 = tpu.vector_load %arg11[%swap3A_441, %swap3A_442, %swap3A_443] {strides = array<i32>} : memref<3x128x64xf32, #tpu.memory_space<vmem>>, vector<1x1x16xf32>,
          %swap3A_445 = vector.shape_cast %swap3A_444 : vector<1x1x16xf32> to vector<16xf32>
          %swap3A_446 = vector.shape_cast %mul3A_439 : vector<16xf32> to vector<1x1x16xf32>
          tpu.vector_store %arg11[%swap3A_441, %swap3A_442, %swap3A_443], %swap3A_446 {strides = array<i32>} : memref<3x128x64xf32, #tpu.memory_space<vmem>>, vector<1x1x16xf32>,
          %get3A_447 = arith.constant 1 : i32
          %get3A_448 = arith.index_cast %get3A_447 : i32 to index
          %get3A_449 = arith.index_cast %add3A_432 : i32 to index
          %get3A_450 = arith.constant 16 : index
          %get3A_451 = tpu.vector_load %arg10[%get3A_448, %get3A_449, %get3A_450] {strides = array<i32>} : memref<3x128x64xf32, #tpu.memory_space<vmem>>, vector<1x1x16xf32>,
          %get3A_452 = vector.shape_cast %get3A_451 : vector<1x1x16xf32> to vector<16xf32>
          %mul3A_453 = arith.mulf %get3A_452, %gather3A_428 : vector<16xf32>
          %swap3A_454 = arith.constant 1 : i32
          %swap3A_455 = arith.index_cast %swap3A_454 : i32 to index
          %swap3A_456 = arith.index_cast %add3A_432 : i32 to index
          %swap3A_457 = arith.constant 16 : index
          %swap3A_458 = tpu.vector_load %arg11[%swap3A_455, %swap3A_456, %swap3A_457] {strides = array<i32>} : memref<3x128x64xf32, #tpu.memory_space<vmem>>, vector<1x1x16xf32>,
          %swap3A_459 = vector.shape_cast %swap3A_458 : vector<1x1x16xf32> to vector<16xf32>
          %swap3A_460 = vector.shape_cast %mul3A_453 : vector<16xf32> to vector<1x1x16xf32>
          tpu.vector_store %arg11[%swap3A_455, %swap3A_456, %swap3A_457], %swap3A_460 {strides = array<i32>} : memref<3x128x64xf32, #tpu.memory_space<vmem>>, vector<1x1x16xf32>,
          %get3A_461 = arith.constant 1 : i32
          %get3A_462 = arith.index_cast %get3A_461 : i32 to index
          %get3A_463 = arith.index_cast %add3A_432 : i32 to index
          %get3A_464 = arith.constant 32 : index
          %get3A_465 = tpu.vector_load %arg10[%get3A_462, %get3A_463, %get3A_464] {strides = array<i32>} : memref<3x128x64xf32, #tpu.memory_space<vmem>>, vector<1x1x16xf32>,
          %get3A_466 = vector.shape_cast %get3A_465 : vector<1x1x16xf32> to vector<16xf32>
          %mul3A_467 = arith.mulf %get3A_466, %gather3A_428 : vector<16xf32>
          %swap3A_468 = arith.constant 1 : i32
          %swap3A_469 = arith.index_cast %swap3A_468 : i32 to index
          %swap3A_470 = arith.index_cast %add3A_432 : i32 to index
          %swap3A_471 = arith.constant 32 : index
          %swap3A_472 = tpu.vector_load %arg11[%swap3A_469, %swap3A_470, %swap3A_471] {strides = array<i32>} : memref<3x128x64xf32, #tpu.memory_space<vmem>>, vector<1x1x16xf32>,
          %swap3A_473 = vector.shape_cast %swap3A_472 : vector<1x1x16xf32> to vector<16xf32>
          %swap3A_474 = vector.shape_cast %mul3A_467 : vector<16xf32> to vector<1x1x16xf32>
          tpu.vector_store %arg11[%swap3A_469, %swap3A_470, %swap3A_471], %swap3A_474 {strides = array<i32>} : memref<3x128x64xf32, #tpu.memory_space<vmem>>, vector<1x1x16xf32>,
          %get3A_475 = arith.constant 1 : i32
          %get3A_476 = arith.index_cast %get3A_475 : i32 to index
          %get3A_477 = arith.index_cast %add3A_432 : i32 to index
          %get3A_478 = arith.constant 48 : index
          %get3A_479 = tpu.vector_load %arg10[%get3A_476, %get3A_477, %get3A_478] {strides = array<i32>} : memref<3x128x64xf32, #tpu.memory_space<vmem>>, vector<1x1x16xf32>,
          %get3A_480 = vector.shape_cast %get3A_479 : vector<1x1x16xf32> to vector<16xf32>
          %mul3A_481 = arith.mulf %get3A_480, %gather3A_428 : vector<16xf32>
          %swap3A_482 = arith.constant 1 : i32
          %swap3A_483 = arith.index_cast %swap3A_482 : i32 to index
          %swap3A_484 = arith.index_cast %add3A_432 : i32 to index
          %swap3A_485 = arith.constant 48 : index
          %swap3A_486 = tpu.vector_load %arg11[%swap3A_483, %swap3A_484, %swap3A_485] {strides = array<i32>} : memref<3x128x64xf32, #tpu.memory_space<vmem>>, vector<1x1x16xf32>,
          %swap3A_487 = vector.shape_cast %swap3A_486 : vector<1x1x16xf32> to vector<16xf32>
          %swap3A_488 = vector.shape_cast %mul3A_481 : vector<16xf32> to vector<1x1x16xf32>
          tpu.vector_store %arg11[%swap3A_483, %swap3A_484, %swap3A_485], %swap3A_488 {strides = array<i32>} : memref<3x128x64xf32, #tpu.memory_space<vmem>>, vector<1x1x16xf32>,
          %broadcast_in_dim3A_489 = arith.constant 2 : i32
          %broadcast_in_dim3A_490 = vector.broadcast %broadcast_in_dim3A_489 : i32 to vector<16x1xi32>
          %gather3A_491 = vector.shape_cast %broadcast_in_dim3A_490 : vector<16x1xi32> to vector<16xi32>
          %gather3A_492 = tpu.dynamic_gather %get3A_362[%gather3A_491] in [0] : vector<16xf32>, vector<16xi32> -> vector<16xf32>
          %mul3A_493 = arith.constant 16 : i32
          %mul3A_494 = arith.muli %scan3A_354, %mul3A_493 : i32
          %add3A_495 = arith.constant 2 : i32
          %add3A_496 = arith.addi %mul3A_494, %add3A_495 : i32
          %get3A_497 = arith.constant 1 : i32
          %get3A_498 = arith.index_cast %get3A_497 : i32 to index
          %get3A_499 = arith.index_cast %add3A_496 : i32 to index
          %get3A_500 = arith.constant 0 : index
          %get3A_501 = tpu.vector_load %arg10[%get3A_498, %get3A_499, %get3A_500] {strides = array<i32>} : memref<3x128x64xf32, #tpu.memory_space<vmem>>, vector<1x1x16xf32>,
          %get3A_502 = vector.shape_cast %get3A_501 : vector<1x1x16xf32> to vector<16xf32>
          %mul3A_503 = arith.mulf %get3A_502, %gather3A_492 : vector<16xf32>
          %swap3A_504 = arith.constant 1 : i32
          %swap3A_505 = arith.index_cast %swap3A_504 : i32 to index
          %swap3A_506 = arith.index_cast %add3A_496 : i32 to index
          %swap3A_507 = arith.constant 0 : index
          %swap3A_508 = tpu.vector_load %arg11[%swap3A_505, %swap3A_506, %swap3A_507] {strides = array<i32>} : memref<3x128x64xf32, #tpu.memory_space<vmem>>, vector<1x1x16xf32>,
          %swap3A_509 = vector.shape_cast %swap3A_508 : vector<1x1x16xf32> to vector<16xf32>
          %swap3A_510 = vector.shape_cast %mul3A_503 : vector<16xf32> to vector<1x1x16xf32>
          tpu.vector_store %arg11[%swap3A_505, %swap3A_506, %swap3A_507], %swap3A_510 {strides = array<i32>} : memref<3x128x64xf32, #tpu.memory_space<vmem>>, vector<1x1x16xf32>,
          %get3A_511 = arith.constant 1 : i32
          %get3A_512 = arith.index_cast %get3A_511 : i32 to index
          %get3A_513 = arith.index_cast %add3A_496 : i32 to index
          %get3A_514 = arith.constant 16 : index
          %get3A_515 = tpu.vector_load %arg10[%get3A_512, %get3A_513, %get3A_514] {strides = array<i32>} : memref<3x128x64xf32, #tpu.memory_space<vmem>>, vector<1x1x16xf32>,
          %get3A_516 = vector.shape_cast %get3A_515 : vector<1x1x16xf32> to vector<16xf32>
          %mul3A_517 = arith.mulf %get3A_516, %gather3A_492 : vector<16xf32>
          %swap3A_518 = arith.constant 1 : i32
          %swap3A_519 = arith.index_cast %swap3A_518 : i32 to index
          %swap3A_520 = arith.index_cast %add3A_496 : i32 to index
          %swap3A_521 = arith.constant 16 : index
          %swap3A_522 = tpu.vector_load %arg11[%swap3A_519, %swap3A_520, %swap3A_521] {strides = array<i32>} : memref<3x128x64xf32, #tpu.memory_space<vmem>>, vector<1x1x16xf32>,
          %swap3A_523 = vector.shape_cast %swap3A_522 : vector<1x1x16xf32> to vector<16xf32>
          %swap3A_524 = vector.shape_cast %mul3A_517 : vector<16xf32> to vector<1x1x16xf32>
          tpu.vector_store %arg11[%swap3A_519, %swap3A_520, %swap3A_521], %swap3A_524 {strides = array<i32>} : memref<3x128x64xf32, #tpu.memory_space<vmem>>, vector<1x1x16xf32>,
          %get3A_525 = arith.constant 1 : i32
          %get3A_526 = arith.index_cast %get3A_525 : i32 to index
          %get3A_527 = arith.index_cast %add3A_496 : i32 to index
          %get3A_528 = arith.constant 32 : index
          %get3A_529 = tpu.vector_load %arg10[%get3A_526, %get3A_527, %get3A_528] {strides = array<i32>} : memref<3x128x64xf32, #tpu.memory_space<vmem>>, vector<1x1x16xf32>,
          %get3A_530 = vector.shape_cast %get3A_529 : vector<1x1x16xf32> to vector<16xf32>
          %mul3A_531 = arith.mulf %get3A_530, %gather3A_492 : vector<16xf32>
          %swap3A_532 = arith.constant 1 : i32
          %swap3A_533 = arith.index_cast %swap3A_532 : i32 to index
          %swap3A_534 = arith.index_cast %add3A_496 : i32 to index
          %swap3A_535 = arith.constant 32 : index
          %swap3A_536 = tpu.vector_load %arg11[%swap3A_533, %swap3A_534, %swap3A_535] {strides = array<i32>} : memref<3x128x64xf32, #tpu.memory_space<vmem>>, vector<1x1x16xf32>,
          %swap3A_537 = vector.shape_cast %swap3A_536 : vector<1x1x16xf32> to vector<16xf32>
          %swap3A_538 = vector.shape_cast %mul3A_531 : vector<16xf32> to vector<1x1x16xf32>
          tpu.vector_store %arg11[%swap3A_533, %swap3A_534, %swap3A_535], %swap3A_538 {strides = array<i32>} : memref<3x128x64xf32, #tpu.memory_space<vmem>>, vector<1x1x16xf32>,
          %get3A_539 = arith.constant 1 : i32
          %get3A_540 = arith.index_cast %get3A_539 : i32 to index
          %get3A_541 = arith.index_cast %add3A_496 : i32 to index
          %get3A_542 = arith.constant 48 : index
          %get3A_543 = tpu.vector_load %arg10[%get3A_540, %get3A_541, %get3A_542] {strides = array<i32>} : memref<3x128x64xf32, #tpu.memory_space<vmem>>, vector<1x1x16xf32>,
          %get3A_544 = vector.shape_cast %get3A_543 : vector<1x1x16xf32> to vector<16xf32>
          %mul3A_545 = arith.mulf %get3A_544, %gather3A_492 : vector<16xf32>
          %swap3A_546 = arith.constant 1 : i32
          %swap3A_547 = arith.index_cast %swap3A_546 : i32 to index
          %swap3A_548 = arith.index_cast %add3A_496 : i32 to index
          %swap3A_549 = arith.constant 48 : index
          %swap3A_550 = tpu.vector_load %arg11[%swap3A_547, %swap3A_548, %swap3A_549] {strides = array<i32>} : memref<3x128x64xf32, #tpu.memory_space<vmem>>, vector<1x1x16xf32>,
          %swap3A_551 = vector.shape_cast %swap3A_550 : vector<1x1x16xf32> to vector<16xf32>
          %swap3A_552 = vector.shape_cast %mul3A_545 : vector<16xf32> to vector<1x1x16xf32>
          tpu.vector_store %arg11[%swap3A_547, %swap3A_548, %swap3A_549], %swap3A_552 {strides = array<i32>} : memref<3x128x64xf32, #tpu.memory_space<vmem>>, vector<1x1x16xf32>,
          %broadcast_in_dim3A_553 = arith.constant 3 : i32
          %broadcast_in_dim3A_554 = vector.broadcast %broadcast_in_dim3A_553 : i32 to vector<16x1xi32>
          %gather3A_555 = vector.shape_cast %broadcast_in_dim3A_554 : vector<16x1xi32> to vector<16xi32>
          %gather3A_556 = tpu.dynamic_gather %get3A_362[%gather3A_555] in [0] : vector<16xf32>, vector<16xi32> -> vector<16xf32>
          %mul3A_557 = arith.constant 16 : i32
          %mul3A_558 = arith.muli %scan3A_354, %mul3A_557 : i32
          %add3A_559 = arith.constant 3 : i32
          %add3A_560 = arith.addi %mul3A_558, %add3A_559 : i32
          %get3A_561 = arith.constant 1 : i32
          %get3A_562 = arith.index_cast %get3A_561 : i32 to index
          %get3A_563 = arith.index_cast %add3A_560 : i32 to index
          %get3A_564 = arith.constant 0 : index
          %get3A_565 = tpu.vector_load %arg10[%get3A_562, %get3A_563, %get3A_564] {strides = array<i32>} : memref<3x128x64xf32, #tpu.memory_space<vmem>>, vector<1x1x16xf32>,
          %get3A_566 = vector.shape_cast %get3A_565 : vector<1x1x16xf32> to vector<16xf32>
          %mul3A_567 = arith.mulf %get3A_566, %gather3A_556 : vector<16xf32>
          %swap3A_568 = arith.constant 1 : i32
          %swap3A_569 = arith.index_cast %swap3A_568 : i32 to index
          %swap3A_570 = arith.index_cast %add3A_560 : i32 to index
          %swap3A_571 = arith.constant 0 : index
          %swap3A_572 = tpu.vector_load %arg11[%swap3A_569, %swap3A_570, %swap3A_571] {strides = array<i32>} : memref<3x128x64xf32, #tpu.memory_space<vmem>>, vector<1x1x16xf32>,
          %swap3A_573 = vector.shape_cast %swap3A_572 : vector<1x1x16xf32> to vector<16xf32>
          %swap3A_574 = vector.shape_cast %mul3A_567 : vector<16xf32> to vector<1x1x16xf32>
          tpu.vector_store %arg11[%swap3A_569, %swap3A_570, %swap3A_571], %swap3A_574 {strides = array<i32>} : memref<3x128x64xf32, #tpu.memory_space<vmem>>, vector<1x1x16xf32>,
          %get3A_575 = arith.constant 1 : i32
          %get3A_576 = arith.index_cast %get3A_575 : i32 to index
          %get3A_577 = arith.index_cast %add3A_560 : i32 to index
          %get3A_578 = arith.constant 16 : index
          %get3A_579 = tpu.vector_load %arg10[%get3A_576, %get3A_577, %get3A_578] {strides = array<i32>} : memref<3x128x64xf32, #tpu.memory_space<vmem>>, vector<1x1x16xf32>,
          %get3A_580 = vector.shape_cast %get3A_579 : vector<1x1x16xf32> to vector<16xf32>
          %mul3A_581 = arith.mulf %get3A_580, %gather3A_556 : vector<16xf32>
          %swap3A_582 = arith.constant 1 : i32
          %swap3A_583 = arith.index_cast %swap3A_582 : i32 to index
          %swap3A_584 = arith.index_cast %add3A_560 : i32 to index
          %swap3A_585 = arith.constant 16 : index
          %swap3A_586 = tpu.vector_load %arg11[%swap3A_583, %swap3A_584, %swap3A_585] {strides = array<i32>} : memref<3x128x64xf32, #tpu.memory_space<vmem>>, vector<1x1x16xf32>,
          %swap3A_587 = vector.shape_cast %swap3A_586 : vector<1x1x16xf32> to vector<16xf32>
          %swap3A_588 = vector.shape_cast %mul3A_581 : vector<16xf32> to vector<1x1x16xf32>
          tpu.vector_store %arg11[%swap3A_583, %swap3A_584, %swap3A_585], %swap3A_588 {strides = array<i32>} : memref<3x128x64xf32, #tpu.memory_space<vmem>>, vector<1x1x16xf32>,
          %get3A_589 = arith.constant 1 : i32
          %get3A_590 = arith.index_cast %get3A_589 : i32 to index
          %get3A_591 = arith.index_cast %add3A_560 : i32 to index
          %get3A_592 = arith.constant 32 : index
          %get3A_593 = tpu.vector_load %arg10[%get3A_590, %get3A_591, %get3A_592] {strides = array<i32>} : memref<3x128x64xf32, #tpu.memory_space<vmem>>, vector<1x1x16xf32>,
          %get3A_594 = vector.shape_cast %get3A_593 : vector<1x1x16xf32> to vector<16xf32>
          %mul3A_595 = arith.mulf %get3A_594, %gather3A_556 : vector<16xf32>
          %swap3A_596 = arith.constant 1 : i32
          %swap3A_597 = arith.index_cast %swap3A_596 : i32 to index
          %swap3A_598 = arith.index_cast %add3A_560 : i32 to index
          %swap3A_599 = arith.constant 32 : index
          %swap3A_600 = tpu.vector_load %arg11[%swap3A_597, %swap3A_598, %swap3A_599] {strides = array<i32>} : memref<3x128x64xf32, #tpu.memory_space<vmem>>, vector<1x1x16xf32>,
          %swap3A_601 = vector.shape_cast %swap3A_600 : vector<1x1x16xf32> to vector<16xf32>
          %swap3A_602 = vector.shape_cast %mul3A_595 : vector<16xf32> to vector<1x1x16xf32>
          tpu.vector_store %arg11[%swap3A_597, %swap3A_598, %swap3A_599], %swap3A_602 {strides = array<i32>} : memref<3x128x64xf32, #tpu.memory_space<vmem>>, vector<1x1x16xf32>,
          %get3A_603 = arith.constant 1 : i32
          %get3A_604 = arith.index_cast %get3A_603 : i32 to index
          %get3A_605 = arith.index_cast %add3A_560 : i32 to index
          %get3A_606 = arith.constant 48 : index
          %get3A_607 = tpu.vector_load %arg10[%get3A_604, %get3A_605, %get3A_606] {strides = array<i32>} : memref<3x128x64xf32, #tpu.memory_space<vmem>>, vector<1x1x16xf32>,
          %get3A_608 = vector.shape_cast %get3A_607 : vector<1x1x16xf32> to vector<16xf32>
          %mul3A_609 = arith.mulf %get3A_608, %gather3A_556 : vector<16xf32>
          %swap3A_610 = arith.constant 1 : i32
          %swap3A_611 = arith.index_cast %swap3A_610 : i32 to index
          %swap3A_612 = arith.index_cast %add3A_560 : i32 to index
          %swap3A_613 = arith.constant 48 : index
          %swap3A_614 = tpu.vector_load %arg11[%swap3A_611, %swap3A_612, %swap3A_613] {strides = array<i32>} : memref<3x128x64xf32, #tpu.memory_space<vmem>>, vector<1x1x16xf32>,
          %swap3A_615 = vector.shape_cast %swap3A_614 : vector<1x1x16xf32> to vector<16xf32>
          %swap3A_616 = vector.shape_cast %mul3A_609 : vector<16xf32> to vector<1x1x16xf32>
          tpu.vector_store %arg11[%swap3A_611, %swap3A_612, %swap3A_613], %swap3A_616 {strides = array<i32>} : memref<3x128x64xf32, #tpu.memory_space<vmem>>, vector<1x1x16xf32>,
          %broadcast_in_dim3A_617 = arith.constant 4 : i32
          %broadcast_in_dim3A_618 = vector.broadcast %broadcast_in_dim3A_617 : i32 to vector<16x1xi32>
          %gather3A_619 = vector.shape_cast %broadcast_in_dim3A_618 : vector<16x1xi32> to vector<16xi32>
          %gather3A_620 = tpu.dynamic_gather %get3A_362[%gather3A_619] in [0] : vector<16xf32>, vector<16xi32> -> vector<16xf32>
          %mul3A_621 = arith.constant 16 : i32
          %mul3A_622 = arith.muli %scan3A_354, %mul3A_621 : i32
          %add3A_623 = arith.constant 4 : i32
          %add3A_624 = arith.addi %mul3A_622, %add3A_623 : i32
          %get3A_625 = arith.constant 1 : i32
          %get3A_626 = arith.index_cast %get3A_625 : i32 to index
          %get3A_627 = arith.index_cast %add3A_624 : i32 to index
          %get3A_628 = arith.constant 0 : index
          %get3A_629 = tpu.vector_load %arg10[%get3A_626, %get3A_627, %get3A_628] {strides = array<i32>} : memref<3x128x64xf32, #tpu.memory_space<vmem>>, vector<1x1x16xf32>,
          %get3A_630 = vector.shape_cast %get3A_629 : vector<1x1x16xf32> to vector<16xf32>
          %mul3A_631 = arith.mulf %get3A_630, %gather3A_620 : vector<16xf32>
          %swap3A_632 = arith.constant 1 : i32
          %swap3A_633 = arith.index_cast %swap3A_632 : i32 to index
          %swap3A_634 = arith.index_cast %add3A_624 : i32 to index
          %swap3A_635 = arith.constant 0 : index
          %swap3A_636 = tpu.vector_load %arg11[%swap3A_633, %swap3A_634, %swap3A_635] {strides = array<i32>} : memref<3x128x64xf32, #tpu.memory_space<vmem>>, vector<1x1x16xf32>,
          %swap3A_637 = vector.shape_cast %swap3A_636 : vector<1x1x16xf32> to vector<16xf32>
          %swap3A_638 = vector.shape_cast %mul3A_631 : vector<16xf32> to vector<1x1x16xf32>
          tpu.vector_store %arg11[%swap3A_633, %swap3A_634, %swap3A_635], %swap3A_638 {strides = array<i32>} : memref<3x128x64xf32, #tpu.memory_space<vmem>>, vector<1x1x16xf32>,
          %get3A_639 = arith.constant 1 : i32
          %get3A_640 = arith.index_cast %get3A_639 : i32 to index
          %get3A_641 = arith.index_cast %add3A_624 : i32 to index
          %get3A_642 = arith.constant 16 : index
          %get3A_643 = tpu.vector_load %arg10[%get3A_640, %get3A_641, %get3A_642] {strides = array<i32>} : memref<3x128x64xf32, #tpu.memory_space<vmem>>, vector<1x1x16xf32>,
          %get3A_644 = vector.shape_cast %get3A_643 : vector<1x1x16xf32> to vector<16xf32>
          %mul3A_645 = arith.mulf %get3A_644, %gather3A_620 : vector<16xf32>
          %swap3A_646 = arith.constant 1 : i32
          %swap3A_647 = arith.index_cast %swap3A_646 : i32 to index
          %swap3A_648 = arith.index_cast %add3A_624 : i32 to index
          %swap3A_649 = arith.constant 16 : index
          %swap3A_650 = tpu.vector_load %arg11[%swap3A_647, %swap3A_648, %swap3A_649] {strides = array<i32>} : memref<3x128x64xf32, #tpu.memory_space<vmem>>, vector<1x1x16xf32>,
          %swap3A_651 = vector.shape_cast %swap3A_650 : vector<1x1x16xf32> to vector<16xf32>
          %swap3A_652 = vector.shape_cast %mul3A_645 : vector<16xf32> to vector<1x1x16xf32>
          tpu.vector_store %arg11[%swap3A_647, %swap3A_648, %swap3A_649], %swap3A_652 {strides = array<i32>} : memref<3x128x64xf32, #tpu.memory_space<vmem>>, vector<1x1x16xf32>,
          %get3A_653 = arith.constant 1 : i32
          %get3A_654 = arith.index_cast %get3A_653 : i32 to index
          %get3A_655 = arith.index_cast %add3A_624 : i32 to index
          %get3A_656 = arith.constant 32 : index
          %get3A_657 = tpu.vector_load %arg10[%get3A_654, %get3A_655, %get3A_656] {strides = array<i32>} : memref<3x128x64xf32, #tpu.memory_space<vmem>>, vector<1x1x16xf32>,
          %get3A_658 = vector.shape_cast %get3A_657 : vector<1x1x16xf32> to vector<16xf32>
          %mul3A_659 = arith.mulf %get3A_658, %gather3A_620 : vector<16xf32>
          %swap3A_660 = arith.constant 1 : i32
          %swap3A_661 = arith.index_cast %swap3A_660 : i32 to index
          %swap3A_662 = arith.index_cast %add3A_624 : i32 to index
          %swap3A_663 = arith.constant 32 : index
          %swap3A_664 = tpu.vector_load %arg11[%swap3A_661, %swap3A_662, %swap3A_663] {strides = array<i32>} : memref<3x128x64xf32, #tpu.memory_space<vmem>>, vector<1x1x16xf32>,
          %swap3A_665 = vector.shape_cast %swap3A_664 : vector<1x1x16xf32> to vector<16xf32>
          %swap3A_666 = vector.shape_cast %mul3A_659 : vector<16xf32> to vector<1x1x16xf32>
          tpu.vector_store %arg11[%swap3A_661, %swap3A_662, %swap3A_663], %swap3A_666 {strides = array<i32>} : memref<3x128x64xf32, #tpu.memory_space<vmem>>, vector<1x1x16xf32>,
          %get3A_667 = arith.constant 1 : i32
          %get3A_668 = arith.index_cast %get3A_667 : i32 to index
          %get3A_669 = arith.index_cast %add3A_624 : i32 to index
          %get3A_670 = arith.constant 48 : index
          %get3A_671 = tpu.vector_load %arg10[%get3A_668, %get3A_669, %get3A_670] {strides = array<i32>} : memref<3x128x64xf32, #tpu.memory_space<vmem>>, vector<1x1x16xf32>,
          %get3A_672 = vector.shape_cast %get3A_671 : vector<1x1x16xf32> to vector<16xf32>
          %mul3A_673 = arith.mulf %get3A_672, %gather3A_620 : vector<16xf32>
          %swap3A_674 = arith.constant 1 : i32
          %swap3A_675 = arith.index_cast %swap3A_674 : i32 to index
          %swap3A_676 = arith.index_cast %add3A_624 : i32 to index
          %swap3A_677 = arith.constant 48 : index
          %swap3A_678 = tpu.vector_load %arg11[%swap3A_675, %swap3A_676, %swap3A_677] {strides = array<i32>} : memref<3x128x64xf32, #tpu.memory_space<vmem>>, vector<1x1x16xf32>,
          %swap3A_679 = vector.shape_cast %swap3A_678 : vector<1x1x16xf32> to vector<16xf32>
          %swap3A_680 = vector.shape_cast %mul3A_673 : vector<16xf32> to vector<1x1x16xf32>
          tpu.vector_store %arg11[%swap3A_675, %swap3A_676, %swap3A_677], %swap3A_680 {strides = array<i32>} : memref<3x128x64xf32, #tpu.memory_space<vmem>>, vector<1x1x16xf32>,
          %broadcast_in_dim3A_681 = arith.constant 5 : i32
          %broadcast_in_dim3A_682 = vector.broadcast %broadcast_in_dim3A_681 : i32 to vector<16x1xi32>
          %gather3A_683 = vector.shape_cast %broadcast_in_dim3A_682 : vector<16x1xi32> to vector<16xi32>
          %gather3A_684 = tpu.dynamic_gather %get3A_362[%gather3A_683] in [0] : vector<16xf32>, vector<16xi32> -> vector<16xf32>
          %mul3A_685 = arith.constant 16 : i32
          %mul3A_686 = arith.muli %scan3A_354, %mul3A_685 : i32
          %add3A_687 = arith.constant 5 : i32
          %add3A_688 = arith.addi %mul3A_686, %add3A_687 : i32
          %get3A_689 = arith.constant 1 : i32
          %get3A_690 = arith.index_cast %get3A_689 : i32 to index
          %get3A_691 = arith.index_cast %add3A_688 : i32 to index
          %get3A_692 = arith.constant 0 : index
          %get3A_693 = tpu.vector_load %arg10[%get3A_690, %get3A_691, %get3A_692] {strides = array<i32>} : memref<3x128x64xf32, #tpu.memory_space<vmem>>, vector<1x1x16xf32>,
          %get3A_694 = vector.shape_cast %get3A_693 : vector<1x1x16xf32> to vector<16xf32>
          %mul3A_695 = arith.mulf %get3A_694, %gather3A_684 : vector<16xf32>
          %swap3A_696 = arith.constant 1 : i32
          %swap3A_697 = arith.index_cast %swap3A_696 : i32 to index
          %swap3A_698 = arith.index_cast %add3A_688 : i32 to index
          %swap3A_699 = arith.constant 0 : index
          %swap3A_700 = tpu.vector_load %arg11[%swap3A_697, %swap3A_698, %swap3A_699] {strides = array<i32>} : memref<3x128x64xf32, #tpu.memory_space<vmem>>, vector<1x1x16xf32>,
          %swap3A_701 = vector.shape_cast %swap3A_700 : vector<1x1x16xf32> to vector<16xf32>
          %swap3A_702 = vector.shape_cast %mul3A_695 : vector<16xf32> to vector<1x1x16xf32>
          tpu.vector_store %arg11[%swap3A_697, %swap3A_698, %swap3A_699], %swap3A_702 {strides = array<i32>} : memref<3x128x64xf32, #tpu.memory_space<vmem>>, vector<1x1x16xf32>,
          %get3A_703 = arith.constant 1 : i32
          %get3A_704 = arith.index_cast %get3A_703 : i32 to index
          %get3A_705 = arith.index_cast %add3A_688 : i32 to index
          %get3A_706 = arith.constant 16 : index
          %get3A_707 = tpu.vector_load %arg10[%get3A_704, %get3A_705, %get3A_706] {strides = array<i32>} : memref<3x128x64xf32, #tpu.memory_space<vmem>>, vector<1x1x16xf32>,
          %get3A_708 = vector.shape_cast %get3A_707 : vector<1x1x16xf32> to vector<16xf32>
          %mul3A_709 = arith.mulf %get3A_708, %gather3A_684 : vector<16xf32>
          %swap3A_710 = arith.constant 1 : i32
          %swap3A_711 = arith.index_cast %swap3A_710 : i32 to index
          %swap3A_712 = arith.index_cast %add3A_688 : i32 to index
          %swap3A_713 = arith.constant 16 : index
          %swap3A_714 = tpu.vector_load %arg11[%swap3A_711, %swap3A_712, %swap3A_713] {strides = array<i32>} : memref<3x128x64xf32, #tpu.memory_space<vmem>>, vector<1x1x16xf32>,
          %swap3A_715 = vector.shape_cast %swap3A_714 : vector<1x1x16xf32> to vector<16xf32>
          %swap3A_716 = vector.shape_cast %mul3A_709 : vector<16xf32> to vector<1x1x16xf32>
          tpu.vector_store %arg11[%swap3A_711, %swap3A_712, %swap3A_713], %swap3A_716 {strides = array<i32>} : memref<3x128x64xf32, #tpu.memory_space<vmem>>, vector<1x1x16xf32>,
          %get3A_717 = arith.constant 1 : i32
          %get3A_718 = arith.index_cast %get3A_717 : i32 to index
          %get3A_719 = arith.index_cast %add3A_688 : i32 to index
          %get3A_720 = arith.constant 32 : index
          %get3A_721 = tpu.vector_load %arg10[%get3A_718, %get3A_719, %get3A_720] {strides = array<i32>} : memref<3x128x64xf32, #tpu.memory_space<vmem>>, vector<1x1x16xf32>,
          %get3A_722 = vector.shape_cast %get3A_721 : vector<1x1x16xf32> to vector<16xf32>
          %mul3A_723 = arith.mulf %get3A_722, %gather3A_684 : vector<16xf32>
          %swap3A_724 = arith.constant 1 : i32
          %swap3A_725 = arith.index_cast %swap3A_724 : i32 to index
          %swap3A_726 = arith.index_cast %add3A_688 : i32 to index
          %swap3A_727 = arith.constant 32 : index
          %swap3A_728 = tpu.vector_load %arg11[%swap3A_725, %swap3A_726, %swap3A_727] {strides = array<i32>} : memref<3x128x64xf32, #tpu.memory_space<vmem>>, vector<1x1x16xf32>,
          %swap3A_729 = vector.shape_cast %swap3A_728 : vector<1x1x16xf32> to vector<16xf32>
          %swap3A_730 = vector.shape_cast %mul3A_723 : vector<16xf32> to vector<1x1x16xf32>
          tpu.vector_store %arg11[%swap3A_725, %swap3A_726, %swap3A_727], %swap3A_730 {strides = array<i32>} : memref<3x128x64xf32, #tpu.memory_space<vmem>>, vector<1x1x16xf32>,
          %get3A_731 = arith.constant 1 : i32
          %get3A_732 = arith.index_cast %get3A_731 : i32 to index
          %get3A_733 = arith.index_cast %add3A_688 : i32 to index
          %get3A_734 = arith.constant 48 : index
          %get3A_735 = tpu.vector_load %arg10[%get3A_732, %get3A_733, %get3A_734] {strides = array<i32>} : memref<3x128x64xf32, #tpu.memory_space<vmem>>, vector<1x1x16xf32>,
          %get3A_736 = vector.shape_cast %get3A_735 : vector<1x1x16xf32> to vector<16xf32>
          %mul3A_737 = arith.mulf %get3A_736, %gather3A_684 : vector<16xf32>
          %swap3A_738 = arith.constant 1 : i32
          %swap3A_739 = arith.index_cast %swap3A_738 : i32 to index
          %swap3A_740 = arith.index_cast %add3A_688 : i32 to index
          %swap3A_741 = arith.constant 48 : index
          %swap3A_742 = tpu.vector_load %arg11[%swap3A_739, %swap3A_740, %swap3A_741] {strides = array<i32>} : memref<3x128x64xf32, #tpu.memory_space<vmem>>, vector<1x1x16xf32>,
          %swap3A_743 = vector.shape_cast %swap3A_742 : vector<1x1x16xf32> to vector<16xf32>
          %swap3A_744 = vector.shape_cast %mul3A_737 : vector<16xf32> to vector<1x1x16xf32>
          tpu.vector_store %arg11[%swap3A_739, %swap3A_740, %swap3A_741], %swap3A_744 {strides = array<i32>} : memref<3x128x64xf32, #tpu.memory_space<vmem>>, vector<1x1x16xf32>,
          %broadcast_in_dim3A_745 = arith.constant 6 : i32
          %broadcast_in_dim3A_746 = vector.broadcast %broadcast_in_dim3A_745 : i32 to vector<16x1xi32>
          %gather3A_747 = vector.shape_cast %broadcast_in_dim3A_746 : vector<16x1xi32> to vector<16xi32>
          %gather3A_748 = tpu.dynamic_gather %get3A_362[%gather3A_747] in [0] : vector<16xf32>, vector<16xi32> -> vector<16xf32>
          %mul3A_749 = arith.constant 16 : i32
          %mul3A_750 = arith.muli %scan3A_354, %mul3A_749 : i32
          %add3A_751 = arith.constant 6 : i32
          %add3A_752 = arith.addi %mul3A_750, %add3A_751 : i32
          %get3A_753 = arith.constant 1 : i32
          %get3A_754 = arith.index_cast %get3A_753 : i32 to index
          %get3A_755 = arith.index_cast %add3A_752 : i32 to index
          %get3A_756 = arith.constant 0 : index
          %get3A_757 = tpu.vector_load %arg10[%get3A_754, %get3A_755, %get3A_756] {strides = array<i32>} : memref<3x128x64xf32, #tpu.memory_space<vmem>>, vector<1x1x16xf32>,
          %get3A_758 = vector.shape_cast %get3A_757 : vector<1x1x16xf32> to vector<16xf32>
          %mul3A_759 = arith.mulf %get3A_758, %gather3A_748 : vector<16xf32>
          %swap3A_760 = arith.constant 1 : i32
          %swap3A_761 = arith.index_cast %swap3A_760 : i32 to index
          %swap3A_762 = arith.index_cast %add3A_752 : i32 to index
          %swap3A_763 = arith.constant 0 : index
          %swap3A_764 = tpu.vector_load %arg11[%swap3A_761, %swap3A_762, %swap3A_763] {strides = array<i32>} : memref<3x128x64xf32, #tpu.memory_space<vmem>>, vector<1x1x16xf32>,
          %swap3A_765 = vector.shape_cast %swap3A_764 : vector<1x1x16xf32> to vector<16xf32>
          %swap3A_766 = vector.shape_cast %mul3A_759 : vector<16xf32> to vector<1x1x16xf32>
          tpu.vector_store %arg11[%swap3A_761, %swap3A_762, %swap3A_763], %swap3A_766 {strides = array<i32>} : memref<3x128x64xf32, #tpu.memory_space<vmem>>, vector<1x1x16xf32>,
          %get3A_767 = arith.constant 1 : i32
          %get3A_768 = arith.index_cast %get3A_767 : i32 to index
          %get3A_769 = arith.index_cast %add3A_752 : i32 to index
          %get3A_770 = arith.constant 16 : index
          %get3A_771 = tpu.vector_load %arg10[%get3A_768, %get3A_769, %get3A_770] {strides = array<i32>} : memref<3x128x64xf32, #tpu.memory_space<vmem>>, vector<1x1x16xf32>,
          %get3A_772 = vector.shape_cast %get3A_771 : vector<1x1x16xf32> to vector<16xf32>
          %mul3A_773 = arith.mulf %get3A_772, %gather3A_748 : vector<16xf32>
          %swap3A_774 = arith.constant 1 : i32
          %swap3A_775 = arith.index_cast %swap3A_774 : i32 to index
          %swap3A_776 = arith.index_cast %add3A_752 : i32 to index
          %swap3A_777 = arith.constant 16 : index
          %swap3A_778 = tpu.vector_load %arg11[%swap3A_775, %swap3A_776, %swap3A_777] {strides = array<i32>} : memref<3x128x64xf32, #tpu.memory_space<vmem>>, vector<1x1x16xf32>,
          %swap3A_779 = vector.shape_cast %swap3A_778 : vector<1x1x16xf32> to vector<16xf32>
          %swap3A_780 = vector.shape_cast %mul3A_773 : vector<16xf32> to vector<1x1x16xf32>
          tpu.vector_store %arg11[%swap3A_775, %swap3A_776, %swap3A_777], %swap3A_780 {strides = array<i32>} : memref<3x128x64xf32, #tpu.memory_space<vmem>>, vector<1x1x16xf32>,
          %get3A_781 = arith.constant 1 : i32
          %get3A_782 = arith.index_cast %get3A_781 : i32 to index
          %get3A_783 = arith.index_cast %add3A_752 : i32 to index
          %get3A_784 = arith.constant 32 : index
          %get3A_785 = tpu.vector_load %arg10[%get3A_782, %get3A_783, %get3A_784] {strides = array<i32>} : memref<3x128x64xf32, #tpu.memory_space<vmem>>, vector<1x1x16xf32>,
          %get3A_786 = vector.shape_cast %get3A_785 : vector<1x1x16xf32> to vector<16xf32>
          %mul3A_787 = arith.mulf %get3A_786, %gather3A_748 : vector<16xf32>
          %swap3A_788 = arith.constant 1 : i32
          %swap3A_789 = arith.index_cast %swap3A_788 : i32 to index
          %swap3A_790 = arith.index_cast %add3A_752 : i32 to index
          %swap3A_791 = arith.constant 32 : index
          %swap3A_792 = tpu.vector_load %arg11[%swap3A_789, %swap3A_790, %swap3A_791] {strides = array<i32>} : memref<3x128x64xf32, #tpu.memory_space<vmem>>, vector<1x1x16xf32>,
          %swap3A_793 = vector.shape_cast %swap3A_792 : vector<1x1x16xf32> to vector<16xf32>
          %swap3A_794 = vector.shape_cast %mul3A_787 : vector<16xf32> to vector<1x1x16xf32>
          tpu.vector_store %arg11[%swap3A_789, %swap3A_790, %swap3A_791], %swap3A_794 {strides = array<i32>} : memref<3x128x64xf32, #tpu.memory_space<vmem>>, vector<1x1x16xf32>,
          %get3A_795 = arith.constant 1 : i32
          %get3A_796 = arith.index_cast %get3A_795 : i32 to index
          %get3A_797 = arith.index_cast %add3A_752 : i32 to index
          %get3A_798 = arith.constant 48 : index
          %get3A_799 = tpu.vector_load %arg10[%get3A_796, %get3A_797, %get3A_798] {strides = array<i32>} : memref<3x128x64xf32, #tpu.memory_space<vmem>>, vector<1x1x16xf32>,
          %get3A_800 = vector.shape_cast %get3A_799 : vector<1x1x16xf32> to vector<16xf32>
          %mul3A_801 = arith.mulf %get3A_800, %gather3A_748 : vector<16xf32>
          %swap3A_802 = arith.constant 1 : i32
          %swap3A_803 = arith.index_cast %swap3A_802 : i32 to index
          %swap3A_804 = arith.index_cast %add3A_752 : i32 to index
          %swap3A_805 = arith.constant 48 : index
          %swap3A_806 = tpu.vector_load %arg11[%swap3A_803, %swap3A_804, %swap3A_805] {strides = array<i32>} : memref<3x128x64xf32, #tpu.memory_space<vmem>>, vector<1x1x16xf32>,
          %swap3A_807 = vector.shape_cast %swap3A_806 : vector<1x1x16xf32> to vector<16xf32>
          %swap3A_808 = vector.shape_cast %mul3A_801 : vector<16xf32> to vector<1x1x16xf32>
          tpu.vector_store %arg11[%swap3A_803, %swap3A_804, %swap3A_805], %swap3A_808 {strides = array<i32>} : memref<3x128x64xf32, #tpu.memory_space<vmem>>, vector<1x1x16xf32>,
          %broadcast_in_dim3A_809 = arith.constant 7 : i32
          %broadcast_in_dim3A_810 = vector.broadcast %broadcast_in_dim3A_809 : i32 to vector<16x1xi32>
          %gather3A_811 = vector.shape_cast %broadcast_in_dim3A_810 : vector<16x1xi32> to vector<16xi32>
          %gather3A_812 = tpu.dynamic_gather %get3A_362[%gather3A_811] in [0] : vector<16xf32>, vector<16xi32> -> vector<16xf32>
          %mul3A_813 = arith.constant 16 : i32
          %mul3A_814 = arith.muli %scan3A_354, %mul3A_813 : i32
          %add3A_815 = arith.constant 7 : i32
          %add3A_816 = arith.addi %mul3A_814, %add3A_815 : i32
          %get3A_817 = arith.constant 1 : i32
          %get3A_818 = arith.index_cast %get3A_817 : i32 to index
          %get3A_819 = arith.index_cast %add3A_816 : i32 to index
          %get3A_820 = arith.constant 0 : index
          %get3A_821 = tpu.vector_load %arg10[%get3A_818, %get3A_819, %get3A_820] {strides = array<i32>} : memref<3x128x64xf32, #tpu.memory_space<vmem>>, vector<1x1x16xf32>,
          %get3A_822 = vector.shape_cast %get3A_821 : vector<1x1x16xf32> to vector<16xf32>
          %mul3A_823 = arith.mulf %get3A_822, %gather3A_812 : vector<16xf32>
          %swap3A_824 = arith.constant 1 : i32
          %swap3A_825 = arith.index_cast %swap3A_824 : i32 to index
          %swap3A_826 = arith.index_cast %add3A_816 : i32 to index
          %swap3A_827 = arith.constant 0 : index
          %swap3A_828 = tpu.vector_load %arg11[%swap3A_825, %swap3A_826, %swap3A_827] {strides = array<i32>} : memref<3x128x64xf32, #tpu.memory_space<vmem>>, vector<1x1x16xf32>,
          %swap3A_829 = vector.shape_cast %swap3A_828 : vector<1x1x16xf32> to vector<16xf32>
          %swap3A_830 = vector.shape_cast %mul3A_823 : vector<16xf32> to vector<1x1x16xf32>
          tpu.vector_store %arg11[%swap3A_825, %swap3A_826, %swap3A_827], %swap3A_830 {strides = array<i32>} : memref<3x128x64xf32, #tpu.memory_space<vmem>>, vector<1x1x16xf32>,
          %get3A_831 = arith.constant 1 : i32
          %get3A_832 = arith.index_cast %get3A_831 : i32 to index
          %get3A_833 = arith.index_cast %add3A_816 : i32 to index
          %get3A_834 = arith.constant 16 : index
          %get3A_835 = tpu.vector_load %arg10[%get3A_832, %get3A_833, %get3A_834] {strides = array<i32>} : memref<3x128x64xf32, #tpu.memory_space<vmem>>, vector<1x1x16xf32>,
          %get3A_836 = vector.shape_cast %get3A_835 : vector<1x1x16xf32> to vector<16xf32>
          %mul3A_837 = arith.mulf %get3A_836, %gather3A_812 : vector<16xf32>
          %swap3A_838 = arith.constant 1 : i32
          %swap3A_839 = arith.index_cast %swap3A_838 : i32 to index
          %swap3A_840 = arith.index_cast %add3A_816 : i32 to index
          %swap3A_841 = arith.constant 16 : index
          %swap3A_842 = tpu.vector_load %arg11[%swap3A_839, %swap3A_840, %swap3A_841] {strides = array<i32>} : memref<3x128x64xf32, #tpu.memory_space<vmem>>, vector<1x1x16xf32>,
          %swap3A_843 = vector.shape_cast %swap3A_842 : vector<1x1x16xf32> to vector<16xf32>
          %swap3A_844 = vector.shape_cast %mul3A_837 : vector<16xf32> to vector<1x1x16xf32>
          tpu.vector_store %arg11[%swap3A_839, %swap3A_840, %swap3A_841], %swap3A_844 {strides = array<i32>} : memref<3x128x64xf32, #tpu.memory_space<vmem>>, vector<1x1x16xf32>,
          %get3A_845 = arith.constant 1 : i32
          %get3A_846 = arith.index_cast %get3A_845 : i32 to index
          %get3A_847 = arith.index_cast %add3A_816 : i32 to index
          %get3A_848 = arith.constant 32 : index
          %get3A_849 = tpu.vector_load %arg10[%get3A_846, %get3A_847, %get3A_848] {strides = array<i32>} : memref<3x128x64xf32, #tpu.memory_space<vmem>>, vector<1x1x16xf32>,
          %get3A_850 = vector.shape_cast %get3A_849 : vector<1x1x16xf32> to vector<16xf32>
          %mul3A_851 = arith.mulf %get3A_850, %gather3A_812 : vector<16xf32>
          %swap3A_852 = arith.constant 1 : i32
          %swap3A_853 = arith.index_cast %swap3A_852 : i32 to index
          %swap3A_854 = arith.index_cast %add3A_816 : i32 to index
          %swap3A_855 = arith.constant 32 : index
          %swap3A_856 = tpu.vector_load %arg11[%swap3A_853, %swap3A_854, %swap3A_855] {strides = array<i32>} : memref<3x128x64xf32, #tpu.memory_space<vmem>>, vector<1x1x16xf32>,
          %swap3A_857 = vector.shape_cast %swap3A_856 : vector<1x1x16xf32> to vector<16xf32>
          %swap3A_858 = vector.shape_cast %mul3A_851 : vector<16xf32> to vector<1x1x16xf32>
          tpu.vector_store %arg11[%swap3A_853, %swap3A_854, %swap3A_855], %swap3A_858 {strides = array<i32>} : memref<3x128x64xf32, #tpu.memory_space<vmem>>, vector<1x1x16xf32>,
          %get3A_859 = arith.constant 1 : i32
          %get3A_860 = arith.index_cast %get3A_859 : i32 to index
          %get3A_861 = arith.index_cast %add3A_816 : i32 to index
          %get3A_862 = arith.constant 48 : index
          %get3A_863 = tpu.vector_load %arg10[%get3A_860, %get3A_861, %get3A_862] {strides = array<i32>} : memref<3x128x64xf32, #tpu.memory_space<vmem>>, vector<1x1x16xf32>,
          %get3A_864 = vector.shape_cast %get3A_863 : vector<1x1x16xf32> to vector<16xf32>
          %mul3A_865 = arith.mulf %get3A_864, %gather3A_812 : vector<16xf32>
          %swap3A_866 = arith.constant 1 : i32
          %swap3A_867 = arith.index_cast %swap3A_866 : i32 to index
          %swap3A_868 = arith.index_cast %add3A_816 : i32 to index
          %swap3A_869 = arith.constant 48 : index
          %swap3A_870 = tpu.vector_load %arg11[%swap3A_867, %swap3A_868, %swap3A_869] {strides = array<i32>} : memref<3x128x64xf32, #tpu.memory_space<vmem>>, vector<1x1x16xf32>,
          %swap3A_871 = vector.shape_cast %swap3A_870 : vector<1x1x16xf32> to vector<16xf32>
          %swap3A_872 = vector.shape_cast %mul3A_865 : vector<16xf32> to vector<1x1x16xf32>
          tpu.vector_store %arg11[%swap3A_867, %swap3A_868, %swap3A_869], %swap3A_872 {strides = array<i32>} : memref<3x128x64xf32, #tpu.memory_space<vmem>>, vector<1x1x16xf32>,
          %broadcast_in_dim3A_873 = arith.constant 8 : i32
          %broadcast_in_dim3A_874 = vector.broadcast %broadcast_in_dim3A_873 : i32 to vector<16x1xi32>
          %gather3A_875 = vector.shape_cast %broadcast_in_dim3A_874 : vector<16x1xi32> to vector<16xi32>
          %gather3A_876 = tpu.dynamic_gather %get3A_362[%gather3A_875] in [0] : vector<16xf32>, vector<16xi32> -> vector<16xf32>
          %mul3A_877 = arith.constant 16 : i32
          %mul3A_878 = arith.muli %scan3A_354, %mul3A_877 : i32
          %add3A_879 = arith.constant 8 : i32
          %add3A_880 = arith.addi %mul3A_878, %add3A_879 : i32
          %get3A_881 = arith.constant 1 : i32
          %get3A_882 = arith.index_cast %get3A_881 : i32 to index
          %get3A_883 = arith.index_cast %add3A_880 : i32 to index
          %get3A_884 = arith.constant 0 : index
          %get3A_885 = tpu.vector_load %arg10[%get3A_882, %get3A_883, %get3A_884] {strides = array<i32>} : memref<3x128x64xf32, #tpu.memory_space<vmem>>, vector<1x1x16xf32>,
          %get3A_886 = vector.shape_cast %get3A_885 : vector<1x1x16xf32> to vector<16xf32>
          %mul3A_887 = arith.mulf %get3A_886, %gather3A_876 : vector<16xf32>
          %swap3A_888 = arith.constant 1 : i32
          %swap3A_889 = arith.index_cast %swap3A_888 : i32 to index
          %swap3A_890 = arith.index_cast %add3A_880 : i32 to index
          %swap3A_891 = arith.constant 0 : index
          %swap3A_892 = tpu.vector_load %arg11[%swap3A_889, %swap3A_890, %swap3A_891] {strides = array<i32>} : memref<3x128x64xf32, #tpu.memory_space<vmem>>, vector<1x1x16xf32>,
          %swap3A_893 = vector.shape_cast %swap3A_892 : vector<1x1x16xf32> to vector<16xf32>
          %swap3A_894 = vector.shape_cast %mul3A_887 : vector<16xf32> to vector<1x1x16xf32>
          tpu.vector_store %arg11[%swap3A_889, %swap3A_890, %swap3A_891], %swap3A_894 {strides = array<i32>} : memref<3x128x64xf32, #tpu.memory_space<vmem>>, vector<1x1x16xf32>,
          %get3A_895 = arith.constant 1 : i32
          %get3A_896 = arith.index_cast %get3A_895 : i32 to index
          %get3A_897 = arith.index_cast %add3A_880 : i32 to index
          %get3A_898 = arith.constant 16 : index
          %get3A_899 = tpu.vector_load %arg10[%get3A_896, %get3A_897, %get3A_898] {strides = array<i32>} : memref<3x128x64xf32, #tpu.memory_space<vmem>>, vector<1x1x16xf32>,
          %get3A_900 = vector.shape_cast %get3A_899 : vector<1x1x16xf32> to vector<16xf32>
          %mul3A_901 = arith.mulf %get3A_900, %gather3A_876 : vector<16xf32>
          %swap3A_902 = arith.constant 1 : i32
          %swap3A_903 = arith.index_cast %swap3A_902 : i32 to index
          %swap3A_904 = arith.index_cast %add3A_880 : i32 to index
          %swap3A_905 = arith.constant 16 : index
          %swap3A_906 = tpu.vector_load %arg11[%swap3A_903, %swap3A_904, %swap3A_905] {strides = array<i32>} : memref<3x128x64xf32, #tpu.memory_space<vmem>>, vector<1x1x16xf32>,
          %swap3A_907 = vector.shape_cast %swap3A_906 : vector<1x1x16xf32> to vector<16xf32>
          %swap3A_908 = vector.shape_cast %mul3A_901 : vector<16xf32> to vector<1x1x16xf32>
          tpu.vector_store %arg11[%swap3A_903, %swap3A_904, %swap3A_905], %swap3A_908 {strides = array<i32>} : memref<3x128x64xf32, #tpu.memory_space<vmem>>, vector<1x1x16xf32>,
          %get3A_909 = arith.constant 1 : i32
          %get3A_910 = arith.index_cast %get3A_909 : i32 to index
          %get3A_911 = arith.index_cast %add3A_880 : i32 to index
          %get3A_912 = arith.constant 32 : index
          %get3A_913 = tpu.vector_load %arg10[%get3A_910, %get3A_911, %get3A_912] {strides = array<i32>} : memref<3x128x64xf32, #tpu.memory_space<vmem>>, vector<1x1x16xf32>,
          %get3A_914 = vector.shape_cast %get3A_913 : vector<1x1x16xf32> to vector<16xf32>
          %mul3A_915 = arith.mulf %get3A_914, %gather3A_876 : vector<16xf32>
          %swap3A_916 = arith.constant 1 : i32
          %swap3A_917 = arith.index_cast %swap3A_916 : i32 to index
          %swap3A_918 = arith.index_cast %add3A_880 : i32 to index
          %swap3A_919 = arith.constant 32 : index
          %swap3A_920 = tpu.vector_load %arg11[%swap3A_917, %swap3A_918, %swap3A_919] {strides = array<i32>} : memref<3x128x64xf32, #tpu.memory_space<vmem>>, vector<1x1x16xf32>,
          %swap3A_921 = vector.shape_cast %swap3A_920 : vector<1x1x16xf32> to vector<16xf32>
          %swap3A_922 = vector.shape_cast %mul3A_915 : vector<16xf32> to vector<1x1x16xf32>
          tpu.vector_store %arg11[%swap3A_917, %swap3A_918, %swap3A_919], %swap3A_922 {strides = array<i32>} : memref<3x128x64xf32, #tpu.memory_space<vmem>>, vector<1x1x16xf32>,
          %get3A_923 = arith.constant 1 : i32
          %get3A_924 = arith.index_cast %get3A_923 : i32 to index
          %get3A_925 = arith.index_cast %add3A_880 : i32 to index
          %get3A_926 = arith.constant 48 : index
          %get3A_927 = tpu.vector_load %arg10[%get3A_924, %get3A_925, %get3A_926] {strides = array<i32>} : memref<3x128x64xf32, #tpu.memory_space<vmem>>, vector<1x1x16xf32>,
          %get3A_928 = vector.shape_cast %get3A_927 : vector<1x1x16xf32> to vector<16xf32>
          %mul3A_929 = arith.mulf %get3A_928, %gather3A_876 : vector<16xf32>
          %swap3A_930 = arith.constant 1 : i32
          %swap3A_931 = arith.index_cast %swap3A_930 : i32 to index
          %swap3A_932 = arith.index_cast %add3A_880 : i32 to index
          %swap3A_933 = arith.constant 48 : index
          %swap3A_934 = tpu.vector_load %arg11[%swap3A_931, %swap3A_932, %swap3A_933] {strides = array<i32>} : memref<3x128x64xf32, #tpu.memory_space<vmem>>, vector<1x1x16xf32>,
          %swap3A_935 = vector.shape_cast %swap3A_934 : vector<1x1x16xf32> to vector<16xf32>
          %swap3A_936 = vector.shape_cast %mul3A_929 : vector<16xf32> to vector<1x1x16xf32>
          tpu.vector_store %arg11[%swap3A_931, %swap3A_932, %swap3A_933], %swap3A_936 {strides = array<i32>} : memref<3x128x64xf32, #tpu.memory_space<vmem>>, vector<1x1x16xf32>,
          %broadcast_in_dim3A_937 = arith.constant 9 : i32
          %broadcast_in_dim3A_938 = vector.broadcast %broadcast_in_dim3A_937 : i32 to vector<16x1xi32>
          %gather3A_939 = vector.shape_cast %broadcast_in_dim3A_938 : vector<16x1xi32> to vector<16xi32>
          %gather3A_940 = tpu.dynamic_gather %get3A_362[%gather3A_939] in [0] : vector<16xf32>, vector<16xi32> -> vector<16xf32>
          %mul3A_941 = arith.constant 16 : i32
          %mul3A_942 = arith.muli %scan3A_354, %mul3A_941 : i32
          %add3A_943 = arith.constant 9 : i32
          %add3A_944 = arith.addi %mul3A_942, %add3A_943 : i32
          %get3A_945 = arith.constant 1 : i32
          %get3A_946 = arith.index_cast %get3A_945 : i32 to index
          %get3A_947 = arith.index_cast %add3A_944 : i32 to index
          %get3A_948 = arith.constant 0 : index
          %get3A_949 = tpu.vector_load %arg10[%get3A_946, %get3A_947, %get3A_948] {strides = array<i32>} : memref<3x128x64xf32, #tpu.memory_space<vmem>>, vector<1x1x16xf32>,
          %get3A_950 = vector.shape_cast %get3A_949 : vector<1x1x16xf32> to vector<16xf32>
          %mul3A_951 = arith.mulf %get3A_950, %gather3A_940 : vector<16xf32>
          %swap3A_952 = arith.constant 1 : i32
          %swap3A_953 = arith.index_cast %swap3A_952 : i32 to index
          %swap3A_954 = arith.index_cast %add3A_944 : i32 to index
          %swap3A_955 = arith.constant 0 : index
          %swap3A_956 = tpu.vector_load %arg11[%swap3A_953, %swap3A_954, %swap3A_955] {strides = array<i32>} : memref<3x128x64xf32, #tpu.memory_space<vmem>>, vector<1x1x16xf32>,
          %swap3A_957 = vector.shape_cast %swap3A_956 : vector<1x1x16xf32> to vector<16xf32>
          %swap3A_958 = vector.shape_cast %mul3A_951 : vector<16xf32> to vector<1x1x16xf32>
          tpu.vector_store %arg11[%swap3A_953, %swap3A_954, %swap3A_955], %swap3A_958 {strides = array<i32>} : memref<3x128x64xf32, #tpu.memory_space<vmem>>, vector<1x1x16xf32>,
          %get3A_959 = arith.constant 1 : i32
          %get3A_960 = arith.index_cast %get3A_959 : i32 to index
          %get3A_961 = arith.index_cast %add3A_944 : i32 to index
          %get3A_962 = arith.constant 16 : index
          %get3A_963 = tpu.vector_load %arg10[%get3A_960, %get3A_961, %get3A_962] {strides = array<i32>} : memref<3x128x64xf32, #tpu.memory_space<vmem>>, vector<1x1x16xf32>,
          %get3A_964 = vector.shape_cast %get3A_963 : vector<1x1x16xf32> to vector<16xf32>
          %mul3A_965 = arith.mulf %get3A_964, %gather3A_940 : vector<16xf32>
          %swap3A_966 = arith.constant 1 : i32
          %swap3A_967 = arith.index_cast %swap3A_966 : i32 to index
          %swap3A_968 = arith.index_cast %add3A_944 : i32 to index
          %swap3A_969 = arith.constant 16 : index
          %swap3A_970 = tpu.vector_load %arg11[%swap3A_967, %swap3A_968, %swap3A_969] {strides = array<i32>} : memref<3x128x64xf32, #tpu.memory_space<vmem>>, vector<1x1x16xf32>,
          %swap3A_971 = vector.shape_cast %swap3A_970 : vector<1x1x16xf32> to vector<16xf32>
          %swap3A_972 = vector.shape_cast %mul3A_965 : vector<16xf32> to vector<1x1x16xf32>
          tpu.vector_store %arg11[%swap3A_967, %swap3A_968, %swap3A_969], %swap3A_972 {strides = array<i32>} : memref<3x128x64xf32, #tpu.memory_space<vmem>>, vector<1x1x16xf32>,
          %get3A_973 = arith.constant 1 : i32
          %get3A_974 = arith.index_cast %get3A_973 : i32 to index
          %get3A_975 = arith.index_cast %add3A_944 : i32 to index
          %get3A_976 = arith.constant 32 : index
          %get3A_977 = tpu.vector_load %arg10[%get3A_974, %get3A_975, %get3A_976] {strides = array<i32>} : memref<3x128x64xf32, #tpu.memory_space<vmem>>, vector<1x1x16xf32>,
          %get3A_978 = vector.shape_cast %get3A_977 : vector<1x1x16xf32> to vector<16xf32>
          %mul3A_979 = arith.mulf %get3A_978, %gather3A_940 : vector<16xf32>
          %swap3A_980 = arith.constant 1 : i32
          %swap3A_981 = arith.index_cast %swap3A_980 : i32 to index
          %swap3A_982 = arith.index_cast %add3A_944 : i32 to index
          %swap3A_983 = arith.constant 32 : index
          %swap3A_984 = tpu.vector_load %arg11[%swap3A_981, %swap3A_982, %swap3A_983] {strides = array<i32>} : memref<3x128x64xf32, #tpu.memory_space<vmem>>, vector<1x1x16xf32>,
          %swap3A_985 = vector.shape_cast %swap3A_984 : vector<1x1x16xf32> to vector<16xf32>
          %swap3A_986 = vector.shape_cast %mul3A_979 : vector<16xf32> to vector<1x1x16xf32>
          tpu.vector_store %arg11[%swap3A_981, %swap3A_982, %swap3A_983], %swap3A_986 {strides = array<i32>} : memref<3x128x64xf32, #tpu.memory_space<vmem>>, vector<1x1x16xf32>,
          %get3A_987 = arith.constant 1 : i32
          %get3A_988 = arith.index_cast %get3A_987 : i32 to index
          %get3A_989 = arith.index_cast %add3A_944 : i32 to index
          %get3A_990 = arith.constant 48 : index
          %get3A_991 = tpu.vector_load %arg10[%get3A_988, %get3A_989, %get3A_990] {strides = array<i32>} : memref<3x128x64xf32, #tpu.memory_space<vmem>>, vector<1x1x16xf32>,
          %get3A_992 = vector.shape_cast %get3A_991 : vector<1x1x16xf32> to vector<16xf32>
          %mul3A_993 = arith.mulf %get3A_992, %gather3A_940 : vector<16xf32>
          %swap3A_994 = arith.constant 1 : i32
          %swap3A_995 = arith.index_cast %swap3A_994 : i32 to index
          %swap3A_996 = arith.index_cast %add3A_944 : i32 to index
          %swap3A_997 = arith.constant 48 : index
          %swap3A_998 = tpu.vector_load %arg11[%swap3A_995, %swap3A_996, %swap3A_997] {strides = array<i32>} : memref<3x128x64xf32, #tpu.memory_space<vmem>>, vector<1x1x16xf32>,
          %swap3A_999 = vector.shape_cast %swap3A_998 : vector<1x1x16xf32> to vector<16xf32>
          %swap3A_1000 = vector.shape_cast %mul3A_993 : vector<16xf32> to vector<1x1x16xf32>
          tpu.vector_store %arg11[%swap3A_995, %swap3A_996, %swap3A_997], %swap3A_1000 {strides = array<i32>} : memref<3x128x64xf32, #tpu.memory_space<vmem>>, vector<1x1x16xf32>,
          %broadcast_in_dim3A_1001 = arith.constant 10 : i32
          %broadcast_in_dim3A_1002 = vector.broadcast %broadcast_in_dim3A_1001 : i32 to vector<16x1xi32>
          %gather3A_1003 = vector.shape_cast %broadcast_in_dim3A_1002 : vector<16x1xi32> to vector<16xi32>
          %gather3A_1004 = tpu.dynamic_gather %get3A_362[%gather3A_1003] in [0] : vector<16xf32>, vector<16xi32> -> vector<16xf32>
          %mul3A_1005 = arith.constant 16 : i32
          %mul3A_1006 = arith.muli %scan3A_354, %mul3A_1005 : i32
          %add3A_1007 = arith.constant 10 : i32
          %add3A_1008 = arith.addi %mul3A_1006, %add3A_1007 : i32
          %get3A_1009 = arith.constant 1 : i32
          %get3A_1010 = arith.index_cast %get3A_1009 : i32 to index
          %get3A_1011 = arith.index_cast %add3A_1008 : i32 to index
          %get3A_1012 = arith.constant 0 : index
          %get3A_1013 = tpu.vector_load %arg10[%get3A_1010, %get3A_1011, %get3A_1012] {strides = array<i32>} : memref<3x128x64xf32, #tpu.memory_space<vmem>>, vector<1x1x16xf32>,
          %get3A_1014 = vector.shape_cast %get3A_1013 : vector<1x1x16xf32> to vector<16xf32>
          %mul3A_1015 = arith.mulf %get3A_1014, %gather3A_1004 : vector<16xf32>
          %swap3A_1016 = arith.constant 1 : i32
          %swap3A_1017 = arith.index_cast %swap3A_1016 : i32 to index
          %swap3A_1018 = arith.index_cast %add3A_1008 : i32 to index
          %swap3A_1019 = arith.constant 0 : index
          %swap3A_1020 = tpu.vector_load %arg11[%swap3A_1017, %swap3A_1018, %swap3A_1019] {strides = array<i32>} : memref<3x128x64xf32, #tpu.memory_space<vmem>>, vector<1x1x16xf32>,
          %swap3A_1021 = vector.shape_cast %swap3A_1020 : vector<1x1x16xf32> to vector<16xf32>
          %swap3A_1022 = vector.shape_cast %mul3A_1015 : vector<16xf32> to vector<1x1x16xf32>
          tpu.vector_store %arg11[%swap3A_1017, %swap3A_1018, %swap3A_1019], %swap3A_1022 {strides = array<i32>} : memref<3x128x64xf32, #tpu.memory_space<vmem>>, vector<1x1x16xf32>,
          %get3A_1023 = arith.constant 1 : i32
          %get3A_1024 = arith.index_cast %get3A_1023 : i32 to index
          %get3A_1025 = arith.index_cast %add3A_1008 : i32 to index
          %get3A_1026 = arith.constant 16 : index
          %get3A_1027 = tpu.vector_load %arg10[%get3A_1024, %get3A_1025, %get3A_1026] {strides = array<i32>} : memref<3x128x64xf32, #tpu.memory_space<vmem>>, vector<1x1x16xf32>,
          %get3A_1028 = vector.shape_cast %get3A_1027 : vector<1x1x16xf32> to vector<16xf32>
          %mul3A_1029 = arith.mulf %get3A_1028, %gather3A_1004 : vector<16xf32>
          %swap3A_1030 = arith.constant 1 : i32
          %swap3A_1031 = arith.index_cast %swap3A_1030 : i32 to index
          %swap3A_1032 = arith.index_cast %add3A_1008 : i32 to index
          %swap3A_1033 = arith.constant 16 : index
          %swap3A_1034 = tpu.vector_load %arg11[%swap3A_1031, %swap3A_1032, %swap3A_1033] {strides = array<i32>} : memref<3x128x64xf32, #tpu.memory_space<vmem>>, vector<1x1x16xf32>,
          %swap3A_1035 = vector.shape_cast %swap3A_1034 : vector<1x1x16xf32> to vector<16xf32>
          %swap3A_1036 = vector.shape_cast %mul3A_1029 : vector<16xf32> to vector<1x1x16xf32>
          tpu.vector_store %arg11[%swap3A_1031, %swap3A_1032, %swap3A_1033], %swap3A_1036 {strides = array<i32>} : memref<3x128x64xf32, #tpu.memory_space<vmem>>, vector<1x1x16xf32>,
          %get3A_1037 = arith.constant 1 : i32
          %get3A_1038 = arith.index_cast %get3A_1037 : i32 to index
          %get3A_1039 = arith.index_cast %add3A_1008 : i32 to index
          %get3A_1040 = arith.constant 32 : index
          %get3A_1041 = tpu.vector_load %arg10[%get3A_1038, %get3A_1039, %get3A_1040] {strides = array<i32>} : memref<3x128x64xf32, #tpu.memory_space<vmem>>, vector<1x1x16xf32>,
          %get3A_1042 = vector.shape_cast %get3A_1041 : vector<1x1x16xf32> to vector<16xf32>
          %mul3A_1043 = arith.mulf %get3A_1042, %gather3A_1004 : vector<16xf32>
          %swap3A_1044 = arith.constant 1 : i32
          %swap3A_1045 = arith.index_cast %swap3A_1044 : i32 to index
          %swap3A_1046 = arith.index_cast %add3A_1008 : i32 to index
          %swap3A_1047 = arith.constant 32 : index
          %swap3A_1048 = tpu.vector_load %arg11[%swap3A_1045, %swap3A_1046, %swap3A_1047] {strides = array<i32>} : memref<3x128x64xf32, #tpu.memory_space<vmem>>, vector<1x1x16xf32>,
          %swap3A_1049 = vector.shape_cast %swap3A_1048 : vector<1x1x16xf32> to vector<16xf32>
          %swap3A_1050 = vector.shape_cast %mul3A_1043 : vector<16xf32> to vector<1x1x16xf32>
          tpu.vector_store %arg11[%swap3A_1045, %swap3A_1046, %swap3A_1047], %swap3A_1050 {strides = array<i32>} : memref<3x128x64xf32, #tpu.memory_space<vmem>>, vector<1x1x16xf32>,
          %get3A_1051 = arith.constant 1 : i32
          %get3A_1052 = arith.index_cast %get3A_1051 : i32 to index
          %get3A_1053 = arith.index_cast %add3A_1008 : i32 to index
          %get3A_1054 = arith.constant 48 : index
          %get3A_1055 = tpu.vector_load %arg10[%get3A_1052, %get3A_1053, %get3A_1054] {strides = array<i32>} : memref<3x128x64xf32, #tpu.memory_space<vmem>>, vector<1x1x16xf32>,
          %get3A_1056 = vector.shape_cast %get3A_1055 : vector<1x1x16xf32> to vector<16xf32>
          %mul3A_1057 = arith.mulf %get3A_1056, %gather3A_1004 : vector<16xf32>
          %swap3A_1058 = arith.constant 1 : i32
          %swap3A_1059 = arith.index_cast %swap3A_1058 : i32 to index
          %swap3A_1060 = arith.index_cast %add3A_1008 : i32 to index
          %swap3A_1061 = arith.constant 48 : index
          %swap3A_1062 = tpu.vector_load %arg11[%swap3A_1059, %swap3A_1060, %swap3A_1061] {strides = array<i32>} : memref<3x128x64xf32, #tpu.memory_space<vmem>>, vector<1x1x16xf32>,
          %swap3A_1063 = vector.shape_cast %swap3A_1062 : vector<1x1x16xf32> to vector<16xf32>
          %swap3A_1064 = vector.shape_cast %mul3A_1057 : vector<16xf32> to vector<1x1x16xf32>
          tpu.vector_store %arg11[%swap3A_1059, %swap3A_1060, %swap3A_1061], %swap3A_1064 {strides = array<i32>} : memref<3x128x64xf32, #tpu.memory_space<vmem>>, vector<1x1x16xf32>,
          %broadcast_in_dim3A_1065 = arith.constant 11 : i32
          %broadcast_in_dim3A_1066 = vector.broadcast %broadcast_in_dim3A_1065 : i32 to vector<16x1xi32>
          %gather3A_1067 = vector.shape_cast %broadcast_in_dim3A_1066 : vector<16x1xi32> to vector<16xi32>
          %gather3A_1068 = tpu.dynamic_gather %get3A_362[%gather3A_1067] in [0] : vector<16xf32>, vector<16xi32> -> vector<16xf32>
          %mul3A_1069 = arith.constant 16 : i32
          %mul3A_1070 = arith.muli %scan3A_354, %mul3A_1069 : i32
          %add3A_1071 = arith.constant 11 : i32
          %add3A_1072 = arith.addi %mul3A_1070, %add3A_1071 : i32
          %get3A_1073 = arith.constant 1 : i32
          %get3A_1074 = arith.index_cast %get3A_1073 : i32 to index
          %get3A_1075 = arith.index_cast %add3A_1072 : i32 to index
          %get3A_1076 = arith.constant 0 : index
          %get3A_1077 = tpu.vector_load %arg10[%get3A_1074, %get3A_1075, %get3A_1076] {strides = array<i32>} : memref<3x128x64xf32, #tpu.memory_space<vmem>>, vector<1x1x16xf32>,
          %get3A_1078 = vector.shape_cast %get3A_1077 : vector<1x1x16xf32> to vector<16xf32>
          %mul3A_1079 = arith.mulf %get3A_1078, %gather3A_1068 : vector<16xf32>
          %swap3A_1080 = arith.constant 1 : i32
          %swap3A_1081 = arith.index_cast %swap3A_1080 : i32 to index
          %swap3A_1082 = arith.index_cast %add3A_1072 : i32 to index
          %swap3A_1083 = arith.constant 0 : index
          %swap3A_1084 = tpu.vector_load %arg11[%swap3A_1081, %swap3A_1082, %swap3A_1083] {strides = array<i32>} : memref<3x128x64xf32, #tpu.memory_space<vmem>>, vector<1x1x16xf32>,
          %swap3A_1085 = vector.shape_cast %swap3A_1084 : vector<1x1x16xf32> to vector<16xf32>
          %swap3A_1086 = vector.shape_cast %mul3A_1079 : vector<16xf32> to vector<1x1x16xf32>
          tpu.vector_store %arg11[%swap3A_1081, %swap3A_1082, %swap3A_1083], %swap3A_1086 {strides = array<i32>} : memref<3x128x64xf32, #tpu.memory_space<vmem>>, vector<1x1x16xf32>,
          %get3A_1087 = arith.constant 1 : i32
          %get3A_1088 = arith.index_cast %get3A_1087 : i32 to index
          %get3A_1089 = arith.index_cast %add3A_1072 : i32 to index
          %get3A_1090 = arith.constant 16 : index
          %get3A_1091 = tpu.vector_load %arg10[%get3A_1088, %get3A_1089, %get3A_1090] {strides = array<i32>} : memref<3x128x64xf32, #tpu.memory_space<vmem>>, vector<1x1x16xf32>,
          %get3A_1092 = vector.shape_cast %get3A_1091 : vector<1x1x16xf32> to vector<16xf32>
          %mul3A_1093 = arith.mulf %get3A_1092, %gather3A_1068 : vector<16xf32>
          %swap3A_1094 = arith.constant 1 : i32
          %swap3A_1095 = arith.index_cast %swap3A_1094 : i32 to index
          %swap3A_1096 = arith.index_cast %add3A_1072 : i32 to index
          %swap3A_1097 = arith.constant 16 : index
          %swap3A_1098 = tpu.vector_load %arg11[%swap3A_1095, %swap3A_1096, %swap3A_1097] {strides = array<i32>} : memref<3x128x64xf32, #tpu.memory_space<vmem>>, vector<1x1x16xf32>,
          %swap3A_1099 = vector.shape_cast %swap3A_1098 : vector<1x1x16xf32> to vector<16xf32>
          %swap3A_1100 = vector.shape_cast %mul3A_1093 : vector<16xf32> to vector<1x1x16xf32>
          tpu.vector_store %arg11[%swap3A_1095, %swap3A_1096, %swap3A_1097], %swap3A_1100 {strides = array<i32>} : memref<3x128x64xf32, #tpu.memory_space<vmem>>, vector<1x1x16xf32>,
          %get3A_1101 = arith.constant 1 : i32
          %get3A_1102 = arith.index_cast %get3A_1101 : i32 to index
          %get3A_1103 = arith.index_cast %add3A_1072 : i32 to index
          %get3A_1104 = arith.constant 32 : index
          %get3A_1105 = tpu.vector_load %arg10[%get3A_1102, %get3A_1103, %get3A_1104] {strides = array<i32>} : memref<3x128x64xf32, #tpu.memory_space<vmem>>, vector<1x1x16xf32>,
          %get3A_1106 = vector.shape_cast %get3A_1105 : vector<1x1x16xf32> to vector<16xf32>
          %mul3A_1107 = arith.mulf %get3A_1106, %gather3A_1068 : vector<16xf32>
          %swap3A_1108 = arith.constant 1 : i32
          %swap3A_1109 = arith.index_cast %swap3A_1108 : i32 to index
          %swap3A_1110 = arith.index_cast %add3A_1072 : i32 to index
          %swap3A_1111 = arith.constant 32 : index
          %swap3A_1112 = tpu.vector_load %arg11[%swap3A_1109, %swap3A_1110, %swap3A_1111] {strides = array<i32>} : memref<3x128x64xf32, #tpu.memory_space<vmem>>, vector<1x1x16xf32>,
          %swap3A_1113 = vector.shape_cast %swap3A_1112 : vector<1x1x16xf32> to vector<16xf32>
          %swap3A_1114 = vector.shape_cast %mul3A_1107 : vector<16xf32> to vector<1x1x16xf32>
          tpu.vector_store %arg11[%swap3A_1109, %swap3A_1110, %swap3A_1111], %swap3A_1114 {strides = array<i32>} : memref<3x128x64xf32, #tpu.memory_space<vmem>>, vector<1x1x16xf32>,
          %get3A_1115 = arith.constant 1 : i32
          %get3A_1116 = arith.index_cast %get3A_1115 : i32 to index
          %get3A_1117 = arith.index_cast %add3A_1072 : i32 to index
          %get3A_1118 = arith.constant 48 : index
          %get3A_1119 = tpu.vector_load %arg10[%get3A_1116, %get3A_1117, %get3A_1118] {strides = array<i32>} : memref<3x128x64xf32, #tpu.memory_space<vmem>>, vector<1x1x16xf32>,
          %get3A_1120 = vector.shape_cast %get3A_1119 : vector<1x1x16xf32> to vector<16xf32>
          %mul3A_1121 = arith.mulf %get3A_1120, %gather3A_1068 : vector<16xf32>
          %swap3A_1122 = arith.constant 1 : i32
          %swap3A_1123 = arith.index_cast %swap3A_1122 : i32 to index
          %swap3A_1124 = arith.index_cast %add3A_1072 : i32 to index
          %swap3A_1125 = arith.constant 48 : index
          %swap3A_1126 = tpu.vector_load %arg11[%swap3A_1123, %swap3A_1124, %swap3A_1125] {strides = array<i32>} : memref<3x128x64xf32, #tpu.memory_space<vmem>>, vector<1x1x16xf32>,
          %swap3A_1127 = vector.shape_cast %swap3A_1126 : vector<1x1x16xf32> to vector<16xf32>
          %swap3A_1128 = vector.shape_cast %mul3A_1121 : vector<16xf32> to vector<1x1x16xf32>
          tpu.vector_store %arg11[%swap3A_1123, %swap3A_1124, %swap3A_1125], %swap3A_1128 {strides = array<i32>} : memref<3x128x64xf32, #tpu.memory_space<vmem>>, vector<1x1x16xf32>,
          %broadcast_in_dim3A_1129 = arith.constant 12 : i32
          %broadcast_in_dim3A_1130 = vector.broadcast %broadcast_in_dim3A_1129 : i32 to vector<16x1xi32>
          %gather3A_1131 = vector.shape_cast %broadcast_in_dim3A_1130 : vector<16x1xi32> to vector<16xi32>
          %gather3A_1132 = tpu.dynamic_gather %get3A_362[%gather3A_1131] in [0] : vector<16xf32>, vector<16xi32> -> vector<16xf32>
          %mul3A_1133 = arith.constant 16 : i32
          %mul3A_1134 = arith.muli %scan3A_354, %mul3A_1133 : i32
          %add3A_1135 = arith.constant 12 : i32
          %add3A_1136 = arith.addi %mul3A_1134, %add3A_1135 : i32
          %get3A_1137 = arith.constant 1 : i32
          %get3A_1138 = arith.index_cast %get3A_1137 : i32 to index
          %get3A_1139 = arith.index_cast %add3A_1136 : i32 to index
          %get3A_1140 = arith.constant 0 : index
          %get3A_1141 = tpu.vector_load %arg10[%get3A_1138, %get3A_1139, %get3A_1140] {strides = array<i32>} : memref<3x128x64xf32, #tpu.memory_space<vmem>>, vector<1x1x16xf32>,
          %get3A_1142 = vector.shape_cast %get3A_1141 : vector<1x1x16xf32> to vector<16xf32>
          %mul3A_1143 = arith.mulf %get3A_1142, %gather3A_1132 : vector<16xf32>
          %swap3A_1144 = arith.constant 1 : i32
          %swap3A_1145 = arith.index_cast %swap3A_1144 : i32 to index
          %swap3A_1146 = arith.index_cast %add3A_1136 : i32 to index
          %swap3A_1147 = arith.constant 0 : index
          %swap3A_1148 = tpu.vector_load %arg11[%swap3A_1145, %swap3A_1146, %swap3A_1147] {strides = array<i32>} : memref<3x128x64xf32, #tpu.memory_space<vmem>>, vector<1x1x16xf32>,
          %swap3A_1149 = vector.shape_cast %swap3A_1148 : vector<1x1x16xf32> to vector<16xf32>
          %swap3A_1150 = vector.shape_cast %mul3A_1143 : vector<16xf32> to vector<1x1x16xf32>
          tpu.vector_store %arg11[%swap3A_1145, %swap3A_1146, %swap3A_1147], %swap3A_1150 {strides = array<i32>} : memref<3x128x64xf32, #tpu.memory_space<vmem>>, vector<1x1x16xf32>,
          %get3A_1151 = arith.constant 1 : i32
          %get3A_1152 = arith.index_cast %get3A_1151 : i32 to index
          %get3A_1153 = arith.index_cast %add3A_1136 : i32 to index
          %get3A_1154 = arith.constant 16 : index
          %get3A_1155 = tpu.vector_load %arg10[%get3A_1152, %get3A_1153, %get3A_1154] {strides = array<i32>} : memref<3x128x64xf32, #tpu.memory_space<vmem>>, vector<1x1x16xf32>,
          %get3A_1156 = vector.shape_cast %get3A_1155 : vector<1x1x16xf32> to vector<16xf32>
          %mul3A_1157 = arith.mulf %get3A_1156, %gather3A_1132 : vector<16xf32>
          %swap3A_1158 = arith.constant 1 : i32
          %swap3A_1159 = arith.index_cast %swap3A_1158 : i32 to index
          %swap3A_1160 = arith.index_cast %add3A_1136 : i32 to index
          %swap3A_1161 = arith.constant 16 : index
          %swap3A_1162 = tpu.vector_load %arg11[%swap3A_1159, %swap3A_1160, %swap3A_1161] {strides = array<i32>} : memref<3x128x64xf32, #tpu.memory_space<vmem>>, vector<1x1x16xf32>,
          %swap3A_1163 = vector.shape_cast %swap3A_1162 : vector<1x1x16xf32> to vector<16xf32>
          %swap3A_1164 = vector.shape_cast %mul3A_1157 : vector<16xf32> to vector<1x1x16xf32>
          tpu.vector_store %arg11[%swap3A_1159, %swap3A_1160, %swap3A_1161], %swap3A_1164 {strides = array<i32>} : memref<3x128x64xf32, #tpu.memory_space<vmem>>, vector<1x1x16xf32>,
          %get3A_1165 = arith.constant 1 : i32
          %get3A_1166 = arith.index_cast %get3A_1165 : i32 to index
          %get3A_1167 = arith.index_cast %add3A_1136 : i32 to index
          %get3A_1168 = arith.constant 32 : index
          %get3A_1169 = tpu.vector_load %arg10[%get3A_1166, %get3A_1167, %get3A_1168] {strides = array<i32>} : memref<3x128x64xf32, #tpu.memory_space<vmem>>, vector<1x1x16xf32>,
          %get3A_1170 = vector.shape_cast %get3A_1169 : vector<1x1x16xf32> to vector<16xf32>
          %mul3A_1171 = arith.mulf %get3A_1170, %gather3A_1132 : vector<16xf32>
          %swap3A_1172 = arith.constant 1 : i32
          %swap3A_1173 = arith.index_cast %swap3A_1172 : i32 to index
          %swap3A_1174 = arith.index_cast %add3A_1136 : i32 to index
          %swap3A_1175 = arith.constant 32 : index
          %swap3A_1176 = tpu.vector_load %arg11[%swap3A_1173, %swap3A_1174, %swap3A_1175] {strides = array<i32>} : memref<3x128x64xf32, #tpu.memory_space<vmem>>, vector<1x1x16xf32>,
          %swap3A_1177 = vector.shape_cast %swap3A_1176 : vector<1x1x16xf32> to vector<16xf32>
          %swap3A_1178 = vector.shape_cast %mul3A_1171 : vector<16xf32> to vector<1x1x16xf32>
          tpu.vector_store %arg11[%swap3A_1173, %swap3A_1174, %swap3A_1175], %swap3A_1178 {strides = array<i32>} : memref<3x128x64xf32, #tpu.memory_space<vmem>>, vector<1x1x16xf32>,
          %get3A_1179 = arith.constant 1 : i32
          %get3A_1180 = arith.index_cast %get3A_1179 : i32 to index
          %get3A_1181 = arith.index_cast %add3A_1136 : i32 to index
          %get3A_1182 = arith.constant 48 : index
          %get3A_1183 = tpu.vector_load %arg10[%get3A_1180, %get3A_1181, %get3A_1182] {strides = array<i32>} : memref<3x128x64xf32, #tpu.memory_space<vmem>>, vector<1x1x16xf32>,
          %get3A_1184 = vector.shape_cast %get3A_1183 : vector<1x1x16xf32> to vector<16xf32>
          %mul3A_1185 = arith.mulf %get3A_1184, %gather3A_1132 : vector<16xf32>
          %swap3A_1186 = arith.constant 1 : i32
          %swap3A_1187 = arith.index_cast %swap3A_1186 : i32 to index
          %swap3A_1188 = arith.index_cast %add3A_1136 : i32 to index
          %swap3A_1189 = arith.constant 48 : index
          %swap3A_1190 = tpu.vector_load %arg11[%swap3A_1187, %swap3A_1188, %swap3A_1189] {strides = array<i32>} : memref<3x128x64xf32, #tpu.memory_space<vmem>>, vector<1x1x16xf32>,
          %swap3A_1191 = vector.shape_cast %swap3A_1190 : vector<1x1x16xf32> to vector<16xf32>
          %swap3A_1192 = vector.shape_cast %mul3A_1185 : vector<16xf32> to vector<1x1x16xf32>
          tpu.vector_store %arg11[%swap3A_1187, %swap3A_1188, %swap3A_1189], %swap3A_1192 {strides = array<i32>} : memref<3x128x64xf32, #tpu.memory_space<vmem>>, vector<1x1x16xf32>,
          %broadcast_in_dim3A_1193 = arith.constant 13 : i32
          %broadcast_in_dim3A_1194 = vector.broadcast %broadcast_in_dim3A_1193 : i32 to vector<16x1xi32>
          %gather3A_1195 = vector.shape_cast %broadcast_in_dim3A_1194 : vector<16x1xi32> to vector<16xi32>
          %gather3A_1196 = tpu.dynamic_gather %get3A_362[%gather3A_1195] in [0] : vector<16xf32>, vector<16xi32> -> vector<16xf32>
          %mul3A_1197 = arith.constant 16 : i32
          %mul3A_1198 = arith.muli %scan3A_354, %mul3A_1197 : i32
          %add3A_1199 = arith.constant 13 : i32
          %add3A_1200 = arith.addi %mul3A_1198, %add3A_1199 : i32
          %get3A_1201 = arith.constant 1 : i32
          %get3A_1202 = arith.index_cast %get3A_1201 : i32 to index
          %get3A_1203 = arith.index_cast %add3A_1200 : i32 to index
          %get3A_1204 = arith.constant 0 : index
          %get3A_1205 = tpu.vector_load %arg10[%get3A_1202, %get3A_1203, %get3A_1204] {strides = array<i32>} : memref<3x128x64xf32, #tpu.memory_space<vmem>>, vector<1x1x16xf32>,
          %get3A_1206 = vector.shape_cast %get3A_1205 : vector<1x1x16xf32> to vector<16xf32>
          %mul3A_1207 = arith.mulf %get3A_1206, %gather3A_1196 : vector<16xf32>
          %swap3A_1208 = arith.constant 1 : i32
          %swap3A_1209 = arith.index_cast %swap3A_1208 : i32 to index
          %swap3A_1210 = arith.index_cast %add3A_1200 : i32 to index
          %swap3A_1211 = arith.constant 0 : index
          %swap3A_1212 = tpu.vector_load %arg11[%swap3A_1209, %swap3A_1210, %swap3A_1211] {strides = array<i32>} : memref<3x128x64xf32, #tpu.memory_space<vmem>>, vector<1x1x16xf32>,
          %swap3A_1213 = vector.shape_cast %swap3A_1212 : vector<1x1x16xf32> to vector<16xf32>
          %swap3A_1214 = vector.shape_cast %mul3A_1207 : vector<16xf32> to vector<1x1x16xf32>
          tpu.vector_store %arg11[%swap3A_1209, %swap3A_1210, %swap3A_1211], %swap3A_1214 {strides = array<i32>} : memref<3x128x64xf32, #tpu.memory_space<vmem>>, vector<1x1x16xf32>,
          %get3A_1215 = arith.constant 1 : i32
          %get3A_1216 = arith.index_cast %get3A_1215 : i32 to index
          %get3A_1217 = arith.index_cast %add3A_1200 : i32 to index
          %get3A_1218 = arith.constant 16 : index
          %get3A_1219 = tpu.vector_load %arg10[%get3A_1216, %get3A_1217, %get3A_1218] {strides = array<i32>} : memref<3x128x64xf32, #tpu.memory_space<vmem>>, vector<1x1x16xf32>,
          %get3A_1220 = vector.shape_cast %get3A_1219 : vector<1x1x16xf32> to vector<16xf32>
          %mul3A_1221 = arith.mulf %get3A_1220, %gather3A_1196 : vector<16xf32>
          %swap3A_1222 = arith.constant 1 : i32
          %swap3A_1223 = arith.index_cast %swap3A_1222 : i32 to index
          %swap3A_1224 = arith.index_cast %add3A_1200 : i32 to index
          %swap3A_1225 = arith.constant 16 : index
          %swap3A_1226 = tpu.vector_load %arg11[%swap3A_1223, %swap3A_1224, %swap3A_1225] {strides = array<i32>} : memref<3x128x64xf32, #tpu.memory_space<vmem>>, vector<1x1x16xf32>,
          %swap3A_1227 = vector.shape_cast %swap3A_1226 : vector<1x1x16xf32> to vector<16xf32>
          %swap3A_1228 = vector.shape_cast %mul3A_1221 : vector<16xf32> to vector<1x1x16xf32>
          tpu.vector_store %arg11[%swap3A_1223, %swap3A_1224, %swap3A_1225], %swap3A_1228 {strides = array<i32>} : memref<3x128x64xf32, #tpu.memory_space<vmem>>, vector<1x1x16xf32>,
          %get3A_1229 = arith.constant 1 : i32
          %get3A_1230 = arith.index_cast %get3A_1229 : i32 to index
          %get3A_1231 = arith.index_cast %add3A_1200 : i32 to index
          %get3A_1232 = arith.constant 32 : index
          %get3A_1233 = tpu.vector_load %arg10[%get3A_1230, %get3A_1231, %get3A_1232] {strides = array<i32>} : memref<3x128x64xf32, #tpu.memory_space<vmem>>, vector<1x1x16xf32>,
          %get3A_1234 = vector.shape_cast %get3A_1233 : vector<1x1x16xf32> to vector<16xf32>
          %mul3A_1235 = arith.mulf %get3A_1234, %gather3A_1196 : vector<16xf32>
          %swap3A_1236 = arith.constant 1 : i32
          %swap3A_1237 = arith.index_cast %swap3A_1236 : i32 to index
          %swap3A_1238 = arith.index_cast %add3A_1200 : i32 to index
          %swap3A_1239 = arith.constant 32 : index
          %swap3A_1240 = tpu.vector_load %arg11[%swap3A_1237, %swap3A_1238, %swap3A_1239] {strides = array<i32>} : memref<3x128x64xf32, #tpu.memory_space<vmem>>, vector<1x1x16xf32>,
          %swap3A_1241 = vector.shape_cast %swap3A_1240 : vector<1x1x16xf32> to vector<16xf32>
          %swap3A_1242 = vector.shape_cast %mul3A_1235 : vector<16xf32> to vector<1x1x16xf32>
          tpu.vector_store %arg11[%swap3A_1237, %swap3A_1238, %swap3A_1239], %swap3A_1242 {strides = array<i32>} : memref<3x128x64xf32, #tpu.memory_space<vmem>>, vector<1x1x16xf32>,
          %get3A_1243 = arith.constant 1 : i32
          %get3A_1244 = arith.index_cast %get3A_1243 : i32 to index
          %get3A_1245 = arith.index_cast %add3A_1200 : i32 to index
          %get3A_1246 = arith.constant 48 : index
          %get3A_1247 = tpu.vector_load %arg10[%get3A_1244, %get3A_1245, %get3A_1246] {strides = array<i32>} : memref<3x128x64xf32, #tpu.memory_space<vmem>>, vector<1x1x16xf32>,
          %get3A_1248 = vector.shape_cast %get3A_1247 : vector<1x1x16xf32> to vector<16xf32>
          %mul3A_1249 = arith.mulf %get3A_1248, %gather3A_1196 : vector<16xf32>
          %swap3A_1250 = arith.constant 1 : i32
          %swap3A_1251 = arith.index_cast %swap3A_1250 : i32 to index
          %swap3A_1252 = arith.index_cast %add3A_1200 : i32 to index
          %swap3A_1253 = arith.constant 48 : index
          %swap3A_1254 = tpu.vector_load %arg11[%swap3A_1251, %swap3A_1252, %swap3A_1253] {strides = array<i32>} : memref<3x128x64xf32, #tpu.memory_space<vmem>>, vector<1x1x16xf32>,
          %swap3A_1255 = vector.shape_cast %swap3A_1254 : vector<1x1x16xf32> to vector<16xf32>
          %swap3A_1256 = vector.shape_cast %mul3A_1249 : vector<16xf32> to vector<1x1x16xf32>
          tpu.vector_store %arg11[%swap3A_1251, %swap3A_1252, %swap3A_1253], %swap3A_1256 {strides = array<i32>} : memref<3x128x64xf32, #tpu.memory_space<vmem>>, vector<1x1x16xf32>,
          %broadcast_in_dim3A_1257 = arith.constant 14 : i32
          %broadcast_in_dim3A_1258 = vector.broadcast %broadcast_in_dim3A_1257 : i32 to vector<16x1xi32>
          %gather3A_1259 = vector.shape_cast %broadcast_in_dim3A_1258 : vector<16x1xi32> to vector<16xi32>
          %gather3A_1260 = tpu.dynamic_gather %get3A_362[%gather3A_1259] in [0] : vector<16xf32>, vector<16xi32> -> vector<16xf32>
          %mul3A_1261 = arith.constant 16 : i32
          %mul3A_1262 = arith.muli %scan3A_354, %mul3A_1261 : i32
          %add3A_1263 = arith.constant 14 : i32
          %add3A_1264 = arith.addi %mul3A_1262, %add3A_1263 : i32
          %get3A_1265 = arith.constant 1 : i32
          %get3A_1266 = arith.index_cast %get3A_1265 : i32 to index
          %get3A_1267 = arith.index_cast %add3A_1264 : i32 to index
          %get3A_1268 = arith.constant 0 : index
          %get3A_1269 = tpu.vector_load %arg10[%get3A_1266, %get3A_1267, %get3A_1268] {strides = array<i32>} : memref<3x128x64xf32, #tpu.memory_space<vmem>>, vector<1x1x16xf32>,
          %get3A_1270 = vector.shape_cast %get3A_1269 : vector<1x1x16xf32> to vector<16xf32>
          %mul3A_1271 = arith.mulf %get3A_1270, %gather3A_1260 : vector<16xf32>
          %swap3A_1272 = arith.constant 1 : i32
          %swap3A_1273 = arith.index_cast %swap3A_1272 : i32 to index
          %swap3A_1274 = arith.index_cast %add3A_1264 : i32 to index
          %swap3A_1275 = arith.constant 0 : index
          %swap3A_1276 = tpu.vector_load %arg11[%swap3A_1273, %swap3A_1274, %swap3A_1275] {strides = array<i32>} : memref<3x128x64xf32, #tpu.memory_space<vmem>>, vector<1x1x16xf32>,
          %swap3A_1277 = vector.shape_cast %swap3A_1276 : vector<1x1x16xf32> to vector<16xf32>
          %swap3A_1278 = vector.shape_cast %mul3A_1271 : vector<16xf32> to vector<1x1x16xf32>
          tpu.vector_store %arg11[%swap3A_1273, %swap3A_1274, %swap3A_1275], %swap3A_1278 {strides = array<i32>} : memref<3x128x64xf32, #tpu.memory_space<vmem>>, vector<1x1x16xf32>,
          %get3A_1279 = arith.constant 1 : i32
          %get3A_1280 = arith.index_cast %get3A_1279 : i32 to index
          %get3A_1281 = arith.index_cast %add3A_1264 : i32 to index
          %get3A_1282 = arith.constant 16 : index
          %get3A_1283 = tpu.vector_load %arg10[%get3A_1280, %get3A_1281, %get3A_1282] {strides = array<i32>} : memref<3x128x64xf32, #tpu.memory_space<vmem>>, vector<1x1x16xf32>,
          %get3A_1284 = vector.shape_cast %get3A_1283 : vector<1x1x16xf32> to vector<16xf32>
          %mul3A_1285 = arith.mulf %get3A_1284, %gather3A_1260 : vector<16xf32>
          %swap3A_1286 = arith.constant 1 : i32
          %swap3A_1287 = arith.index_cast %swap3A_1286 : i32 to index
          %swap3A_1288 = arith.index_cast %add3A_1264 : i32 to index
          %swap3A_1289 = arith.constant 16 : index
          %swap3A_1290 = tpu.vector_load %arg11[%swap3A_1287, %swap3A_1288, %swap3A_1289] {strides = array<i32>} : memref<3x128x64xf32, #tpu.memory_space<vmem>>, vector<1x1x16xf32>,
          %swap3A_1291 = vector.shape_cast %swap3A_1290 : vector<1x1x16xf32> to vector<16xf32>
          %swap3A_1292 = vector.shape_cast %mul3A_1285 : vector<16xf32> to vector<1x1x16xf32>
          tpu.vector_store %arg11[%swap3A_1287, %swap3A_1288, %swap3A_1289], %swap3A_1292 {strides = array<i32>} : memref<3x128x64xf32, #tpu.memory_space<vmem>>, vector<1x1x16xf32>,
          %get3A_1293 = arith.constant 1 : i32
          %get3A_1294 = arith.index_cast %get3A_1293 : i32 to index
          %get3A_1295 = arith.index_cast %add3A_1264 : i32 to index
          %get3A_1296 = arith.constant 32 : index
          %get3A_1297 = tpu.vector_load %arg10[%get3A_1294, %get3A_1295, %get3A_1296] {strides = array<i32>} : memref<3x128x64xf32, #tpu.memory_space<vmem>>, vector<1x1x16xf32>,
          %get3A_1298 = vector.shape_cast %get3A_1297 : vector<1x1x16xf32> to vector<16xf32>
          %mul3A_1299 = arith.mulf %get3A_1298, %gather3A_1260 : vector<16xf32>
          %swap3A_1300 = arith.constant 1 : i32
          %swap3A_1301 = arith.index_cast %swap3A_1300 : i32 to index
          %swap3A_1302 = arith.index_cast %add3A_1264 : i32 to index
          %swap3A_1303 = arith.constant 32 : index
          %swap3A_1304 = tpu.vector_load %arg11[%swap3A_1301, %swap3A_1302, %swap3A_1303] {strides = array<i32>} : memref<3x128x64xf32, #tpu.memory_space<vmem>>, vector<1x1x16xf32>,
          %swap3A_1305 = vector.shape_cast %swap3A_1304 : vector<1x1x16xf32> to vector<16xf32>
          %swap3A_1306 = vector.shape_cast %mul3A_1299 : vector<16xf32> to vector<1x1x16xf32>
          tpu.vector_store %arg11[%swap3A_1301, %swap3A_1302, %swap3A_1303], %swap3A_1306 {strides = array<i32>} : memref<3x128x64xf32, #tpu.memory_space<vmem>>, vector<1x1x16xf32>,
          %get3A_1307 = arith.constant 1 : i32
          %get3A_1308 = arith.index_cast %get3A_1307 : i32 to index
          %get3A_1309 = arith.index_cast %add3A_1264 : i32 to index
          %get3A_1310 = arith.constant 48 : index
          %get3A_1311 = tpu.vector_load %arg10[%get3A_1308, %get3A_1309, %get3A_1310] {strides = array<i32>} : memref<3x128x64xf32, #tpu.memory_space<vmem>>, vector<1x1x16xf32>,
          %get3A_1312 = vector.shape_cast %get3A_1311 : vector<1x1x16xf32> to vector<16xf32>
          %mul3A_1313 = arith.mulf %get3A_1312, %gather3A_1260 : vector<16xf32>
          %swap3A_1314 = arith.constant 1 : i32
          %swap3A_1315 = arith.index_cast %swap3A_1314 : i32 to index
          %swap3A_1316 = arith.index_cast %add3A_1264 : i32 to index
          %swap3A_1317 = arith.constant 48 : index
          %swap3A_1318 = tpu.vector_load %arg11[%swap3A_1315, %swap3A_1316, %swap3A_1317] {strides = array<i32>} : memref<3x128x64xf32, #tpu.memory_space<vmem>>, vector<1x1x16xf32>,
          %swap3A_1319 = vector.shape_cast %swap3A_1318 : vector<1x1x16xf32> to vector<16xf32>
          %swap3A_1320 = vector.shape_cast %mul3A_1313 : vector<16xf32> to vector<1x1x16xf32>
          tpu.vector_store %arg11[%swap3A_1315, %swap3A_1316, %swap3A_1317], %swap3A_1320 {strides = array<i32>} : memref<3x128x64xf32, #tpu.memory_space<vmem>>, vector<1x1x16xf32>,
          %broadcast_in_dim3A_1321 = arith.constant 15 : i32
          %broadcast_in_dim3A_1322 = vector.broadcast %broadcast_in_dim3A_1321 : i32 to vector<16x1xi32>
          %gather3A_1323 = vector.shape_cast %broadcast_in_dim3A_1322 : vector<16x1xi32> to vector<16xi32>
          %gather3A_1324 = tpu.dynamic_gather %get3A_362[%gather3A_1323] in [0] : vector<16xf32>, vector<16xi32> -> vector<16xf32>
          %mul3A_1325 = arith.constant 16 : i32
          %mul3A_1326 = arith.muli %scan3A_354, %mul3A_1325 : i32
          %add3A_1327 = arith.constant 15 : i32
          %add3A_1328 = arith.addi %mul3A_1326, %add3A_1327 : i32
          %get3A_1329 = arith.constant 1 : i32
          %get3A_1330 = arith.index_cast %get3A_1329 : i32 to index
          %get3A_1331 = arith.index_cast %add3A_1328 : i32 to index
          %get3A_1332 = arith.constant 0 : index
          %get3A_1333 = tpu.vector_load %arg10[%get3A_1330, %get3A_1331, %get3A_1332] {strides = array<i32>} : memref<3x128x64xf32, #tpu.memory_space<vmem>>, vector<1x1x16xf32>,
          %get3A_1334 = vector.shape_cast %get3A_1333 : vector<1x1x16xf32> to vector<16xf32>
          %mul3A_1335 = arith.mulf %get3A_1334, %gather3A_1324 : vector<16xf32>
          %swap3A_1336 = arith.constant 1 : i32
          %swap3A_1337 = arith.index_cast %swap3A_1336 : i32 to index
          %swap3A_1338 = arith.index_cast %add3A_1328 : i32 to index
          %swap3A_1339 = arith.constant 0 : index
          %swap3A_1340 = tpu.vector_load %arg11[%swap3A_1337, %swap3A_1338, %swap3A_1339] {strides = array<i32>} : memref<3x128x64xf32, #tpu.memory_space<vmem>>, vector<1x1x16xf32>,
          %swap3A_1341 = vector.shape_cast %swap3A_1340 : vector<1x1x16xf32> to vector<16xf32>
          %swap3A_1342 = vector.shape_cast %mul3A_1335 : vector<16xf32> to vector<1x1x16xf32>
          tpu.vector_store %arg11[%swap3A_1337, %swap3A_1338, %swap3A_1339], %swap3A_1342 {strides = array<i32>} : memref<3x128x64xf32, #tpu.memory_space<vmem>>, vector<1x1x16xf32>,
          %get3A_1343 = arith.constant 1 : i32
          %get3A_1344 = arith.index_cast %get3A_1343 : i32 to index
          %get3A_1345 = arith.index_cast %add3A_1328 : i32 to index
          %get3A_1346 = arith.constant 16 : index
          %get3A_1347 = tpu.vector_load %arg10[%get3A_1344, %get3A_1345, %get3A_1346] {strides = array<i32>} : memref<3x128x64xf32, #tpu.memory_space<vmem>>, vector<1x1x16xf32>,
          %get3A_1348 = vector.shape_cast %get3A_1347 : vector<1x1x16xf32> to vector<16xf32>
          %mul3A_1349 = arith.mulf %get3A_1348, %gather3A_1324 : vector<16xf32>
          %swap3A_1350 = arith.constant 1 : i32
          %swap3A_1351 = arith.index_cast %swap3A_1350 : i32 to index
          %swap3A_1352 = arith.index_cast %add3A_1328 : i32 to index
          %swap3A_1353 = arith.constant 16 : index
          %swap3A_1354 = tpu.vector_load %arg11[%swap3A_1351, %swap3A_1352, %swap3A_1353] {strides = array<i32>} : memref<3x128x64xf32, #tpu.memory_space<vmem>>, vector<1x1x16xf32>,
          %swap3A_1355 = vector.shape_cast %swap3A_1354 : vector<1x1x16xf32> to vector<16xf32>
          %swap3A_1356 = vector.shape_cast %mul3A_1349 : vector<16xf32> to vector<1x1x16xf32>
          tpu.vector_store %arg11[%swap3A_1351, %swap3A_1352, %swap3A_1353], %swap3A_1356 {strides = array<i32>} : memref<3x128x64xf32, #tpu.memory_space<vmem>>, vector<1x1x16xf32>,
          %get3A_1357 = arith.constant 1 : i32
          %get3A_1358 = arith.index_cast %get3A_1357 : i32 to index
          %get3A_1359 = arith.index_cast %add3A_1328 : i32 to index
          %get3A_1360 = arith.constant 32 : index
          %get3A_1361 = tpu.vector_load %arg10[%get3A_1358, %get3A_1359, %get3A_1360] {strides = array<i32>} : memref<3x128x64xf32, #tpu.memory_space<vmem>>, vector<1x1x16xf32>,
          %get3A_1362 = vector.shape_cast %get3A_1361 : vector<1x1x16xf32> to vector<16xf32>
          %mul3A_1363 = arith.mulf %get3A_1362, %gather3A_1324 : vector<16xf32>
          %swap3A_1364 = arith.constant 1 : i32
          %swap3A_1365 = arith.index_cast %swap3A_1364 : i32 to index
          %swap3A_1366 = arith.index_cast %add3A_1328 : i32 to index
          %swap3A_1367 = arith.constant 32 : index
          %swap3A_1368 = tpu.vector_load %arg11[%swap3A_1365, %swap3A_1366, %swap3A_1367] {strides = array<i32>} : memref<3x128x64xf32, #tpu.memory_space<vmem>>, vector<1x1x16xf32>,
          %swap3A_1369 = vector.shape_cast %swap3A_1368 : vector<1x1x16xf32> to vector<16xf32>
          %swap3A_1370 = vector.shape_cast %mul3A_1363 : vector<16xf32> to vector<1x1x16xf32>
          tpu.vector_store %arg11[%swap3A_1365, %swap3A_1366, %swap3A_1367], %swap3A_1370 {strides = array<i32>} : memref<3x128x64xf32, #tpu.memory_space<vmem>>, vector<1x1x16xf32>,
          %get3A_1371 = arith.constant 1 : i32
          %get3A_1372 = arith.index_cast %get3A_1371 : i32 to index
          %get3A_1373 = arith.index_cast %add3A_1328 : i32 to index
          %get3A_1374 = arith.constant 48 : index
          %get3A_1375 = tpu.vector_load %arg10[%get3A_1372, %get3A_1373, %get3A_1374] {strides = array<i32>} : memref<3x128x64xf32, #tpu.memory_space<vmem>>, vector<1x1x16xf32>,
          %get3A_1376 = vector.shape_cast %get3A_1375 : vector<1x1x16xf32> to vector<16xf32>
          %mul3A_1377 = arith.mulf %get3A_1376, %gather3A_1324 : vector<16xf32>
          %swap3A_1378 = arith.constant 1 : i32
          %swap3A_1379 = arith.index_cast %swap3A_1378 : i32 to index
          %swap3A_1380 = arith.index_cast %add3A_1328 : i32 to index
          %swap3A_1381 = arith.constant 48 : index
          %swap3A_1382 = tpu.vector_load %arg11[%swap3A_1379, %swap3A_1380, %swap3A_1381] {strides = array<i32>} : memref<3x128x64xf32, #tpu.memory_space<vmem>>, vector<1x1x16xf32>,
          %swap3A_1383 = vector.shape_cast %swap3A_1382 : vector<1x1x16xf32> to vector<16xf32>
          %swap3A_1384 = vector.shape_cast %mul3A_1377 : vector<16xf32> to vector<1x1x16xf32>
          tpu.vector_store %arg11[%swap3A_1379, %swap3A_1380, %swap3A_1381], %swap3A_1384 {strides = array<i32>} : memref<3x128x64xf32, #tpu.memory_space<vmem>>, vector<1x1x16xf32>,
          %scan3A_1385 = arith.constant 0 : i32
          scf.yield %scan3A_1385 : i32
        }
        %scan3A_280 = arith.constant 8 : i32
        %mul3A_281 = arith.constant 128 : i32
        %mul3A_282 = arith.muli %add3A_254, %mul3A_281 : i32
        %dma_start3A_283 = arith.constant 1 : i32
        %dma_start3A_284 = arith.constant 1 : i32
        %dma_start3A_285 = arith.constant 0 : i32
        %dma_start3A_286 = arith.constant 0 : i32
        %dma_start3A_287 = tpu.memref_slice %arg11[%dma_start3A_283, %dma_start3A_285, %dma_start3A_286] : memref<3x128x64xf32, #tpu.memory_space<vmem>> -> memref<1x128x64xf32, #tpu.memory_space<vmem>>
        %dma_start3A_288 = tpu.memref_squeeze %dma_start3A_287 : memref<1x128x64xf32, #tpu.memory_space<vmem>> -> memref<128x64xf32, #tpu.memory_space<vmem>>
        %dma_start3A_289 = tpu.memref_slice %arg7[%mul3A_282] : memref<8448xi32, #tpu.memory_space<vmem>> -> memref<128xi32, #tpu.memory_space<vmem>>
        %dma_start3A_290 = arith.constant 0 : i32
        %dma_start3A_291 = arith.constant 0 : i32
        %dma_start3A_292 = tpu.memref_slice %arg13[%dma_start3A_290, %dma_start3A_291] : memref<8192x64xf32, #tpu.memory_space<vmem_shared>> -> memref<8192x64xf32, #tpu.memory_space<vmem_shared>>
        %dma_start3A_293 = tpu.memref_slice %arg15[%dma_start3A_284] : memref<3x!tpu.dma_semaphore, #tpu.memory_space<semaphore_mem>> -> memref<1x!tpu.dma_semaphore, #tpu.memory_space<semaphore_mem>>
        %dma_start3A_294 = tpu.memref_squeeze %dma_start3A_293 : memref<1x!tpu.dma_semaphore, #tpu.memory_space<semaphore_mem>> -> memref<!tpu.dma_semaphore, #tpu.memory_space<semaphore_mem>>
        tpu.enqueue_indirect_dma source(%dma_start3A_288 : memref<128x64xf32, #tpu.memory_space<vmem>>) target(%dma_start3A_292 : memref<8192x64xf32, #tpu.memory_space<vmem_shared>>) offsets(%dma_start3A_289 : memref<128xi32, #tpu.memory_space<vmem>>) semaphore(%dma_start3A_294 : memref<!tpu.dma_semaphore, #tpu.memory_space<semaphore_mem>>) {add = true}
        %add3A_295 = arith.constant 3 : i32
        %add3A_296 = arith.addi %add3A_254, %add3A_295 : i32
        %lt3A_297 = arith.constant 66 : i32
        %lt3A_298 = arith.cmpi slt, %add3A_296, %lt3A_297 : i32
        %convert_element_type3A_299 = arith.extui %lt3A_298 : i1 to i32
        %cond3A_300 = arith.constant 0 : i32
        %cond3A_301 = arith.cmpi ne, %convert_element_type3A_299, %cond3A_300 : i32
        scf.if %cond3A_301 {
          %add3A_354 = arith.constant 3 : i32
          %add3A_355 = arith.addi %add3A_254, %add3A_354 : i32
          %mul3A_356 = arith.constant 128 : i32
          %mul3A_357 = arith.muli %add3A_355, %mul3A_356 : i32
          %dma_start3A_358 = arith.constant 1 : i32
          %dma_start3A_359 = arith.constant 1 : i32
          %dma_start3A_360 = arith.constant 0 : i32
          %dma_start3A_361 = arith.constant 0 : i32
          %dma_start3A_362 = tpu.memref_slice %arg10[%dma_start3A_358, %dma_start3A_360, %dma_start3A_361] : memref<3x128x64xf32, #tpu.memory_space<vmem>> -> memref<1x128x64xf32, #tpu.memory_space<vmem>>
          %dma_start3A_363 = tpu.memref_squeeze %dma_start3A_362 : memref<1x128x64xf32, #tpu.memory_space<vmem>> -> memref<128x64xf32, #tpu.memory_space<vmem>>
          %dma_start3A_364 = tpu.memref_slice %arg8[%mul3A_357] : memref<8448xi32, #tpu.memory_space<vmem>> -> memref<128xi32, #tpu.memory_space<vmem>>
          %dma_start3A_365 = arith.constant 0 : i32
          %dma_start3A_366 = arith.constant 0 : i32
          %dma_start3A_367 = tpu.memref_slice %arg2[%dma_start3A_365, %dma_start3A_366] : memref<262144x64xf32, #tpu.memory_space<hbm>> -> memref<262144x64xf32, #tpu.memory_space<hbm>>
          %dma_start3A_368 = tpu.memref_slice %arg14[%dma_start3A_359] : memref<3x!tpu.dma_semaphore, #tpu.memory_space<semaphore_mem>> -> memref<1x!tpu.dma_semaphore, #tpu.memory_space<semaphore_mem>>
          %dma_start3A_369 = tpu.memref_squeeze %dma_start3A_368 : memref<1x!tpu.dma_semaphore, #tpu.memory_space<semaphore_mem>> -> memref<!tpu.dma_semaphore, #tpu.memory_space<semaphore_mem>>
          tpu.enqueue_indirect_dma source(%dma_start3A_367 : memref<262144x64xf32, #tpu.memory_space<hbm>>) target(%dma_start3A_363 : memref<128x64xf32, #tpu.memory_space<vmem>>) offsets(%dma_start3A_364 : memref<128xi32, #tpu.memory_space<vmem>>) semaphore(%dma_start3A_369 : memref<!tpu.dma_semaphore, #tpu.memory_space<semaphore_mem>>)
        } else {
        }
        %mul3A_302 = arith.constant 3 : i32
        %mul3A_303 = arith.muli %scan3A_199, %mul3A_302 : i32
        %add3A_304 = arith.constant 2 : i32
        %add3A_305 = arith.addi %mul3A_303, %add3A_304 : i32
        %mul3A_306 = arith.constant 128 : i32
        %mul3A_307 = arith.muli %add3A_305, %mul3A_306 : i32
        %dma_wait3A_308 = arith.constant 2 : i32
        %dma_wait3A_309 = arith.constant 2 : i32
        %dma_wait3A_310 = arith.constant 0 : i32
        %dma_wait3A_311 = arith.constant 0 : i32
        %dma_wait3A_312 = tpu.memref_slice %arg10[%dma_wait3A_308, %dma_wait3A_310, %dma_wait3A_311] : memref<3x128x64xf32, #tpu.memory_space<vmem>> -> memref<1x128x64xf32, #tpu.memory_space<vmem>>
        %dma_wait3A_313 = tpu.memref_squeeze %dma_wait3A_312 : memref<1x128x64xf32, #tpu.memory_space<vmem>> -> memref<128x64xf32, #tpu.memory_space<vmem>>
        %dma_wait3A_314 = tpu.memref_slice %arg8[%mul3A_307] : memref<8448xi32, #tpu.memory_space<vmem>> -> memref<128xi32, #tpu.memory_space<vmem>>
        %dma_wait3A_315 = arith.constant 0 : i32
        %dma_wait3A_316 = arith.constant 0 : i32
        %dma_wait3A_317 = tpu.memref_slice %arg2[%dma_wait3A_315, %dma_wait3A_316] : memref<262144x64xf32, #tpu.memory_space<hbm>> -> memref<262144x64xf32, #tpu.memory_space<hbm>>
        %dma_wait3A_318 = tpu.memref_slice %arg14[%dma_wait3A_309] : memref<3x!tpu.dma_semaphore, #tpu.memory_space<semaphore_mem>> -> memref<1x!tpu.dma_semaphore, #tpu.memory_space<semaphore_mem>>
        %dma_wait3A_319 = tpu.memref_squeeze %dma_wait3A_318 : memref<1x!tpu.dma_semaphore, #tpu.memory_space<semaphore_mem>> -> memref<!tpu.dma_semaphore, #tpu.memory_space<semaphore_mem>>
        tpu.wait_indirect_dma semaphore(%dma_wait3A_319 : memref<!tpu.dma_semaphore, #tpu.memory_space<semaphore_mem>>) src(%dma_wait3A_317 : memref<262144x64xf32, #tpu.memory_space<hbm>>) dst(%dma_wait3A_313 : memref<128x64xf32, #tpu.memory_space<vmem>>)
        %ge3A_320 = arith.constant 3 : i32
        %ge3A_321 = arith.cmpi sge, %add3A_305, %ge3A_320 : i32
        %convert_element_type3A_322 = arith.extui %ge3A_321 : i1 to i32
        %cond3A_323 = arith.constant 0 : i32
        %cond3A_324 = arith.cmpi ne, %convert_element_type3A_322, %cond3A_323 : i32
        scf.if %cond3A_324 {
          %mul3A_354 = arith.constant 128 : i32
          %mul3A_355 = arith.muli %add3A_305, %mul3A_354 : i32
          %dma_wait3A_356 = arith.constant 2 : i32
          %dma_wait3A_357 = arith.constant 2 : i32
          %dma_wait3A_358 = arith.constant 0 : i32
          %dma_wait3A_359 = arith.constant 0 : i32
          %dma_wait3A_360 = tpu.memref_slice %arg11[%dma_wait3A_356, %dma_wait3A_358, %dma_wait3A_359] : memref<3x128x64xf32, #tpu.memory_space<vmem>> -> memref<1x128x64xf32, #tpu.memory_space<vmem>>
          %dma_wait3A_361 = tpu.memref_squeeze %dma_wait3A_360 : memref<1x128x64xf32, #tpu.memory_space<vmem>> -> memref<128x64xf32, #tpu.memory_space<vmem>>
          %dma_wait3A_362 = tpu.memref_slice %arg7[%mul3A_355] : memref<8448xi32, #tpu.memory_space<vmem>> -> memref<128xi32, #tpu.memory_space<vmem>>
          %dma_wait3A_363 = arith.constant 0 : i32
          %dma_wait3A_364 = arith.constant 0 : i32
          %dma_wait3A_365 = tpu.memref_slice %arg13[%dma_wait3A_363, %dma_wait3A_364] : memref<8192x64xf32, #tpu.memory_space<vmem_shared>> -> memref<8192x64xf32, #tpu.memory_space<vmem_shared>>
          %dma_wait3A_366 = tpu.memref_slice %arg15[%dma_wait3A_357] : memref<3x!tpu.dma_semaphore, #tpu.memory_space<semaphore_mem>> -> memref<1x!tpu.dma_semaphore, #tpu.memory_space<semaphore_mem>>
          %dma_wait3A_367 = tpu.memref_squeeze %dma_wait3A_366 : memref<1x!tpu.dma_semaphore, #tpu.memory_space<semaphore_mem>> -> memref<!tpu.dma_semaphore, #tpu.memory_space<semaphore_mem>>
          tpu.wait_indirect_dma semaphore(%dma_wait3A_367 : memref<!tpu.dma_semaphore, #tpu.memory_space<semaphore_mem>>) src(%dma_wait3A_361 : memref<128x64xf32, #tpu.memory_space<vmem>>) dst(%dma_wait3A_365 : memref<8192x64xf32, #tpu.memory_space<vmem_shared>>)
        } else {
        }
        %scan3A_325 = arith.constant 0 : i32
        %scan3A_326 = arith.constant 0 : i32
        %scan3A_327 = arith.constant 8 : i32
        %scan3A_328 = arith.addi %scan3A_326, %scan3A_327 : i32
        %scan3A_329 = arith.constant 1 : i32
        %scan3A_330 = scf.for %scan3A_354 = %scan3A_326 to %scan3A_328 step %scan3A_329 iter_args(%scan3A_355 = %scan3A_325) -> (i32)  : i32 {
          %mul3A_356 = arith.constant 128 : i32
          %mul3A_357 = arith.muli %add3A_305, %mul3A_356 : i32
          %mul3A_358 = arith.constant 16 : i32
          %mul3A_359 = arith.muli %scan3A_354, %mul3A_358 : i32
          %add3A_360 = arith.addi %mul3A_357, %mul3A_359 : i32
          %get3A = arith.index_cast %add3A_360 : i32 to index
          %get3A_361 = tpu.vector_load %arg9[%get3A] {strides = array<i32>} : memref<8448xf32, #tpu.memory_space<vmem>>, vector<16xf32>,
          %get3A_362 = vector.shape_cast %get3A_361 : vector<16xf32> to vector<16xf32>
          %broadcast_in_dim3A_363 = arith.constant 0 : i32
          %broadcast_in_dim3A_364 = vector.broadcast %broadcast_in_dim3A_363 : i32 to vector<16x1xi32>
          %gather3A = vector.shape_cast %broadcast_in_dim3A_364 : vector<16x1xi32> to vector<16xi32>
          %gather3A_365 = tpu.dynamic_gather %get3A_362[%gather3A] in [0] : vector<16xf32>, vector<16xi32> -> vector<16xf32>
          %mul3A_366 = arith.constant 16 : i32
          %mul3A_367 = arith.muli %scan3A_354, %mul3A_366 : i32
          %add3A_368 = arith.constant 0 : i32
          %add3A_369 = arith.addi %mul3A_367, %add3A_368 : i32
          %get3A_370 = arith.constant 2 : i32
          %get3A_371 = arith.index_cast %get3A_370 : i32 to index
          %get3A_372 = arith.index_cast %add3A_369 : i32 to index
          %get3A_373 = arith.constant 0 : index
          %get3A_374 = tpu.vector_load %arg10[%get3A_371, %get3A_372, %get3A_373] {strides = array<i32>} : memref<3x128x64xf32, #tpu.memory_space<vmem>>, vector<1x1x16xf32>,
          %get3A_375 = vector.shape_cast %get3A_374 : vector<1x1x16xf32> to vector<16xf32>
          %mul3A_376 = arith.mulf %get3A_375, %gather3A_365 : vector<16xf32>
          %swap3A = arith.constant 2 : i32
          %swap3A_377 = arith.index_cast %swap3A : i32 to index
          %swap3A_378 = arith.index_cast %add3A_369 : i32 to index
          %swap3A_379 = arith.constant 0 : index
          %swap3A_380 = tpu.vector_load %arg11[%swap3A_377, %swap3A_378, %swap3A_379] {strides = array<i32>} : memref<3x128x64xf32, #tpu.memory_space<vmem>>, vector<1x1x16xf32>,
          %swap3A_381 = vector.shape_cast %swap3A_380 : vector<1x1x16xf32> to vector<16xf32>
          %swap3A_382 = vector.shape_cast %mul3A_376 : vector<16xf32> to vector<1x1x16xf32>
          tpu.vector_store %arg11[%swap3A_377, %swap3A_378, %swap3A_379], %swap3A_382 {strides = array<i32>} : memref<3x128x64xf32, #tpu.memory_space<vmem>>, vector<1x1x16xf32>,
          %get3A_383 = arith.constant 2 : i32
          %get3A_384 = arith.index_cast %get3A_383 : i32 to index
          %get3A_385 = arith.index_cast %add3A_369 : i32 to index
          %get3A_386 = arith.constant 16 : index
          %get3A_387 = tpu.vector_load %arg10[%get3A_384, %get3A_385, %get3A_386] {strides = array<i32>} : memref<3x128x64xf32, #tpu.memory_space<vmem>>, vector<1x1x16xf32>,
          %get3A_388 = vector.shape_cast %get3A_387 : vector<1x1x16xf32> to vector<16xf32>
          %mul3A_389 = arith.mulf %get3A_388, %gather3A_365 : vector<16xf32>
          %swap3A_390 = arith.constant 2 : i32
          %swap3A_391 = arith.index_cast %swap3A_390 : i32 to index
          %swap3A_392 = arith.index_cast %add3A_369 : i32 to index
          %swap3A_393 = arith.constant 16 : index
          %swap3A_394 = tpu.vector_load %arg11[%swap3A_391, %swap3A_392, %swap3A_393] {strides = array<i32>} : memref<3x128x64xf32, #tpu.memory_space<vmem>>, vector<1x1x16xf32>,
          %swap3A_395 = vector.shape_cast %swap3A_394 : vector<1x1x16xf32> to vector<16xf32>
          %swap3A_396 = vector.shape_cast %mul3A_389 : vector<16xf32> to vector<1x1x16xf32>
          tpu.vector_store %arg11[%swap3A_391, %swap3A_392, %swap3A_393], %swap3A_396 {strides = array<i32>} : memref<3x128x64xf32, #tpu.memory_space<vmem>>, vector<1x1x16xf32>,
          %get3A_397 = arith.constant 2 : i32
          %get3A_398 = arith.index_cast %get3A_397 : i32 to index
          %get3A_399 = arith.index_cast %add3A_369 : i32 to index
          %get3A_400 = arith.constant 32 : index
          %get3A_401 = tpu.vector_load %arg10[%get3A_398, %get3A_399, %get3A_400] {strides = array<i32>} : memref<3x128x64xf32, #tpu.memory_space<vmem>>, vector<1x1x16xf32>,
          %get3A_402 = vector.shape_cast %get3A_401 : vector<1x1x16xf32> to vector<16xf32>
          %mul3A_403 = arith.mulf %get3A_402, %gather3A_365 : vector<16xf32>
          %swap3A_404 = arith.constant 2 : i32
          %swap3A_405 = arith.index_cast %swap3A_404 : i32 to index
          %swap3A_406 = arith.index_cast %add3A_369 : i32 to index
          %swap3A_407 = arith.constant 32 : index
          %swap3A_408 = tpu.vector_load %arg11[%swap3A_405, %swap3A_406, %swap3A_407] {strides = array<i32>} : memref<3x128x64xf32, #tpu.memory_space<vmem>>, vector<1x1x16xf32>,
          %swap3A_409 = vector.shape_cast %swap3A_408 : vector<1x1x16xf32> to vector<16xf32>
          %swap3A_410 = vector.shape_cast %mul3A_403 : vector<16xf32> to vector<1x1x16xf32>
          tpu.vector_store %arg11[%swap3A_405, %swap3A_406, %swap3A_407], %swap3A_410 {strides = array<i32>} : memref<3x128x64xf32, #tpu.memory_space<vmem>>, vector<1x1x16xf32>,
          %get3A_411 = arith.constant 2 : i32
          %get3A_412 = arith.index_cast %get3A_411 : i32 to index
          %get3A_413 = arith.index_cast %add3A_369 : i32 to index
          %get3A_414 = arith.constant 48 : index
          %get3A_415 = tpu.vector_load %arg10[%get3A_412, %get3A_413, %get3A_414] {strides = array<i32>} : memref<3x128x64xf32, #tpu.memory_space<vmem>>, vector<1x1x16xf32>,
          %get3A_416 = vector.shape_cast %get3A_415 : vector<1x1x16xf32> to vector<16xf32>
          %mul3A_417 = arith.mulf %get3A_416, %gather3A_365 : vector<16xf32>
          %swap3A_418 = arith.constant 2 : i32
          %swap3A_419 = arith.index_cast %swap3A_418 : i32 to index
          %swap3A_420 = arith.index_cast %add3A_369 : i32 to index
          %swap3A_421 = arith.constant 48 : index
          %swap3A_422 = tpu.vector_load %arg11[%swap3A_419, %swap3A_420, %swap3A_421] {strides = array<i32>} : memref<3x128x64xf32, #tpu.memory_space<vmem>>, vector<1x1x16xf32>,
          %swap3A_423 = vector.shape_cast %swap3A_422 : vector<1x1x16xf32> to vector<16xf32>
          %swap3A_424 = vector.shape_cast %mul3A_417 : vector<16xf32> to vector<1x1x16xf32>
          tpu.vector_store %arg11[%swap3A_419, %swap3A_420, %swap3A_421], %swap3A_424 {strides = array<i32>} : memref<3x128x64xf32, #tpu.memory_space<vmem>>, vector<1x1x16xf32>,
          %broadcast_in_dim3A_425 = arith.constant 1 : i32
          %broadcast_in_dim3A_426 = vector.broadcast %broadcast_in_dim3A_425 : i32 to vector<16x1xi32>
          %gather3A_427 = vector.shape_cast %broadcast_in_dim3A_426 : vector<16x1xi32> to vector<16xi32>
          %gather3A_428 = tpu.dynamic_gather %get3A_362[%gather3A_427] in [0] : vector<16xf32>, vector<16xi32> -> vector<16xf32>
          %mul3A_429 = arith.constant 16 : i32
          %mul3A_430 = arith.muli %scan3A_354, %mul3A_429 : i32
          %add3A_431 = arith.constant 1 : i32
          %add3A_432 = arith.addi %mul3A_430, %add3A_431 : i32
          %get3A_433 = arith.constant 2 : i32
          %get3A_434 = arith.index_cast %get3A_433 : i32 to index
          %get3A_435 = arith.index_cast %add3A_432 : i32 to index
          %get3A_436 = arith.constant 0 : index
          %get3A_437 = tpu.vector_load %arg10[%get3A_434, %get3A_435, %get3A_436] {strides = array<i32>} : memref<3x128x64xf32, #tpu.memory_space<vmem>>, vector<1x1x16xf32>,
          %get3A_438 = vector.shape_cast %get3A_437 : vector<1x1x16xf32> to vector<16xf32>
          %mul3A_439 = arith.mulf %get3A_438, %gather3A_428 : vector<16xf32>
          %swap3A_440 = arith.constant 2 : i32
          %swap3A_441 = arith.index_cast %swap3A_440 : i32 to index
          %swap3A_442 = arith.index_cast %add3A_432 : i32 to index
          %swap3A_443 = arith.constant 0 : index
          %swap3A_444 = tpu.vector_load %arg11[%swap3A_441, %swap3A_442, %swap3A_443] {strides = array<i32>} : memref<3x128x64xf32, #tpu.memory_space<vmem>>, vector<1x1x16xf32>,
          %swap3A_445 = vector.shape_cast %swap3A_444 : vector<1x1x16xf32> to vector<16xf32>
          %swap3A_446 = vector.shape_cast %mul3A_439 : vector<16xf32> to vector<1x1x16xf32>
          tpu.vector_store %arg11[%swap3A_441, %swap3A_442, %swap3A_443], %swap3A_446 {strides = array<i32>} : memref<3x128x64xf32, #tpu.memory_space<vmem>>, vector<1x1x16xf32>,
          %get3A_447 = arith.constant 2 : i32
          %get3A_448 = arith.index_cast %get3A_447 : i32 to index
          %get3A_449 = arith.index_cast %add3A_432 : i32 to index
          %get3A_450 = arith.constant 16 : index
          %get3A_451 = tpu.vector_load %arg10[%get3A_448, %get3A_449, %get3A_450] {strides = array<i32>} : memref<3x128x64xf32, #tpu.memory_space<vmem>>, vector<1x1x16xf32>,
          %get3A_452 = vector.shape_cast %get3A_451 : vector<1x1x16xf32> to vector<16xf32>
          %mul3A_453 = arith.mulf %get3A_452, %gather3A_428 : vector<16xf32>
          %swap3A_454 = arith.constant 2 : i32
          %swap3A_455 = arith.index_cast %swap3A_454 : i32 to index
          %swap3A_456 = arith.index_cast %add3A_432 : i32 to index
          %swap3A_457 = arith.constant 16 : index
          %swap3A_458 = tpu.vector_load %arg11[%swap3A_455, %swap3A_456, %swap3A_457] {strides = array<i32>} : memref<3x128x64xf32, #tpu.memory_space<vmem>>, vector<1x1x16xf32>,
          %swap3A_459 = vector.shape_cast %swap3A_458 : vector<1x1x16xf32> to vector<16xf32>
          %swap3A_460 = vector.shape_cast %mul3A_453 : vector<16xf32> to vector<1x1x16xf32>
          tpu.vector_store %arg11[%swap3A_455, %swap3A_456, %swap3A_457], %swap3A_460 {strides = array<i32>} : memref<3x128x64xf32, #tpu.memory_space<vmem>>, vector<1x1x16xf32>,
          %get3A_461 = arith.constant 2 : i32
          %get3A_462 = arith.index_cast %get3A_461 : i32 to index
          %get3A_463 = arith.index_cast %add3A_432 : i32 to index
          %get3A_464 = arith.constant 32 : index
          %get3A_465 = tpu.vector_load %arg10[%get3A_462, %get3A_463, %get3A_464] {strides = array<i32>} : memref<3x128x64xf32, #tpu.memory_space<vmem>>, vector<1x1x16xf32>,
          %get3A_466 = vector.shape_cast %get3A_465 : vector<1x1x16xf32> to vector<16xf32>
          %mul3A_467 = arith.mulf %get3A_466, %gather3A_428 : vector<16xf32>
          %swap3A_468 = arith.constant 2 : i32
          %swap3A_469 = arith.index_cast %swap3A_468 : i32 to index
          %swap3A_470 = arith.index_cast %add3A_432 : i32 to index
          %swap3A_471 = arith.constant 32 : index
          %swap3A_472 = tpu.vector_load %arg11[%swap3A_469, %swap3A_470, %swap3A_471] {strides = array<i32>} : memref<3x128x64xf32, #tpu.memory_space<vmem>>, vector<1x1x16xf32>,
          %swap3A_473 = vector.shape_cast %swap3A_472 : vector<1x1x16xf32> to vector<16xf32>
          %swap3A_474 = vector.shape_cast %mul3A_467 : vector<16xf32> to vector<1x1x16xf32>
          tpu.vector_store %arg11[%swap3A_469, %swap3A_470, %swap3A_471], %swap3A_474 {strides = array<i32>} : memref<3x128x64xf32, #tpu.memory_space<vmem>>, vector<1x1x16xf32>,
          %get3A_475 = arith.constant 2 : i32
          %get3A_476 = arith.index_cast %get3A_475 : i32 to index
          %get3A_477 = arith.index_cast %add3A_432 : i32 to index
          %get3A_478 = arith.constant 48 : index
          %get3A_479 = tpu.vector_load %arg10[%get3A_476, %get3A_477, %get3A_478] {strides = array<i32>} : memref<3x128x64xf32, #tpu.memory_space<vmem>>, vector<1x1x16xf32>,
          %get3A_480 = vector.shape_cast %get3A_479 : vector<1x1x16xf32> to vector<16xf32>
          %mul3A_481 = arith.mulf %get3A_480, %gather3A_428 : vector<16xf32>
          %swap3A_482 = arith.constant 2 : i32
          %swap3A_483 = arith.index_cast %swap3A_482 : i32 to index
          %swap3A_484 = arith.index_cast %add3A_432 : i32 to index
          %swap3A_485 = arith.constant 48 : index
          %swap3A_486 = tpu.vector_load %arg11[%swap3A_483, %swap3A_484, %swap3A_485] {strides = array<i32>} : memref<3x128x64xf32, #tpu.memory_space<vmem>>, vector<1x1x16xf32>,
          %swap3A_487 = vector.shape_cast %swap3A_486 : vector<1x1x16xf32> to vector<16xf32>
          %swap3A_488 = vector.shape_cast %mul3A_481 : vector<16xf32> to vector<1x1x16xf32>
          tpu.vector_store %arg11[%swap3A_483, %swap3A_484, %swap3A_485], %swap3A_488 {strides = array<i32>} : memref<3x128x64xf32, #tpu.memory_space<vmem>>, vector<1x1x16xf32>,
          %broadcast_in_dim3A_489 = arith.constant 2 : i32
          %broadcast_in_dim3A_490 = vector.broadcast %broadcast_in_dim3A_489 : i32 to vector<16x1xi32>
          %gather3A_491 = vector.shape_cast %broadcast_in_dim3A_490 : vector<16x1xi32> to vector<16xi32>
          %gather3A_492 = tpu.dynamic_gather %get3A_362[%gather3A_491] in [0] : vector<16xf32>, vector<16xi32> -> vector<16xf32>
          %mul3A_493 = arith.constant 16 : i32
          %mul3A_494 = arith.muli %scan3A_354, %mul3A_493 : i32
          %add3A_495 = arith.constant 2 : i32
          %add3A_496 = arith.addi %mul3A_494, %add3A_495 : i32
          %get3A_497 = arith.constant 2 : i32
          %get3A_498 = arith.index_cast %get3A_497 : i32 to index
          %get3A_499 = arith.index_cast %add3A_496 : i32 to index
          %get3A_500 = arith.constant 0 : index
          %get3A_501 = tpu.vector_load %arg10[%get3A_498, %get3A_499, %get3A_500] {strides = array<i32>} : memref<3x128x64xf32, #tpu.memory_space<vmem>>, vector<1x1x16xf32>,
          %get3A_502 = vector.shape_cast %get3A_501 : vector<1x1x16xf32> to vector<16xf32>
          %mul3A_503 = arith.mulf %get3A_502, %gather3A_492 : vector<16xf32>
          %swap3A_504 = arith.constant 2 : i32
          %swap3A_505 = arith.index_cast %swap3A_504 : i32 to index
          %swap3A_506 = arith.index_cast %add3A_496 : i32 to index
          %swap3A_507 = arith.constant 0 : index
          %swap3A_508 = tpu.vector_load %arg11[%swap3A_505, %swap3A_506, %swap3A_507] {strides = array<i32>} : memref<3x128x64xf32, #tpu.memory_space<vmem>>, vector<1x1x16xf32>,
          %swap3A_509 = vector.shape_cast %swap3A_508 : vector<1x1x16xf32> to vector<16xf32>
          %swap3A_510 = vector.shape_cast %mul3A_503 : vector<16xf32> to vector<1x1x16xf32>
          tpu.vector_store %arg11[%swap3A_505, %swap3A_506, %swap3A_507], %swap3A_510 {strides = array<i32>} : memref<3x128x64xf32, #tpu.memory_space<vmem>>, vector<1x1x16xf32>,
          %get3A_511 = arith.constant 2 : i32
          %get3A_512 = arith.index_cast %get3A_511 : i32 to index
          %get3A_513 = arith.index_cast %add3A_496 : i32 to index
          %get3A_514 = arith.constant 16 : index
          %get3A_515 = tpu.vector_load %arg10[%get3A_512, %get3A_513, %get3A_514] {strides = array<i32>} : memref<3x128x64xf32, #tpu.memory_space<vmem>>, vector<1x1x16xf32>,
          %get3A_516 = vector.shape_cast %get3A_515 : vector<1x1x16xf32> to vector<16xf32>
          %mul3A_517 = arith.mulf %get3A_516, %gather3A_492 : vector<16xf32>
          %swap3A_518 = arith.constant 2 : i32
          %swap3A_519 = arith.index_cast %swap3A_518 : i32 to index
          %swap3A_520 = arith.index_cast %add3A_496 : i32 to index
          %swap3A_521 = arith.constant 16 : index
          %swap3A_522 = tpu.vector_load %arg11[%swap3A_519, %swap3A_520, %swap3A_521] {strides = array<i32>} : memref<3x128x64xf32, #tpu.memory_space<vmem>>, vector<1x1x16xf32>,
          %swap3A_523 = vector.shape_cast %swap3A_522 : vector<1x1x16xf32> to vector<16xf32>
          %swap3A_524 = vector.shape_cast %mul3A_517 : vector<16xf32> to vector<1x1x16xf32>
          tpu.vector_store %arg11[%swap3A_519, %swap3A_520, %swap3A_521], %swap3A_524 {strides = array<i32>} : memref<3x128x64xf32, #tpu.memory_space<vmem>>, vector<1x1x16xf32>,
          %get3A_525 = arith.constant 2 : i32
          %get3A_526 = arith.index_cast %get3A_525 : i32 to index
          %get3A_527 = arith.index_cast %add3A_496 : i32 to index
          %get3A_528 = arith.constant 32 : index
          %get3A_529 = tpu.vector_load %arg10[%get3A_526, %get3A_527, %get3A_528] {strides = array<i32>} : memref<3x128x64xf32, #tpu.memory_space<vmem>>, vector<1x1x16xf32>,
          %get3A_530 = vector.shape_cast %get3A_529 : vector<1x1x16xf32> to vector<16xf32>
          %mul3A_531 = arith.mulf %get3A_530, %gather3A_492 : vector<16xf32>
          %swap3A_532 = arith.constant 2 : i32
          %swap3A_533 = arith.index_cast %swap3A_532 : i32 to index
          %swap3A_534 = arith.index_cast %add3A_496 : i32 to index
          %swap3A_535 = arith.constant 32 : index
          %swap3A_536 = tpu.vector_load %arg11[%swap3A_533, %swap3A_534, %swap3A_535] {strides = array<i32>} : memref<3x128x64xf32, #tpu.memory_space<vmem>>, vector<1x1x16xf32>,
          %swap3A_537 = vector.shape_cast %swap3A_536 : vector<1x1x16xf32> to vector<16xf32>
          %swap3A_538 = vector.shape_cast %mul3A_531 : vector<16xf32> to vector<1x1x16xf32>
          tpu.vector_store %arg11[%swap3A_533, %swap3A_534, %swap3A_535], %swap3A_538 {strides = array<i32>} : memref<3x128x64xf32, #tpu.memory_space<vmem>>, vector<1x1x16xf32>,
          %get3A_539 = arith.constant 2 : i32
          %get3A_540 = arith.index_cast %get3A_539 : i32 to index
          %get3A_541 = arith.index_cast %add3A_496 : i32 to index
          %get3A_542 = arith.constant 48 : index
          %get3A_543 = tpu.vector_load %arg10[%get3A_540, %get3A_541, %get3A_542] {strides = array<i32>} : memref<3x128x64xf32, #tpu.memory_space<vmem>>, vector<1x1x16xf32>,
          %get3A_544 = vector.shape_cast %get3A_543 : vector<1x1x16xf32> to vector<16xf32>
          %mul3A_545 = arith.mulf %get3A_544, %gather3A_492 : vector<16xf32>
          %swap3A_546 = arith.constant 2 : i32
          %swap3A_547 = arith.index_cast %swap3A_546 : i32 to index
          %swap3A_548 = arith.index_cast %add3A_496 : i32 to index
          %swap3A_549 = arith.constant 48 : index
          %swap3A_550 = tpu.vector_load %arg11[%swap3A_547, %swap3A_548, %swap3A_549] {strides = array<i32>} : memref<3x128x64xf32, #tpu.memory_space<vmem>>, vector<1x1x16xf32>,
          %swap3A_551 = vector.shape_cast %swap3A_550 : vector<1x1x16xf32> to vector<16xf32>
          %swap3A_552 = vector.shape_cast %mul3A_545 : vector<16xf32> to vector<1x1x16xf32>
          tpu.vector_store %arg11[%swap3A_547, %swap3A_548, %swap3A_549], %swap3A_552 {strides = array<i32>} : memref<3x128x64xf32, #tpu.memory_space<vmem>>, vector<1x1x16xf32>,
          %broadcast_in_dim3A_553 = arith.constant 3 : i32
          %broadcast_in_dim3A_554 = vector.broadcast %broadcast_in_dim3A_553 : i32 to vector<16x1xi32>
          %gather3A_555 = vector.shape_cast %broadcast_in_dim3A_554 : vector<16x1xi32> to vector<16xi32>
          %gather3A_556 = tpu.dynamic_gather %get3A_362[%gather3A_555] in [0] : vector<16xf32>, vector<16xi32> -> vector<16xf32>
          %mul3A_557 = arith.constant 16 : i32
          %mul3A_558 = arith.muli %scan3A_354, %mul3A_557 : i32
          %add3A_559 = arith.constant 3 : i32
          %add3A_560 = arith.addi %mul3A_558, %add3A_559 : i32
          %get3A_561 = arith.constant 2 : i32
          %get3A_562 = arith.index_cast %get3A_561 : i32 to index
          %get3A_563 = arith.index_cast %add3A_560 : i32 to index
          %get3A_564 = arith.constant 0 : index
          %get3A_565 = tpu.vector_load %arg10[%get3A_562, %get3A_563, %get3A_564] {strides = array<i32>} : memref<3x128x64xf32, #tpu.memory_space<vmem>>, vector<1x1x16xf32>,
          %get3A_566 = vector.shape_cast %get3A_565 : vector<1x1x16xf32> to vector<16xf32>
          %mul3A_567 = arith.mulf %get3A_566, %gather3A_556 : vector<16xf32>
          %swap3A_568 = arith.constant 2 : i32
          %swap3A_569 = arith.index_cast %swap3A_568 : i32 to index
          %swap3A_570 = arith.index_cast %add3A_560 : i32 to index
          %swap3A_571 = arith.constant 0 : index
          %swap3A_572 = tpu.vector_load %arg11[%swap3A_569, %swap3A_570, %swap3A_571] {strides = array<i32>} : memref<3x128x64xf32, #tpu.memory_space<vmem>>, vector<1x1x16xf32>,
          %swap3A_573 = vector.shape_cast %swap3A_572 : vector<1x1x16xf32> to vector<16xf32>
          %swap3A_574 = vector.shape_cast %mul3A_567 : vector<16xf32> to vector<1x1x16xf32>
          tpu.vector_store %arg11[%swap3A_569, %swap3A_570, %swap3A_571], %swap3A_574 {strides = array<i32>} : memref<3x128x64xf32, #tpu.memory_space<vmem>>, vector<1x1x16xf32>,
          %get3A_575 = arith.constant 2 : i32
          %get3A_576 = arith.index_cast %get3A_575 : i32 to index
          %get3A_577 = arith.index_cast %add3A_560 : i32 to index
          %get3A_578 = arith.constant 16 : index
          %get3A_579 = tpu.vector_load %arg10[%get3A_576, %get3A_577, %get3A_578] {strides = array<i32>} : memref<3x128x64xf32, #tpu.memory_space<vmem>>, vector<1x1x16xf32>,
          %get3A_580 = vector.shape_cast %get3A_579 : vector<1x1x16xf32> to vector<16xf32>
          %mul3A_581 = arith.mulf %get3A_580, %gather3A_556 : vector<16xf32>
          %swap3A_582 = arith.constant 2 : i32
          %swap3A_583 = arith.index_cast %swap3A_582 : i32 to index
          %swap3A_584 = arith.index_cast %add3A_560 : i32 to index
          %swap3A_585 = arith.constant 16 : index
          %swap3A_586 = tpu.vector_load %arg11[%swap3A_583, %swap3A_584, %swap3A_585] {strides = array<i32>} : memref<3x128x64xf32, #tpu.memory_space<vmem>>, vector<1x1x16xf32>,
          %swap3A_587 = vector.shape_cast %swap3A_586 : vector<1x1x16xf32> to vector<16xf32>
          %swap3A_588 = vector.shape_cast %mul3A_581 : vector<16xf32> to vector<1x1x16xf32>
          tpu.vector_store %arg11[%swap3A_583, %swap3A_584, %swap3A_585], %swap3A_588 {strides = array<i32>} : memref<3x128x64xf32, #tpu.memory_space<vmem>>, vector<1x1x16xf32>,
          %get3A_589 = arith.constant 2 : i32
          %get3A_590 = arith.index_cast %get3A_589 : i32 to index
          %get3A_591 = arith.index_cast %add3A_560 : i32 to index
          %get3A_592 = arith.constant 32 : index
          %get3A_593 = tpu.vector_load %arg10[%get3A_590, %get3A_591, %get3A_592] {strides = array<i32>} : memref<3x128x64xf32, #tpu.memory_space<vmem>>, vector<1x1x16xf32>,
          %get3A_594 = vector.shape_cast %get3A_593 : vector<1x1x16xf32> to vector<16xf32>
          %mul3A_595 = arith.mulf %get3A_594, %gather3A_556 : vector<16xf32>
          %swap3A_596 = arith.constant 2 : i32
          %swap3A_597 = arith.index_cast %swap3A_596 : i32 to index
          %swap3A_598 = arith.index_cast %add3A_560 : i32 to index
          %swap3A_599 = arith.constant 32 : index
          %swap3A_600 = tpu.vector_load %arg11[%swap3A_597, %swap3A_598, %swap3A_599] {strides = array<i32>} : memref<3x128x64xf32, #tpu.memory_space<vmem>>, vector<1x1x16xf32>,
          %swap3A_601 = vector.shape_cast %swap3A_600 : vector<1x1x16xf32> to vector<16xf32>
          %swap3A_602 = vector.shape_cast %mul3A_595 : vector<16xf32> to vector<1x1x16xf32>
          tpu.vector_store %arg11[%swap3A_597, %swap3A_598, %swap3A_599], %swap3A_602 {strides = array<i32>} : memref<3x128x64xf32, #tpu.memory_space<vmem>>, vector<1x1x16xf32>,
          %get3A_603 = arith.constant 2 : i32
          %get3A_604 = arith.index_cast %get3A_603 : i32 to index
          %get3A_605 = arith.index_cast %add3A_560 : i32 to index
          %get3A_606 = arith.constant 48 : index
          %get3A_607 = tpu.vector_load %arg10[%get3A_604, %get3A_605, %get3A_606] {strides = array<i32>} : memref<3x128x64xf32, #tpu.memory_space<vmem>>, vector<1x1x16xf32>,
          %get3A_608 = vector.shape_cast %get3A_607 : vector<1x1x16xf32> to vector<16xf32>
          %mul3A_609 = arith.mulf %get3A_608, %gather3A_556 : vector<16xf32>
          %swap3A_610 = arith.constant 2 : i32
          %swap3A_611 = arith.index_cast %swap3A_610 : i32 to index
          %swap3A_612 = arith.index_cast %add3A_560 : i32 to index
          %swap3A_613 = arith.constant 48 : index
          %swap3A_614 = tpu.vector_load %arg11[%swap3A_611, %swap3A_612, %swap3A_613] {strides = array<i32>} : memref<3x128x64xf32, #tpu.memory_space<vmem>>, vector<1x1x16xf32>,
          %swap3A_615 = vector.shape_cast %swap3A_614 : vector<1x1x16xf32> to vector<16xf32>
          %swap3A_616 = vector.shape_cast %mul3A_609 : vector<16xf32> to vector<1x1x16xf32>
          tpu.vector_store %arg11[%swap3A_611, %swap3A_612, %swap3A_613], %swap3A_616 {strides = array<i32>} : memref<3x128x64xf32, #tpu.memory_space<vmem>>, vector<1x1x16xf32>,
          %broadcast_in_dim3A_617 = arith.constant 4 : i32
          %broadcast_in_dim3A_618 = vector.broadcast %broadcast_in_dim3A_617 : i32 to vector<16x1xi32>
          %gather3A_619 = vector.shape_cast %broadcast_in_dim3A_618 : vector<16x1xi32> to vector<16xi32>
          %gather3A_620 = tpu.dynamic_gather %get3A_362[%gather3A_619] in [0] : vector<16xf32>, vector<16xi32> -> vector<16xf32>
          %mul3A_621 = arith.constant 16 : i32
          %mul3A_622 = arith.muli %scan3A_354, %mul3A_621 : i32
          %add3A_623 = arith.constant 4 : i32
          %add3A_624 = arith.addi %mul3A_622, %add3A_623 : i32
          %get3A_625 = arith.constant 2 : i32
          %get3A_626 = arith.index_cast %get3A_625 : i32 to index
          %get3A_627 = arith.index_cast %add3A_624 : i32 to index
          %get3A_628 = arith.constant 0 : index
          %get3A_629 = tpu.vector_load %arg10[%get3A_626, %get3A_627, %get3A_628] {strides = array<i32>} : memref<3x128x64xf32, #tpu.memory_space<vmem>>, vector<1x1x16xf32>,
          %get3A_630 = vector.shape_cast %get3A_629 : vector<1x1x16xf32> to vector<16xf32>
          %mul3A_631 = arith.mulf %get3A_630, %gather3A_620 : vector<16xf32>
          %swap3A_632 = arith.constant 2 : i32
          %swap3A_633 = arith.index_cast %swap3A_632 : i32 to index
          %swap3A_634 = arith.index_cast %add3A_624 : i32 to index
          %swap3A_635 = arith.constant 0 : index
          %swap3A_636 = tpu.vector_load %arg11[%swap3A_633, %swap3A_634, %swap3A_635] {strides = array<i32>} : memref<3x128x64xf32, #tpu.memory_space<vmem>>, vector<1x1x16xf32>,
          %swap3A_637 = vector.shape_cast %swap3A_636 : vector<1x1x16xf32> to vector<16xf32>
          %swap3A_638 = vector.shape_cast %mul3A_631 : vector<16xf32> to vector<1x1x16xf32>
          tpu.vector_store %arg11[%swap3A_633, %swap3A_634, %swap3A_635], %swap3A_638 {strides = array<i32>} : memref<3x128x64xf32, #tpu.memory_space<vmem>>, vector<1x1x16xf32>,
          %get3A_639 = arith.constant 2 : i32
          %get3A_640 = arith.index_cast %get3A_639 : i32 to index
          %get3A_641 = arith.index_cast %add3A_624 : i32 to index
          %get3A_642 = arith.constant 16 : index
          %get3A_643 = tpu.vector_load %arg10[%get3A_640, %get3A_641, %get3A_642] {strides = array<i32>} : memref<3x128x64xf32, #tpu.memory_space<vmem>>, vector<1x1x16xf32>,
          %get3A_644 = vector.shape_cast %get3A_643 : vector<1x1x16xf32> to vector<16xf32>
          %mul3A_645 = arith.mulf %get3A_644, %gather3A_620 : vector<16xf32>
          %swap3A_646 = arith.constant 2 : i32
          %swap3A_647 = arith.index_cast %swap3A_646 : i32 to index
          %swap3A_648 = arith.index_cast %add3A_624 : i32 to index
          %swap3A_649 = arith.constant 16 : index
          %swap3A_650 = tpu.vector_load %arg11[%swap3A_647, %swap3A_648, %swap3A_649] {strides = array<i32>} : memref<3x128x64xf32, #tpu.memory_space<vmem>>, vector<1x1x16xf32>,
          %swap3A_651 = vector.shape_cast %swap3A_650 : vector<1x1x16xf32> to vector<16xf32>
          %swap3A_652 = vector.shape_cast %mul3A_645 : vector<16xf32> to vector<1x1x16xf32>
          tpu.vector_store %arg11[%swap3A_647, %swap3A_648, %swap3A_649], %swap3A_652 {strides = array<i32>} : memref<3x128x64xf32, #tpu.memory_space<vmem>>, vector<1x1x16xf32>,
          %get3A_653 = arith.constant 2 : i32
          %get3A_654 = arith.index_cast %get3A_653 : i32 to index
          %get3A_655 = arith.index_cast %add3A_624 : i32 to index
          %get3A_656 = arith.constant 32 : index
          %get3A_657 = tpu.vector_load %arg10[%get3A_654, %get3A_655, %get3A_656] {strides = array<i32>} : memref<3x128x64xf32, #tpu.memory_space<vmem>>, vector<1x1x16xf32>,
          %get3A_658 = vector.shape_cast %get3A_657 : vector<1x1x16xf32> to vector<16xf32>
          %mul3A_659 = arith.mulf %get3A_658, %gather3A_620 : vector<16xf32>
          %swap3A_660 = arith.constant 2 : i32
          %swap3A_661 = arith.index_cast %swap3A_660 : i32 to index
          %swap3A_662 = arith.index_cast %add3A_624 : i32 to index
          %swap3A_663 = arith.constant 32 : index
          %swap3A_664 = tpu.vector_load %arg11[%swap3A_661, %swap3A_662, %swap3A_663] {strides = array<i32>} : memref<3x128x64xf32, #tpu.memory_space<vmem>>, vector<1x1x16xf32>,
          %swap3A_665 = vector.shape_cast %swap3A_664 : vector<1x1x16xf32> to vector<16xf32>
          %swap3A_666 = vector.shape_cast %mul3A_659 : vector<16xf32> to vector<1x1x16xf32>
          tpu.vector_store %arg11[%swap3A_661, %swap3A_662, %swap3A_663], %swap3A_666 {strides = array<i32>} : memref<3x128x64xf32, #tpu.memory_space<vmem>>, vector<1x1x16xf32>,
          %get3A_667 = arith.constant 2 : i32
          %get3A_668 = arith.index_cast %get3A_667 : i32 to index
          %get3A_669 = arith.index_cast %add3A_624 : i32 to index
          %get3A_670 = arith.constant 48 : index
          %get3A_671 = tpu.vector_load %arg10[%get3A_668, %get3A_669, %get3A_670] {strides = array<i32>} : memref<3x128x64xf32, #tpu.memory_space<vmem>>, vector<1x1x16xf32>,
          %get3A_672 = vector.shape_cast %get3A_671 : vector<1x1x16xf32> to vector<16xf32>
          %mul3A_673 = arith.mulf %get3A_672, %gather3A_620 : vector<16xf32>
          %swap3A_674 = arith.constant 2 : i32
          %swap3A_675 = arith.index_cast %swap3A_674 : i32 to index
          %swap3A_676 = arith.index_cast %add3A_624 : i32 to index
          %swap3A_677 = arith.constant 48 : index
          %swap3A_678 = tpu.vector_load %arg11[%swap3A_675, %swap3A_676, %swap3A_677] {strides = array<i32>} : memref<3x128x64xf32, #tpu.memory_space<vmem>>, vector<1x1x16xf32>,
          %swap3A_679 = vector.shape_cast %swap3A_678 : vector<1x1x16xf32> to vector<16xf32>
          %swap3A_680 = vector.shape_cast %mul3A_673 : vector<16xf32> to vector<1x1x16xf32>
          tpu.vector_store %arg11[%swap3A_675, %swap3A_676, %swap3A_677], %swap3A_680 {strides = array<i32>} : memref<3x128x64xf32, #tpu.memory_space<vmem>>, vector<1x1x16xf32>,
          %broadcast_in_dim3A_681 = arith.constant 5 : i32
          %broadcast_in_dim3A_682 = vector.broadcast %broadcast_in_dim3A_681 : i32 to vector<16x1xi32>
          %gather3A_683 = vector.shape_cast %broadcast_in_dim3A_682 : vector<16x1xi32> to vector<16xi32>
          %gather3A_684 = tpu.dynamic_gather %get3A_362[%gather3A_683] in [0] : vector<16xf32>, vector<16xi32> -> vector<16xf32>
          %mul3A_685 = arith.constant 16 : i32
          %mul3A_686 = arith.muli %scan3A_354, %mul3A_685 : i32
          %add3A_687 = arith.constant 5 : i32
          %add3A_688 = arith.addi %mul3A_686, %add3A_687 : i32
          %get3A_689 = arith.constant 2 : i32
          %get3A_690 = arith.index_cast %get3A_689 : i32 to index
          %get3A_691 = arith.index_cast %add3A_688 : i32 to index
          %get3A_692 = arith.constant 0 : index
          %get3A_693 = tpu.vector_load %arg10[%get3A_690, %get3A_691, %get3A_692] {strides = array<i32>} : memref<3x128x64xf32, #tpu.memory_space<vmem>>, vector<1x1x16xf32>,
          %get3A_694 = vector.shape_cast %get3A_693 : vector<1x1x16xf32> to vector<16xf32>
          %mul3A_695 = arith.mulf %get3A_694, %gather3A_684 : vector<16xf32>
          %swap3A_696 = arith.constant 2 : i32
          %swap3A_697 = arith.index_cast %swap3A_696 : i32 to index
          %swap3A_698 = arith.index_cast %add3A_688 : i32 to index
          %swap3A_699 = arith.constant 0 : index
          %swap3A_700 = tpu.vector_load %arg11[%swap3A_697, %swap3A_698, %swap3A_699] {strides = array<i32>} : memref<3x128x64xf32, #tpu.memory_space<vmem>>, vector<1x1x16xf32>,
          %swap3A_701 = vector.shape_cast %swap3A_700 : vector<1x1x16xf32> to vector<16xf32>
          %swap3A_702 = vector.shape_cast %mul3A_695 : vector<16xf32> to vector<1x1x16xf32>
          tpu.vector_store %arg11[%swap3A_697, %swap3A_698, %swap3A_699], %swap3A_702 {strides = array<i32>} : memref<3x128x64xf32, #tpu.memory_space<vmem>>, vector<1x1x16xf32>,
          %get3A_703 = arith.constant 2 : i32
          %get3A_704 = arith.index_cast %get3A_703 : i32 to index
          %get3A_705 = arith.index_cast %add3A_688 : i32 to index
          %get3A_706 = arith.constant 16 : index
          %get3A_707 = tpu.vector_load %arg10[%get3A_704, %get3A_705, %get3A_706] {strides = array<i32>} : memref<3x128x64xf32, #tpu.memory_space<vmem>>, vector<1x1x16xf32>,
          %get3A_708 = vector.shape_cast %get3A_707 : vector<1x1x16xf32> to vector<16xf32>
          %mul3A_709 = arith.mulf %get3A_708, %gather3A_684 : vector<16xf32>
          %swap3A_710 = arith.constant 2 : i32
          %swap3A_711 = arith.index_cast %swap3A_710 : i32 to index
          %swap3A_712 = arith.index_cast %add3A_688 : i32 to index
          %swap3A_713 = arith.constant 16 : index
          %swap3A_714 = tpu.vector_load %arg11[%swap3A_711, %swap3A_712, %swap3A_713] {strides = array<i32>} : memref<3x128x64xf32, #tpu.memory_space<vmem>>, vector<1x1x16xf32>,
          %swap3A_715 = vector.shape_cast %swap3A_714 : vector<1x1x16xf32> to vector<16xf32>
          %swap3A_716 = vector.shape_cast %mul3A_709 : vector<16xf32> to vector<1x1x16xf32>
          tpu.vector_store %arg11[%swap3A_711, %swap3A_712, %swap3A_713], %swap3A_716 {strides = array<i32>} : memref<3x128x64xf32, #tpu.memory_space<vmem>>, vector<1x1x16xf32>,
          %get3A_717 = arith.constant 2 : i32
          %get3A_718 = arith.index_cast %get3A_717 : i32 to index
          %get3A_719 = arith.index_cast %add3A_688 : i32 to index
          %get3A_720 = arith.constant 32 : index
          %get3A_721 = tpu.vector_load %arg10[%get3A_718, %get3A_719, %get3A_720] {strides = array<i32>} : memref<3x128x64xf32, #tpu.memory_space<vmem>>, vector<1x1x16xf32>,
          %get3A_722 = vector.shape_cast %get3A_721 : vector<1x1x16xf32> to vector<16xf32>
          %mul3A_723 = arith.mulf %get3A_722, %gather3A_684 : vector<16xf32>
          %swap3A_724 = arith.constant 2 : i32
          %swap3A_725 = arith.index_cast %swap3A_724 : i32 to index
          %swap3A_726 = arith.index_cast %add3A_688 : i32 to index
          %swap3A_727 = arith.constant 32 : index
          %swap3A_728 = tpu.vector_load %arg11[%swap3A_725, %swap3A_726, %swap3A_727] {strides = array<i32>} : memref<3x128x64xf32, #tpu.memory_space<vmem>>, vector<1x1x16xf32>,
          %swap3A_729 = vector.shape_cast %swap3A_728 : vector<1x1x16xf32> to vector<16xf32>
          %swap3A_730 = vector.shape_cast %mul3A_723 : vector<16xf32> to vector<1x1x16xf32>
          tpu.vector_store %arg11[%swap3A_725, %swap3A_726, %swap3A_727], %swap3A_730 {strides = array<i32>} : memref<3x128x64xf32, #tpu.memory_space<vmem>>, vector<1x1x16xf32>,
          %get3A_731 = arith.constant 2 : i32
          %get3A_732 = arith.index_cast %get3A_731 : i32 to index
          %get3A_733 = arith.index_cast %add3A_688 : i32 to index
          %get3A_734 = arith.constant 48 : index
          %get3A_735 = tpu.vector_load %arg10[%get3A_732, %get3A_733, %get3A_734] {strides = array<i32>} : memref<3x128x64xf32, #tpu.memory_space<vmem>>, vector<1x1x16xf32>,
          %get3A_736 = vector.shape_cast %get3A_735 : vector<1x1x16xf32> to vector<16xf32>
          %mul3A_737 = arith.mulf %get3A_736, %gather3A_684 : vector<16xf32>
          %swap3A_738 = arith.constant 2 : i32
          %swap3A_739 = arith.index_cast %swap3A_738 : i32 to index
          %swap3A_740 = arith.index_cast %add3A_688 : i32 to index
          %swap3A_741 = arith.constant 48 : index
          %swap3A_742 = tpu.vector_load %arg11[%swap3A_739, %swap3A_740, %swap3A_741] {strides = array<i32>} : memref<3x128x64xf32, #tpu.memory_space<vmem>>, vector<1x1x16xf32>,
          %swap3A_743 = vector.shape_cast %swap3A_742 : vector<1x1x16xf32> to vector<16xf32>
          %swap3A_744 = vector.shape_cast %mul3A_737 : vector<16xf32> to vector<1x1x16xf32>
          tpu.vector_store %arg11[%swap3A_739, %swap3A_740, %swap3A_741], %swap3A_744 {strides = array<i32>} : memref<3x128x64xf32, #tpu.memory_space<vmem>>, vector<1x1x16xf32>,
          %broadcast_in_dim3A_745 = arith.constant 6 : i32
          %broadcast_in_dim3A_746 = vector.broadcast %broadcast_in_dim3A_745 : i32 to vector<16x1xi32>
          %gather3A_747 = vector.shape_cast %broadcast_in_dim3A_746 : vector<16x1xi32> to vector<16xi32>
          %gather3A_748 = tpu.dynamic_gather %get3A_362[%gather3A_747] in [0] : vector<16xf32>, vector<16xi32> -> vector<16xf32>
          %mul3A_749 = arith.constant 16 : i32
          %mul3A_750 = arith.muli %scan3A_354, %mul3A_749 : i32
          %add3A_751 = arith.constant 6 : i32
          %add3A_752 = arith.addi %mul3A_750, %add3A_751 : i32
          %get3A_753 = arith.constant 2 : i32
          %get3A_754 = arith.index_cast %get3A_753 : i32 to index
          %get3A_755 = arith.index_cast %add3A_752 : i32 to index
          %get3A_756 = arith.constant 0 : index
          %get3A_757 = tpu.vector_load %arg10[%get3A_754, %get3A_755, %get3A_756] {strides = array<i32>} : memref<3x128x64xf32, #tpu.memory_space<vmem>>, vector<1x1x16xf32>,
          %get3A_758 = vector.shape_cast %get3A_757 : vector<1x1x16xf32> to vector<16xf32>
          %mul3A_759 = arith.mulf %get3A_758, %gather3A_748 : vector<16xf32>
          %swap3A_760 = arith.constant 2 : i32
          %swap3A_761 = arith.index_cast %swap3A_760 : i32 to index
          %swap3A_762 = arith.index_cast %add3A_752 : i32 to index
          %swap3A_763 = arith.constant 0 : index
          %swap3A_764 = tpu.vector_load %arg11[%swap3A_761, %swap3A_762, %swap3A_763] {strides = array<i32>} : memref<3x128x64xf32, #tpu.memory_space<vmem>>, vector<1x1x16xf32>,
          %swap3A_765 = vector.shape_cast %swap3A_764 : vector<1x1x16xf32> to vector<16xf32>
          %swap3A_766 = vector.shape_cast %mul3A_759 : vector<16xf32> to vector<1x1x16xf32>
          tpu.vector_store %arg11[%swap3A_761, %swap3A_762, %swap3A_763], %swap3A_766 {strides = array<i32>} : memref<3x128x64xf32, #tpu.memory_space<vmem>>, vector<1x1x16xf32>,
          %get3A_767 = arith.constant 2 : i32
          %get3A_768 = arith.index_cast %get3A_767 : i32 to index
          %get3A_769 = arith.index_cast %add3A_752 : i32 to index
          %get3A_770 = arith.constant 16 : index
          %get3A_771 = tpu.vector_load %arg10[%get3A_768, %get3A_769, %get3A_770] {strides = array<i32>} : memref<3x128x64xf32, #tpu.memory_space<vmem>>, vector<1x1x16xf32>,
          %get3A_772 = vector.shape_cast %get3A_771 : vector<1x1x16xf32> to vector<16xf32>
          %mul3A_773 = arith.mulf %get3A_772, %gather3A_748 : vector<16xf32>
          %swap3A_774 = arith.constant 2 : i32
          %swap3A_775 = arith.index_cast %swap3A_774 : i32 to index
          %swap3A_776 = arith.index_cast %add3A_752 : i32 to index
          %swap3A_777 = arith.constant 16 : index
          %swap3A_778 = tpu.vector_load %arg11[%swap3A_775, %swap3A_776, %swap3A_777] {strides = array<i32>} : memref<3x128x64xf32, #tpu.memory_space<vmem>>, vector<1x1x16xf32>,
          %swap3A_779 = vector.shape_cast %swap3A_778 : vector<1x1x16xf32> to vector<16xf32>
          %swap3A_780 = vector.shape_cast %mul3A_773 : vector<16xf32> to vector<1x1x16xf32>
          tpu.vector_store %arg11[%swap3A_775, %swap3A_776, %swap3A_777], %swap3A_780 {strides = array<i32>} : memref<3x128x64xf32, #tpu.memory_space<vmem>>, vector<1x1x16xf32>,
          %get3A_781 = arith.constant 2 : i32
          %get3A_782 = arith.index_cast %get3A_781 : i32 to index
          %get3A_783 = arith.index_cast %add3A_752 : i32 to index
          %get3A_784 = arith.constant 32 : index
          %get3A_785 = tpu.vector_load %arg10[%get3A_782, %get3A_783, %get3A_784] {strides = array<i32>} : memref<3x128x64xf32, #tpu.memory_space<vmem>>, vector<1x1x16xf32>,
          %get3A_786 = vector.shape_cast %get3A_785 : vector<1x1x16xf32> to vector<16xf32>
          %mul3A_787 = arith.mulf %get3A_786, %gather3A_748 : vector<16xf32>
          %swap3A_788 = arith.constant 2 : i32
          %swap3A_789 = arith.index_cast %swap3A_788 : i32 to index
          %swap3A_790 = arith.index_cast %add3A_752 : i32 to index
          %swap3A_791 = arith.constant 32 : index
          %swap3A_792 = tpu.vector_load %arg11[%swap3A_789, %swap3A_790, %swap3A_791] {strides = array<i32>} : memref<3x128x64xf32, #tpu.memory_space<vmem>>, vector<1x1x16xf32>,
          %swap3A_793 = vector.shape_cast %swap3A_792 : vector<1x1x16xf32> to vector<16xf32>
          %swap3A_794 = vector.shape_cast %mul3A_787 : vector<16xf32> to vector<1x1x16xf32>
          tpu.vector_store %arg11[%swap3A_789, %swap3A_790, %swap3A_791], %swap3A_794 {strides = array<i32>} : memref<3x128x64xf32, #tpu.memory_space<vmem>>, vector<1x1x16xf32>,
          %get3A_795 = arith.constant 2 : i32
          %get3A_796 = arith.index_cast %get3A_795 : i32 to index
          %get3A_797 = arith.index_cast %add3A_752 : i32 to index
          %get3A_798 = arith.constant 48 : index
          %get3A_799 = tpu.vector_load %arg10[%get3A_796, %get3A_797, %get3A_798] {strides = array<i32>} : memref<3x128x64xf32, #tpu.memory_space<vmem>>, vector<1x1x16xf32>,
          %get3A_800 = vector.shape_cast %get3A_799 : vector<1x1x16xf32> to vector<16xf32>
          %mul3A_801 = arith.mulf %get3A_800, %gather3A_748 : vector<16xf32>
          %swap3A_802 = arith.constant 2 : i32
          %swap3A_803 = arith.index_cast %swap3A_802 : i32 to index
          %swap3A_804 = arith.index_cast %add3A_752 : i32 to index
          %swap3A_805 = arith.constant 48 : index
          %swap3A_806 = tpu.vector_load %arg11[%swap3A_803, %swap3A_804, %swap3A_805] {strides = array<i32>} : memref<3x128x64xf32, #tpu.memory_space<vmem>>, vector<1x1x16xf32>,
          %swap3A_807 = vector.shape_cast %swap3A_806 : vector<1x1x16xf32> to vector<16xf32>
          %swap3A_808 = vector.shape_cast %mul3A_801 : vector<16xf32> to vector<1x1x16xf32>
          tpu.vector_store %arg11[%swap3A_803, %swap3A_804, %swap3A_805], %swap3A_808 {strides = array<i32>} : memref<3x128x64xf32, #tpu.memory_space<vmem>>, vector<1x1x16xf32>,
          %broadcast_in_dim3A_809 = arith.constant 7 : i32
          %broadcast_in_dim3A_810 = vector.broadcast %broadcast_in_dim3A_809 : i32 to vector<16x1xi32>
          %gather3A_811 = vector.shape_cast %broadcast_in_dim3A_810 : vector<16x1xi32> to vector<16xi32>
          %gather3A_812 = tpu.dynamic_gather %get3A_362[%gather3A_811] in [0] : vector<16xf32>, vector<16xi32> -> vector<16xf32>
          %mul3A_813 = arith.constant 16 : i32
          %mul3A_814 = arith.muli %scan3A_354, %mul3A_813 : i32
          %add3A_815 = arith.constant 7 : i32
          %add3A_816 = arith.addi %mul3A_814, %add3A_815 : i32
          %get3A_817 = arith.constant 2 : i32
          %get3A_818 = arith.index_cast %get3A_817 : i32 to index
          %get3A_819 = arith.index_cast %add3A_816 : i32 to index
          %get3A_820 = arith.constant 0 : index
          %get3A_821 = tpu.vector_load %arg10[%get3A_818, %get3A_819, %get3A_820] {strides = array<i32>} : memref<3x128x64xf32, #tpu.memory_space<vmem>>, vector<1x1x16xf32>,
          %get3A_822 = vector.shape_cast %get3A_821 : vector<1x1x16xf32> to vector<16xf32>
          %mul3A_823 = arith.mulf %get3A_822, %gather3A_812 : vector<16xf32>
          %swap3A_824 = arith.constant 2 : i32
          %swap3A_825 = arith.index_cast %swap3A_824 : i32 to index
          %swap3A_826 = arith.index_cast %add3A_816 : i32 to index
          %swap3A_827 = arith.constant 0 : index
          %swap3A_828 = tpu.vector_load %arg11[%swap3A_825, %swap3A_826, %swap3A_827] {strides = array<i32>} : memref<3x128x64xf32, #tpu.memory_space<vmem>>, vector<1x1x16xf32>,
          %swap3A_829 = vector.shape_cast %swap3A_828 : vector<1x1x16xf32> to vector<16xf32>
          %swap3A_830 = vector.shape_cast %mul3A_823 : vector<16xf32> to vector<1x1x16xf32>
          tpu.vector_store %arg11[%swap3A_825, %swap3A_826, %swap3A_827], %swap3A_830 {strides = array<i32>} : memref<3x128x64xf32, #tpu.memory_space<vmem>>, vector<1x1x16xf32>,
          %get3A_831 = arith.constant 2 : i32
          %get3A_832 = arith.index_cast %get3A_831 : i32 to index
          %get3A_833 = arith.index_cast %add3A_816 : i32 to index
          %get3A_834 = arith.constant 16 : index
          %get3A_835 = tpu.vector_load %arg10[%get3A_832, %get3A_833, %get3A_834] {strides = array<i32>} : memref<3x128x64xf32, #tpu.memory_space<vmem>>, vector<1x1x16xf32>,
          %get3A_836 = vector.shape_cast %get3A_835 : vector<1x1x16xf32> to vector<16xf32>
          %mul3A_837 = arith.mulf %get3A_836, %gather3A_812 : vector<16xf32>
          %swap3A_838 = arith.constant 2 : i32
          %swap3A_839 = arith.index_cast %swap3A_838 : i32 to index
          %swap3A_840 = arith.index_cast %add3A_816 : i32 to index
          %swap3A_841 = arith.constant 16 : index
          %swap3A_842 = tpu.vector_load %arg11[%swap3A_839, %swap3A_840, %swap3A_841] {strides = array<i32>} : memref<3x128x64xf32, #tpu.memory_space<vmem>>, vector<1x1x16xf32>,
          %swap3A_843 = vector.shape_cast %swap3A_842 : vector<1x1x16xf32> to vector<16xf32>
          %swap3A_844 = vector.shape_cast %mul3A_837 : vector<16xf32> to vector<1x1x16xf32>
          tpu.vector_store %arg11[%swap3A_839, %swap3A_840, %swap3A_841], %swap3A_844 {strides = array<i32>} : memref<3x128x64xf32, #tpu.memory_space<vmem>>, vector<1x1x16xf32>,
          %get3A_845 = arith.constant 2 : i32
          %get3A_846 = arith.index_cast %get3A_845 : i32 to index
          %get3A_847 = arith.index_cast %add3A_816 : i32 to index
          %get3A_848 = arith.constant 32 : index
          %get3A_849 = tpu.vector_load %arg10[%get3A_846, %get3A_847, %get3A_848] {strides = array<i32>} : memref<3x128x64xf32, #tpu.memory_space<vmem>>, vector<1x1x16xf32>,
          %get3A_850 = vector.shape_cast %get3A_849 : vector<1x1x16xf32> to vector<16xf32>
          %mul3A_851 = arith.mulf %get3A_850, %gather3A_812 : vector<16xf32>
          %swap3A_852 = arith.constant 2 : i32
          %swap3A_853 = arith.index_cast %swap3A_852 : i32 to index
          %swap3A_854 = arith.index_cast %add3A_816 : i32 to index
          %swap3A_855 = arith.constant 32 : index
          %swap3A_856 = tpu.vector_load %arg11[%swap3A_853, %swap3A_854, %swap3A_855] {strides = array<i32>} : memref<3x128x64xf32, #tpu.memory_space<vmem>>, vector<1x1x16xf32>,
          %swap3A_857 = vector.shape_cast %swap3A_856 : vector<1x1x16xf32> to vector<16xf32>
          %swap3A_858 = vector.shape_cast %mul3A_851 : vector<16xf32> to vector<1x1x16xf32>
          tpu.vector_store %arg11[%swap3A_853, %swap3A_854, %swap3A_855], %swap3A_858 {strides = array<i32>} : memref<3x128x64xf32, #tpu.memory_space<vmem>>, vector<1x1x16xf32>,
          %get3A_859 = arith.constant 2 : i32
          %get3A_860 = arith.index_cast %get3A_859 : i32 to index
          %get3A_861 = arith.index_cast %add3A_816 : i32 to index
          %get3A_862 = arith.constant 48 : index
          %get3A_863 = tpu.vector_load %arg10[%get3A_860, %get3A_861, %get3A_862] {strides = array<i32>} : memref<3x128x64xf32, #tpu.memory_space<vmem>>, vector<1x1x16xf32>,
          %get3A_864 = vector.shape_cast %get3A_863 : vector<1x1x16xf32> to vector<16xf32>
          %mul3A_865 = arith.mulf %get3A_864, %gather3A_812 : vector<16xf32>
          %swap3A_866 = arith.constant 2 : i32
          %swap3A_867 = arith.index_cast %swap3A_866 : i32 to index
          %swap3A_868 = arith.index_cast %add3A_816 : i32 to index
          %swap3A_869 = arith.constant 48 : index
          %swap3A_870 = tpu.vector_load %arg11[%swap3A_867, %swap3A_868, %swap3A_869] {strides = array<i32>} : memref<3x128x64xf32, #tpu.memory_space<vmem>>, vector<1x1x16xf32>,
          %swap3A_871 = vector.shape_cast %swap3A_870 : vector<1x1x16xf32> to vector<16xf32>
          %swap3A_872 = vector.shape_cast %mul3A_865 : vector<16xf32> to vector<1x1x16xf32>
          tpu.vector_store %arg11[%swap3A_867, %swap3A_868, %swap3A_869], %swap3A_872 {strides = array<i32>} : memref<3x128x64xf32, #tpu.memory_space<vmem>>, vector<1x1x16xf32>,
          %broadcast_in_dim3A_873 = arith.constant 8 : i32
          %broadcast_in_dim3A_874 = vector.broadcast %broadcast_in_dim3A_873 : i32 to vector<16x1xi32>
          %gather3A_875 = vector.shape_cast %broadcast_in_dim3A_874 : vector<16x1xi32> to vector<16xi32>
          %gather3A_876 = tpu.dynamic_gather %get3A_362[%gather3A_875] in [0] : vector<16xf32>, vector<16xi32> -> vector<16xf32>
          %mul3A_877 = arith.constant 16 : i32
          %mul3A_878 = arith.muli %scan3A_354, %mul3A_877 : i32
          %add3A_879 = arith.constant 8 : i32
          %add3A_880 = arith.addi %mul3A_878, %add3A_879 : i32
          %get3A_881 = arith.constant 2 : i32
          %get3A_882 = arith.index_cast %get3A_881 : i32 to index
          %get3A_883 = arith.index_cast %add3A_880 : i32 to index
          %get3A_884 = arith.constant 0 : index
          %get3A_885 = tpu.vector_load %arg10[%get3A_882, %get3A_883, %get3A_884] {strides = array<i32>} : memref<3x128x64xf32, #tpu.memory_space<vmem>>, vector<1x1x16xf32>,
          %get3A_886 = vector.shape_cast %get3A_885 : vector<1x1x16xf32> to vector<16xf32>
          %mul3A_887 = arith.mulf %get3A_886, %gather3A_876 : vector<16xf32>
          %swap3A_888 = arith.constant 2 : i32
          %swap3A_889 = arith.index_cast %swap3A_888 : i32 to index
          %swap3A_890 = arith.index_cast %add3A_880 : i32 to index
          %swap3A_891 = arith.constant 0 : index
          %swap3A_892 = tpu.vector_load %arg11[%swap3A_889, %swap3A_890, %swap3A_891] {strides = array<i32>} : memref<3x128x64xf32, #tpu.memory_space<vmem>>, vector<1x1x16xf32>,
          %swap3A_893 = vector.shape_cast %swap3A_892 : vector<1x1x16xf32> to vector<16xf32>
          %swap3A_894 = vector.shape_cast %mul3A_887 : vector<16xf32> to vector<1x1x16xf32>
          tpu.vector_store %arg11[%swap3A_889, %swap3A_890, %swap3A_891], %swap3A_894 {strides = array<i32>} : memref<3x128x64xf32, #tpu.memory_space<vmem>>, vector<1x1x16xf32>,
          %get3A_895 = arith.constant 2 : i32
          %get3A_896 = arith.index_cast %get3A_895 : i32 to index
          %get3A_897 = arith.index_cast %add3A_880 : i32 to index
          %get3A_898 = arith.constant 16 : index
          %get3A_899 = tpu.vector_load %arg10[%get3A_896, %get3A_897, %get3A_898] {strides = array<i32>} : memref<3x128x64xf32, #tpu.memory_space<vmem>>, vector<1x1x16xf32>,
          %get3A_900 = vector.shape_cast %get3A_899 : vector<1x1x16xf32> to vector<16xf32>
          %mul3A_901 = arith.mulf %get3A_900, %gather3A_876 : vector<16xf32>
          %swap3A_902 = arith.constant 2 : i32
          %swap3A_903 = arith.index_cast %swap3A_902 : i32 to index
          %swap3A_904 = arith.index_cast %add3A_880 : i32 to index
          %swap3A_905 = arith.constant 16 : index
          %swap3A_906 = tpu.vector_load %arg11[%swap3A_903, %swap3A_904, %swap3A_905] {strides = array<i32>} : memref<3x128x64xf32, #tpu.memory_space<vmem>>, vector<1x1x16xf32>,
          %swap3A_907 = vector.shape_cast %swap3A_906 : vector<1x1x16xf32> to vector<16xf32>
          %swap3A_908 = vector.shape_cast %mul3A_901 : vector<16xf32> to vector<1x1x16xf32>
          tpu.vector_store %arg11[%swap3A_903, %swap3A_904, %swap3A_905], %swap3A_908 {strides = array<i32>} : memref<3x128x64xf32, #tpu.memory_space<vmem>>, vector<1x1x16xf32>,
          %get3A_909 = arith.constant 2 : i32
          %get3A_910 = arith.index_cast %get3A_909 : i32 to index
          %get3A_911 = arith.index_cast %add3A_880 : i32 to index
          %get3A_912 = arith.constant 32 : index
          %get3A_913 = tpu.vector_load %arg10[%get3A_910, %get3A_911, %get3A_912] {strides = array<i32>} : memref<3x128x64xf32, #tpu.memory_space<vmem>>, vector<1x1x16xf32>,
          %get3A_914 = vector.shape_cast %get3A_913 : vector<1x1x16xf32> to vector<16xf32>
          %mul3A_915 = arith.mulf %get3A_914, %gather3A_876 : vector<16xf32>
          %swap3A_916 = arith.constant 2 : i32
          %swap3A_917 = arith.index_cast %swap3A_916 : i32 to index
          %swap3A_918 = arith.index_cast %add3A_880 : i32 to index
          %swap3A_919 = arith.constant 32 : index
          %swap3A_920 = tpu.vector_load %arg11[%swap3A_917, %swap3A_918, %swap3A_919] {strides = array<i32>} : memref<3x128x64xf32, #tpu.memory_space<vmem>>, vector<1x1x16xf32>,
          %swap3A_921 = vector.shape_cast %swap3A_920 : vector<1x1x16xf32> to vector<16xf32>
          %swap3A_922 = vector.shape_cast %mul3A_915 : vector<16xf32> to vector<1x1x16xf32>
          tpu.vector_store %arg11[%swap3A_917, %swap3A_918, %swap3A_919], %swap3A_922 {strides = array<i32>} : memref<3x128x64xf32, #tpu.memory_space<vmem>>, vector<1x1x16xf32>,
          %get3A_923 = arith.constant 2 : i32
          %get3A_924 = arith.index_cast %get3A_923 : i32 to index
          %get3A_925 = arith.index_cast %add3A_880 : i32 to index
          %get3A_926 = arith.constant 48 : index
          %get3A_927 = tpu.vector_load %arg10[%get3A_924, %get3A_925, %get3A_926] {strides = array<i32>} : memref<3x128x64xf32, #tpu.memory_space<vmem>>, vector<1x1x16xf32>,
          %get3A_928 = vector.shape_cast %get3A_927 : vector<1x1x16xf32> to vector<16xf32>
          %mul3A_929 = arith.mulf %get3A_928, %gather3A_876 : vector<16xf32>
          %swap3A_930 = arith.constant 2 : i32
          %swap3A_931 = arith.index_cast %swap3A_930 : i32 to index
          %swap3A_932 = arith.index_cast %add3A_880 : i32 to index
          %swap3A_933 = arith.constant 48 : index
          %swap3A_934 = tpu.vector_load %arg11[%swap3A_931, %swap3A_932, %swap3A_933] {strides = array<i32>} : memref<3x128x64xf32, #tpu.memory_space<vmem>>, vector<1x1x16xf32>,
          %swap3A_935 = vector.shape_cast %swap3A_934 : vector<1x1x16xf32> to vector<16xf32>
          %swap3A_936 = vector.shape_cast %mul3A_929 : vector<16xf32> to vector<1x1x16xf32>
          tpu.vector_store %arg11[%swap3A_931, %swap3A_932, %swap3A_933], %swap3A_936 {strides = array<i32>} : memref<3x128x64xf32, #tpu.memory_space<vmem>>, vector<1x1x16xf32>,
          %broadcast_in_dim3A_937 = arith.constant 9 : i32
          %broadcast_in_dim3A_938 = vector.broadcast %broadcast_in_dim3A_937 : i32 to vector<16x1xi32>
          %gather3A_939 = vector.shape_cast %broadcast_in_dim3A_938 : vector<16x1xi32> to vector<16xi32>
          %gather3A_940 = tpu.dynamic_gather %get3A_362[%gather3A_939] in [0] : vector<16xf32>, vector<16xi32> -> vector<16xf32>
          %mul3A_941 = arith.constant 16 : i32
          %mul3A_942 = arith.muli %scan3A_354, %mul3A_941 : i32
          %add3A_943 = arith.constant 9 : i32
          %add3A_944 = arith.addi %mul3A_942, %add3A_943 : i32
          %get3A_945 = arith.constant 2 : i32
          %get3A_946 = arith.index_cast %get3A_945 : i32 to index
          %get3A_947 = arith.index_cast %add3A_944 : i32 to index
          %get3A_948 = arith.constant 0 : index
          %get3A_949 = tpu.vector_load %arg10[%get3A_946, %get3A_947, %get3A_948] {strides = array<i32>} : memref<3x128x64xf32, #tpu.memory_space<vmem>>, vector<1x1x16xf32>,
          %get3A_950 = vector.shape_cast %get3A_949 : vector<1x1x16xf32> to vector<16xf32>
          %mul3A_951 = arith.mulf %get3A_950, %gather3A_940 : vector<16xf32>
          %swap3A_952 = arith.constant 2 : i32
          %swap3A_953 = arith.index_cast %swap3A_952 : i32 to index
          %swap3A_954 = arith.index_cast %add3A_944 : i32 to index
          %swap3A_955 = arith.constant 0 : index
          %swap3A_956 = tpu.vector_load %arg11[%swap3A_953, %swap3A_954, %swap3A_955] {strides = array<i32>} : memref<3x128x64xf32, #tpu.memory_space<vmem>>, vector<1x1x16xf32>,
          %swap3A_957 = vector.shape_cast %swap3A_956 : vector<1x1x16xf32> to vector<16xf32>
          %swap3A_958 = vector.shape_cast %mul3A_951 : vector<16xf32> to vector<1x1x16xf32>
          tpu.vector_store %arg11[%swap3A_953, %swap3A_954, %swap3A_955], %swap3A_958 {strides = array<i32>} : memref<3x128x64xf32, #tpu.memory_space<vmem>>, vector<1x1x16xf32>,
          %get3A_959 = arith.constant 2 : i32
          %get3A_960 = arith.index_cast %get3A_959 : i32 to index
          %get3A_961 = arith.index_cast %add3A_944 : i32 to index
          %get3A_962 = arith.constant 16 : index
          %get3A_963 = tpu.vector_load %arg10[%get3A_960, %get3A_961, %get3A_962] {strides = array<i32>} : memref<3x128x64xf32, #tpu.memory_space<vmem>>, vector<1x1x16xf32>,
          %get3A_964 = vector.shape_cast %get3A_963 : vector<1x1x16xf32> to vector<16xf32>
          %mul3A_965 = arith.mulf %get3A_964, %gather3A_940 : vector<16xf32>
          %swap3A_966 = arith.constant 2 : i32
          %swap3A_967 = arith.index_cast %swap3A_966 : i32 to index
          %swap3A_968 = arith.index_cast %add3A_944 : i32 to index
          %swap3A_969 = arith.constant 16 : index
          %swap3A_970 = tpu.vector_load %arg11[%swap3A_967, %swap3A_968, %swap3A_969] {strides = array<i32>} : memref<3x128x64xf32, #tpu.memory_space<vmem>>, vector<1x1x16xf32>,
          %swap3A_971 = vector.shape_cast %swap3A_970 : vector<1x1x16xf32> to vector<16xf32>
          %swap3A_972 = vector.shape_cast %mul3A_965 : vector<16xf32> to vector<1x1x16xf32>
          tpu.vector_store %arg11[%swap3A_967, %swap3A_968, %swap3A_969], %swap3A_972 {strides = array<i32>} : memref<3x128x64xf32, #tpu.memory_space<vmem>>, vector<1x1x16xf32>,
          %get3A_973 = arith.constant 2 : i32
          %get3A_974 = arith.index_cast %get3A_973 : i32 to index
          %get3A_975 = arith.index_cast %add3A_944 : i32 to index
          %get3A_976 = arith.constant 32 : index
          %get3A_977 = tpu.vector_load %arg10[%get3A_974, %get3A_975, %get3A_976] {strides = array<i32>} : memref<3x128x64xf32, #tpu.memory_space<vmem>>, vector<1x1x16xf32>,
          %get3A_978 = vector.shape_cast %get3A_977 : vector<1x1x16xf32> to vector<16xf32>
          %mul3A_979 = arith.mulf %get3A_978, %gather3A_940 : vector<16xf32>
          %swap3A_980 = arith.constant 2 : i32
          %swap3A_981 = arith.index_cast %swap3A_980 : i32 to index
          %swap3A_982 = arith.index_cast %add3A_944 : i32 to index
          %swap3A_983 = arith.constant 32 : index
          %swap3A_984 = tpu.vector_load %arg11[%swap3A_981, %swap3A_982, %swap3A_983] {strides = array<i32>} : memref<3x128x64xf32, #tpu.memory_space<vmem>>, vector<1x1x16xf32>,
          %swap3A_985 = vector.shape_cast %swap3A_984 : vector<1x1x16xf32> to vector<16xf32>
          %swap3A_986 = vector.shape_cast %mul3A_979 : vector<16xf32> to vector<1x1x16xf32>
          tpu.vector_store %arg11[%swap3A_981, %swap3A_982, %swap3A_983], %swap3A_986 {strides = array<i32>} : memref<3x128x64xf32, #tpu.memory_space<vmem>>, vector<1x1x16xf32>,
          %get3A_987 = arith.constant 2 : i32
          %get3A_988 = arith.index_cast %get3A_987 : i32 to index
          %get3A_989 = arith.index_cast %add3A_944 : i32 to index
          %get3A_990 = arith.constant 48 : index
          %get3A_991 = tpu.vector_load %arg10[%get3A_988, %get3A_989, %get3A_990] {strides = array<i32>} : memref<3x128x64xf32, #tpu.memory_space<vmem>>, vector<1x1x16xf32>,
          %get3A_992 = vector.shape_cast %get3A_991 : vector<1x1x16xf32> to vector<16xf32>
          %mul3A_993 = arith.mulf %get3A_992, %gather3A_940 : vector<16xf32>
          %swap3A_994 = arith.constant 2 : i32
          %swap3A_995 = arith.index_cast %swap3A_994 : i32 to index
          %swap3A_996 = arith.index_cast %add3A_944 : i32 to index
          %swap3A_997 = arith.constant 48 : index
          %swap3A_998 = tpu.vector_load %arg11[%swap3A_995, %swap3A_996, %swap3A_997] {strides = array<i32>} : memref<3x128x64xf32, #tpu.memory_space<vmem>>, vector<1x1x16xf32>,
          %swap3A_999 = vector.shape_cast %swap3A_998 : vector<1x1x16xf32> to vector<16xf32>
          %swap3A_1000 = vector.shape_cast %mul3A_993 : vector<16xf32> to vector<1x1x16xf32>
          tpu.vector_store %arg11[%swap3A_995, %swap3A_996, %swap3A_997], %swap3A_1000 {strides = array<i32>} : memref<3x128x64xf32, #tpu.memory_space<vmem>>, vector<1x1x16xf32>,
          %broadcast_in_dim3A_1001 = arith.constant 10 : i32
          %broadcast_in_dim3A_1002 = vector.broadcast %broadcast_in_dim3A_1001 : i32 to vector<16x1xi32>
          %gather3A_1003 = vector.shape_cast %broadcast_in_dim3A_1002 : vector<16x1xi32> to vector<16xi32>
          %gather3A_1004 = tpu.dynamic_gather %get3A_362[%gather3A_1003] in [0] : vector<16xf32>, vector<16xi32> -> vector<16xf32>
          %mul3A_1005 = arith.constant 16 : i32
          %mul3A_1006 = arith.muli %scan3A_354, %mul3A_1005 : i32
          %add3A_1007 = arith.constant 10 : i32
          %add3A_1008 = arith.addi %mul3A_1006, %add3A_1007 : i32
          %get3A_1009 = arith.constant 2 : i32
          %get3A_1010 = arith.index_cast %get3A_1009 : i32 to index
          %get3A_1011 = arith.index_cast %add3A_1008 : i32 to index
          %get3A_1012 = arith.constant 0 : index
          %get3A_1013 = tpu.vector_load %arg10[%get3A_1010, %get3A_1011, %get3A_1012] {strides = array<i32>} : memref<3x128x64xf32, #tpu.memory_space<vmem>>, vector<1x1x16xf32>,
          %get3A_1014 = vector.shape_cast %get3A_1013 : vector<1x1x16xf32> to vector<16xf32>
          %mul3A_1015 = arith.mulf %get3A_1014, %gather3A_1004 : vector<16xf32>
          %swap3A_1016 = arith.constant 2 : i32
          %swap3A_1017 = arith.index_cast %swap3A_1016 : i32 to index
          %swap3A_1018 = arith.index_cast %add3A_1008 : i32 to index
          %swap3A_1019 = arith.constant 0 : index
          %swap3A_1020 = tpu.vector_load %arg11[%swap3A_1017, %swap3A_1018, %swap3A_1019] {strides = array<i32>} : memref<3x128x64xf32, #tpu.memory_space<vmem>>, vector<1x1x16xf32>,
          %swap3A_1021 = vector.shape_cast %swap3A_1020 : vector<1x1x16xf32> to vector<16xf32>
          %swap3A_1022 = vector.shape_cast %mul3A_1015 : vector<16xf32> to vector<1x1x16xf32>
          tpu.vector_store %arg11[%swap3A_1017, %swap3A_1018, %swap3A_1019], %swap3A_1022 {strides = array<i32>} : memref<3x128x64xf32, #tpu.memory_space<vmem>>, vector<1x1x16xf32>,
          %get3A_1023 = arith.constant 2 : i32
          %get3A_1024 = arith.index_cast %get3A_1023 : i32 to index
          %get3A_1025 = arith.index_cast %add3A_1008 : i32 to index
          %get3A_1026 = arith.constant 16 : index
          %get3A_1027 = tpu.vector_load %arg10[%get3A_1024, %get3A_1025, %get3A_1026] {strides = array<i32>} : memref<3x128x64xf32, #tpu.memory_space<vmem>>, vector<1x1x16xf32>,
          %get3A_1028 = vector.shape_cast %get3A_1027 : vector<1x1x16xf32> to vector<16xf32>
          %mul3A_1029 = arith.mulf %get3A_1028, %gather3A_1004 : vector<16xf32>
          %swap3A_1030 = arith.constant 2 : i32
          %swap3A_1031 = arith.index_cast %swap3A_1030 : i32 to index
          %swap3A_1032 = arith.index_cast %add3A_1008 : i32 to index
          %swap3A_1033 = arith.constant 16 : index
          %swap3A_1034 = tpu.vector_load %arg11[%swap3A_1031, %swap3A_1032, %swap3A_1033] {strides = array<i32>} : memref<3x128x64xf32, #tpu.memory_space<vmem>>, vector<1x1x16xf32>,
          %swap3A_1035 = vector.shape_cast %swap3A_1034 : vector<1x1x16xf32> to vector<16xf32>
          %swap3A_1036 = vector.shape_cast %mul3A_1029 : vector<16xf32> to vector<1x1x16xf32>
          tpu.vector_store %arg11[%swap3A_1031, %swap3A_1032, %swap3A_1033], %swap3A_1036 {strides = array<i32>} : memref<3x128x64xf32, #tpu.memory_space<vmem>>, vector<1x1x16xf32>,
          %get3A_1037 = arith.constant 2 : i32
          %get3A_1038 = arith.index_cast %get3A_1037 : i32 to index
          %get3A_1039 = arith.index_cast %add3A_1008 : i32 to index
          %get3A_1040 = arith.constant 32 : index
          %get3A_1041 = tpu.vector_load %arg10[%get3A_1038, %get3A_1039, %get3A_1040] {strides = array<i32>} : memref<3x128x64xf32, #tpu.memory_space<vmem>>, vector<1x1x16xf32>,
          %get3A_1042 = vector.shape_cast %get3A_1041 : vector<1x1x16xf32> to vector<16xf32>
          %mul3A_1043 = arith.mulf %get3A_1042, %gather3A_1004 : vector<16xf32>
          %swap3A_1044 = arith.constant 2 : i32
          %swap3A_1045 = arith.index_cast %swap3A_1044 : i32 to index
          %swap3A_1046 = arith.index_cast %add3A_1008 : i32 to index
          %swap3A_1047 = arith.constant 32 : index
          %swap3A_1048 = tpu.vector_load %arg11[%swap3A_1045, %swap3A_1046, %swap3A_1047] {strides = array<i32>} : memref<3x128x64xf32, #tpu.memory_space<vmem>>, vector<1x1x16xf32>,
          %swap3A_1049 = vector.shape_cast %swap3A_1048 : vector<1x1x16xf32> to vector<16xf32>
          %swap3A_1050 = vector.shape_cast %mul3A_1043 : vector<16xf32> to vector<1x1x16xf32>
          tpu.vector_store %arg11[%swap3A_1045, %swap3A_1046, %swap3A_1047], %swap3A_1050 {strides = array<i32>} : memref<3x128x64xf32, #tpu.memory_space<vmem>>, vector<1x1x16xf32>,
          %get3A_1051 = arith.constant 2 : i32
          %get3A_1052 = arith.index_cast %get3A_1051 : i32 to index
          %get3A_1053 = arith.index_cast %add3A_1008 : i32 to index
          %get3A_1054 = arith.constant 48 : index
          %get3A_1055 = tpu.vector_load %arg10[%get3A_1052, %get3A_1053, %get3A_1054] {strides = array<i32>} : memref<3x128x64xf32, #tpu.memory_space<vmem>>, vector<1x1x16xf32>,
          %get3A_1056 = vector.shape_cast %get3A_1055 : vector<1x1x16xf32> to vector<16xf32>
          %mul3A_1057 = arith.mulf %get3A_1056, %gather3A_1004 : vector<16xf32>
          %swap3A_1058 = arith.constant 2 : i32
          %swap3A_1059 = arith.index_cast %swap3A_1058 : i32 to index
          %swap3A_1060 = arith.index_cast %add3A_1008 : i32 to index
          %swap3A_1061 = arith.constant 48 : index
          %swap3A_1062 = tpu.vector_load %arg11[%swap3A_1059, %swap3A_1060, %swap3A_1061] {strides = array<i32>} : memref<3x128x64xf32, #tpu.memory_space<vmem>>, vector<1x1x16xf32>,
          %swap3A_1063 = vector.shape_cast %swap3A_1062 : vector<1x1x16xf32> to vector<16xf32>
          %swap3A_1064 = vector.shape_cast %mul3A_1057 : vector<16xf32> to vector<1x1x16xf32>
          tpu.vector_store %arg11[%swap3A_1059, %swap3A_1060, %swap3A_1061], %swap3A_1064 {strides = array<i32>} : memref<3x128x64xf32, #tpu.memory_space<vmem>>, vector<1x1x16xf32>,
          %broadcast_in_dim3A_1065 = arith.constant 11 : i32
          %broadcast_in_dim3A_1066 = vector.broadcast %broadcast_in_dim3A_1065 : i32 to vector<16x1xi32>
          %gather3A_1067 = vector.shape_cast %broadcast_in_dim3A_1066 : vector<16x1xi32> to vector<16xi32>
          %gather3A_1068 = tpu.dynamic_gather %get3A_362[%gather3A_1067] in [0] : vector<16xf32>, vector<16xi32> -> vector<16xf32>
          %mul3A_1069 = arith.constant 16 : i32
          %mul3A_1070 = arith.muli %scan3A_354, %mul3A_1069 : i32
          %add3A_1071 = arith.constant 11 : i32
          %add3A_1072 = arith.addi %mul3A_1070, %add3A_1071 : i32
          %get3A_1073 = arith.constant 2 : i32
          %get3A_1074 = arith.index_cast %get3A_1073 : i32 to index
          %get3A_1075 = arith.index_cast %add3A_1072 : i32 to index
          %get3A_1076 = arith.constant 0 : index
          %get3A_1077 = tpu.vector_load %arg10[%get3A_1074, %get3A_1075, %get3A_1076] {strides = array<i32>} : memref<3x128x64xf32, #tpu.memory_space<vmem>>, vector<1x1x16xf32>,
          %get3A_1078 = vector.shape_cast %get3A_1077 : vector<1x1x16xf32> to vector<16xf32>
          %mul3A_1079 = arith.mulf %get3A_1078, %gather3A_1068 : vector<16xf32>
          %swap3A_1080 = arith.constant 2 : i32
          %swap3A_1081 = arith.index_cast %swap3A_1080 : i32 to index
          %swap3A_1082 = arith.index_cast %add3A_1072 : i32 to index
          %swap3A_1083 = arith.constant 0 : index
          %swap3A_1084 = tpu.vector_load %arg11[%swap3A_1081, %swap3A_1082, %swap3A_1083] {strides = array<i32>} : memref<3x128x64xf32, #tpu.memory_space<vmem>>, vector<1x1x16xf32>,
          %swap3A_1085 = vector.shape_cast %swap3A_1084 : vector<1x1x16xf32> to vector<16xf32>
          %swap3A_1086 = vector.shape_cast %mul3A_1079 : vector<16xf32> to vector<1x1x16xf32>
          tpu.vector_store %arg11[%swap3A_1081, %swap3A_1082, %swap3A_1083], %swap3A_1086 {strides = array<i32>} : memref<3x128x64xf32, #tpu.memory_space<vmem>>, vector<1x1x16xf32>,
          %get3A_1087 = arith.constant 2 : i32
          %get3A_1088 = arith.index_cast %get3A_1087 : i32 to index
          %get3A_1089 = arith.index_cast %add3A_1072 : i32 to index
          %get3A_1090 = arith.constant 16 : index
          %get3A_1091 = tpu.vector_load %arg10[%get3A_1088, %get3A_1089, %get3A_1090] {strides = array<i32>} : memref<3x128x64xf32, #tpu.memory_space<vmem>>, vector<1x1x16xf32>,
          %get3A_1092 = vector.shape_cast %get3A_1091 : vector<1x1x16xf32> to vector<16xf32>
          %mul3A_1093 = arith.mulf %get3A_1092, %gather3A_1068 : vector<16xf32>
          %swap3A_1094 = arith.constant 2 : i32
          %swap3A_1095 = arith.index_cast %swap3A_1094 : i32 to index
          %swap3A_1096 = arith.index_cast %add3A_1072 : i32 to index
          %swap3A_1097 = arith.constant 16 : index
          %swap3A_1098 = tpu.vector_load %arg11[%swap3A_1095, %swap3A_1096, %swap3A_1097] {strides = array<i32>} : memref<3x128x64xf32, #tpu.memory_space<vmem>>, vector<1x1x16xf32>,
          %swap3A_1099 = vector.shape_cast %swap3A_1098 : vector<1x1x16xf32> to vector<16xf32>
          %swap3A_1100 = vector.shape_cast %mul3A_1093 : vector<16xf32> to vector<1x1x16xf32>
          tpu.vector_store %arg11[%swap3A_1095, %swap3A_1096, %swap3A_1097], %swap3A_1100 {strides = array<i32>} : memref<3x128x64xf32, #tpu.memory_space<vmem>>, vector<1x1x16xf32>,
          %get3A_1101 = arith.constant 2 : i32
          %get3A_1102 = arith.index_cast %get3A_1101 : i32 to index
          %get3A_1103 = arith.index_cast %add3A_1072 : i32 to index
          %get3A_1104 = arith.constant 32 : index
          %get3A_1105 = tpu.vector_load %arg10[%get3A_1102, %get3A_1103, %get3A_1104] {strides = array<i32>} : memref<3x128x64xf32, #tpu.memory_space<vmem>>, vector<1x1x16xf32>,
          %get3A_1106 = vector.shape_cast %get3A_1105 : vector<1x1x16xf32> to vector<16xf32>
          %mul3A_1107 = arith.mulf %get3A_1106, %gather3A_1068 : vector<16xf32>
          %swap3A_1108 = arith.constant 2 : i32
          %swap3A_1109 = arith.index_cast %swap3A_1108 : i32 to index
          %swap3A_1110 = arith.index_cast %add3A_1072 : i32 to index
          %swap3A_1111 = arith.constant 32 : index
          %swap3A_1112 = tpu.vector_load %arg11[%swap3A_1109, %swap3A_1110, %swap3A_1111] {strides = array<i32>} : memref<3x128x64xf32, #tpu.memory_space<vmem>>, vector<1x1x16xf32>,
          %swap3A_1113 = vector.shape_cast %swap3A_1112 : vector<1x1x16xf32> to vector<16xf32>
          %swap3A_1114 = vector.shape_cast %mul3A_1107 : vector<16xf32> to vector<1x1x16xf32>
          tpu.vector_store %arg11[%swap3A_1109, %swap3A_1110, %swap3A_1111], %swap3A_1114 {strides = array<i32>} : memref<3x128x64xf32, #tpu.memory_space<vmem>>, vector<1x1x16xf32>,
          %get3A_1115 = arith.constant 2 : i32
          %get3A_1116 = arith.index_cast %get3A_1115 : i32 to index
          %get3A_1117 = arith.index_cast %add3A_1072 : i32 to index
          %get3A_1118 = arith.constant 48 : index
          %get3A_1119 = tpu.vector_load %arg10[%get3A_1116, %get3A_1117, %get3A_1118] {strides = array<i32>} : memref<3x128x64xf32, #tpu.memory_space<vmem>>, vector<1x1x16xf32>,
          %get3A_1120 = vector.shape_cast %get3A_1119 : vector<1x1x16xf32> to vector<16xf32>
          %mul3A_1121 = arith.mulf %get3A_1120, %gather3A_1068 : vector<16xf32>
          %swap3A_1122 = arith.constant 2 : i32
          %swap3A_1123 = arith.index_cast %swap3A_1122 : i32 to index
          %swap3A_1124 = arith.index_cast %add3A_1072 : i32 to index
          %swap3A_1125 = arith.constant 48 : index
          %swap3A_1126 = tpu.vector_load %arg11[%swap3A_1123, %swap3A_1124, %swap3A_1125] {strides = array<i32>} : memref<3x128x64xf32, #tpu.memory_space<vmem>>, vector<1x1x16xf32>,
          %swap3A_1127 = vector.shape_cast %swap3A_1126 : vector<1x1x16xf32> to vector<16xf32>
          %swap3A_1128 = vector.shape_cast %mul3A_1121 : vector<16xf32> to vector<1x1x16xf32>
          tpu.vector_store %arg11[%swap3A_1123, %swap3A_1124, %swap3A_1125], %swap3A_1128 {strides = array<i32>} : memref<3x128x64xf32, #tpu.memory_space<vmem>>, vector<1x1x16xf32>,
          %broadcast_in_dim3A_1129 = arith.constant 12 : i32
          %broadcast_in_dim3A_1130 = vector.broadcast %broadcast_in_dim3A_1129 : i32 to vector<16x1xi32>
          %gather3A_1131 = vector.shape_cast %broadcast_in_dim3A_1130 : vector<16x1xi32> to vector<16xi32>
          %gather3A_1132 = tpu.dynamic_gather %get3A_362[%gather3A_1131] in [0] : vector<16xf32>, vector<16xi32> -> vector<16xf32>
          %mul3A_1133 = arith.constant 16 : i32
          %mul3A_1134 = arith.muli %scan3A_354, %mul3A_1133 : i32
          %add3A_1135 = arith.constant 12 : i32
          %add3A_1136 = arith.addi %mul3A_1134, %add3A_1135 : i32
          %get3A_1137 = arith.constant 2 : i32
          %get3A_1138 = arith.index_cast %get3A_1137 : i32 to index
          %get3A_1139 = arith.index_cast %add3A_1136 : i32 to index
          %get3A_1140 = arith.constant 0 : index
          %get3A_1141 = tpu.vector_load %arg10[%get3A_1138, %get3A_1139, %get3A_1140] {strides = array<i32>} : memref<3x128x64xf32, #tpu.memory_space<vmem>>, vector<1x1x16xf32>,
          %get3A_1142 = vector.shape_cast %get3A_1141 : vector<1x1x16xf32> to vector<16xf32>
          %mul3A_1143 = arith.mulf %get3A_1142, %gather3A_1132 : vector<16xf32>
          %swap3A_1144 = arith.constant 2 : i32
          %swap3A_1145 = arith.index_cast %swap3A_1144 : i32 to index
          %swap3A_1146 = arith.index_cast %add3A_1136 : i32 to index
          %swap3A_1147 = arith.constant 0 : index
          %swap3A_1148 = tpu.vector_load %arg11[%swap3A_1145, %swap3A_1146, %swap3A_1147] {strides = array<i32>} : memref<3x128x64xf32, #tpu.memory_space<vmem>>, vector<1x1x16xf32>,
          %swap3A_1149 = vector.shape_cast %swap3A_1148 : vector<1x1x16xf32> to vector<16xf32>
          %swap3A_1150 = vector.shape_cast %mul3A_1143 : vector<16xf32> to vector<1x1x16xf32>
          tpu.vector_store %arg11[%swap3A_1145, %swap3A_1146, %swap3A_1147], %swap3A_1150 {strides = array<i32>} : memref<3x128x64xf32, #tpu.memory_space<vmem>>, vector<1x1x16xf32>,
          %get3A_1151 = arith.constant 2 : i32
          %get3A_1152 = arith.index_cast %get3A_1151 : i32 to index
          %get3A_1153 = arith.index_cast %add3A_1136 : i32 to index
          %get3A_1154 = arith.constant 16 : index
          %get3A_1155 = tpu.vector_load %arg10[%get3A_1152, %get3A_1153, %get3A_1154] {strides = array<i32>} : memref<3x128x64xf32, #tpu.memory_space<vmem>>, vector<1x1x16xf32>,
          %get3A_1156 = vector.shape_cast %get3A_1155 : vector<1x1x16xf32> to vector<16xf32>
          %mul3A_1157 = arith.mulf %get3A_1156, %gather3A_1132 : vector<16xf32>
          %swap3A_1158 = arith.constant 2 : i32
          %swap3A_1159 = arith.index_cast %swap3A_1158 : i32 to index
          %swap3A_1160 = arith.index_cast %add3A_1136 : i32 to index
          %swap3A_1161 = arith.constant 16 : index
          %swap3A_1162 = tpu.vector_load %arg11[%swap3A_1159, %swap3A_1160, %swap3A_1161] {strides = array<i32>} : memref<3x128x64xf32, #tpu.memory_space<vmem>>, vector<1x1x16xf32>,
          %swap3A_1163 = vector.shape_cast %swap3A_1162 : vector<1x1x16xf32> to vector<16xf32>
          %swap3A_1164 = vector.shape_cast %mul3A_1157 : vector<16xf32> to vector<1x1x16xf32>
          tpu.vector_store %arg11[%swap3A_1159, %swap3A_1160, %swap3A_1161], %swap3A_1164 {strides = array<i32>} : memref<3x128x64xf32, #tpu.memory_space<vmem>>, vector<1x1x16xf32>,
          %get3A_1165 = arith.constant 2 : i32
          %get3A_1166 = arith.index_cast %get3A_1165 : i32 to index
          %get3A_1167 = arith.index_cast %add3A_1136 : i32 to index
          %get3A_1168 = arith.constant 32 : index
          %get3A_1169 = tpu.vector_load %arg10[%get3A_1166, %get3A_1167, %get3A_1168] {strides = array<i32>} : memref<3x128x64xf32, #tpu.memory_space<vmem>>, vector<1x1x16xf32>,
          %get3A_1170 = vector.shape_cast %get3A_1169 : vector<1x1x16xf32> to vector<16xf32>
          %mul3A_1171 = arith.mulf %get3A_1170, %gather3A_1132 : vector<16xf32>
          %swap3A_1172 = arith.constant 2 : i32
          %swap3A_1173 = arith.index_cast %swap3A_1172 : i32 to index
          %swap3A_1174 = arith.index_cast %add3A_1136 : i32 to index
          %swap3A_1175 = arith.constant 32 : index
          %swap3A_1176 = tpu.vector_load %arg11[%swap3A_1173, %swap3A_1174, %swap3A_1175] {strides = array<i32>} : memref<3x128x64xf32, #tpu.memory_space<vmem>>, vector<1x1x16xf32>,
          %swap3A_1177 = vector.shape_cast %swap3A_1176 : vector<1x1x16xf32> to vector<16xf32>
          %swap3A_1178 = vector.shape_cast %mul3A_1171 : vector<16xf32> to vector<1x1x16xf32>
          tpu.vector_store %arg11[%swap3A_1173, %swap3A_1174, %swap3A_1175], %swap3A_1178 {strides = array<i32>} : memref<3x128x64xf32, #tpu.memory_space<vmem>>, vector<1x1x16xf32>,
          %get3A_1179 = arith.constant 2 : i32
          %get3A_1180 = arith.index_cast %get3A_1179 : i32 to index
          %get3A_1181 = arith.index_cast %add3A_1136 : i32 to index
          %get3A_1182 = arith.constant 48 : index
          %get3A_1183 = tpu.vector_load %arg10[%get3A_1180, %get3A_1181, %get3A_1182] {strides = array<i32>} : memref<3x128x64xf32, #tpu.memory_space<vmem>>, vector<1x1x16xf32>,
          %get3A_1184 = vector.shape_cast %get3A_1183 : vector<1x1x16xf32> to vector<16xf32>
          %mul3A_1185 = arith.mulf %get3A_1184, %gather3A_1132 : vector<16xf32>
          %swap3A_1186 = arith.constant 2 : i32
          %swap3A_1187 = arith.index_cast %swap3A_1186 : i32 to index
          %swap3A_1188 = arith.index_cast %add3A_1136 : i32 to index
          %swap3A_1189 = arith.constant 48 : index
          %swap3A_1190 = tpu.vector_load %arg11[%swap3A_1187, %swap3A_1188, %swap3A_1189] {strides = array<i32>} : memref<3x128x64xf32, #tpu.memory_space<vmem>>, vector<1x1x16xf32>,
          %swap3A_1191 = vector.shape_cast %swap3A_1190 : vector<1x1x16xf32> to vector<16xf32>
          %swap3A_1192 = vector.shape_cast %mul3A_1185 : vector<16xf32> to vector<1x1x16xf32>
          tpu.vector_store %arg11[%swap3A_1187, %swap3A_1188, %swap3A_1189], %swap3A_1192 {strides = array<i32>} : memref<3x128x64xf32, #tpu.memory_space<vmem>>, vector<1x1x16xf32>,
          %broadcast_in_dim3A_1193 = arith.constant 13 : i32
          %broadcast_in_dim3A_1194 = vector.broadcast %broadcast_in_dim3A_1193 : i32 to vector<16x1xi32>
          %gather3A_1195 = vector.shape_cast %broadcast_in_dim3A_1194 : vector<16x1xi32> to vector<16xi32>
          %gather3A_1196 = tpu.dynamic_gather %get3A_362[%gather3A_1195] in [0] : vector<16xf32>, vector<16xi32> -> vector<16xf32>
          %mul3A_1197 = arith.constant 16 : i32
          %mul3A_1198 = arith.muli %scan3A_354, %mul3A_1197 : i32
          %add3A_1199 = arith.constant 13 : i32
          %add3A_1200 = arith.addi %mul3A_1198, %add3A_1199 : i32
          %get3A_1201 = arith.constant 2 : i32
          %get3A_1202 = arith.index_cast %get3A_1201 : i32 to index
          %get3A_1203 = arith.index_cast %add3A_1200 : i32 to index
          %get3A_1204 = arith.constant 0 : index
          %get3A_1205 = tpu.vector_load %arg10[%get3A_1202, %get3A_1203, %get3A_1204] {strides = array<i32>} : memref<3x128x64xf32, #tpu.memory_space<vmem>>, vector<1x1x16xf32>,
          %get3A_1206 = vector.shape_cast %get3A_1205 : vector<1x1x16xf32> to vector<16xf32>
          %mul3A_1207 = arith.mulf %get3A_1206, %gather3A_1196 : vector<16xf32>
          %swap3A_1208 = arith.constant 2 : i32
          %swap3A_1209 = arith.index_cast %swap3A_1208 : i32 to index
          %swap3A_1210 = arith.index_cast %add3A_1200 : i32 to index
          %swap3A_1211 = arith.constant 0 : index
          %swap3A_1212 = tpu.vector_load %arg11[%swap3A_1209, %swap3A_1210, %swap3A_1211] {strides = array<i32>} : memref<3x128x64xf32, #tpu.memory_space<vmem>>, vector<1x1x16xf32>,
          %swap3A_1213 = vector.shape_cast %swap3A_1212 : vector<1x1x16xf32> to vector<16xf32>
          %swap3A_1214 = vector.shape_cast %mul3A_1207 : vector<16xf32> to vector<1x1x16xf32>
          tpu.vector_store %arg11[%swap3A_1209, %swap3A_1210, %swap3A_1211], %swap3A_1214 {strides = array<i32>} : memref<3x128x64xf32, #tpu.memory_space<vmem>>, vector<1x1x16xf32>,
          %get3A_1215 = arith.constant 2 : i32
          %get3A_1216 = arith.index_cast %get3A_1215 : i32 to index
          %get3A_1217 = arith.index_cast %add3A_1200 : i32 to index
          %get3A_1218 = arith.constant 16 : index
          %get3A_1219 = tpu.vector_load %arg10[%get3A_1216, %get3A_1217, %get3A_1218] {strides = array<i32>} : memref<3x128x64xf32, #tpu.memory_space<vmem>>, vector<1x1x16xf32>,
          %get3A_1220 = vector.shape_cast %get3A_1219 : vector<1x1x16xf32> to vector<16xf32>
          %mul3A_1221 = arith.mulf %get3A_1220, %gather3A_1196 : vector<16xf32>
          %swap3A_1222 = arith.constant 2 : i32
          %swap3A_1223 = arith.index_cast %swap3A_1222 : i32 to index
          %swap3A_1224 = arith.index_cast %add3A_1200 : i32 to index
          %swap3A_1225 = arith.constant 16 : index
          %swap3A_1226 = tpu.vector_load %arg11[%swap3A_1223, %swap3A_1224, %swap3A_1225] {strides = array<i32>} : memref<3x128x64xf32, #tpu.memory_space<vmem>>, vector<1x1x16xf32>,
          %swap3A_1227 = vector.shape_cast %swap3A_1226 : vector<1x1x16xf32> to vector<16xf32>
          %swap3A_1228 = vector.shape_cast %mul3A_1221 : vector<16xf32> to vector<1x1x16xf32>
          tpu.vector_store %arg11[%swap3A_1223, %swap3A_1224, %swap3A_1225], %swap3A_1228 {strides = array<i32>} : memref<3x128x64xf32, #tpu.memory_space<vmem>>, vector<1x1x16xf32>,
          %get3A_1229 = arith.constant 2 : i32
          %get3A_1230 = arith.index_cast %get3A_1229 : i32 to index
          %get3A_1231 = arith.index_cast %add3A_1200 : i32 to index
          %get3A_1232 = arith.constant 32 : index
          %get3A_1233 = tpu.vector_load %arg10[%get3A_1230, %get3A_1231, %get3A_1232] {strides = array<i32>} : memref<3x128x64xf32, #tpu.memory_space<vmem>>, vector<1x1x16xf32>,
          %get3A_1234 = vector.shape_cast %get3A_1233 : vector<1x1x16xf32> to vector<16xf32>
          %mul3A_1235 = arith.mulf %get3A_1234, %gather3A_1196 : vector<16xf32>
          %swap3A_1236 = arith.constant 2 : i32
          %swap3A_1237 = arith.index_cast %swap3A_1236 : i32 to index
          %swap3A_1238 = arith.index_cast %add3A_1200 : i32 to index
          %swap3A_1239 = arith.constant 32 : index
          %swap3A_1240 = tpu.vector_load %arg11[%swap3A_1237, %swap3A_1238, %swap3A_1239] {strides = array<i32>} : memref<3x128x64xf32, #tpu.memory_space<vmem>>, vector<1x1x16xf32>,
          %swap3A_1241 = vector.shape_cast %swap3A_1240 : vector<1x1x16xf32> to vector<16xf32>
          %swap3A_1242 = vector.shape_cast %mul3A_1235 : vector<16xf32> to vector<1x1x16xf32>
          tpu.vector_store %arg11[%swap3A_1237, %swap3A_1238, %swap3A_1239], %swap3A_1242 {strides = array<i32>} : memref<3x128x64xf32, #tpu.memory_space<vmem>>, vector<1x1x16xf32>,
          %get3A_1243 = arith.constant 2 : i32
          %get3A_1244 = arith.index_cast %get3A_1243 : i32 to index
          %get3A_1245 = arith.index_cast %add3A_1200 : i32 to index
          %get3A_1246 = arith.constant 48 : index
          %get3A_1247 = tpu.vector_load %arg10[%get3A_1244, %get3A_1245, %get3A_1246] {strides = array<i32>} : memref<3x128x64xf32, #tpu.memory_space<vmem>>, vector<1x1x16xf32>,
          %get3A_1248 = vector.shape_cast %get3A_1247 : vector<1x1x16xf32> to vector<16xf32>
          %mul3A_1249 = arith.mulf %get3A_1248, %gather3A_1196 : vector<16xf32>
          %swap3A_1250 = arith.constant 2 : i32
          %swap3A_1251 = arith.index_cast %swap3A_1250 : i32 to index
          %swap3A_1252 = arith.index_cast %add3A_1200 : i32 to index
          %swap3A_1253 = arith.constant 48 : index
          %swap3A_1254 = tpu.vector_load %arg11[%swap3A_1251, %swap3A_1252, %swap3A_1253] {strides = array<i32>} : memref<3x128x64xf32, #tpu.memory_space<vmem>>, vector<1x1x16xf32>,
          %swap3A_1255 = vector.shape_cast %swap3A_1254 : vector<1x1x16xf32> to vector<16xf32>
          %swap3A_1256 = vector.shape_cast %mul3A_1249 : vector<16xf32> to vector<1x1x16xf32>
          tpu.vector_store %arg11[%swap3A_1251, %swap3A_1252, %swap3A_1253], %swap3A_1256 {strides = array<i32>} : memref<3x128x64xf32, #tpu.memory_space<vmem>>, vector<1x1x16xf32>,
          %broadcast_in_dim3A_1257 = arith.constant 14 : i32
          %broadcast_in_dim3A_1258 = vector.broadcast %broadcast_in_dim3A_1257 : i32 to vector<16x1xi32>
          %gather3A_1259 = vector.shape_cast %broadcast_in_dim3A_1258 : vector<16x1xi32> to vector<16xi32>
          %gather3A_1260 = tpu.dynamic_gather %get3A_362[%gather3A_1259] in [0] : vector<16xf32>, vector<16xi32> -> vector<16xf32>
          %mul3A_1261 = arith.constant 16 : i32
          %mul3A_1262 = arith.muli %scan3A_354, %mul3A_1261 : i32
          %add3A_1263 = arith.constant 14 : i32
          %add3A_1264 = arith.addi %mul3A_1262, %add3A_1263 : i32
          %get3A_1265 = arith.constant 2 : i32
          %get3A_1266 = arith.index_cast %get3A_1265 : i32 to index
          %get3A_1267 = arith.index_cast %add3A_1264 : i32 to index
          %get3A_1268 = arith.constant 0 : index
          %get3A_1269 = tpu.vector_load %arg10[%get3A_1266, %get3A_1267, %get3A_1268] {strides = array<i32>} : memref<3x128x64xf32, #tpu.memory_space<vmem>>, vector<1x1x16xf32>,
          %get3A_1270 = vector.shape_cast %get3A_1269 : vector<1x1x16xf32> to vector<16xf32>
          %mul3A_1271 = arith.mulf %get3A_1270, %gather3A_1260 : vector<16xf32>
          %swap3A_1272 = arith.constant 2 : i32
          %swap3A_1273 = arith.index_cast %swap3A_1272 : i32 to index
          %swap3A_1274 = arith.index_cast %add3A_1264 : i32 to index
          %swap3A_1275 = arith.constant 0 : index
          %swap3A_1276 = tpu.vector_load %arg11[%swap3A_1273, %swap3A_1274, %swap3A_1275] {strides = array<i32>} : memref<3x128x64xf32, #tpu.memory_space<vmem>>, vector<1x1x16xf32>,
          %swap3A_1277 = vector.shape_cast %swap3A_1276 : vector<1x1x16xf32> to vector<16xf32>
          %swap3A_1278 = vector.shape_cast %mul3A_1271 : vector<16xf32> to vector<1x1x16xf32>
          tpu.vector_store %arg11[%swap3A_1273, %swap3A_1274, %swap3A_1275], %swap3A_1278 {strides = array<i32>} : memref<3x128x64xf32, #tpu.memory_space<vmem>>, vector<1x1x16xf32>,
          %get3A_1279 = arith.constant 2 : i32
          %get3A_1280 = arith.index_cast %get3A_1279 : i32 to index
          %get3A_1281 = arith.index_cast %add3A_1264 : i32 to index
          %get3A_1282 = arith.constant 16 : index
          %get3A_1283 = tpu.vector_load %arg10[%get3A_1280, %get3A_1281, %get3A_1282] {strides = array<i32>} : memref<3x128x64xf32, #tpu.memory_space<vmem>>, vector<1x1x16xf32>,
          %get3A_1284 = vector.shape_cast %get3A_1283 : vector<1x1x16xf32> to vector<16xf32>
          %mul3A_1285 = arith.mulf %get3A_1284, %gather3A_1260 : vector<16xf32>
          %swap3A_1286 = arith.constant 2 : i32
          %swap3A_1287 = arith.index_cast %swap3A_1286 : i32 to index
          %swap3A_1288 = arith.index_cast %add3A_1264 : i32 to index
          %swap3A_1289 = arith.constant 16 : index
          %swap3A_1290 = tpu.vector_load %arg11[%swap3A_1287, %swap3A_1288, %swap3A_1289] {strides = array<i32>} : memref<3x128x64xf32, #tpu.memory_space<vmem>>, vector<1x1x16xf32>,
          %swap3A_1291 = vector.shape_cast %swap3A_1290 : vector<1x1x16xf32> to vector<16xf32>
          %swap3A_1292 = vector.shape_cast %mul3A_1285 : vector<16xf32> to vector<1x1x16xf32>
          tpu.vector_store %arg11[%swap3A_1287, %swap3A_1288, %swap3A_1289], %swap3A_1292 {strides = array<i32>} : memref<3x128x64xf32, #tpu.memory_space<vmem>>, vector<1x1x16xf32>,
          %get3A_1293 = arith.constant 2 : i32
          %get3A_1294 = arith.index_cast %get3A_1293 : i32 to index
          %get3A_1295 = arith.index_cast %add3A_1264 : i32 to index
          %get3A_1296 = arith.constant 32 : index
          %get3A_1297 = tpu.vector_load %arg10[%get3A_1294, %get3A_1295, %get3A_1296] {strides = array<i32>} : memref<3x128x64xf32, #tpu.memory_space<vmem>>, vector<1x1x16xf32>,
          %get3A_1298 = vector.shape_cast %get3A_1297 : vector<1x1x16xf32> to vector<16xf32>
          %mul3A_1299 = arith.mulf %get3A_1298, %gather3A_1260 : vector<16xf32>
          %swap3A_1300 = arith.constant 2 : i32
          %swap3A_1301 = arith.index_cast %swap3A_1300 : i32 to index
          %swap3A_1302 = arith.index_cast %add3A_1264 : i32 to index
          %swap3A_1303 = arith.constant 32 : index
          %swap3A_1304 = tpu.vector_load %arg11[%swap3A_1301, %swap3A_1302, %swap3A_1303] {strides = array<i32>} : memref<3x128x64xf32, #tpu.memory_space<vmem>>, vector<1x1x16xf32>,
          %swap3A_1305 = vector.shape_cast %swap3A_1304 : vector<1x1x16xf32> to vector<16xf32>
          %swap3A_1306 = vector.shape_cast %mul3A_1299 : vector<16xf32> to vector<1x1x16xf32>
          tpu.vector_store %arg11[%swap3A_1301, %swap3A_1302, %swap3A_1303], %swap3A_1306 {strides = array<i32>} : memref<3x128x64xf32, #tpu.memory_space<vmem>>, vector<1x1x16xf32>,
          %get3A_1307 = arith.constant 2 : i32
          %get3A_1308 = arith.index_cast %get3A_1307 : i32 to index
          %get3A_1309 = arith.index_cast %add3A_1264 : i32 to index
          %get3A_1310 = arith.constant 48 : index
          %get3A_1311 = tpu.vector_load %arg10[%get3A_1308, %get3A_1309, %get3A_1310] {strides = array<i32>} : memref<3x128x64xf32, #tpu.memory_space<vmem>>, vector<1x1x16xf32>,
          %get3A_1312 = vector.shape_cast %get3A_1311 : vector<1x1x16xf32> to vector<16xf32>
          %mul3A_1313 = arith.mulf %get3A_1312, %gather3A_1260 : vector<16xf32>
          %swap3A_1314 = arith.constant 2 : i32
          %swap3A_1315 = arith.index_cast %swap3A_1314 : i32 to index
          %swap3A_1316 = arith.index_cast %add3A_1264 : i32 to index
          %swap3A_1317 = arith.constant 48 : index
          %swap3A_1318 = tpu.vector_load %arg11[%swap3A_1315, %swap3A_1316, %swap3A_1317] {strides = array<i32>} : memref<3x128x64xf32, #tpu.memory_space<vmem>>, vector<1x1x16xf32>,
          %swap3A_1319 = vector.shape_cast %swap3A_1318 : vector<1x1x16xf32> to vector<16xf32>
          %swap3A_1320 = vector.shape_cast %mul3A_1313 : vector<16xf32> to vector<1x1x16xf32>
          tpu.vector_store %arg11[%swap3A_1315, %swap3A_1316, %swap3A_1317], %swap3A_1320 {strides = array<i32>} : memref<3x128x64xf32, #tpu.memory_space<vmem>>, vector<1x1x16xf32>,
          %broadcast_in_dim3A_1321 = arith.constant 15 : i32
          %broadcast_in_dim3A_1322 = vector.broadcast %broadcast_in_dim3A_1321 : i32 to vector<16x1xi32>
          %gather3A_1323 = vector.shape_cast %broadcast_in_dim3A_1322 : vector<16x1xi32> to vector<16xi32>
          %gather3A_1324 = tpu.dynamic_gather %get3A_362[%gather3A_1323] in [0] : vector<16xf32>, vector<16xi32> -> vector<16xf32>
          %mul3A_1325 = arith.constant 16 : i32
          %mul3A_1326 = arith.muli %scan3A_354, %mul3A_1325 : i32
          %add3A_1327 = arith.constant 15 : i32
          %add3A_1328 = arith.addi %mul3A_1326, %add3A_1327 : i32
          %get3A_1329 = arith.constant 2 : i32
          %get3A_1330 = arith.index_cast %get3A_1329 : i32 to index
          %get3A_1331 = arith.index_cast %add3A_1328 : i32 to index
          %get3A_1332 = arith.constant 0 : index
          %get3A_1333 = tpu.vector_load %arg10[%get3A_1330, %get3A_1331, %get3A_1332] {strides = array<i32>} : memref<3x128x64xf32, #tpu.memory_space<vmem>>, vector<1x1x16xf32>,
          %get3A_1334 = vector.shape_cast %get3A_1333 : vector<1x1x16xf32> to vector<16xf32>
          %mul3A_1335 = arith.mulf %get3A_1334, %gather3A_1324 : vector<16xf32>
          %swap3A_1336 = arith.constant 2 : i32
          %swap3A_1337 = arith.index_cast %swap3A_1336 : i32 to index
          %swap3A_1338 = arith.index_cast %add3A_1328 : i32 to index
          %swap3A_1339 = arith.constant 0 : index
          %swap3A_1340 = tpu.vector_load %arg11[%swap3A_1337, %swap3A_1338, %swap3A_1339] {strides = array<i32>} : memref<3x128x64xf32, #tpu.memory_space<vmem>>, vector<1x1x16xf32>,
          %swap3A_1341 = vector.shape_cast %swap3A_1340 : vector<1x1x16xf32> to vector<16xf32>
          %swap3A_1342 = vector.shape_cast %mul3A_1335 : vector<16xf32> to vector<1x1x16xf32>
          tpu.vector_store %arg11[%swap3A_1337, %swap3A_1338, %swap3A_1339], %swap3A_1342 {strides = array<i32>} : memref<3x128x64xf32, #tpu.memory_space<vmem>>, vector<1x1x16xf32>,
          %get3A_1343 = arith.constant 2 : i32
          %get3A_1344 = arith.index_cast %get3A_1343 : i32 to index
          %get3A_1345 = arith.index_cast %add3A_1328 : i32 to index
          %get3A_1346 = arith.constant 16 : index
          %get3A_1347 = tpu.vector_load %arg10[%get3A_1344, %get3A_1345, %get3A_1346] {strides = array<i32>} : memref<3x128x64xf32, #tpu.memory_space<vmem>>, vector<1x1x16xf32>,
          %get3A_1348 = vector.shape_cast %get3A_1347 : vector<1x1x16xf32> to vector<16xf32>
          %mul3A_1349 = arith.mulf %get3A_1348, %gather3A_1324 : vector<16xf32>
          %swap3A_1350 = arith.constant 2 : i32
          %swap3A_1351 = arith.index_cast %swap3A_1350 : i32 to index
          %swap3A_1352 = arith.index_cast %add3A_1328 : i32 to index
          %swap3A_1353 = arith.constant 16 : index
          %swap3A_1354 = tpu.vector_load %arg11[%swap3A_1351, %swap3A_1352, %swap3A_1353] {strides = array<i32>} : memref<3x128x64xf32, #tpu.memory_space<vmem>>, vector<1x1x16xf32>,
          %swap3A_1355 = vector.shape_cast %swap3A_1354 : vector<1x1x16xf32> to vector<16xf32>
          %swap3A_1356 = vector.shape_cast %mul3A_1349 : vector<16xf32> to vector<1x1x16xf32>
          tpu.vector_store %arg11[%swap3A_1351, %swap3A_1352, %swap3A_1353], %swap3A_1356 {strides = array<i32>} : memref<3x128x64xf32, #tpu.memory_space<vmem>>, vector<1x1x16xf32>,
          %get3A_1357 = arith.constant 2 : i32
          %get3A_1358 = arith.index_cast %get3A_1357 : i32 to index
          %get3A_1359 = arith.index_cast %add3A_1328 : i32 to index
          %get3A_1360 = arith.constant 32 : index
          %get3A_1361 = tpu.vector_load %arg10[%get3A_1358, %get3A_1359, %get3A_1360] {strides = array<i32>} : memref<3x128x64xf32, #tpu.memory_space<vmem>>, vector<1x1x16xf32>,
          %get3A_1362 = vector.shape_cast %get3A_1361 : vector<1x1x16xf32> to vector<16xf32>
          %mul3A_1363 = arith.mulf %get3A_1362, %gather3A_1324 : vector<16xf32>
          %swap3A_1364 = arith.constant 2 : i32
          %swap3A_1365 = arith.index_cast %swap3A_1364 : i32 to index
          %swap3A_1366 = arith.index_cast %add3A_1328 : i32 to index
          %swap3A_1367 = arith.constant 32 : index
          %swap3A_1368 = tpu.vector_load %arg11[%swap3A_1365, %swap3A_1366, %swap3A_1367] {strides = array<i32>} : memref<3x128x64xf32, #tpu.memory_space<vmem>>, vector<1x1x16xf32>,
          %swap3A_1369 = vector.shape_cast %swap3A_1368 : vector<1x1x16xf32> to vector<16xf32>
          %swap3A_1370 = vector.shape_cast %mul3A_1363 : vector<16xf32> to vector<1x1x16xf32>
          tpu.vector_store %arg11[%swap3A_1365, %swap3A_1366, %swap3A_1367], %swap3A_1370 {strides = array<i32>} : memref<3x128x64xf32, #tpu.memory_space<vmem>>, vector<1x1x16xf32>,
          %get3A_1371 = arith.constant 2 : i32
          %get3A_1372 = arith.index_cast %get3A_1371 : i32 to index
          %get3A_1373 = arith.index_cast %add3A_1328 : i32 to index
          %get3A_1374 = arith.constant 48 : index
          %get3A_1375 = tpu.vector_load %arg10[%get3A_1372, %get3A_1373, %get3A_1374] {strides = array<i32>} : memref<3x128x64xf32, #tpu.memory_space<vmem>>, vector<1x1x16xf32>,
          %get3A_1376 = vector.shape_cast %get3A_1375 : vector<1x1x16xf32> to vector<16xf32>
          %mul3A_1377 = arith.mulf %get3A_1376, %gather3A_1324 : vector<16xf32>
          %swap3A_1378 = arith.constant 2 : i32
          %swap3A_1379 = arith.index_cast %swap3A_1378 : i32 to index
          %swap3A_1380 = arith.index_cast %add3A_1328 : i32 to index
          %swap3A_1381 = arith.constant 48 : index
          %swap3A_1382 = tpu.vector_load %arg11[%swap3A_1379, %swap3A_1380, %swap3A_1381] {strides = array<i32>} : memref<3x128x64xf32, #tpu.memory_space<vmem>>, vector<1x1x16xf32>,
          %swap3A_1383 = vector.shape_cast %swap3A_1382 : vector<1x1x16xf32> to vector<16xf32>
          %swap3A_1384 = vector.shape_cast %mul3A_1377 : vector<16xf32> to vector<1x1x16xf32>
          tpu.vector_store %arg11[%swap3A_1379, %swap3A_1380, %swap3A_1381], %swap3A_1384 {strides = array<i32>} : memref<3x128x64xf32, #tpu.memory_space<vmem>>, vector<1x1x16xf32>,
          %scan3A_1385 = arith.constant 0 : i32
          scf.yield %scan3A_1385 : i32
        }
        %scan3A_331 = arith.constant 8 : i32
        %mul3A_332 = arith.constant 128 : i32
        %mul3A_333 = arith.muli %add3A_305, %mul3A_332 : i32
        %dma_start3A_334 = arith.constant 2 : i32
        %dma_start3A_335 = arith.constant 2 : i32
        %dma_start3A_336 = arith.constant 0 : i32
        %dma_start3A_337 = arith.constant 0 : i32
        %dma_start3A_338 = tpu.memref_slice %arg11[%dma_start3A_334, %dma_start3A_336, %dma_start3A_337] : memref<3x128x64xf32, #tpu.memory_space<vmem>> -> memref<1x128x64xf32, #tpu.memory_space<vmem>>
        %dma_start3A_339 = tpu.memref_squeeze %dma_start3A_338 : memref<1x128x64xf32, #tpu.memory_space<vmem>> -> memref<128x64xf32, #tpu.memory_space<vmem>>
        %dma_start3A_340 = tpu.memref_slice %arg7[%mul3A_333] : memref<8448xi32, #tpu.memory_space<vmem>> -> memref<128xi32, #tpu.memory_space<vmem>>
        %dma_start3A_341 = arith.constant 0 : i32
        %dma_start3A_342 = arith.constant 0 : i32
        %dma_start3A_343 = tpu.memref_slice %arg13[%dma_start3A_341, %dma_start3A_342] : memref<8192x64xf32, #tpu.memory_space<vmem_shared>> -> memref<8192x64xf32, #tpu.memory_space<vmem_shared>>
        %dma_start3A_344 = tpu.memref_slice %arg15[%dma_start3A_335] : memref<3x!tpu.dma_semaphore, #tpu.memory_space<semaphore_mem>> -> memref<1x!tpu.dma_semaphore, #tpu.memory_space<semaphore_mem>>
        %dma_start3A_345 = tpu.memref_squeeze %dma_start3A_344 : memref<1x!tpu.dma_semaphore, #tpu.memory_space<semaphore_mem>> -> memref<!tpu.dma_semaphore, #tpu.memory_space<semaphore_mem>>
        tpu.enqueue_indirect_dma source(%dma_start3A_339 : memref<128x64xf32, #tpu.memory_space<vmem>>) target(%dma_start3A_343 : memref<8192x64xf32, #tpu.memory_space<vmem_shared>>) offsets(%dma_start3A_340 : memref<128xi32, #tpu.memory_space<vmem>>) semaphore(%dma_start3A_345 : memref<!tpu.dma_semaphore, #tpu.memory_space<semaphore_mem>>) {add = true}
        %add3A_346 = arith.constant 3 : i32
        %add3A_347 = arith.addi %add3A_305, %add3A_346 : i32
        %lt3A_348 = arith.constant 66 : i32
        %lt3A_349 = arith.cmpi slt, %add3A_347, %lt3A_348 : i32
        %convert_element_type3A_350 = arith.extui %lt3A_349 : i1 to i32
        %cond3A_351 = arith.constant 0 : i32
        %cond3A_352 = arith.cmpi ne, %convert_element_type3A_350, %cond3A_351 : i32
        scf.if %cond3A_352 {
          %add3A_354 = arith.constant 3 : i32
          %add3A_355 = arith.addi %add3A_305, %add3A_354 : i32
          %mul3A_356 = arith.constant 128 : i32
          %mul3A_357 = arith.muli %add3A_355, %mul3A_356 : i32
          %dma_start3A_358 = arith.constant 2 : i32
          %dma_start3A_359 = arith.constant 2 : i32
          %dma_start3A_360 = arith.constant 0 : i32
          %dma_start3A_361 = arith.constant 0 : i32
          %dma_start3A_362 = tpu.memref_slice %arg10[%dma_start3A_358, %dma_start3A_360, %dma_start3A_361] : memref<3x128x64xf32, #tpu.memory_space<vmem>> -> memref<1x128x64xf32, #tpu.memory_space<vmem>>
          %dma_start3A_363 = tpu.memref_squeeze %dma_start3A_362 : memref<1x128x64xf32, #tpu.memory_space<vmem>> -> memref<128x64xf32, #tpu.memory_space<vmem>>
          %dma_start3A_364 = tpu.memref_slice %arg8[%mul3A_357] : memref<8448xi32, #tpu.memory_space<vmem>> -> memref<128xi32, #tpu.memory_space<vmem>>
          %dma_start3A_365 = arith.constant 0 : i32
          %dma_start3A_366 = arith.constant 0 : i32
          %dma_start3A_367 = tpu.memref_slice %arg2[%dma_start3A_365, %dma_start3A_366] : memref<262144x64xf32, #tpu.memory_space<hbm>> -> memref<262144x64xf32, #tpu.memory_space<hbm>>
          %dma_start3A_368 = tpu.memref_slice %arg14[%dma_start3A_359] : memref<3x!tpu.dma_semaphore, #tpu.memory_space<semaphore_mem>> -> memref<1x!tpu.dma_semaphore, #tpu.memory_space<semaphore_mem>>
          %dma_start3A_369 = tpu.memref_squeeze %dma_start3A_368 : memref<1x!tpu.dma_semaphore, #tpu.memory_space<semaphore_mem>> -> memref<!tpu.dma_semaphore, #tpu.memory_space<semaphore_mem>>
          tpu.enqueue_indirect_dma source(%dma_start3A_367 : memref<262144x64xf32, #tpu.memory_space<hbm>>) target(%dma_start3A_363 : memref<128x64xf32, #tpu.memory_space<vmem>>) offsets(%dma_start3A_364 : memref<128xi32, #tpu.memory_space<vmem>>) semaphore(%dma_start3A_369 : memref<!tpu.dma_semaphore, #tpu.memory_space<semaphore_mem>>)
        } else {
        }
        %scan3A_353 = arith.constant 0 : i32
        scf.yield %scan3A_353 : i32
      }
      %scan3A_144 = arith.constant 22 : i32
      %dma_wait3A = arith.constant 0 : i32
      %dma_wait3A_145 = arith.constant 0 : i32
      %dma_wait3A_146 = arith.constant 0 : i32
      %dma_wait3A_147 = arith.constant 0 : i32
      %dma_wait3A_148 = tpu.memref_slice %arg11[%dma_wait3A, %dma_wait3A_146, %dma_wait3A_147] : memref<3x128x64xf32, #tpu.memory_space<vmem>> -> memref<1x128x64xf32, #tpu.memory_space<vmem>>
      %dma_wait3A_149 = tpu.memref_squeeze %dma_wait3A_148 : memref<1x128x64xf32, #tpu.memory_space<vmem>> -> memref<128x64xf32, #tpu.memory_space<vmem>>
      %dma_wait3A_150 = arith.constant 8064 : i32
      %dma_wait3A_151 = tpu.memref_slice %arg7[%dma_wait3A_150] : memref<8448xi32, #tpu.memory_space<vmem>> -> memref<128xi32, #tpu.memory_space<vmem>>
      %dma_wait3A_152 = arith.constant 0 : i32
      %dma_wait3A_153 = arith.constant 0 : i32
      %dma_wait3A_154 = tpu.memref_slice %arg13[%dma_wait3A_152, %dma_wait3A_153] : memref<8192x64xf32, #tpu.memory_space<vmem_shared>> -> memref<8192x64xf32, #tpu.memory_space<vmem_shared>>
      %dma_wait3A_155 = tpu.memref_slice %arg15[%dma_wait3A_145] : memref<3x!tpu.dma_semaphore, #tpu.memory_space<semaphore_mem>> -> memref<1x!tpu.dma_semaphore, #tpu.memory_space<semaphore_mem>>
      %dma_wait3A_156 = tpu.memref_squeeze %dma_wait3A_155 : memref<1x!tpu.dma_semaphore, #tpu.memory_space<semaphore_mem>> -> memref<!tpu.dma_semaphore, #tpu.memory_space<semaphore_mem>>
      tpu.wait_indirect_dma semaphore(%dma_wait3A_156 : memref<!tpu.dma_semaphore, #tpu.memory_space<semaphore_mem>>) src(%dma_wait3A_149 : memref<128x64xf32, #tpu.memory_space<vmem>>) dst(%dma_wait3A_154 : memref<8192x64xf32, #tpu.memory_space<vmem_shared>>)
      %dma_wait3A_157 = arith.constant 1 : i32
      %dma_wait3A_158 = arith.constant 1 : i32
      %dma_wait3A_159 = arith.constant 0 : i32
      %dma_wait3A_160 = arith.constant 0 : i32
      %dma_wait3A_161 = tpu.memref_slice %arg11[%dma_wait3A_157, %dma_wait3A_159, %dma_wait3A_160] : memref<3x128x64xf32, #tpu.memory_space<vmem>> -> memref<1x128x64xf32, #tpu.memory_space<vmem>>
      %dma_wait3A_162 = tpu.memref_squeeze %dma_wait3A_161 : memref<1x128x64xf32, #tpu.memory_space<vmem>> -> memref<128x64xf32, #tpu.memory_space<vmem>>
      %dma_wait3A_163 = arith.constant 8192 : i32
      %dma_wait3A_164 = tpu.memref_slice %arg7[%dma_wait3A_163] : memref<8448xi32, #tpu.memory_space<vmem>> -> memref<128xi32, #tpu.memory_space<vmem>>
      %dma_wait3A_165 = arith.constant 0 : i32
      %dma_wait3A_166 = arith.constant 0 : i32
      %dma_wait3A_167 = tpu.memref_slice %arg13[%dma_wait3A_165, %dma_wait3A_166] : memref<8192x64xf32, #tpu.memory_space<vmem_shared>> -> memref<8192x64xf32, #tpu.memory_space<vmem_shared>>
      %dma_wait3A_168 = tpu.memref_slice %arg15[%dma_wait3A_158] : memref<3x!tpu.dma_semaphore, #tpu.memory_space<semaphore_mem>> -> memref<1x!tpu.dma_semaphore, #tpu.memory_space<semaphore_mem>>
      %dma_wait3A_169 = tpu.memref_squeeze %dma_wait3A_168 : memref<1x!tpu.dma_semaphore, #tpu.memory_space<semaphore_mem>> -> memref<!tpu.dma_semaphore, #tpu.memory_space<semaphore_mem>>
      tpu.wait_indirect_dma semaphore(%dma_wait3A_169 : memref<!tpu.dma_semaphore, #tpu.memory_space<semaphore_mem>>) src(%dma_wait3A_162 : memref<128x64xf32, #tpu.memory_space<vmem>>) dst(%dma_wait3A_167 : memref<8192x64xf32, #tpu.memory_space<vmem_shared>>)
      %dma_wait3A_170 = arith.constant 2 : i32
      %dma_wait3A_171 = arith.constant 2 : i32
      %dma_wait3A_172 = arith.constant 0 : i32
      %dma_wait3A_173 = arith.constant 0 : i32
      %dma_wait3A_174 = tpu.memref_slice %arg11[%dma_wait3A_170, %dma_wait3A_172, %dma_wait3A_173] : memref<3x128x64xf32, #tpu.memory_space<vmem>> -> memref<1x128x64xf32, #tpu.memory_space<vmem>>
      %dma_wait3A_175 = tpu.memref_squeeze %dma_wait3A_174 : memref<1x128x64xf32, #tpu.memory_space<vmem>> -> memref<128x64xf32, #tpu.memory_space<vmem>>
      %dma_wait3A_176 = arith.constant 8320 : i32
      %dma_wait3A_177 = tpu.memref_slice %arg7[%dma_wait3A_176] : memref<8448xi32, #tpu.memory_space<vmem>> -> memref<128xi32, #tpu.memory_space<vmem>>
      %dma_wait3A_178 = arith.constant 0 : i32
      %dma_wait3A_179 = arith.constant 0 : i32
      %dma_wait3A_180 = tpu.memref_slice %arg13[%dma_wait3A_178, %dma_wait3A_179] : memref<8192x64xf32, #tpu.memory_space<vmem_shared>> -> memref<8192x64xf32, #tpu.memory_space<vmem_shared>>
      %dma_wait3A_181 = tpu.memref_slice %arg15[%dma_wait3A_171] : memref<3x!tpu.dma_semaphore, #tpu.memory_space<semaphore_mem>> -> memref<1x!tpu.dma_semaphore, #tpu.memory_space<semaphore_mem>>
      %dma_wait3A_182 = tpu.memref_squeeze %dma_wait3A_181 : memref<1x!tpu.dma_semaphore, #tpu.memory_space<semaphore_mem>> -> memref<!tpu.dma_semaphore, #tpu.memory_space<semaphore_mem>>
      tpu.wait_indirect_dma semaphore(%dma_wait3A_182 : memref<!tpu.dma_semaphore, #tpu.memory_space<semaphore_mem>>) src(%dma_wait3A_175 : memref<128x64xf32, #tpu.memory_space<vmem>>) dst(%dma_wait3A_180 : memref<8192x64xf32, #tpu.memory_space<vmem_shared>>)
      %barrier3A_183 = arith.constant 0 : index
      tpu.barrier barrier_id(%barrier3A_183)
      %mul3A_184 = arith.constant 512 : i32
      %mul3A_185 = arith.muli %arg1, %mul3A_184 : i32
      %mul3A_186 = arith.constant 8192 : i32
      %mul3A_187 = arith.muli %add3A_99, %mul3A_186 : i32
      %mul3A_188 = arith.constant 512 : i32
      %mul3A_189 = arith.muli %arg1, %mul3A_188 : i32
      %add3A_190 = arith.addi %mul3A_187, %mul3A_189 : i32
      "tpu.region"() ({
        %run_scoped3A = tpu.sem_alloc : memref<!tpu.dma_semaphore, #tpu.memory_space<semaphore_mem>>
        %dma_start3A_199 = arith.constant 0 : i32
        %dma_start3A_200 = tpu.memref_slice %arg6[%add3A_190, %dma_start3A_199] : memref<131072x64xf32, #tpu.memory_space<hbm>> -> memref<512x64xf32, #tpu.memory_space<hbm>>
        %dma_start3A_201 = arith.constant 0 : i32
        %dma_start3A_202 = tpu.memref_slice %arg13[%mul3A_185, %dma_start3A_201] : memref<8192x64xf32, #tpu.memory_space<vmem_shared>> -> memref<512x64xf32, #tpu.memory_space<vmem_shared>>
        tpu.enqueue_dma source(%dma_start3A_202 : memref<512x64xf32, #tpu.memory_space<vmem_shared>>) target(%dma_start3A_200 : memref<512x64xf32, #tpu.memory_space<hbm>>) target_semaphore(%run_scoped3A : memref<!tpu.dma_semaphore, #tpu.memory_space<semaphore_mem>>)
        %dma_wait3A_203 = arith.constant 0 : i32
        %dma_wait3A_204 = tpu.memref_slice %arg6[%add3A_190, %dma_wait3A_203] : memref<131072x64xf32, #tpu.memory_space<hbm>> -> memref<512x64xf32, #tpu.memory_space<hbm>>
        %dma_wait3A_205 = arith.constant 0 : i32
        %dma_wait3A_206 = tpu.memref_slice %arg13[%mul3A_185, %dma_wait3A_205] : memref<8192x64xf32, #tpu.memory_space<vmem_shared>> -> memref<512x64xf32, #tpu.memory_space<vmem_shared>>
        tpu.wait_dma2 semaphore(%run_scoped3A : memref<!tpu.dma_semaphore, #tpu.memory_space<semaphore_mem>>) src(%dma_wait3A_206 : memref<512x64xf32, #tpu.memory_space<vmem_shared>>) dst(%dma_wait3A_204 : memref<512x64xf32, #tpu.memory_space<hbm>>)
        tpu.yield
      }) : () -> ()
      %add3A_191 = arith.constant 1 : i32
      %add3A_192 = arith.addi %scan3A_95, %add3A_191 : i32
      %lt3A = arith.constant 8 : i32
      %lt3A_193 = arith.cmpi slt, %add3A_192, %lt3A : i32
      %convert_element_type3A_194 = arith.extui %lt3A_193 : i1 to i32
      %cond3A_195 = arith.constant 0 : i32
      %cond3A_196 = arith.cmpi ne, %convert_element_type3A_194, %cond3A_195 : i32
      scf.if %cond3A_196 {
        %mul3A_199 = arith.constant 512 : i32
        %mul3A_200 = arith.muli %arg1, %mul3A_199 : i32
        %add3A_201 = arith.constant 0 : i32
        %add3A_202 = arith.addi %mul3A_200, %add3A_201 : i32
        "tpu.region"() ({
          %run_scoped3A = tpu.sem_alloc : memref<!tpu.dma_semaphore, #tpu.memory_space<semaphore_mem>>
          %dma_start3A_270 = arith.constant 0 : i32
          %dma_start3A_271 = tpu.memref_slice %arg13[%add3A_202, %dma_start3A_270] : memref<8192x64xf32, #tpu.memory_space<vmem_shared>> -> memref<32x64xf32, #tpu.memory_space<vmem_shared>>
          %dma_start3A_272 = arith.constant 0 : i32
          %dma_start3A_273 = tpu.memref_slice %arg13[%add3A_202, %dma_start3A_272] : memref<8192x64xf32, #tpu.memory_space<vmem_shared>> -> memref<32x64xf32, #tpu.memory_space<vmem_shared>>
          tpu.enqueue_dma source(%arg12 : memref<32x64xf32, #tpu.memory_space<vmem>>) target(%dma_start3A_273 : memref<32x64xf32, #tpu.memory_space<vmem_shared>>) target_semaphore(%run_scoped3A : memref<!tpu.dma_semaphore, #tpu.memory_space<semaphore_mem>>)
          %dma_wait3A_274 = arith.constant 0 : i32
          %dma_wait3A_275 = tpu.memref_slice %arg13[%add3A_202, %dma_wait3A_274] : memref<8192x64xf32, #tpu.memory_space<vmem_shared>> -> memref<32x64xf32, #tpu.memory_space<vmem_shared>>
          %dma_wait3A_276 = arith.constant 0 : i32
          %dma_wait3A_277 = tpu.memref_slice %arg13[%add3A_202, %dma_wait3A_276] : memref<8192x64xf32, #tpu.memory_space<vmem_shared>> -> memref<32x64xf32, #tpu.memory_space<vmem_shared>>
          tpu.wait_dma2 semaphore(%run_scoped3A : memref<!tpu.dma_semaphore, #tpu.memory_space<semaphore_mem>>) src(%arg12 : memref<32x64xf32, #tpu.memory_space<vmem>>) dst(%dma_wait3A_277 : memref<32x64xf32, #tpu.memory_space<vmem_shared>>)
          tpu.yield
        }) : () -> ()
        %mul3A_203 = arith.constant 512 : i32
        %mul3A_204 = arith.muli %arg1, %mul3A_203 : i32
        %add3A_205 = arith.constant 32 : i32
        %add3A_206 = arith.addi %mul3A_204, %add3A_205 : i32
        "tpu.region"() ({
          %run_scoped3A = tpu.sem_alloc : memref<!tpu.dma_semaphore, #tpu.memory_space<semaphore_mem>>
          %dma_start3A_270 = arith.constant 0 : i32
          %dma_start3A_271 = tpu.memref_slice %arg13[%add3A_206, %dma_start3A_270] : memref<8192x64xf32, #tpu.memory_space<vmem_shared>> -> memref<32x64xf32, #tpu.memory_space<vmem_shared>>
          %dma_start3A_272 = arith.constant 0 : i32
          %dma_start3A_273 = tpu.memref_slice %arg13[%add3A_206, %dma_start3A_272] : memref<8192x64xf32, #tpu.memory_space<vmem_shared>> -> memref<32x64xf32, #tpu.memory_space<vmem_shared>>
          tpu.enqueue_dma source(%arg12 : memref<32x64xf32, #tpu.memory_space<vmem>>) target(%dma_start3A_273 : memref<32x64xf32, #tpu.memory_space<vmem_shared>>) target_semaphore(%run_scoped3A : memref<!tpu.dma_semaphore, #tpu.memory_space<semaphore_mem>>)
          %dma_wait3A_274 = arith.constant 0 : i32
          %dma_wait3A_275 = tpu.memref_slice %arg13[%add3A_206, %dma_wait3A_274] : memref<8192x64xf32, #tpu.memory_space<vmem_shared>> -> memref<32x64xf32, #tpu.memory_space<vmem_shared>>
          %dma_wait3A_276 = arith.constant 0 : i32
          %dma_wait3A_277 = tpu.memref_slice %arg13[%add3A_206, %dma_wait3A_276] : memref<8192x64xf32, #tpu.memory_space<vmem_shared>> -> memref<32x64xf32, #tpu.memory_space<vmem_shared>>
          tpu.wait_dma2 semaphore(%run_scoped3A : memref<!tpu.dma_semaphore, #tpu.memory_space<semaphore_mem>>) src(%arg12 : memref<32x64xf32, #tpu.memory_space<vmem>>) dst(%dma_wait3A_277 : memref<32x64xf32, #tpu.memory_space<vmem_shared>>)
          tpu.yield
        }) : () -> ()
        %mul3A_207 = arith.constant 512 : i32
        %mul3A_208 = arith.muli %arg1, %mul3A_207 : i32
        %add3A_209 = arith.constant 64 : i32
        %add3A_210 = arith.addi %mul3A_208, %add3A_209 : i32
        "tpu.region"() ({
          %run_scoped3A = tpu.sem_alloc : memref<!tpu.dma_semaphore, #tpu.memory_space<semaphore_mem>>
          %dma_start3A_270 = arith.constant 0 : i32
          %dma_start3A_271 = tpu.memref_slice %arg13[%add3A_210, %dma_start3A_270] : memref<8192x64xf32, #tpu.memory_space<vmem_shared>> -> memref<32x64xf32, #tpu.memory_space<vmem_shared>>
          %dma_start3A_272 = arith.constant 0 : i32
          %dma_start3A_273 = tpu.memref_slice %arg13[%add3A_210, %dma_start3A_272] : memref<8192x64xf32, #tpu.memory_space<vmem_shared>> -> memref<32x64xf32, #tpu.memory_space<vmem_shared>>
          tpu.enqueue_dma source(%arg12 : memref<32x64xf32, #tpu.memory_space<vmem>>) target(%dma_start3A_273 : memref<32x64xf32, #tpu.memory_space<vmem_shared>>) target_semaphore(%run_scoped3A : memref<!tpu.dma_semaphore, #tpu.memory_space<semaphore_mem>>)
          %dma_wait3A_274 = arith.constant 0 : i32
          %dma_wait3A_275 = tpu.memref_slice %arg13[%add3A_210, %dma_wait3A_274] : memref<8192x64xf32, #tpu.memory_space<vmem_shared>> -> memref<32x64xf32, #tpu.memory_space<vmem_shared>>
          %dma_wait3A_276 = arith.constant 0 : i32
          %dma_wait3A_277 = tpu.memref_slice %arg13[%add3A_210, %dma_wait3A_276] : memref<8192x64xf32, #tpu.memory_space<vmem_shared>> -> memref<32x64xf32, #tpu.memory_space<vmem_shared>>
          tpu.wait_dma2 semaphore(%run_scoped3A : memref<!tpu.dma_semaphore, #tpu.memory_space<semaphore_mem>>) src(%arg12 : memref<32x64xf32, #tpu.memory_space<vmem>>) dst(%dma_wait3A_277 : memref<32x64xf32, #tpu.memory_space<vmem_shared>>)
          tpu.yield
        }) : () -> ()
        %mul3A_211 = arith.constant 512 : i32
        %mul3A_212 = arith.muli %arg1, %mul3A_211 : i32
        %add3A_213 = arith.constant 96 : i32
        %add3A_214 = arith.addi %mul3A_212, %add3A_213 : i32
        "tpu.region"() ({
          %run_scoped3A = tpu.sem_alloc : memref<!tpu.dma_semaphore, #tpu.memory_space<semaphore_mem>>
          %dma_start3A_270 = arith.constant 0 : i32
          %dma_start3A_271 = tpu.memref_slice %arg13[%add3A_214, %dma_start3A_270] : memref<8192x64xf32, #tpu.memory_space<vmem_shared>> -> memref<32x64xf32, #tpu.memory_space<vmem_shared>>
          %dma_start3A_272 = arith.constant 0 : i32
          %dma_start3A_273 = tpu.memref_slice %arg13[%add3A_214, %dma_start3A_272] : memref<8192x64xf32, #tpu.memory_space<vmem_shared>> -> memref<32x64xf32, #tpu.memory_space<vmem_shared>>
          tpu.enqueue_dma source(%arg12 : memref<32x64xf32, #tpu.memory_space<vmem>>) target(%dma_start3A_273 : memref<32x64xf32, #tpu.memory_space<vmem_shared>>) target_semaphore(%run_scoped3A : memref<!tpu.dma_semaphore, #tpu.memory_space<semaphore_mem>>)
          %dma_wait3A_274 = arith.constant 0 : i32
          %dma_wait3A_275 = tpu.memref_slice %arg13[%add3A_214, %dma_wait3A_274] : memref<8192x64xf32, #tpu.memory_space<vmem_shared>> -> memref<32x64xf32, #tpu.memory_space<vmem_shared>>
          %dma_wait3A_276 = arith.constant 0 : i32
          %dma_wait3A_277 = tpu.memref_slice %arg13[%add3A_214, %dma_wait3A_276] : memref<8192x64xf32, #tpu.memory_space<vmem_shared>> -> memref<32x64xf32, #tpu.memory_space<vmem_shared>>
          tpu.wait_dma2 semaphore(%run_scoped3A : memref<!tpu.dma_semaphore, #tpu.memory_space<semaphore_mem>>) src(%arg12 : memref<32x64xf32, #tpu.memory_space<vmem>>) dst(%dma_wait3A_277 : memref<32x64xf32, #tpu.memory_space<vmem_shared>>)
          tpu.yield
        }) : () -> ()
        %mul3A_215 = arith.constant 512 : i32
        %mul3A_216 = arith.muli %arg1, %mul3A_215 : i32
        %add3A_217 = arith.constant 128 : i32
        %add3A_218 = arith.addi %mul3A_216, %add3A_217 : i32
        "tpu.region"() ({
          %run_scoped3A = tpu.sem_alloc : memref<!tpu.dma_semaphore, #tpu.memory_space<semaphore_mem>>
          %dma_start3A_270 = arith.constant 0 : i32
          %dma_start3A_271 = tpu.memref_slice %arg13[%add3A_218, %dma_start3A_270] : memref<8192x64xf32, #tpu.memory_space<vmem_shared>> -> memref<32x64xf32, #tpu.memory_space<vmem_shared>>
          %dma_start3A_272 = arith.constant 0 : i32
          %dma_start3A_273 = tpu.memref_slice %arg13[%add3A_218, %dma_start3A_272] : memref<8192x64xf32, #tpu.memory_space<vmem_shared>> -> memref<32x64xf32, #tpu.memory_space<vmem_shared>>
          tpu.enqueue_dma source(%arg12 : memref<32x64xf32, #tpu.memory_space<vmem>>) target(%dma_start3A_273 : memref<32x64xf32, #tpu.memory_space<vmem_shared>>) target_semaphore(%run_scoped3A : memref<!tpu.dma_semaphore, #tpu.memory_space<semaphore_mem>>)
          %dma_wait3A_274 = arith.constant 0 : i32
          %dma_wait3A_275 = tpu.memref_slice %arg13[%add3A_218, %dma_wait3A_274] : memref<8192x64xf32, #tpu.memory_space<vmem_shared>> -> memref<32x64xf32, #tpu.memory_space<vmem_shared>>
          %dma_wait3A_276 = arith.constant 0 : i32
          %dma_wait3A_277 = tpu.memref_slice %arg13[%add3A_218, %dma_wait3A_276] : memref<8192x64xf32, #tpu.memory_space<vmem_shared>> -> memref<32x64xf32, #tpu.memory_space<vmem_shared>>
          tpu.wait_dma2 semaphore(%run_scoped3A : memref<!tpu.dma_semaphore, #tpu.memory_space<semaphore_mem>>) src(%arg12 : memref<32x64xf32, #tpu.memory_space<vmem>>) dst(%dma_wait3A_277 : memref<32x64xf32, #tpu.memory_space<vmem_shared>>)
          tpu.yield
        }) : () -> ()
        %mul3A_219 = arith.constant 512 : i32
        %mul3A_220 = arith.muli %arg1, %mul3A_219 : i32
        %add3A_221 = arith.constant 160 : i32
        %add3A_222 = arith.addi %mul3A_220, %add3A_221 : i32
        "tpu.region"() ({
          %run_scoped3A = tpu.sem_alloc : memref<!tpu.dma_semaphore, #tpu.memory_space<semaphore_mem>>
          %dma_start3A_270 = arith.constant 0 : i32
          %dma_start3A_271 = tpu.memref_slice %arg13[%add3A_222, %dma_start3A_270] : memref<8192x64xf32, #tpu.memory_space<vmem_shared>> -> memref<32x64xf32, #tpu.memory_space<vmem_shared>>
          %dma_start3A_272 = arith.constant 0 : i32
          %dma_start3A_273 = tpu.memref_slice %arg13[%add3A_222, %dma_start3A_272] : memref<8192x64xf32, #tpu.memory_space<vmem_shared>> -> memref<32x64xf32, #tpu.memory_space<vmem_shared>>
          tpu.enqueue_dma source(%arg12 : memref<32x64xf32, #tpu.memory_space<vmem>>) target(%dma_start3A_273 : memref<32x64xf32, #tpu.memory_space<vmem_shared>>) target_semaphore(%run_scoped3A : memref<!tpu.dma_semaphore, #tpu.memory_space<semaphore_mem>>)
          %dma_wait3A_274 = arith.constant 0 : i32
          %dma_wait3A_275 = tpu.memref_slice %arg13[%add3A_222, %dma_wait3A_274] : memref<8192x64xf32, #tpu.memory_space<vmem_shared>> -> memref<32x64xf32, #tpu.memory_space<vmem_shared>>
          %dma_wait3A_276 = arith.constant 0 : i32
          %dma_wait3A_277 = tpu.memref_slice %arg13[%add3A_222, %dma_wait3A_276] : memref<8192x64xf32, #tpu.memory_space<vmem_shared>> -> memref<32x64xf32, #tpu.memory_space<vmem_shared>>
          tpu.wait_dma2 semaphore(%run_scoped3A : memref<!tpu.dma_semaphore, #tpu.memory_space<semaphore_mem>>) src(%arg12 : memref<32x64xf32, #tpu.memory_space<vmem>>) dst(%dma_wait3A_277 : memref<32x64xf32, #tpu.memory_space<vmem_shared>>)
          tpu.yield
        }) : () -> ()
        %mul3A_223 = arith.constant 512 : i32
        %mul3A_224 = arith.muli %arg1, %mul3A_223 : i32
        %add3A_225 = arith.constant 192 : i32
        %add3A_226 = arith.addi %mul3A_224, %add3A_225 : i32
        "tpu.region"() ({
          %run_scoped3A = tpu.sem_alloc : memref<!tpu.dma_semaphore, #tpu.memory_space<semaphore_mem>>
          %dma_start3A_270 = arith.constant 0 : i32
          %dma_start3A_271 = tpu.memref_slice %arg13[%add3A_226, %dma_start3A_270] : memref<8192x64xf32, #tpu.memory_space<vmem_shared>> -> memref<32x64xf32, #tpu.memory_space<vmem_shared>>
          %dma_start3A_272 = arith.constant 0 : i32
          %dma_start3A_273 = tpu.memref_slice %arg13[%add3A_226, %dma_start3A_272] : memref<8192x64xf32, #tpu.memory_space<vmem_shared>> -> memref<32x64xf32, #tpu.memory_space<vmem_shared>>
          tpu.enqueue_dma source(%arg12 : memref<32x64xf32, #tpu.memory_space<vmem>>) target(%dma_start3A_273 : memref<32x64xf32, #tpu.memory_space<vmem_shared>>) target_semaphore(%run_scoped3A : memref<!tpu.dma_semaphore, #tpu.memory_space<semaphore_mem>>)
          %dma_wait3A_274 = arith.constant 0 : i32
          %dma_wait3A_275 = tpu.memref_slice %arg13[%add3A_226, %dma_wait3A_274] : memref<8192x64xf32, #tpu.memory_space<vmem_shared>> -> memref<32x64xf32, #tpu.memory_space<vmem_shared>>
          %dma_wait3A_276 = arith.constant 0 : i32
          %dma_wait3A_277 = tpu.memref_slice %arg13[%add3A_226, %dma_wait3A_276] : memref<8192x64xf32, #tpu.memory_space<vmem_shared>> -> memref<32x64xf32, #tpu.memory_space<vmem_shared>>
          tpu.wait_dma2 semaphore(%run_scoped3A : memref<!tpu.dma_semaphore, #tpu.memory_space<semaphore_mem>>) src(%arg12 : memref<32x64xf32, #tpu.memory_space<vmem>>) dst(%dma_wait3A_277 : memref<32x64xf32, #tpu.memory_space<vmem_shared>>)
          tpu.yield
        }) : () -> ()
        %mul3A_227 = arith.constant 512 : i32
        %mul3A_228 = arith.muli %arg1, %mul3A_227 : i32
        %add3A_229 = arith.constant 224 : i32
        %add3A_230 = arith.addi %mul3A_228, %add3A_229 : i32
        "tpu.region"() ({
          %run_scoped3A = tpu.sem_alloc : memref<!tpu.dma_semaphore, #tpu.memory_space<semaphore_mem>>
          %dma_start3A_270 = arith.constant 0 : i32
          %dma_start3A_271 = tpu.memref_slice %arg13[%add3A_230, %dma_start3A_270] : memref<8192x64xf32, #tpu.memory_space<vmem_shared>> -> memref<32x64xf32, #tpu.memory_space<vmem_shared>>
          %dma_start3A_272 = arith.constant 0 : i32
          %dma_start3A_273 = tpu.memref_slice %arg13[%add3A_230, %dma_start3A_272] : memref<8192x64xf32, #tpu.memory_space<vmem_shared>> -> memref<32x64xf32, #tpu.memory_space<vmem_shared>>
          tpu.enqueue_dma source(%arg12 : memref<32x64xf32, #tpu.memory_space<vmem>>) target(%dma_start3A_273 : memref<32x64xf32, #tpu.memory_space<vmem_shared>>) target_semaphore(%run_scoped3A : memref<!tpu.dma_semaphore, #tpu.memory_space<semaphore_mem>>)
          %dma_wait3A_274 = arith.constant 0 : i32
          %dma_wait3A_275 = tpu.memref_slice %arg13[%add3A_230, %dma_wait3A_274] : memref<8192x64xf32, #tpu.memory_space<vmem_shared>> -> memref<32x64xf32, #tpu.memory_space<vmem_shared>>
          %dma_wait3A_276 = arith.constant 0 : i32
          %dma_wait3A_277 = tpu.memref_slice %arg13[%add3A_230, %dma_wait3A_276] : memref<8192x64xf32, #tpu.memory_space<vmem_shared>> -> memref<32x64xf32, #tpu.memory_space<vmem_shared>>
          tpu.wait_dma2 semaphore(%run_scoped3A : memref<!tpu.dma_semaphore, #tpu.memory_space<semaphore_mem>>) src(%arg12 : memref<32x64xf32, #tpu.memory_space<vmem>>) dst(%dma_wait3A_277 : memref<32x64xf32, #tpu.memory_space<vmem_shared>>)
          tpu.yield
        }) : () -> ()
        %mul3A_231 = arith.constant 512 : i32
        %mul3A_232 = arith.muli %arg1, %mul3A_231 : i32
        %add3A_233 = arith.constant 256 : i32
        %add3A_234 = arith.addi %mul3A_232, %add3A_233 : i32
        "tpu.region"() ({
          %run_scoped3A = tpu.sem_alloc : memref<!tpu.dma_semaphore, #tpu.memory_space<semaphore_mem>>
          %dma_start3A_270 = arith.constant 0 : i32
          %dma_start3A_271 = tpu.memref_slice %arg13[%add3A_234, %dma_start3A_270] : memref<8192x64xf32, #tpu.memory_space<vmem_shared>> -> memref<32x64xf32, #tpu.memory_space<vmem_shared>>
          %dma_start3A_272 = arith.constant 0 : i32
          %dma_start3A_273 = tpu.memref_slice %arg13[%add3A_234, %dma_start3A_272] : memref<8192x64xf32, #tpu.memory_space<vmem_shared>> -> memref<32x64xf32, #tpu.memory_space<vmem_shared>>
          tpu.enqueue_dma source(%arg12 : memref<32x64xf32, #tpu.memory_space<vmem>>) target(%dma_start3A_273 : memref<32x64xf32, #tpu.memory_space<vmem_shared>>) target_semaphore(%run_scoped3A : memref<!tpu.dma_semaphore, #tpu.memory_space<semaphore_mem>>)
          %dma_wait3A_274 = arith.constant 0 : i32
          %dma_wait3A_275 = tpu.memref_slice %arg13[%add3A_234, %dma_wait3A_274] : memref<8192x64xf32, #tpu.memory_space<vmem_shared>> -> memref<32x64xf32, #tpu.memory_space<vmem_shared>>
          %dma_wait3A_276 = arith.constant 0 : i32
          %dma_wait3A_277 = tpu.memref_slice %arg13[%add3A_234, %dma_wait3A_276] : memref<8192x64xf32, #tpu.memory_space<vmem_shared>> -> memref<32x64xf32, #tpu.memory_space<vmem_shared>>
          tpu.wait_dma2 semaphore(%run_scoped3A : memref<!tpu.dma_semaphore, #tpu.memory_space<semaphore_mem>>) src(%arg12 : memref<32x64xf32, #tpu.memory_space<vmem>>) dst(%dma_wait3A_277 : memref<32x64xf32, #tpu.memory_space<vmem_shared>>)
          tpu.yield
        }) : () -> ()
        %mul3A_235 = arith.constant 512 : i32
        %mul3A_236 = arith.muli %arg1, %mul3A_235 : i32
        %add3A_237 = arith.constant 288 : i32
        %add3A_238 = arith.addi %mul3A_236, %add3A_237 : i32
        "tpu.region"() ({
          %run_scoped3A = tpu.sem_alloc : memref<!tpu.dma_semaphore, #tpu.memory_space<semaphore_mem>>
          %dma_start3A_270 = arith.constant 0 : i32
          %dma_start3A_271 = tpu.memref_slice %arg13[%add3A_238, %dma_start3A_270] : memref<8192x64xf32, #tpu.memory_space<vmem_shared>> -> memref<32x64xf32, #tpu.memory_space<vmem_shared>>
          %dma_start3A_272 = arith.constant 0 : i32
          %dma_start3A_273 = tpu.memref_slice %arg13[%add3A_238, %dma_start3A_272] : memref<8192x64xf32, #tpu.memory_space<vmem_shared>> -> memref<32x64xf32, #tpu.memory_space<vmem_shared>>
          tpu.enqueue_dma source(%arg12 : memref<32x64xf32, #tpu.memory_space<vmem>>) target(%dma_start3A_273 : memref<32x64xf32, #tpu.memory_space<vmem_shared>>) target_semaphore(%run_scoped3A : memref<!tpu.dma_semaphore, #tpu.memory_space<semaphore_mem>>)
          %dma_wait3A_274 = arith.constant 0 : i32
          %dma_wait3A_275 = tpu.memref_slice %arg13[%add3A_238, %dma_wait3A_274] : memref<8192x64xf32, #tpu.memory_space<vmem_shared>> -> memref<32x64xf32, #tpu.memory_space<vmem_shared>>
          %dma_wait3A_276 = arith.constant 0 : i32
          %dma_wait3A_277 = tpu.memref_slice %arg13[%add3A_238, %dma_wait3A_276] : memref<8192x64xf32, #tpu.memory_space<vmem_shared>> -> memref<32x64xf32, #tpu.memory_space<vmem_shared>>
          tpu.wait_dma2 semaphore(%run_scoped3A : memref<!tpu.dma_semaphore, #tpu.memory_space<semaphore_mem>>) src(%arg12 : memref<32x64xf32, #tpu.memory_space<vmem>>) dst(%dma_wait3A_277 : memref<32x64xf32, #tpu.memory_space<vmem_shared>>)
          tpu.yield
        }) : () -> ()
        %mul3A_239 = arith.constant 512 : i32
        %mul3A_240 = arith.muli %arg1, %mul3A_239 : i32
        %add3A_241 = arith.constant 320 : i32
        %add3A_242 = arith.addi %mul3A_240, %add3A_241 : i32
        "tpu.region"() ({
          %run_scoped3A = tpu.sem_alloc : memref<!tpu.dma_semaphore, #tpu.memory_space<semaphore_mem>>
          %dma_start3A_270 = arith.constant 0 : i32
          %dma_start3A_271 = tpu.memref_slice %arg13[%add3A_242, %dma_start3A_270] : memref<8192x64xf32, #tpu.memory_space<vmem_shared>> -> memref<32x64xf32, #tpu.memory_space<vmem_shared>>
          %dma_start3A_272 = arith.constant 0 : i32
          %dma_start3A_273 = tpu.memref_slice %arg13[%add3A_242, %dma_start3A_272] : memref<8192x64xf32, #tpu.memory_space<vmem_shared>> -> memref<32x64xf32, #tpu.memory_space<vmem_shared>>
          tpu.enqueue_dma source(%arg12 : memref<32x64xf32, #tpu.memory_space<vmem>>) target(%dma_start3A_273 : memref<32x64xf32, #tpu.memory_space<vmem_shared>>) target_semaphore(%run_scoped3A : memref<!tpu.dma_semaphore, #tpu.memory_space<semaphore_mem>>)
          %dma_wait3A_274 = arith.constant 0 : i32
          %dma_wait3A_275 = tpu.memref_slice %arg13[%add3A_242, %dma_wait3A_274] : memref<8192x64xf32, #tpu.memory_space<vmem_shared>> -> memref<32x64xf32, #tpu.memory_space<vmem_shared>>
          %dma_wait3A_276 = arith.constant 0 : i32
          %dma_wait3A_277 = tpu.memref_slice %arg13[%add3A_242, %dma_wait3A_276] : memref<8192x64xf32, #tpu.memory_space<vmem_shared>> -> memref<32x64xf32, #tpu.memory_space<vmem_shared>>
          tpu.wait_dma2 semaphore(%run_scoped3A : memref<!tpu.dma_semaphore, #tpu.memory_space<semaphore_mem>>) src(%arg12 : memref<32x64xf32, #tpu.memory_space<vmem>>) dst(%dma_wait3A_277 : memref<32x64xf32, #tpu.memory_space<vmem_shared>>)
          tpu.yield
        }) : () -> ()
        %mul3A_243 = arith.constant 512 : i32
        %mul3A_244 = arith.muli %arg1, %mul3A_243 : i32
        %add3A_245 = arith.constant 352 : i32
        %add3A_246 = arith.addi %mul3A_244, %add3A_245 : i32
        "tpu.region"() ({
          %run_scoped3A = tpu.sem_alloc : memref<!tpu.dma_semaphore, #tpu.memory_space<semaphore_mem>>
          %dma_start3A_270 = arith.constant 0 : i32
          %dma_start3A_271 = tpu.memref_slice %arg13[%add3A_246, %dma_start3A_270] : memref<8192x64xf32, #tpu.memory_space<vmem_shared>> -> memref<32x64xf32, #tpu.memory_space<vmem_shared>>
          %dma_start3A_272 = arith.constant 0 : i32
          %dma_start3A_273 = tpu.memref_slice %arg13[%add3A_246, %dma_start3A_272] : memref<8192x64xf32, #tpu.memory_space<vmem_shared>> -> memref<32x64xf32, #tpu.memory_space<vmem_shared>>
          tpu.enqueue_dma source(%arg12 : memref<32x64xf32, #tpu.memory_space<vmem>>) target(%dma_start3A_273 : memref<32x64xf32, #tpu.memory_space<vmem_shared>>) target_semaphore(%run_scoped3A : memref<!tpu.dma_semaphore, #tpu.memory_space<semaphore_mem>>)
          %dma_wait3A_274 = arith.constant 0 : i32
          %dma_wait3A_275 = tpu.memref_slice %arg13[%add3A_246, %dma_wait3A_274] : memref<8192x64xf32, #tpu.memory_space<vmem_shared>> -> memref<32x64xf32, #tpu.memory_space<vmem_shared>>
          %dma_wait3A_276 = arith.constant 0 : i32
          %dma_wait3A_277 = tpu.memref_slice %arg13[%add3A_246, %dma_wait3A_276] : memref<8192x64xf32, #tpu.memory_space<vmem_shared>> -> memref<32x64xf32, #tpu.memory_space<vmem_shared>>
          tpu.wait_dma2 semaphore(%run_scoped3A : memref<!tpu.dma_semaphore, #tpu.memory_space<semaphore_mem>>) src(%arg12 : memref<32x64xf32, #tpu.memory_space<vmem>>) dst(%dma_wait3A_277 : memref<32x64xf32, #tpu.memory_space<vmem_shared>>)
          tpu.yield
        }) : () -> ()
        %mul3A_247 = arith.constant 512 : i32
        %mul3A_248 = arith.muli %arg1, %mul3A_247 : i32
        %add3A_249 = arith.constant 384 : i32
        %add3A_250 = arith.addi %mul3A_248, %add3A_249 : i32
        "tpu.region"() ({
          %run_scoped3A = tpu.sem_alloc : memref<!tpu.dma_semaphore, #tpu.memory_space<semaphore_mem>>
          %dma_start3A_270 = arith.constant 0 : i32
          %dma_start3A_271 = tpu.memref_slice %arg13[%add3A_250, %dma_start3A_270] : memref<8192x64xf32, #tpu.memory_space<vmem_shared>> -> memref<32x64xf32, #tpu.memory_space<vmem_shared>>
          %dma_start3A_272 = arith.constant 0 : i32
          %dma_start3A_273 = tpu.memref_slice %arg13[%add3A_250, %dma_start3A_272] : memref<8192x64xf32, #tpu.memory_space<vmem_shared>> -> memref<32x64xf32, #tpu.memory_space<vmem_shared>>
          tpu.enqueue_dma source(%arg12 : memref<32x64xf32, #tpu.memory_space<vmem>>) target(%dma_start3A_273 : memref<32x64xf32, #tpu.memory_space<vmem_shared>>) target_semaphore(%run_scoped3A : memref<!tpu.dma_semaphore, #tpu.memory_space<semaphore_mem>>)
          %dma_wait3A_274 = arith.constant 0 : i32
          %dma_wait3A_275 = tpu.memref_slice %arg13[%add3A_250, %dma_wait3A_274] : memref<8192x64xf32, #tpu.memory_space<vmem_shared>> -> memref<32x64xf32, #tpu.memory_space<vmem_shared>>
          %dma_wait3A_276 = arith.constant 0 : i32
          %dma_wait3A_277 = tpu.memref_slice %arg13[%add3A_250, %dma_wait3A_276] : memref<8192x64xf32, #tpu.memory_space<vmem_shared>> -> memref<32x64xf32, #tpu.memory_space<vmem_shared>>
          tpu.wait_dma2 semaphore(%run_scoped3A : memref<!tpu.dma_semaphore, #tpu.memory_space<semaphore_mem>>) src(%arg12 : memref<32x64xf32, #tpu.memory_space<vmem>>) dst(%dma_wait3A_277 : memref<32x64xf32, #tpu.memory_space<vmem_shared>>)
          tpu.yield
        }) : () -> ()
        %mul3A_251 = arith.constant 512 : i32
        %mul3A_252 = arith.muli %arg1, %mul3A_251 : i32
        %add3A_253 = arith.constant 416 : i32
        %add3A_254 = arith.addi %mul3A_252, %add3A_253 : i32
        "tpu.region"() ({
          %run_scoped3A = tpu.sem_alloc : memref<!tpu.dma_semaphore, #tpu.memory_space<semaphore_mem>>
          %dma_start3A_270 = arith.constant 0 : i32
          %dma_start3A_271 = tpu.memref_slice %arg13[%add3A_254, %dma_start3A_270] : memref<8192x64xf32, #tpu.memory_space<vmem_shared>> -> memref<32x64xf32, #tpu.memory_space<vmem_shared>>
          %dma_start3A_272 = arith.constant 0 : i32
          %dma_start3A_273 = tpu.memref_slice %arg13[%add3A_254, %dma_start3A_272] : memref<8192x64xf32, #tpu.memory_space<vmem_shared>> -> memref<32x64xf32, #tpu.memory_space<vmem_shared>>
          tpu.enqueue_dma source(%arg12 : memref<32x64xf32, #tpu.memory_space<vmem>>) target(%dma_start3A_273 : memref<32x64xf32, #tpu.memory_space<vmem_shared>>) target_semaphore(%run_scoped3A : memref<!tpu.dma_semaphore, #tpu.memory_space<semaphore_mem>>)
          %dma_wait3A_274 = arith.constant 0 : i32
          %dma_wait3A_275 = tpu.memref_slice %arg13[%add3A_254, %dma_wait3A_274] : memref<8192x64xf32, #tpu.memory_space<vmem_shared>> -> memref<32x64xf32, #tpu.memory_space<vmem_shared>>
          %dma_wait3A_276 = arith.constant 0 : i32
          %dma_wait3A_277 = tpu.memref_slice %arg13[%add3A_254, %dma_wait3A_276] : memref<8192x64xf32, #tpu.memory_space<vmem_shared>> -> memref<32x64xf32, #tpu.memory_space<vmem_shared>>
          tpu.wait_dma2 semaphore(%run_scoped3A : memref<!tpu.dma_semaphore, #tpu.memory_space<semaphore_mem>>) src(%arg12 : memref<32x64xf32, #tpu.memory_space<vmem>>) dst(%dma_wait3A_277 : memref<32x64xf32, #tpu.memory_space<vmem_shared>>)
          tpu.yield
        }) : () -> ()
        %mul3A_255 = arith.constant 512 : i32
        %mul3A_256 = arith.muli %arg1, %mul3A_255 : i32
        %add3A_257 = arith.constant 448 : i32
        %add3A_258 = arith.addi %mul3A_256, %add3A_257 : i32
        "tpu.region"() ({
          %run_scoped3A = tpu.sem_alloc : memref<!tpu.dma_semaphore, #tpu.memory_space<semaphore_mem>>
          %dma_start3A_270 = arith.constant 0 : i32
          %dma_start3A_271 = tpu.memref_slice %arg13[%add3A_258, %dma_start3A_270] : memref<8192x64xf32, #tpu.memory_space<vmem_shared>> -> memref<32x64xf32, #tpu.memory_space<vmem_shared>>
          %dma_start3A_272 = arith.constant 0 : i32
          %dma_start3A_273 = tpu.memref_slice %arg13[%add3A_258, %dma_start3A_272] : memref<8192x64xf32, #tpu.memory_space<vmem_shared>> -> memref<32x64xf32, #tpu.memory_space<vmem_shared>>
          tpu.enqueue_dma source(%arg12 : memref<32x64xf32, #tpu.memory_space<vmem>>) target(%dma_start3A_273 : memref<32x64xf32, #tpu.memory_space<vmem_shared>>) target_semaphore(%run_scoped3A : memref<!tpu.dma_semaphore, #tpu.memory_space<semaphore_mem>>)
          %dma_wait3A_274 = arith.constant 0 : i32
          %dma_wait3A_275 = tpu.memref_slice %arg13[%add3A_258, %dma_wait3A_274] : memref<8192x64xf32, #tpu.memory_space<vmem_shared>> -> memref<32x64xf32, #tpu.memory_space<vmem_shared>>
          %dma_wait3A_276 = arith.constant 0 : i32
          %dma_wait3A_277 = tpu.memref_slice %arg13[%add3A_258, %dma_wait3A_276] : memref<8192x64xf32, #tpu.memory_space<vmem_shared>> -> memref<32x64xf32, #tpu.memory_space<vmem_shared>>
          tpu.wait_dma2 semaphore(%run_scoped3A : memref<!tpu.dma_semaphore, #tpu.memory_space<semaphore_mem>>) src(%arg12 : memref<32x64xf32, #tpu.memory_space<vmem>>) dst(%dma_wait3A_277 : memref<32x64xf32, #tpu.memory_space<vmem_shared>>)
          tpu.yield
        }) : () -> ()
        %mul3A_259 = arith.constant 512 : i32
        %mul3A_260 = arith.muli %arg1, %mul3A_259 : i32
        %add3A_261 = arith.constant 480 : i32
        %add3A_262 = arith.addi %mul3A_260, %add3A_261 : i32
        "tpu.region"() ({
          %run_scoped3A = tpu.sem_alloc : memref<!tpu.dma_semaphore, #tpu.memory_space<semaphore_mem>>
          %dma_start3A_270 = arith.constant 0 : i32
          %dma_start3A_271 = tpu.memref_slice %arg13[%add3A_262, %dma_start3A_270] : memref<8192x64xf32, #tpu.memory_space<vmem_shared>> -> memref<32x64xf32, #tpu.memory_space<vmem_shared>>
          %dma_start3A_272 = arith.constant 0 : i32
          %dma_start3A_273 = tpu.memref_slice %arg13[%add3A_262, %dma_start3A_272] : memref<8192x64xf32, #tpu.memory_space<vmem_shared>> -> memref<32x64xf32, #tpu.memory_space<vmem_shared>>
          tpu.enqueue_dma source(%arg12 : memref<32x64xf32, #tpu.memory_space<vmem>>) target(%dma_start3A_273 : memref<32x64xf32, #tpu.memory_space<vmem_shared>>) target_semaphore(%run_scoped3A : memref<!tpu.dma_semaphore, #tpu.memory_space<semaphore_mem>>)
          %dma_wait3A_274 = arith.constant 0 : i32
          %dma_wait3A_275 = tpu.memref_slice %arg13[%add3A_262, %dma_wait3A_274] : memref<8192x64xf32, #tpu.memory_space<vmem_shared>> -> memref<32x64xf32, #tpu.memory_space<vmem_shared>>
          %dma_wait3A_276 = arith.constant 0 : i32
          %dma_wait3A_277 = tpu.memref_slice %arg13[%add3A_262, %dma_wait3A_276] : memref<8192x64xf32, #tpu.memory_space<vmem_shared>> -> memref<32x64xf32, #tpu.memory_space<vmem_shared>>
          tpu.wait_dma2 semaphore(%run_scoped3A : memref<!tpu.dma_semaphore, #tpu.memory_space<semaphore_mem>>) src(%arg12 : memref<32x64xf32, #tpu.memory_space<vmem>>) dst(%dma_wait3A_277 : memref<32x64xf32, #tpu.memory_space<vmem_shared>>)
          tpu.yield
        }) : () -> ()
        %scan3A_263 = arith.constant 0 : i32
        %scan3A_264 = arith.constant 0 : i32
        %scan3A_265 = arith.constant 528 : i32
        %scan3A_266 = arith.addi %scan3A_264, %scan3A_265 : i32
        %scan3A_267 = arith.constant 1 : i32
        %scan3A_268 = scf.for %scan3A_270 = %scan3A_264 to %scan3A_266 step %scan3A_267 iter_args(%scan3A_271 = %scan3A_263) -> (i32)  : i32 {
          %mul3A_272 = arith.constant 16 : i32
          %mul3A_273 = arith.muli %scan3A_270, %mul3A_272 : i32
          %get3A = arith.index_cast %mul3A_273 : i32 to index
          %get3A_274 = tpu.vector_load %arg8[%get3A] {strides = array<i32>} : memref<8448xi32, #tpu.memory_space<vmem>>, vector<16xi32>,
          %get3A_275 = vector.shape_cast %get3A_274 : vector<16xi32> to vector<16xi32>
          %add3A_276 = arith.constant 16384 : i32
          %add3A_277 = vector.broadcast %add3A_276 : i32 to vector<16xi32>
          %add3A_278 = arith.addi %get3A_275, %add3A_277 : vector<16xi32>
          %swap3A = arith.index_cast %mul3A_273 : i32 to index
          %swap3A_279 = tpu.vector_load %arg8[%swap3A] {strides = array<i32>} : memref<8448xi32, #tpu.memory_space<vmem>>, vector<16xi32>,
          %swap3A_280 = vector.shape_cast %swap3A_279 : vector<16xi32> to vector<16xi32>
          %swap3A_281 = vector.shape_cast %add3A_278 : vector<16xi32> to vector<16xi32>
          tpu.vector_store %arg8[%swap3A], %swap3A_281 {strides = array<i32>} : memref<8448xi32, #tpu.memory_space<vmem>>, vector<16xi32>,
          %scan3A_282 = arith.constant 0 : i32
          scf.yield %scan3A_282 : i32
        }
        %scan3A_269 = arith.constant 528 : i32
      } else {
      }
      %barrier3A_197 = arith.constant 0 : index
      tpu.barrier barrier_id(%barrier3A_197)
      %scan3A_198 = arith.constant 0 : i32
      scf.yield %scan3A_198 : i32
    }
    %scan3A_94 = arith.constant 8 : i32
    return
  }
}

</mosaic_0001>

<sc_bundles>
// kernel: kernel.3.cloned.1.call-start
scs
__scs_entry_jumppad:
0x0: {  	(pc) =	sbr.rel $0x88, $3  }
0x1: {  	(tag) =	ssettag $0x0;
	lr =	simm.s32 $0x1  }
0x2: {  	[smem:$0x3F9D] =	sst lr;
	_ =	strace $0xD0000000  }
0x3: {  	_ = 	snop  }
0x4: {  	_ = 	snop  }
0x5: {  	_ = 	snop  }
0x6: {  	_ = 	snop  }
0x7: {  	_ = 	snop  }
__scs_overlays_trampoline_lowered:
0x8: {  	[smem:$0x3FAC] =	sst s0  }
0x9: {  	[smem:$0x3FAD] =	sst s1  }
0xa: {  	[smem:$0x3FAE] =	sst s2  }
0xb: {  	[smem:$0x3FAF] =	sst s3  }
0xc: {  	[smem:$0x3FB0] =	sst s4  }
0xd: {  	[smem:$0x3FB1] =	sst s5  }
0xe: {  	[smem:$0x3FB2] =	sst s6  }
0xf: {  	[smem:$0x3FB3] =	sst s7  }
0x10: {  	[smem:$0x3FB4] =	sst s8  }
0x11: {  	[smem:$0x3FB5] =	sst s9;
	s0 =	simm.s32 @!p0 $0x0  }
0x12: {  	s1 =	sld [smem:$0x3F9B];
	s0 =	simm.s32 @p0 $0x1  }
0x13: {  	[smem:$0x3FB6] =	sst s0;
	s0 =	simm.s32 @!p1 $0x0  }
0x14: {  	s2 =	sld [smem:$0x3F9A];
	s0 =	simm.s32 @p1 $0x1  }
0x15: {  	[smem:$0x3FB7] =	sst s0;
	s0 =	simm.s32 @!p2 $0x0  }
0x16: {  	s3 =	sld [smem:$0x3FDB];
	s0 =	simm.s32 @p2 $0x1  }
0x17: {  	s4 =	simm.s32 $0x1BF5;
	[smem:$0x3FB9] =	sst s0  }
0x18: {  	s0 =	sld [smem:$0x3F9C];
	_ =	swait.ge [sflag:s4], $0x0  }
0x19: {  	s7 =	sld [smem:$0x3F9D]  }
0x1a: {  	s8 =	sadd.s32 $0xFFFFE003, lr  }
0x1b: {  	s9 =	sadd.s32 $0xFFFFFEF7, lr;
	s5 =	simm.s32 $0xFFFFFFFF;
	p2 =	slt.u32 s8, $0xFFFFF086  }
0x1c: {  	p1 =	slt.u32 s9, $0xF7A;
	s5 =	simm.s32 @!p2 $0x0  }
0x1d: {  	s5 =	simm.s32 @p1 $0x1;
	p0 =	seq.s32 s7, s2  }
0x1e: {  	s7 =	smul.u32 @!p0 $0xF7A, s2;
	p2 =	seq.s32 @!p0 s5, $0x0  }
0x1f: {  	s9 =	smul.u32 $0xF7A, s1;
	s8 =	simm.s32 @!p0 $0x1BF5;
	p2 =	por !p2, p0  }
0x20: {  	[sflag:s8] =	ssyncset.s32 @!p0 $0xFFFFF086;
	s6 =	sadd.s32 @!p0 s3, s7;
	s7 =	simm.s32 @!p0 $0x108  }
0x21: {  	s3 =	sadd.s32 s3, s9;
	s6 =	sadd.s32 @!p0 $0x88, s6;
	s7 =	simm.s32 @p2 $0x1082  }
0x22: {  	[simem:s7], [sflag:s8] =	dma.local @!p0 [hbm:s6], $0xF7A  }
0x23: {  	s9 =	sor.u32 $0xD0000000, s2;
	s6 =	simm.s32 $0x108;
	_ =	swait.ge @!p0 [sflag:s8], $0x0  }
0x24: {  	s3 =	sadd.s32 $0x88, s3;
	s6 =	simm.s32 @!p1 $0x1082;
	[sflag:s4] =	ssyncset.s32 $0xFFFFF086  }
0x25: {  	[simem:s6], [sflag:s4] =	dma.local [hbm:s3], $0xF7A  }
0x26: {  	[smem:$0x3F9D] =	sst s1;
	(tag) =	ssettag s2;
	_ =	strace s9  }
0x27: {  	s1 =	sld [smem:$0x3FAD]  }
0x28: {  	s2 =	sld [smem:$0x3FAE]  }
0x29: {  	s4 =	sld [smem:$0x3FB0]  }
0x2a: {  	p0 =	seq.s32 s5, $0x0;
	s5 =	sld [smem:$0x3FB1]  }
0x2b: {  	s6 =	sld [smem:$0x3FB2]  }
0x2c: {  	s7 =	sld [smem:$0x3FB3]  }
0x2d: {  	s3 =	simm.s32 $0x108;
	s8 =	sld [smem:$0x3FB4]  }
0x2e: {  	s3 =	simm.s32 @!p0 $0x1082;
	s9 =	sld [smem:$0x3FB5]  }
0x2f: {  	lr =	sadd.s32 s0, s3;
	s0 =	sld [smem:$0x3FAC]  }
0x30: {  	s3 =	sld [smem:$0x3FAF]  }
0x31: {  	[smem:$0x3FB8] =	sst s10  }
0x32: {  	s10 =	sld [smem:$0x3FB6];
	_ =	sdelay $0x3  }
0x33: {  	p0 =	seq.s32 s10, $0x1;
	s10 =	sld [smem:$0x3FB8];
	_ =	sdelay $0x3  }
0x34: {  	[smem:$0x3FB8] =	sst s10  }
0x35: {  	s10 =	sld [smem:$0x3FB7];
	_ =	sdelay $0x3  }
0x36: {  	p1 =	seq.s32 s10, $0x1;
	s10 =	sld [smem:$0x3FB8];
	_ =	sdelay $0x3  }
0x37: {  	[smem:$0x3FB8] =	sst s10  }
0x38: {  	s10 =	sld [smem:$0x3FB9]  }
0x39: {  	_ = 	snop;
	(pc) =	sbr.ind lr, $3  }
0x3a: {  	_ = 	snop  }
0x3b: {  	_ = 	snop  }
0x3c: {  	p2 =	seq.s32 s10, $0x1;
	s10 =	sld [smem:$0x3FB8]  }
0x3d: {  	_ =	shalt  }
0x3e: {  	_ =	shalt  }
0x3f: {  	_ =	shalt  }
0x40: {  	_ =	shalt  }
0x41: {  	_ =	shalt  }
0x42: {  	_ =	shalt  }
0x43: {  	_ =	shalt  }
0x44: {  	_ =	shalt  }
0x45: {  	_ =	shalt  }
0x46: {  	_ =	shalt  }
0x47: {  	_ =	shalt  }
0x48: {  	_ =	shalt  }
0x49: {  	_ =	shalt  }
0x4a: {  	_ =	shalt  }
0x4b: {  	_ =	shalt  }
0x4c: {  	_ =	shalt  }
0x4d: {  	_ =	shalt  }
0x4e: {  	_ =	shalt  }
0x4f: {  	_ =	shalt  }
0x50: {  	_ =	shalt  }
0x51: {  	_ =	shalt  }
0x52: {  	_ =	shalt  }
0x53: {  	_ =	shalt  }
0x54: {  	_ =	shalt  }
0x55: {  	_ =	shalt  }
0x56: {  	_ =	shalt  }
0x57: {  	_ =	shalt  }
0x58: {  	_ =	shalt  }
0x59: {  	_ =	shalt  }
0x5a: {  	_ =	shalt  }
0x5b: {  	_ =	shalt  }
0x5c: {  	_ =	shalt  }
0x5d: {  	_ =	shalt  }
0x5e: {  	_ =	shalt  }
0x5f: {  	_ =	shalt  }
0x60: {  	_ =	shalt  }
0x61: {  	_ =	shalt  }
0x62: {  	_ =	shalt  }
0x63: {  	_ =	shalt  }
0x64: {  	_ =	shalt  }
0x65: {  	_ =	shalt  }
0x66: {  	_ =	shalt  }
0x67: {  	_ =	shalt  }
0x68: {  	_ =	shalt  }
0x69: {  	_ =	shalt  }
0x6a: {  	_ =	shalt  }
0x6b: {  	_ =	shalt  }
0x6c: {  	_ =	shalt  }
0x6d: {  	_ =	shalt  }
0x6e: {  	_ =	shalt  }
0x6f: {  	_ =	shalt  }
0x70: {  	_ =	shalt  }
0x71: {  	_ =	shalt  }
0x72: {  	_ =	shalt  }
0x73: {  	_ =	shalt  }
0x74: {  	_ =	shalt  }
0x75: {  	_ =	shalt  }
0x76: {  	_ =	shalt  }
0x77: {  	_ =	shalt  }
0x78: {  	_ =	shalt  }
0x79: {  	_ =	shalt  }
0x7a: {  	_ =	shalt  }
0x7b: {  	_ =	shalt  }
0x7c: {  	_ =	shalt  }
0x7d: {  	_ =	shalt  }
0x7e: {  	_ =	shalt  }
0x7f: {  	_ =	shalt  }
0x80: {  	_ =	shalt  }
0x81: {  	_ =	shalt  }
0x82: {  	_ =	shalt  }
0x83: {  	_ =	shalt  }
0x84: {  	_ =	shalt  }
0x85: {  	_ =	shalt  }
0x86: {  	_ =	shalt  }
0x87: {  	_ =	shalt  }
.Lfunc_end0:
.L_simem_size_0:
called_computation.1_lowered:
.L_overlay_start_0:
0x88: {  	s2 =	sld [smem:$0x3FD9]  }
0x89: {  	s3 =	sld [smem:$0x3FFE];
	_ =	sdelay $0x1  }
0x8a: {  	s1 =	srdreg.scid  }
0x8b: {  	s0 =	sand.u32 $0x1, s1  }
0x8c: {  	s17 =	sshll.u32 s0, $0xA;
	s2 =	sadd.s32 s3, s2  }
0x8d: {  	s2 =	sadd.s32 s2, s17  }
0x8e: {  	[smem:$0x3FC4] =	sst s2  }
0x8f: {  	_ = 	snop  }
0x90: {  	s2 =	sld [smem:$0x3FC8]  }
0x91: {  	s18 =	sld [smem:$0x3FC7]  }
0x92: {  	s4 =	sld [smem:$0x3FC6]  }
0x93: {  	s5 =	sld [smem:$0x3FD0];
	(tm) =	ssettm $0x1  }
0x94: {  	s6 =	sld [smem:$0x3FFB];
	_ =	sdelay $0x3  }
0x95: {  	_ =	strace s6  }
0x96: {  	s6 =	sld [smem:$0x3FFC];
	_ =	sdelay $0x3  }
0x97: {  	_ =	strace s6  }
0x98: {  	s6 =	sld [smem:$0x3FFD];
	_ =	sdelay $0x3  }
0x99: {  	_ =	strace s6  }
0x9a: {  	_ =	strace $0x8FFFFFFF  }
0x9b: {  	s19 =	sld [smem:$0x3FDB];
	_ =	sdelay $0x1  }
0x9c: {  	s7 =	simm.s32 $_scs_section_size  }
0x9d: {  	s8 =	simm.s32 $_size__tile_overlayer_lowered;
	s9 =	simm.s32 $_tile_overlayer_lowered  }
0x9e: {  	s22 =	simm.s32 $0x1BFF;
	s21 =	sshll.u32 s9, $0x1;
	s6 =	sadd.s32 s7, s19  }
0x9f: {  	s10 =	simm.s32 $0x0;
	s20 =	sshll.u32 s8, $0x1;
	s8 =	sadd.s32 s21, s6  }
0xa0: {  	[timem:s10], [sflag:s22] =	dma.local [hbm:s8], s20  }
0xa1: {  	_ =	swait.ge [sflag:s22], s20  }
0xa2: {  	s7 =	ssub.s32 $0x0, s20;
	[sflag:s22] =	ssyncset.done $0x0  }
0xa3: {  	[sflag:s22] =	ssyncadd.s32 s7;
	_ =	sdelay $0x1  }
0xa4: {  	s23 =	simm.s32 $0x1B8B  }
0xa5: {  	_ =	swait.ge [sflag:s23], $0x1  }
0xa6: {  	[sflag:s23] =	ssyncset.done $0x0  }
0xa7: {  	s25 =	simm.s32 $0x1B8E;
	s24 =	sld [smem:$0x3FFE];
	[sflag:s23] =	ssyncadd.s32 $0xFFFFFFFF  }
0xa8: {  	s26 =	simm.s32 $execute0_lowered;
	[smem:$0x3FD2] =	sst s25  }
0xa9: {  	s8 =	sshll.u32 s26, $0x1;
	_ =	strace $0x80000046;
	[dreg:$0x1] =	wrdreg $0xFFFFFFFF  }
0xaa: {  	s28 =	simm.s32 $_size_execute0_lowered;
	s6 =	sadd.s32 s6, s8;
	[dreg:$0x0] =	wrdreg $0x0  }
0xab: {  	s8 =	sshll.u32 s28, $0x1;
	[dreg:$0x2] =	wrdreg s6  }
0xac: {  	[dreg:$0x3] =	wrdreg s8  }
0xad: {  	[dreg:$0x4] =	wrdreg $0xC0  }
0xae: {  	_ =	task [dreg:s10], $0x5FFFF  }
0xaf: {  	[dreg:$0x1] =	wrdreg $0xFFFFFFFF  }
0xb0: {  	[dreg:$0x0] =	wrdreg $0x60  }
0xb1: {  	[dreg:$0x2] =	wrdreg s24  }
0xb2: {  	[dreg:$0x3] =	wrdreg s18  }
0xb3: {  	[dreg:$0x4] =	wrdreg s4  }
0xb4: {  	[dreg:$0x5] =	wrdreg s2  }
0xb5: {  	[dreg:$0x6] =	wrdreg s5  }
0xb6: {  	[dreg:$0x7] =	wrdreg $0x12B000  }
0xb7: {  	[dreg:$0x8] =	wrdreg $0x9  }
0xb8: {  	_ =	task.clear_ibuf [dreg:s10], $0x9FFFF;
	_ =	strace $0x90000046  }
0xb9: {  	s29 =	simm.s32 $0x9;
	_ =	strace $0x80000048  }
0xba: {  	_ =	swait.ge [sflag:s29], $0x1  }
0xbb: {  	[sflag:s29] =	ssyncadd.s32 $0xFFFFFFFF  }
0xbc: {  	_ =	strace $0x90000048  }
0xbd: {  	_ =	sfence  }
0xbe: {  	s30 =	sld [smem:$0x0];
	_ =	sdelay $0x2  }
0xbf: {  	s31 =	sshll.u32 s1, $0xD;
	s1 =	sshrl.u32 s1, $0x2  }
0xc0: {  	s3 =	sand.u32 $0x4000, s31;
	s1 =	sadd.s32 s1, s30  }
0xc1: {  	s0 =	sor.u32 s3, s0;
	s1 =	sshll.u32 s1, $0x11  }
0xc2: {  	s0 =	sor.u32 s1, s0  }
0xc3: {  	s0 =	sadd.s32 $0x8F2B, s0  }
0xc4: {  	[sflag:s0] =	ssyncadd.remote.s32 $0x1  }
0xc5: {  	_ =	sfence.sel $0xFFFF  }
0xc6: {  	[dreg:$0x0] =	wrdreg $0xFFFFFFFF;
	(pc) =	sbr.abs _section_cstart, $3  }
0xc7: {  	[dreg:$0x1] =	wrdreg $0xFFFFFFFF  }
0xc8: {  	_ =	task.clear_ibuf [dreg:s10], $0x2FFFF;
	_ =	strace $0x9FFFFFFF  }
0xc9: {  	(tm) =	ssettm $0x7FFFFFFF  }
tec
execute0_lowered:
.L_overlay_start_1:
0x0: {  	(tag) =	ssettag $0x1  }
0x1: {  	s0 =	rddreg [dreg:$0x0]  }
0x2: {  	s1 =	rddreg [dreg:$0x1]  }
0x3: {  	s3 =	rddreg [dreg:$0x2]  }
0x4: {  	s5 =	rddreg [dreg:$0x3]  }
0x5: {  	s6 =	rddreg [dreg:$0x4]  }
0x6: {  	s2 =	rddreg [dreg:$0x5]  }
0x7: {  	s4 =	srdreg.scid;
	s10 =	stileid.u32  }
0x8: {  	s8 =	simm.s32 $0x0;
	s30 =	simm.s32 $0x7;
	s9 =	smul.u32 $0x420, s10  }
0x9: {  	s31 =	simm.s32 $0x3;
	[smem:$0x7FF] =	sst s8;
	s8 =	sadd.s32 $0x3DE0, s5  }
0xa: {  	_ =	strace $0x80000047;
	[dreg:$0xc] =	wrdreg s8;
	s24 =	sadd.s32 s1, s9  }
0xb: {  	s7 =	sand.u32 $0x1, s4;
	s25 =	sadd.s32 s3, s9;
	[dreg:$0x7] =	wrdreg s24  }
0xc: {  	s4 =	sadd.s32 $0x400800, s0;
	s26 =	sadd.s32 s5, s9;
	[dreg:$0x8] =	wrdreg s25  }
0xd: {  	s28 =	sshll.u32 s10, $0xF;
	s1 =	sadd.s32 $0x3DE0, s1;
	[dreg:$0x9] =	wrdreg s26  }
0xe: {  	s11 =	sadd.s32 s28, s2;
	s3 =	sadd.s32 $0x3DE0, s3;
	[dreg:$0xa] =	wrdreg s1  }
0xf: {  	p0 =	sne.s32 s10, $0xF;
	s12 =	sadd.s32 $0x800, s11;
	[dreg:$0xb] =	wrdreg s3  }
0x10: {  	s22 =	ssub.s32 $0x2, s7;
	s13 =	sadd.s32 $0x1000, s11;
	[dreg:$0xd] =	wrdreg s12  }
0x11: {  	s21 =	sshll.u32 s7, $0x13;
	s14 =	sadd.s32 $0x1800, s11;
	[dreg:$0xe] =	wrdreg s13  }
0x12: {  	s8 =	simm.s32 $0x8300;
	s15 =	sadd.s32 $0x2000, s11;
	[dreg:$0xf] =	wrdreg s14  }
0x13: {  	s23 =	sshrl.u32 s22, $0x1;
	s16 =	sadd.s32 $0x2800, s11;
	[dreg:$0x10] =	wrdreg s15  }
0x14: {  	s9 =	sshll.u32 s10, $0xC;
	s17 =	sadd.s32 $0x3000, s11;
	[dreg:$0x11] =	wrdreg s16  }
0x15: {  	s18 =	sadd.s32 $0x3800, s11;
	s19 =	sadd.s32 $0x4000, s11;
	[dreg:$0x12] =	wrdreg s17  }
0x16: {  	s20 =	sadd.s32 $0x4800, s11;
	s28 =	sadd.s32 $0x7000, s11;
	[dreg:$0x13] =	wrdreg s18  }
0x17: {  	s29 =	sadd.s32 $0x7800, s11;
	s5 =	simm.s32 $0x80;
	[dreg:$0x14] =	wrdreg s19  }
0x18: {  	s10 =	simm.s32 $0xA300;
	s0 =	ssub.s32 s22, s23;
	[dreg:$0x15] =	wrdreg s20  }
0x19: {  	s1 =	sadd.s32 s9, s6;
	s22 =	sadd.s32 $0x5000, s11;
	s23 =	sadd.s32 $0x5800, s11  }
0x1a: {  	s24 =	sshll.u32 s7, $0x11;
	s25 =	sadd.s32 $0x6000, s11;
	s26 =	sadd.s32 $0x6800, s11  }
0x1b: {  	[dreg:$0x1c] =	wrdreg s28;
	s6 =	simm.s32 $0x6300;
	s3 =	simm.s32 $0xC300  }
0x1c: {  	v1 =	vimm.f32 $0.0e+00;
	v2 =	vimm.s32 $0x0;
	v3 =	vimm.s32 $0x1;
	s7 =	simm.s32 $0x5;
	s9 =	simm.s32 $0xE300;
	[dreg:$0x16] =	wrdreg s22  }
.Ltmp0:
0x1d: {  	v4 =	vimm.s32 $0x2;
	v5 =	vimm.s32 $0x3;
	v6 =	vimm.s32 $0x4;
	s12 =	simm.s32 $0x10300;
	[dreg:$0x18] =	wrdreg s23;
	(pc) =	sbr.rel .LBB2_1-.Ltmp0, $4  }
0x1e: {  	v7 =	vimm.s32 $0x5;
	v8 =	vimm.s32 $0x6;
	v9 =	vimm.s32 $0x7;
	s13 =	simm.s32 $0x4;
	s15 =	simm.s32 $0x0;
	[dreg:$0x1a] =	wrdreg s25  }
0x1f: {  	v10 =	vimm.s32 $0x8;
	v11 =	vimm.s32 $0x9;
	v12 =	vimm.s32 $0xA;
	s1 =	sadd.s32 s1, s21;
	s0 =	smax.u32 s0, $0x1;
	[dreg:$0x1b] =	wrdreg s26  }
0x20: {  	v13 =	vimm.s32 $0xB;
	v14 =	vimm.s32 $0xC;
	v0 =	vmov s24;
	s24 =	simm.s32 $0x1;
	s22 =	simm.s32 $0x6;
	[dreg:$0x17] =	wrdreg s1  }
0x21: {  	v15 =	vimm.s32 $0xD;
	v16 =	vimm.s32 $0xE;
	v17 =	vimm.s32 $0xF;
	[dreg:$0x19] =	wrdreg s0;
	s0 =	simm.s32 $0x12300;
	s1 =	simm.s32 $0x2  }
.LBB2_29:
0x22: {  	[bflag:$0x0] =	sbarrier.arrive $0xFFFF  }
.LBB2_33:
0x23: {  	s15 =	rddreg [dreg:$0x1d]  }
0x24: {  	s14 =	rddreg [dreg:$0x19];
	s15 =	sadd.s32 $0x1, s15  }
0x25: {  	p1 =	sne.s32 s15, s14  }
.Ltmp1:
0x26: {  	_ = 	snop;
	(pc) =	sbr.rel @!p1 .LBB2_34-.Ltmp1, $1  }
0x27: {  	_ =	sdelay $0x3  }
.LBB2_1:
0x28: {  	[dreg:$0x1d] =	wrdreg s15;
	s15 =	simm.s32 $0x100;
	s14 =	simm.s32 $0x0  }
.LBB2_2:
0x29: {  	p1 =	sne.s32 s15, $0x1F00;
	[tilespmem:s14+$0x12330] =	vst v1;
	s16 =	smov.u32 s15;
	s15 =	sadd.s32 $0x100, s15  }
.Ltmp2:
0x2a: {  	[tilespmem:s14+$0x12320] =	vst v1;
	(pc) =	sbr.rel @p1 .LBB2_2-.Ltmp2, $3  }
0x2b: {  	[tilespmem:s14+$0x12300] =	vst v1  }
0x2c: {  	[tilespmem:s14+$0x12310] =	vst v1;
	_ =	sdelay $0x1  }
0x2d: {  	s14 =	sshra.s32 s16, $0x2  }
.Ltmp3:
0x2e: {  	(pc) =	sbr.rel @p0 .LBB2_7-.Ltmp3, $4  }
0x2f: {  	[tilespmem:s14+$0x12330] =	vst v1  }
0x30: {  	[tilespmem:s14+$0x12320] =	vst v1  }
0x31: {  	[tilespmem:s14+$0x12300] =	vst v1  }
0x32: {  	[tilespmem:s14+$0x12310] =	vst v1  }
0x33: {  	s14 =	simm.s32 $0x40;
	s15 =	simm.s32 $0x0  }
.LBB2_5:
0x34: {  	p1 =	sne.s32 s14, $0xEC0;
	[tilespmem:s15+$0x5F40] =	vst v1;
	s16 =	smov.u32 s14;
	s14 =	sadd.s32 $0x40, s14  }
.Ltmp4:
0x35: {  	[tilespmem:s15+$0x1D40] =	vst v2;
	(pc) =	sbr.rel @p1 .LBB2_5-.Ltmp4, $2  }
0x36: {  	[tilespmem:s15+$0x3E40] =	vst v2;
	_ =	sdelay $0x2  }
0x37: {  	s15 =	sshra.s32 s16, $0x2  }
0x38: {  	[tilespmem:s15+$0x5F40] =	vst v1  }
0x39: {  	[tilespmem:s15+$0x1D40] =	vst v2  }
0x3a: {  	[tilespmem:s15+$0x3E40] =	vst v2;
	s14 =	simm.s32 $0x0;
	s23 =	rddreg [dreg:$0xa]  }
0x3b: {  	[tilespmem:s14], [sflag:$0x7] =	stream.linear.gather [hbm4b:s23+s14], $0x1D49, $0x38;
	[tilespmem:$0x1AB00] =	vst v63  }
0x3c: {  	_ =	swait.ge [sflag:s30], $0x1D49  }
0x3d: {  	[sflag:s30] =	ssyncset.done $0x0  }
0x3e: {  	s16 =	simm.s32 $0x2100;
	s25 =	rddreg [dreg:$0xb];
	[sflag:s30] =	ssyncadd.s32 $0xFFFFE2B7  }
0x3f: {  	[tilespmem:s16], [sflag:$0x7] =	stream.linear.gather [hbm4b:s25+s14], $0x1D49, $0x38;
	[tilespmem:$0x1AB00] =	vst v63  }
0x40: {  	_ =	swait.ge [sflag:s30], $0x1D49  }
0x41: {  	s28 =	simm.s32 $0x4200;
	[sflag:s30] =	ssyncset.done $0x0  }
.Ltmp5:
0x42: {  	s26 =	rddreg [dreg:$0xc];
	[sflag:s30] =	ssyncadd.s32 $0xFFFFE2B7;
	(pc) =	sbr.rel .LBB2_8-.Ltmp5, $4  }
0x43: {  	[tilespmem:s28], [sflag:$0x7] =	stream.linear.gather [hbm4b:s26+s14], $0x1D49, $0x38;
	[tilespmem:$0x1AB00] =	vst v63  }
0x44: {  	_ =	swait.ge [sflag:s30], $0x1D49  }
0x45: {  	[sflag:s30] =	ssyncset.done $0x0  }
0x46: {  	[sflag:s30] =	ssyncadd.s32 $0xFFFFE2B7  }
.LBB2_7:
0x47: {  	s14 =	simm.s32 $0x0;
	s15 =	rddreg [dreg:$0x7]  }
0x48: {  	[tilespmem:s14], [sflag:$0x7] =	stream.linear.gather [hbm4b:s15+s14], $0x2100, $0x38;
	[tilespmem:$0x1AB00] =	vst v63  }
0x49: {  	_ =	swait.ge [sflag:s30], $0x2100  }
0x4a: {  	[sflag:s30] =	ssyncset.done $0x0  }
0x4b: {  	s16 =	simm.s32 $0x2100;
	s25 =	rddreg [dreg:$0x8];
	[sflag:s30] =	ssyncadd.s32 $0xFFFFDF00  }
0x4c: {  	[tilespmem:s16], [sflag:$0x7] =	stream.linear.gather [hbm4b:s25+s14], $0x2100, $0x38;
	[tilespmem:$0x1AB00] =	vst v63  }
0x4d: {  	_ =	swait.ge [sflag:s30], $0x2100  }
0x4e: {  	[sflag:s30] =	ssyncset.done $0x0  }
0x4f: {  	s28 =	simm.s32 $0x4200;
	s26 =	rddreg [dreg:$0x9];
	[sflag:s30] =	ssyncadd.s32 $0xFFFFDF00  }
0x50: {  	[tilespmem:s28], [sflag:$0x7] =	stream.linear.gather [hbm4b:s26+s14], $0x2100, $0x38;
	[tilespmem:$0x1AB00] =	vst v63  }
0x51: {  	_ =	swait.ge [sflag:s30], $0x2100  }
0x52: {  	[sflag:s30] =	ssyncset.done $0x0  }
0x53: {  	[sflag:s30] =	ssyncadd.s32 $0xFFFFDF00  }
.LBB2_8:
0x54: {  	[spmem:s11] =	stream.linear.scatter [tilespmem:s0], [sflag:$0x7], $0x800, $0x38;
	[tilespmem:$0x1AB00] =	vst v63  }
0x55: {  	_ =	swait.ge [sflag:s30], $0x800  }
0x56: {  	[sflag:s30] =	ssyncset.done $0x0  }
0x57: {  	s14 =	rddreg [dreg:$0xd];
	[sflag:s30] =	ssyncadd.s32 $0xFFFFF800  }
0x58: {  	[spmem:s14] =	stream.linear.scatter [tilespmem:s0], [sflag:$0x7], $0x800, $0x38;
	[tilespmem:$0x1AB00] =	vst v63  }
0x59: {  	_ =	swait.ge [sflag:s30], $0x800  }
0x5a: {  	[sflag:s30] =	ssyncset.done $0x0  }
0x5b: {  	s26 =	rddreg [dreg:$0xe];
	[sflag:s30] =	ssyncadd.s32 $0xFFFFF800  }
0x5c: {  	[spmem:s26] =	stream.linear.scatter [tilespmem:s0], [sflag:$0x7], $0x800, $0x38;
	[tilespmem:$0x1AB00] =	vst v63  }
0x5d: {  	_ =	swait.ge [sflag:s30], $0x800  }
0x5e: {  	[sflag:s30] =	ssyncset.done $0x0  }
0x5f: {  	s28 =	rddreg [dreg:$0xf];
	[sflag:s30] =	ssyncadd.s32 $0xFFFFF800  }
0x60: {  	[spmem:s28] =	stream.linear.scatter [tilespmem:s0], [sflag:$0x7], $0x800, $0x38;
	[tilespmem:$0x1AB00] =	vst v63  }
0x61: {  	_ =	swait.ge [sflag:s30], $0x800  }
0x62: {  	[sflag:s30] =	ssyncset.done $0x0  }
0x63: {  	s15 =	rddreg [dreg:$0x10];
	[sflag:s30] =	ssyncadd.s32 $0xFFFFF800  }
0x64: {  	[spmem:s15] =	stream.linear.scatter [tilespmem:s0], [sflag:$0x7], $0x800, $0x38;
	[tilespmem:$0x1AB00] =	vst v63  }
0x65: {  	_ =	swait.ge [sflag:s30], $0x800  }
0x66: {  	[sflag:s30] =	ssyncset.done $0x0  }
0x67: {  	s16 =	rddreg [dreg:$0x11];
	[sflag:s30] =	ssyncadd.s32 $0xFFFFF800  }
0x68: {  	[spmem:s16] =	stream.linear.scatter [tilespmem:s0], [sflag:$0x7], $0x800, $0x38;
	[tilespmem:$0x1AB00] =	vst v63  }
0x69: {  	_ =	swait.ge [sflag:s30], $0x800  }
0x6a: {  	[sflag:s30] =	ssyncset.done $0x0  }
0x6b: {  	s17 =	rddreg [dreg:$0x12];
	[sflag:s30] =	ssyncadd.s32 $0xFFFFF800  }
0x6c: {  	[spmem:s17] =	stream.linear.scatter [tilespmem:s0], [sflag:$0x7], $0x800, $0x38;
	[tilespmem:$0x1AB00] =	vst v63  }
0x6d: {  	_ =	swait.ge [sflag:s30], $0x800  }
0x6e: {  	[sflag:s30] =	ssyncset.done $0x0  }
0x6f: {  	s18 =	rddreg [dreg:$0x13];
	[sflag:s30] =	ssyncadd.s32 $0xFFFFF800  }
0x70: {  	[spmem:s18] =	stream.linear.scatter [tilespmem:s0], [sflag:$0x7], $0x800, $0x38;
	[tilespmem:$0x1AB00] =	vst v63  }
0x71: {  	_ =	swait.ge [sflag:s30], $0x800  }
0x72: {  	[sflag:s30] =	ssyncset.done $0x0  }
0x73: {  	s19 =	rddreg [dreg:$0x14];
	[sflag:s30] =	ssyncadd.s32 $0xFFFFF800  }
0x74: {  	[spmem:s19] =	stream.linear.scatter [tilespmem:s0], [sflag:$0x7], $0x800, $0x38;
	[tilespmem:$0x1AB00] =	vst v63  }
0x75: {  	_ =	swait.ge [sflag:s30], $0x800  }
0x76: {  	[sflag:s30] =	ssyncset.done $0x0  }
0x77: {  	s20 =	rddreg [dreg:$0x15];
	[sflag:s30] =	ssyncadd.s32 $0xFFFFF800  }
0x78: {  	[spmem:s20] =	stream.linear.scatter [tilespmem:s0], [sflag:$0x7], $0x800, $0x38;
	[tilespmem:$0x1AB00] =	vst v63  }
0x79: {  	_ =	swait.ge [sflag:s30], $0x800  }
0x7a: {  	[sflag:s30] =	ssyncset.done $0x0  }
0x7b: {  	s21 =	rddreg [dreg:$0x16];
	[sflag:s30] =	ssyncadd.s32 $0xFFFFF800  }
0x7c: {  	[spmem:s21] =	stream.linear.scatter [tilespmem:s0], [sflag:$0x7], $0x800, $0x38;
	[tilespmem:$0x1AB00] =	vst v63  }
0x7d: {  	_ =	swait.ge [sflag:s30], $0x800  }
0x7e: {  	[sflag:s30] =	ssyncset.done $0x0  }
0x7f: {  	s23 =	rddreg [dreg:$0x18];
	[sflag:s30] =	ssyncadd.s32 $0xFFFFF800  }
0x80: {  	[spmem:s23] =	stream.linear.scatter [tilespmem:s0], [sflag:$0x7], $0x800, $0x38;
	[tilespmem:$0x1AB00] =	vst v63  }
0x81: {  	_ =	swait.ge [sflag:s30], $0x800  }
0x82: {  	[sflag:s30] =	ssyncset.done $0x0  }
0x83: {  	s25 =	rddreg [dreg:$0x1a];
	[sflag:s30] =	ssyncadd.s32 $0xFFFFF800  }
0x84: {  	[spmem:s25] =	stream.linear.scatter [tilespmem:s0], [sflag:$0x7], $0x800, $0x38;
	[tilespmem:$0x1AB00] =	vst v63  }
0x85: {  	_ =	swait.ge [sflag:s30], $0x800  }
0x86: {  	[sflag:s30] =	ssyncset.done $0x0  }
0x87: {  	s26 =	rddreg [dreg:$0x1b];
	[sflag:s30] =	ssyncadd.s32 $0xFFFFF800  }
0x88: {  	[spmem:s26] =	stream.linear.scatter [tilespmem:s0], [sflag:$0x7], $0x800, $0x38;
	[tilespmem:$0x1AB00] =	vst v63  }
0x89: {  	_ =	swait.ge [sflag:s30], $0x800  }
0x8a: {  	[sflag:s30] =	ssyncset.done $0x0  }
0x8b: {  	s28 =	rddreg [dreg:$0x1c];
	[sflag:s30] =	ssyncadd.s32 $0xFFFFF800  }
0x8c: {  	[spmem:s28] =	stream.linear.scatter [tilespmem:s0], [sflag:$0x7], $0x800, $0x38;
	[tilespmem:$0x1AB00] =	vst v63  }
0x8d: {  	_ =	swait.ge [sflag:s30], $0x800  }
0x8e: {  	[sflag:s30] =	ssyncset.done $0x0  }
0x8f: {  	[sflag:s30] =	ssyncadd.s32 $0xFFFFF800  }
0x90: {  	[spmem:s29] =	stream.linear.scatter [tilespmem:s0], [sflag:$0x7], $0x800, $0x38;
	[tilespmem:$0x1AB00] =	vst v63  }
0x91: {  	_ =	swait.ge [sflag:s30], $0x800  }
0x92: {  	[sflag:s30] =	ssyncset.done $0x0  }
0x93: {  	s14 =	simm.s32 $0x0;
	s15 =	simm.s32 $0x40;
	[sflag:s30] =	ssyncadd.s32 $0xFFFFF800  }
.LBB2_9:
0x94: {  	p1 =	sne.s32 s15, $0x83C0;
	v18 =	vld [tilespmem:s14+$0x2100];
	_ =	sdelay $0x1  }
.Ltmp6:
0x95: {  	(pc) =	sbr.rel @p1 .LBB2_9-.Ltmp6, $3  }
0x96: {  	_ =	sdelay $0x1  }
0x97: {  	v18 =	vadd.s32 v0, v18  }
0x98: {  	[tilespmem:s14+$0x2100] =	vst v18;
	s14 =	sshra.s32 s15, $0x2;
	s15 =	sadd.s32 $0x40, s15  }
0x99: {  	v18 =	vld [tilespmem:s14+$0x2100];
	_ =	sdelay $0x4  }
0x9a: {  	v18 =	vadd.s32 v0, v18  }
0x9b: {  	[tilespmem:s14+$0x2100] =	vst v18  }
0x9c: {  	s14 =	simm.s32 $0x0;
	[bflag:$0x0] =	sbarrier.arrive $0xFFFF  }
.LBB2_11:
0x9d: {  	s15 =	simm.s32 $0x2100  }
0x9e: {  	[tilespmem:s6], [sflag:$0x1] =	stream.indirect.gather [hbm4b:s4+s5], $0x40, s15, s5, $0xb8;
	[tilespmem:$0x1AB00] =	vst v63  }
0x9f: {  	s26 =	simm.s32 $0x2180;
	s28 =	simm.s32 $0x2200;
	s17 =	simm.s32 $0x4300  }
0xa0: {  	[tilespmem:s8], [sflag:$0x2] =	stream.indirect.gather [hbm4b:s4+s5], $0x40, s26, s5, $0xb8;
	[tilespmem:$0x1AB00] =	vst v63  }
0xa1: {  	s18 =	simm.s32 $0x0;
	s15 =	simm.s32 $0x4200;
	s26 =	simm.s32 $0x4280  }
0xa2: {  	[tilespmem:s10], [sflag:$0x3] =	stream.indirect.gather [hbm4b:s4+s5], $0x40, s28, s5, $0xb8;
	[tilespmem:$0x1AB00] =	vst v63  }
.LBB2_12:
0xa3: {  	_ =	swait.ge [sflag:s24], $0x2000  }
0xa4: {  	p1 =	seq.s32 s18, $0x0;
	[sflag:s24] =	ssyncset.done $0x0  }
0xa5: {  	s16 =	simm.s32 @!p1 $0x4;
	[sflag:s24] =	ssyncadd.s32 $0xFFFFE000  }
0xa6: {  	_ =	swait.ge @!p1 [sflag:s16], $0x2000  }
0xa7: {  	[sflag:s16] =	ssyncset.done @!p1 $0x0  }
0xa8: {  	s19 =	simm.s32 $0x0;
	[sflag:s16] =	ssyncadd.s32 @!p1 $0xFFFFE000  }
0xa9: {  	v42 =	vld [tilespmem:s19+$0x6300]  }
0xaa: {  	v43 =	vld [tilespmem:s19+$0x6310]  }
0xab: {  	v41 =	vld [tilespmem:s19+$0x6320]  }
0xac: {  	v40 =	vld [tilespmem:s19+$0x6330]  }
0xad: {  	v38 =	vld [tilespmem:s19+$0x6340]  }
0xae: {  	v39 =	vld [tilespmem:s19+$0x6350]  }
0xaf: {  	v37 =	vld [tilespmem:s19+$0x6360]  }
0xb0: {  	v36 =	vld [tilespmem:s19+$0x6370]  }
0xb1: {  	v34 =	vld [tilespmem:s19+$0x6380]  }
0xb2: {  	v35 =	vld [tilespmem:s19+$0x6390]  }
0xb3: {  	v33 =	vld [tilespmem:s19+$0x63A0]  }
0xb4: {  	v32 =	vld [tilespmem:s19+$0x63B0]  }
0xb5: {  	v30 =	vld [tilespmem:s19+$0x63C0]  }
0xb6: {  	v31 =	vld [tilespmem:s19+$0x63D0]  }
0xb7: {  	v28 =	vld [tilespmem:s19+$0x63E0]  }
0xb8: {  	v29 =	vld [tilespmem:s19+$0x63F0]  }
0xb9: {  	v26 =	vld [tilespmem:s19+$0x6400]  }
0xba: {  	v27 =	vld [tilespmem:s19+$0x6410]  }
0xbb: {  	v25 =	vld [tilespmem:s19+$0x6420]  }
0xbc: {  	v24 =	vld [tilespmem:s19+$0x6430]  }
0xbd: {  	v22 =	vld [tilespmem:s19+$0x6440]  }
0xbe: {  	v23 =	vld [tilespmem:s19+$0x6450]  }
0xbf: {  	v21 =	vld [tilespmem:s19+$0x6460]  }
0xc0: {  	v20 =	vld [tilespmem:s19+$0x6470]  }
0xc1: {  	v19 =	vld [tilespmem:s19+$0x6480]  }
0xc2: {  	s20 =	smul.u32 $0x600, s18;
	s21 =	simm.s32 $0x1000;
	s23 =	smov.u32 s15;
	v18 =	vld [tilespmem:s15+$0x0]  }
.LBB2_13:
0xc3: {  	p2 =	sne.s32 s21, $0x7000;
	v44 =	vld [tilespmem:s19+$0x6490]  }
0xc4: {  	v45 =	vld [tilespmem:s19+$0x64A0]  }
0xc5: {  	v46 =	vld [tilespmem:s19+$0x64B0]  }
0xc6: {  	v47 =	vld [tilespmem:s19+$0x64C0]  }
0xc7: {  	v48 =	vperm.xlane v18, v2;
	v49 =	vperm.xlane v18, v3;
	v50 =	vld [tilespmem:s19+$0x64D0]  }
0xc8: {  	v51 =	vperm.xlane v18, v4;
	v52 =	vperm.xlane v18, v5;
	v53 =	vld [tilespmem:s19+$0x64E0]  }
0xc9: {  	v42 =	vmul.f32 v42, v48;
	v43 =	vmul.f32 v43, v48;
	v54 =	vld [tilespmem:s19+$0x64F0]  }
0xca: {  	v41 =	vmul.f32 v41, v48;
	v40 =	vmul.f32 v40, v48;
	v48 =	vld [tilespmem:s19+$0x6500]  }
0xcb: {  	v38 =	vmul.f32 v38, v49;
	v39 =	vmul.f32 v39, v49;
	[tilespmem:s19+$0xC300] =	vst v42;
	v42 =	vld [tilespmem:s19+$0x6510]  }
0xcc: {  	v37 =	vmul.f32 v37, v49;
	v36 =	vmul.f32 v36, v49;
	[tilespmem:s19+$0xC310] =	vst v43;
	v43 =	vld [tilespmem:s19+$0x6520]  }
0xcd: {  	v34 =	vmul.f32 v34, v51;
	v35 =	vmul.f32 v35, v51;
	[tilespmem:s19+$0xC320] =	vst v41;
	v41 =	vld [tilespmem:s19+$0x6530]  }
0xce: {  	v33 =	vmul.f32 v33, v51;
	v32 =	vmul.f32 v32, v51;
	[tilespmem:s19+$0xC330] =	vst v40;
	v40 =	vld [tilespmem:s19+$0x6540]  }
0xcf: {  	v30 =	vmul.f32 v30, v52;
	v31 =	vmul.f32 v31, v52;
	[tilespmem:s19+$0xC340] =	vst v38;
	v38 =	vld [tilespmem:s19+$0x6550]  }
0xd0: {  	v28 =	vmul.f32 v28, v52;
	v29 =	vmul.f32 v29, v52;
	[tilespmem:s19+$0xC350] =	vst v39;
	v39 =	vld [tilespmem:s19+$0x6560]  }
0xd1: {  	v49 =	vperm.xlane v18, v7;
	[tilespmem:s19+$0xC360] =	vst v37;
	v37 =	vperm.xlane v18, v6;
	v51 =	vld [tilespmem:s19+$0x6570]  }
0xd2: {  	v52 =	vperm.xlane v18, v9;
	[tilespmem:s19+$0xC370] =	vst v36;
	v36 =	vperm.xlane v18, v8;
	v55 =	vld [tilespmem:s19+$0x6580]  }
0xd3: {  	[tilespmem:s19+$0xC380] =	vst v34;
	v26 =	vmul.f32 v26, v37;
	v27 =	vmul.f32 v27, v37;
	v34 =	vld [tilespmem:s19+$0x6590]  }
0xd4: {  	v25 =	vmul.f32 v25, v37;
	v24 =	vmul.f32 v24, v37;
	[tilespmem:s19+$0xC390] =	vst v35;
	v35 =	vld [tilespmem:s19+$0x65A0]  }
0xd5: {  	v22 =	vmul.f32 v22, v49;
	v23 =	vmul.f32 v23, v49;
	[tilespmem:s19+$0xC3A0] =	vst v33;
	v33 =	vld [tilespmem:s19+$0x65B0]  }
0xd6: {  	v21 =	vmul.f32 v21, v49;
	v20 =	vmul.f32 v20, v49;
	[tilespmem:s19+$0xC3B0] =	vst v32;
	v32 =	vld [tilespmem:s19+$0x65C0]  }
0xd7: {  	v19 =	vmul.f32 v19, v36;
	[tilespmem:s19+$0xC3C0] =	vst v30;
	v30 =	vmul.f32 v44, v36;
	v37 =	vld [tilespmem:s19+$0x65D0]  }
0xd8: {  	[tilespmem:s19+$0xC3D0] =	vst v31;
	v31 =	vmul.f32 v45, v36;
	v36 =	vmul.f32 v46, v36;
	v44 =	vld [tilespmem:s19+$0x65E0]  }
0xd9: {  	v45 =	vmul.f32 v50, v52;
	[tilespmem:s19+$0xC3E0] =	vst v28;
	v28 =	vmul.f32 v47, v52;
	v46 =	vld [tilespmem:s19+$0x65F0]  }
0xda: {  	v47 =	vmul.f32 v54, v52;
	[tilespmem:s19+$0xC3F0] =	vst v29;
	v29 =	vmul.f32 v53, v52;
	v49 =	vld [tilespmem:s19+$0x6600]  }
0xdb: {  	v50 =	vperm.xlane v18, v11;
	[tilespmem:s19+$0xC400] =	vst v26;
	v26 =	vperm.xlane v18, v10;
	v52 =	vld [tilespmem:s19+$0x6610]  }
0xdc: {  	v53 =	vperm.xlane v18, v13;
	[tilespmem:s19+$0xC410] =	vst v27;
	v27 =	vperm.xlane v18, v12;
	v54 =	vld [tilespmem:s19+$0x6620]  }
0xdd: {  	[tilespmem:s19+$0xC420] =	vst v25;
	v25 =	vmul.f32 v48, v26;
	v42 =	vmul.f32 v42, v26;
	v48 =	vld [tilespmem:s19+$0x6630]  }
0xde: {  	[tilespmem:s19+$0xC430] =	vst v24;
	v24 =	vmul.f32 v43, v26;
	v26 =	vmul.f32 v41, v26;
	v41 =	vld [tilespmem:s19+$0x6640]  }
0xdf: {  	v38 =	vmul.f32 v38, v50;
	[tilespmem:s19+$0xC440] =	vst v22;
	v22 =	vmul.f32 v40, v50;
	v40 =	vld [tilespmem:s19+$0x6650]  }
0xe0: {  	[tilespmem:s19+$0xC450] =	vst v23;
	v23 =	vmul.f32 v39, v50;
	v39 =	vmul.f32 v51, v50;
	v43 =	vld [tilespmem:s19+$0x6660]  }
0xe1: {  	v34 =	vmul.f32 v34, v27;
	[tilespmem:s19+$0xC460] =	vst v21;
	v21 =	vmul.f32 v55, v27;
	v50 =	vld [tilespmem:s19+$0x6670]  }
0xe2: {  	[tilespmem:s19+$0xC470] =	vst v20;
	v20 =	vmul.f32 v35, v27;
	v27 =	vmul.f32 v33, v27;
	v33 =	vld [tilespmem:s19+$0x6680]  }
0xe3: {  	[tilespmem:s19+$0xC480] =	vst v19;
	v19 =	vmul.f32 v32, v53;
	v32 =	vmul.f32 v37, v53;
	v35 =	vld [tilespmem:s19+$0x6690]  }
0xe4: {  	[tilespmem:s19+$0xC490] =	vst v30;
	v30 =	vmul.f32 v44, v53;
	v44 =	vmul.f32 v46, v53;
	v37 =	vld [tilespmem:s19+$0x66A0]  }
0xe5: {  	v46 =	vperm.xlane v18, v15;
	[tilespmem:s19+$0xC4A0] =	vst v31;
	v31 =	vperm.xlane v18, v14;
	v51 =	vld [tilespmem:s19+$0x66B0]  }
0xe6: {  	[tilespmem:s19+$0xC4B0] =	vst v36;
	v36 =	vperm.xlane v18, v16;
	v18 =	vperm.xlane v18, v17;
	v53 =	vld [tilespmem:s19+$0x66C0]  }
0xe7: {  	[tilespmem:s19+$0xC4C0] =	vst v28;
	v28 =	vmul.f32 v49, v31;
	v49 =	vmul.f32 v52, v31;
	v52 =	vld [tilespmem:s19+$0x66D0]  }
0xe8: {  	[tilespmem:s19+$0xC4D0] =	vst v45;
	v45 =	vmul.f32 v54, v31;
	v31 =	vmul.f32 v48, v31;
	v48 =	vld [tilespmem:s19+$0x66E0]  }
0xe9: {  	v54 =	vmul.f32 v40, v46;
	[tilespmem:s19+$0xC4E0] =	vst v29;
	v29 =	vmul.f32 v41, v46;
	v40 =	vld [tilespmem:s19+$0x66F0]  }
0xea: {  	[tilespmem:s19+$0xC4F0] =	vst v47;
	v47 =	vmul.f32 v43, v46;
	v46 =	vmul.f32 v50, v46  }
0xeb: {  	v50 =	vmul.f32 v35, v36;
	[tilespmem:s19+$0xC500] =	vst v25;
	v25 =	vmul.f32 v33, v36  }
0xec: {  	v55 =	vmul.f32 v37, v36;
	v51 =	vmul.f32 v51, v36;
	[tilespmem:s19+$0xC510] =	vst v42  }
0xed: {  	v53 =	vmul.f32 v53, v18;
	v52 =	vmul.f32 v52, v18;
	[tilespmem:s19+$0xC520] =	vst v24  }
0xee: {  	v48 =	vmul.f32 v48, v18;
	[tilespmem:s19+$0xC530] =	vst v26;
	v18 =	vmul.f32 v40, v18  }
0xef: {  	[tilespmem:s19+$0xC540] =	vst v22  }
0xf0: {  	[tilespmem:s19+$0xC550] =	vst v38  }
0xf1: {  	s16 =	sshra.s32 s21, $0x2;
	[tilespmem:s19+$0xC560] =	vst v23  }
0xf2: {  	v42 =	vld [tilespmem:s16+$0x6300];
	[tilespmem:s19+$0xC570] =	vst v39  }
0xf3: {  	v43 =	vld [tilespmem:s16+$0x6310];
	[tilespmem:s19+$0xC580] =	vst v21  }
0xf4: {  	v41 =	vld [tilespmem:s16+$0x6320];
	[tilespmem:s19+$0xC590] =	vst v34  }
0xf5: {  	v40 =	vld [tilespmem:s16+$0x6330];
	[tilespmem:s19+$0xC5A0] =	vst v20  }
0xf6: {  	v38 =	vld [tilespmem:s16+$0x6340];
	[tilespmem:s19+$0xC5B0] =	vst v27  }
0xf7: {  	v39 =	vld [tilespmem:s16+$0x6350];
	[tilespmem:s19+$0xC5C0] =	vst v19  }
0xf8: {  	v37 =	vld [tilespmem:s16+$0x6360];
	[tilespmem:s19+$0xC5D0] =	vst v32  }
0xf9: {  	v36 =	vld [tilespmem:s16+$0x6370];
	[tilespmem:s19+$0xC5E0] =	vst v30  }
0xfa: {  	v34 =	vld [tilespmem:s16+$0x6380];
	[tilespmem:s19+$0xC5F0] =	vst v44  }
0xfb: {  	v35 =	vld [tilespmem:s16+$0x6390];
	[tilespmem:s19+$0xC600] =	vst v28  }
0xfc: {  	v33 =	vld [tilespmem:s16+$0x63A0];
	[tilespmem:s19+$0xC610] =	vst v49  }
0xfd: {  	v32 =	vld [tilespmem:s16+$0x63B0];
	[tilespmem:s19+$0xC620] =	vst v45  }
0xfe: {  	v30 =	vld [tilespmem:s16+$0x63C0];
	[tilespmem:s19+$0xC630] =	vst v31  }
0xff: {  	v31 =	vld [tilespmem:s16+$0x63D0];
	[tilespmem:s19+$0xC640] =	vst v29  }
0x100: {  	v28 =	vld [tilespmem:s16+$0x63E0];
	[tilespmem:s19+$0xC650] =	vst v54  }
0x101: {  	v29 =	vld [tilespmem:s16+$0x63F0];
	[tilespmem:s19+$0xC660] =	vst v47  }
0x102: {  	v26 =	vld [tilespmem:s16+$0x6400];
	[tilespmem:s19+$0xC670] =	vst v46  }
0x103: {  	v27 =	vld [tilespmem:s16+$0x6410];
	[tilespmem:s19+$0xC680] =	vst v25  }
0x104: {  	v25 =	vld [tilespmem:s16+$0x6420];
	[tilespmem:s19+$0xC690] =	vst v50  }
0x105: {  	v24 =	vld [tilespmem:s16+$0x6430];
	[tilespmem:s19+$0xC6A0] =	vst v55  }
0x106: {  	v22 =	vld [tilespmem:s16+$0x6440];
	[tilespmem:s19+$0xC6B0] =	vst v51  }
.Ltmp7:
0x107: {  	v23 =	vld [tilespmem:s16+$0x6450];
	[tilespmem:s19+$0xC6C0] =	vst v53;
	(pc) =	sbr.rel @p2 .LBB2_13-.Ltmp7, $4  }
0x108: {  	v21 =	vld [tilespmem:s16+$0x6460];
	[tilespmem:s19+$0xC6D0] =	vst v52  }
0x109: {  	v20 =	vld [tilespmem:s16+$0x6470];
	[tilespmem:s19+$0xC6E0] =	vst v48  }
0x10a: {  	s23 =	sadd.s32 $0x10, s23;
	v19 =	vld [tilespmem:s16+$0x6480];
	[tilespmem:s19+$0xC6F0] =	vst v18;
	s19 =	smov.u32 s16  }
0x10b: {  	s21 =	sadd.s32 $0x1000, s21;
	v18 =	vld [tilespmem:s23+$0x0]  }
0x10c: {  	_ =	sdelay $0x3  }
0x10d: {  	v48 =	vperm.xlane v18, v2;
	_ =	sdelay $0x1  }
0x10e: {  	v42 =	vmul.f32 v42, v48  }
0x10f: {  	v43 =	vmul.f32 v43, v48  }
0x110: {  	v53 =	vperm.xlane v18, v3;
	v41 =	vmul.f32 v41, v48;
	[tilespmem:s19+$0xC300] =	vst v42  }
0x111: {  	v40 =	vmul.f32 v40, v48;
	[tilespmem:s19+$0xC310] =	vst v43  }
0x112: {  	v38 =	vmul.f32 v38, v53;
	[tilespmem:s19+$0xC320] =	vst v41  }
0x113: {  	v39 =	vmul.f32 v39, v53;
	[tilespmem:s19+$0xC330] =	vst v40  }
0x114: {  	v62 =	vperm.xlane v18, v4;
	v37 =	vmul.f32 v37, v53;
	[tilespmem:s19+$0xC340] =	vst v38  }
0x115: {  	v36 =	vmul.f32 v36, v53;
	[tilespmem:s19+$0xC350] =	vst v39  }
0x116: {  	v34 =	vmul.f32 v34, v62;
	[tilespmem:s19+$0xC360] =	vst v37  }
0x117: {  	v35 =	vmul.f32 v35, v62;
	[tilespmem:s19+$0xC370] =	vst v36  }
0x118: {  	v63 =	vperm.xlane v18, v5;
	v33 =	vmul.f32 v33, v62;
	[tilespmem:s19+$0xC380] =	vst v34  }
0x119: {  	v32 =	vmul.f32 v32, v62;
	[tilespmem:s19+$0xC390] =	vst v35  }
0x11a: {  	v30 =	vmul.f32 v30, v63;
	[tilespmem:s19+$0xC3A0] =	vst v33  }
0x11b: {  	v31 =	vmul.f32 v31, v63;
	[tilespmem:s19+$0xC3B0] =	vst v32  }
0x11c: {  	v56 =	vperm.xlane v18, v6;
	v28 =	vmul.f32 v28, v63;
	[tilespmem:s19+$0xC3C0] =	vst v30  }
0x11d: {  	v29 =	vmul.f32 v29, v63;
	[tilespmem:s19+$0xC3D0] =	vst v31  }
0x11e: {  	v26 =	vmul.f32 v26, v56;
	[tilespmem:s19+$0xC3E0] =	vst v28  }
0x11f: {  	v44 =	vld [tilespmem:s19+$0x6490];
	v27 =	vmul.f32 v27, v56;
	[tilespmem:s19+$0xC3F0] =	vst v29  }
0x120: {  	v45 =	vld [tilespmem:s19+$0x64A0];
	v57 =	vperm.xlane v18, v7;
	v25 =	vmul.f32 v25, v56;
	[tilespmem:s19+$0xC400] =	vst v26  }
0x121: {  	v46 =	vld [tilespmem:s19+$0x64B0];
	v24 =	vmul.f32 v24, v56;
	[tilespmem:s19+$0xC410] =	vst v27  }
0x122: {  	v47 =	vld [tilespmem:s19+$0x64C0];
	v22 =	vmul.f32 v22, v57;
	[tilespmem:s19+$0xC420] =	vst v25  }
0x123: {  	v49 =	vld [tilespmem:s19+$0x64D0];
	v58 =	vperm.xlane v18, v8;
	v23 =	vmul.f32 v23, v57;
	[tilespmem:s19+$0xC430] =	vst v24  }
0x124: {  	v50 =	vld [tilespmem:s19+$0x64E0];
	v59 =	vperm.xlane v18, v9;
	v21 =	vmul.f32 v21, v57;
	[tilespmem:s19+$0xC440] =	vst v22  }
0x125: {  	v51 =	vld [tilespmem:s19+$0x64F0];
	v54 =	vperm.xlane v18, v11;
	v20 =	vmul.f32 v20, v57;
	[tilespmem:s19+$0xC450] =	vst v23  }
0x126: {  	v55 =	vperm.xlane v18, v12;
	v19 =	vmul.f32 v19, v58;
	[tilespmem:s19+$0xC460] =	vst v21  }
0x127: {  	v44 =	vmul.f32 v44, v58;
	v45 =	vmul.f32 v45, v58;
	[tilespmem:s19+$0xC470] =	vst v20  }
0x128: {  	v52 =	vld [tilespmem:s19+$0x6500];
	v46 =	vmul.f32 v46, v58;
	v47 =	vmul.f32 v47, v59;
	[tilespmem:s19+$0xC480] =	vst v19  }
0x129: {  	v60 =	vmul.f32 v49, v59;
	v61 =	vmul.f32 v50, v59;
	[tilespmem:s19+$0xC490] =	vst v44  }
0x12a: {  	v62 =	vperm.xlane v18, v10;
	v50 =	vld [tilespmem:s19+$0x66E0];
	v51 =	vmul.f32 v51, v59;
	[tilespmem:s19+$0xC4A0] =	vst v45  }
0x12b: {  	v56 =	vperm.xlane v18, v13;
	v57 =	vperm.xlane v18, v14;
	v42 =	vld [tilespmem:s19+$0x6510];
	[tilespmem:s19+$0xC4B0] =	vst v46  }
0x12c: {  	v58 =	vperm.xlane v18, v15;
	v59 =	vperm.xlane v18, v16;
	v43 =	vld [tilespmem:s19+$0x6520];
	[tilespmem:s19+$0xC4C0] =	vst v47  }
0x12d: {  	v18 =	vperm.xlane v18, v17;
	v41 =	vld [tilespmem:s19+$0x6530];
	[tilespmem:s19+$0xC4D0] =	vst v60;
	v63 =	vmul.f32 v52, v62  }
0x12e: {  	v40 =	vld [tilespmem:s19+$0x6540];
	[tilespmem:s19+$0xC4E0] =	vst v61  }
0x12f: {  	v38 =	vld [tilespmem:s19+$0x6550];
	[tilespmem:s19+$0xC500] =	vst v63;
	v63 =	vmul.f32 v50, v18  }
0x130: {  	v39 =	vld [tilespmem:s19+$0x6560];
	[tilespmem:s19+$0xC4F0] =	vst v51;
	v42 =	vmul.f32 v42, v62  }
0x131: {  	v37 =	vld [tilespmem:s19+$0x6570];
	v43 =	vmul.f32 v43, v62;
	[tilespmem:s19+$0xC6E0] =	vst v63  }
0x132: {  	v36 =	vld [tilespmem:s19+$0x6580];
	v41 =	vmul.f32 v41, v62;
	[tilespmem:s19+$0xC510] =	vst v42  }
0x133: {  	v34 =	vld [tilespmem:s19+$0x6590];
	v40 =	vmul.f32 v40, v54;
	[tilespmem:s19+$0xC520] =	vst v43  }
0x134: {  	v35 =	vld [tilespmem:s19+$0x65A0];
	v38 =	vmul.f32 v38, v54;
	[tilespmem:s19+$0xC530] =	vst v41  }
0x135: {  	v33 =	vld [tilespmem:s19+$0x65B0];
	v39 =	vmul.f32 v39, v54;
	[tilespmem:s19+$0xC540] =	vst v40  }
0x136: {  	v32 =	vld [tilespmem:s19+$0x65C0];
	v37 =	vmul.f32 v37, v54;
	[tilespmem:s19+$0xC550] =	vst v38  }
0x137: {  	v30 =	vld [tilespmem:s19+$0x65D0];
	v36 =	vmul.f32 v36, v55;
	[tilespmem:s19+$0xC560] =	vst v39  }
0x138: {  	v31 =	vld [tilespmem:s19+$0x65E0];
	v34 =	vmul.f32 v34, v55;
	[tilespmem:s19+$0xC570] =	vst v37  }
0x139: {  	v28 =	vld [tilespmem:s19+$0x65F0];
	v35 =	vmul.f32 v35, v55;
	[tilespmem:s19+$0xC580] =	vst v36  }
0x13a: {  	v29 =	vld [tilespmem:s19+$0x6600];
	v33 =	vmul.f32 v33, v55;
	[tilespmem:s19+$0xC590] =	vst v34  }
0x13b: {  	v26 =	vld [tilespmem:s19+$0x6610];
	v32 =	vmul.f32 v32, v56;
	[tilespmem:s19+$0xC5A0] =	vst v35  }
0x13c: {  	v27 =	vld [tilespmem:s19+$0x6620];
	v30 =	vmul.f32 v30, v56;
	[tilespmem:s19+$0xC5B0] =	vst v33  }
0x13d: {  	v25 =	vld [tilespmem:s19+$0x6630];
	v31 =	vmul.f32 v31, v56;
	[tilespmem:s19+$0xC5C0] =	vst v32  }
0x13e: {  	v24 =	vld [tilespmem:s19+$0x6640];
	v28 =	vmul.f32 v28, v56;
	[tilespmem:s19+$0xC5D0] =	vst v30  }
0x13f: {  	v22 =	vld [tilespmem:s19+$0x6650];
	v29 =	vmul.f32 v29, v57;
	[tilespmem:s19+$0xC5E0] =	vst v31  }
0x140: {  	v23 =	vld [tilespmem:s19+$0x6660];
	v26 =	vmul.f32 v26, v57;
	[tilespmem:s19+$0xC5F0] =	vst v28  }
0x141: {  	v21 =	vld [tilespmem:s19+$0x6670];
	v27 =	vmul.f32 v27, v57;
	[tilespmem:s19+$0xC600] =	vst v29  }
0x142: {  	v20 =	vld [tilespmem:s19+$0x6680];
	v25 =	vmul.f32 v25, v57;
	[tilespmem:s19+$0xC610] =	vst v26  }
0x143: {  	v19 =	vld [tilespmem:s19+$0x6690];
	v24 =	vmul.f32 v24, v58;
	[tilespmem:s19+$0xC620] =	vst v27  }
0x144: {  	v44 =	vld [tilespmem:s19+$0x66A0];
	v22 =	vmul.f32 v22, v58;
	[tilespmem:s19+$0xC630] =	vst v25  }
0x145: {  	v45 =	vld [tilespmem:s19+$0x66B0];
	v23 =	vmul.f32 v23, v58;
	[tilespmem:s19+$0xC640] =	vst v24  }
0x146: {  	v47 =	vld [tilespmem:s19+$0x66D0];
	v21 =	vmul.f32 v21, v58;
	[tilespmem:s19+$0xC650] =	vst v22  }
0x147: {  	v46 =	vld [tilespmem:s19+$0x66C0];
	v20 =	vmul.f32 v20, v59;
	[tilespmem:s19+$0xC660] =	vst v23  }
0x148: {  	v52 =	vld [tilespmem:s19+$0x66F0];
	v19 =	vmul.f32 v19, v59;
	[tilespmem:s19+$0xC670] =	vst v21  }
0x149: {  	v60 =	vmul.f32 v44, v59;
	[tilespmem:s19+$0xC680] =	vst v20  }
0x14a: {  	v61 =	vmul.f32 v45, v59;
	[tilespmem:s19+$0xC690] =	vst v19  }
0x14b: {  	p2 =	sne.s32 s18, $0x15;
	v62 =	vmul.f32 v47, v18;
	[tilespmem:s19+$0xC6A0] =	vst v60  }
.Ltmp8:
0x14c: {  	v19 =	vmul.f32 v46, v18;
	[tilespmem:s19+$0xC6B0] =	vst v61;
	(pc) =	sbr.rel @p2 .LBB2_16-.Ltmp8, $4  }
0x14d: {  	v18 =	vmul.f32 v52, v18;
	[tilespmem:s19+$0xC6D0] =	vst v62  }
0x14e: {  	[tilespmem:s19+$0xC6C0] =	vst v19  }
0x14f: {  	[tilespmem:s19+$0xC6F0] =	vst v18;
	s19 =	sshra.s32 s20, $0x2  }
0x150: {  	[spmem:s2] =	stream.indirect.scatter.add.f32 [tilespmem:s3], [sflag:$0x4], $0x40, s19, s5, $0xb8;
	[tilespmem:$0x1AB00] =	vst v63  }
.Ltmp9:
0x151: {  	(pc) =	sbr.rel .LBB2_17-.Ltmp9, $4  }
0x152: {  	_ = 	snop  }
0x153: {  	_ =	swait.ge [sflag:s1], $0x2000  }
0x154: {  	[sflag:s1] =	ssyncset.done $0x0  }
0x155: {  	[sflag:s1] =	ssyncadd.s32 $0xFFFFE000  }
.LBB2_16:
.Ltmp10:
0x156: {  	s16 =	sadd.s32 $0x2280, s19;
	(pc) =	sbr.rel @p1 .LBB2_18-.Ltmp10, $4  }
0x157: {  	[tilespmem:s6], [sflag:$0x1] =	stream.indirect.gather [hbm4b:s4+s5], $0x40, s16, s5, $0xb8;
	[tilespmem:$0x1AB00] =	vst v63  }
0x158: {  	_ =	swait.ge [sflag:s1], $0x2000  }
0x159: {  	[sflag:s1] =	ssyncset.done $0x0  }
0x15a: {  	[sflag:s1] =	ssyncadd.s32 $0xFFFFE000  }
.LBB2_17:
0x15b: {  	_ =	swait.ge [sflag:s7], $0x2000  }
0x15c: {  	[sflag:s7] =	ssyncset.done $0x0  }
0x15d: {  	[sflag:s7] =	ssyncadd.s32 $0xFFFFE000  }
.LBB2_18:
0x15e: {  	s21 =	simm.s32 $0x0;
	v18 =	vld [tilespmem:s26+$0x0]  }
0x15f: {  	v42 =	vld [tilespmem:s21+$0x8300]  }
0x160: {  	v43 =	vld [tilespmem:s21+$0x8310]  }
0x161: {  	v41 =	vld [tilespmem:s21+$0x8320]  }
0x162: {  	v40 =	vld [tilespmem:s21+$0x8330]  }
0x163: {  	v38 =	vld [tilespmem:s21+$0x8340]  }
0x164: {  	v39 =	vld [tilespmem:s21+$0x8350]  }
0x165: {  	v37 =	vld [tilespmem:s21+$0x8360]  }
0x166: {  	v36 =	vld [tilespmem:s21+$0x8370]  }
0x167: {  	v34 =	vld [tilespmem:s21+$0x8380]  }
0x168: {  	v35 =	vld [tilespmem:s21+$0x8390]  }
0x169: {  	v33 =	vld [tilespmem:s21+$0x83A0]  }
0x16a: {  	v32 =	vld [tilespmem:s21+$0x83B0]  }
0x16b: {  	v30 =	vld [tilespmem:s21+$0x83C0]  }
0x16c: {  	v31 =	vld [tilespmem:s21+$0x83D0]  }
0x16d: {  	v28 =	vld [tilespmem:s21+$0x83E0]  }
0x16e: {  	v29 =	vld [tilespmem:s21+$0x83F0]  }
0x16f: {  	v26 =	vld [tilespmem:s21+$0x8400]  }
0x170: {  	v27 =	vld [tilespmem:s21+$0x8410]  }
0x171: {  	v25 =	vld [tilespmem:s21+$0x8420]  }
0x172: {  	v24 =	vld [tilespmem:s21+$0x8430]  }
0x173: {  	v22 =	vld [tilespmem:s21+$0x8440]  }
0x174: {  	v23 =	vld [tilespmem:s21+$0x8450]  }
0x175: {  	v21 =	vld [tilespmem:s21+$0x8460]  }
0x176: {  	v20 =	vld [tilespmem:s21+$0x8470]  }
0x177: {  	s23 =	sadd.s32 $0x200, s20;
	s25 =	simm.s32 $0x1000;
	s16 =	smov.u32 s26;
	v19 =	vld [tilespmem:s21+$0x8480]  }
.LBB2_19:
0x178: {  	p3 =	sne.s32 s25, $0x7000;
	v44 =	vld [tilespmem:s21+$0x8490]  }
0x179: {  	v45 =	vld [tilespmem:s21+$0x84A0]  }
0x17a: {  	v46 =	vld [tilespmem:s21+$0x84B0]  }
0x17b: {  	v47 =	vld [tilespmem:s21+$0x84C0]  }
0x17c: {  	v48 =	vperm.xlane v18, v2;
	v49 =	vperm.xlane v18, v3;
	v50 =	vld [tilespmem:s21+$0x84D0]  }
0x17d: {  	v51 =	vperm.xlane v18, v4;
	v52 =	vperm.xlane v18, v5;
	v53 =	vld [tilespmem:s21+$0x84E0]  }
0x17e: {  	v42 =	vmul.f32 v42, v48;
	v43 =	vmul.f32 v43, v48;
	v54 =	vld [tilespmem:s21+$0x84F0]  }
0x17f: {  	v41 =	vmul.f32 v41, v48;
	v40 =	vmul.f32 v40, v48;
	v48 =	vld [tilespmem:s21+$0x8500]  }
0x180: {  	v38 =	vmul.f32 v38, v49;
	v39 =	vmul.f32 v39, v49;
	[tilespmem:s21+$0xE300] =	vst v42;
	v42 =	vld [tilespmem:s21+$0x8510]  }
0x181: {  	v37 =	vmul.f32 v37, v49;
	v36 =	vmul.f32 v36, v49;
	[tilespmem:s21+$0xE310] =	vst v43;
	v43 =	vld [tilespmem:s21+$0x8520]  }
0x182: {  	v34 =	vmul.f32 v34, v51;
	v35 =	vmul.f32 v35, v51;
	[tilespmem:s21+$0xE320] =	vst v41;
	v41 =	vld [tilespmem:s21+$0x8530]  }
0x183: {  	v33 =	vmul.f32 v33, v51;
	v32 =	vmul.f32 v32, v51;
	[tilespmem:s21+$0xE330] =	vst v40;
	v40 =	vld [tilespmem:s21+$0x8540]  }
0x184: {  	v30 =	vmul.f32 v30, v52;
	v31 =	vmul.f32 v31, v52;
	[tilespmem:s21+$0xE340] =	vst v38;
	v38 =	vld [tilespmem:s21+$0x8550]  }
0x185: {  	v28 =	vmul.f32 v28, v52;
	v29 =	vmul.f32 v29, v52;
	[tilespmem:s21+$0xE350] =	vst v39;
	v39 =	vld [tilespmem:s21+$0x8560]  }
0x186: {  	v49 =	vperm.xlane v18, v7;
	[tilespmem:s21+$0xE360] =	vst v37;
	v37 =	vperm.xlane v18, v6;
	v51 =	vld [tilespmem:s21+$0x8570]  }
0x187: {  	v52 =	vperm.xlane v18, v9;
	[tilespmem:s21+$0xE370] =	vst v36;
	v36 =	vperm.xlane v18, v8;
	v55 =	vld [tilespmem:s21+$0x8580]  }
0x188: {  	[tilespmem:s21+$0xE380] =	vst v34;
	v26 =	vmul.f32 v26, v37;
	v27 =	vmul.f32 v27, v37;
	v34 =	vld [tilespmem:s21+$0x8590]  }
0x189: {  	v25 =	vmul.f32 v25, v37;
	v24 =	vmul.f32 v24, v37;
	[tilespmem:s21+$0xE390] =	vst v35;
	v35 =	vld [tilespmem:s21+$0x85A0]  }
0x18a: {  	v22 =	vmul.f32 v22, v49;
	v23 =	vmul.f32 v23, v49;
	[tilespmem:s21+$0xE3A0] =	vst v33;
	v33 =	vld [tilespmem:s21+$0x85B0]  }
0x18b: {  	v21 =	vmul.f32 v21, v49;
	v20 =	vmul.f32 v20, v49;
	[tilespmem:s21+$0xE3B0] =	vst v32;
	v32 =	vld [tilespmem:s21+$0x85C0]  }
0x18c: {  	v19 =	vmul.f32 v19, v36;
	[tilespmem:s21+$0xE3C0] =	vst v30;
	v30 =	vmul.f32 v44, v36;
	v37 =	vld [tilespmem:s21+$0x85D0]  }
0x18d: {  	[tilespmem:s21+$0xE3D0] =	vst v31;
	v31 =	vmul.f32 v45, v36;
	v36 =	vmul.f32 v46, v36;
	v44 =	vld [tilespmem:s21+$0x85E0]  }
0x18e: {  	v45 =	vmul.f32 v50, v52;
	[tilespmem:s21+$0xE3E0] =	vst v28;
	v28 =	vmul.f32 v47, v52;
	v46 =	vld [tilespmem:s21+$0x85F0]  }
0x18f: {  	v47 =	vmul.f32 v54, v52;
	[tilespmem:s21+$0xE3F0] =	vst v29;
	v29 =	vmul.f32 v53, v52;
	v49 =	vld [tilespmem:s21+$0x8600]  }
0x190: {  	v50 =	vperm.xlane v18, v11;
	[tilespmem:s21+$0xE400] =	vst v26;
	v26 =	vperm.xlane v18, v10;
	v52 =	vld [tilespmem:s21+$0x8610]  }
0x191: {  	v53 =	vperm.xlane v18, v13;
	[tilespmem:s21+$0xE410] =	vst v27;
	v27 =	vperm.xlane v18, v12;
	v54 =	vld [tilespmem:s21+$0x8620]  }
0x192: {  	[tilespmem:s21+$0xE420] =	vst v25;
	v25 =	vmul.f32 v48, v26;
	v42 =	vmul.f32 v42, v26;
	v48 =	vld [tilespmem:s21+$0x8630]  }
0x193: {  	[tilespmem:s21+$0xE430] =	vst v24;
	v24 =	vmul.f32 v43, v26;
	v26 =	vmul.f32 v41, v26;
	v41 =	vld [tilespmem:s21+$0x8640]  }
0x194: {  	v38 =	vmul.f32 v38, v50;
	[tilespmem:s21+$0xE440] =	vst v22;
	v22 =	vmul.f32 v40, v50;
	v40 =	vld [tilespmem:s21+$0x8650]  }
0x195: {  	[tilespmem:s21+$0xE450] =	vst v23;
	v23 =	vmul.f32 v39, v50;
	v39 =	vmul.f32 v51, v50;
	v43 =	vld [tilespmem:s21+$0x8660]  }
0x196: {  	v34 =	vmul.f32 v34, v27;
	[tilespmem:s21+$0xE460] =	vst v21;
	v21 =	vmul.f32 v55, v27;
	v50 =	vld [tilespmem:s21+$0x8670]  }
0x197: {  	[tilespmem:s21+$0xE470] =	vst v20;
	v20 =	vmul.f32 v35, v27;
	v27 =	vmul.f32 v33, v27;
	v33 =	vld [tilespmem:s21+$0x8680]  }
0x198: {  	[tilespmem:s21+$0xE480] =	vst v19;
	v19 =	vmul.f32 v32, v53;
	v32 =	vmul.f32 v37, v53;
	v35 =	vld [tilespmem:s21+$0x8690]  }
0x199: {  	[tilespmem:s21+$0xE490] =	vst v30;
	v30 =	vmul.f32 v44, v53;
	v44 =	vmul.f32 v46, v53;
	v37 =	vld [tilespmem:s21+$0x86A0]  }
0x19a: {  	v46 =	vperm.xlane v18, v15;
	[tilespmem:s21+$0xE4A0] =	vst v31;
	v31 =	vperm.xlane v18, v14;
	v51 =	vld [tilespmem:s21+$0x86B0]  }
0x19b: {  	[tilespmem:s21+$0xE4B0] =	vst v36;
	v36 =	vperm.xlane v18, v16;
	v18 =	vperm.xlane v18, v17;
	v53 =	vld [tilespmem:s21+$0x86C0]  }
0x19c: {  	[tilespmem:s21+$0xE4C0] =	vst v28;
	v28 =	vmul.f32 v49, v31;
	v49 =	vmul.f32 v52, v31;
	v52 =	vld [tilespmem:s21+$0x86D0]  }
0x19d: {  	[tilespmem:s21+$0xE4D0] =	vst v45;
	v45 =	vmul.f32 v54, v31;
	v31 =	vmul.f32 v48, v31;
	v48 =	vld [tilespmem:s21+$0x86E0]  }
0x19e: {  	v54 =	vmul.f32 v40, v46;
	[tilespmem:s21+$0xE4E0] =	vst v29;
	v29 =	vmul.f32 v41, v46;
	v40 =	vld [tilespmem:s21+$0x86F0]  }
0x19f: {  	[tilespmem:s21+$0xE4F0] =	vst v47;
	v47 =	vmul.f32 v43, v46;
	v46 =	vmul.f32 v50, v46  }
0x1a0: {  	v50 =	vmul.f32 v35, v36;
	[tilespmem:s21+$0xE500] =	vst v25;
	v25 =	vmul.f32 v33, v36  }
0x1a1: {  	v55 =	vmul.f32 v37, v36;
	v51 =	vmul.f32 v51, v36;
	[tilespmem:s21+$0xE510] =	vst v42  }
0x1a2: {  	v53 =	vmul.f32 v53, v18;
	v52 =	vmul.f32 v52, v18;
	[tilespmem:s21+$0xE520] =	vst v24  }
0x1a3: {  	v48 =	vmul.f32 v48, v18;
	[tilespmem:s21+$0xE530] =	vst v26;
	v18 =	vmul.f32 v40, v18  }
0x1a4: {  	[tilespmem:s21+$0xE540] =	vst v22  }
0x1a5: {  	[tilespmem:s21+$0xE550] =	vst v38  }
0x1a6: {  	s28 =	sshra.s32 s25, $0x2;
	[tilespmem:s21+$0xE560] =	vst v23  }
0x1a7: {  	v42 =	vld [tilespmem:s28+$0x8300];
	[tilespmem:s21+$0xE570] =	vst v39  }
0x1a8: {  	v43 =	vld [tilespmem:s28+$0x8310];
	[tilespmem:s21+$0xE580] =	vst v21  }
0x1a9: {  	v41 =	vld [tilespmem:s28+$0x8320];
	[tilespmem:s21+$0xE590] =	vst v34  }
0x1aa: {  	v40 =	vld [tilespmem:s28+$0x8330];
	[tilespmem:s21+$0xE5A0] =	vst v20  }
0x1ab: {  	v38 =	vld [tilespmem:s28+$0x8340];
	[tilespmem:s21+$0xE5B0] =	vst v27  }
0x1ac: {  	v39 =	vld [tilespmem:s28+$0x8350];
	[tilespmem:s21+$0xE5C0] =	vst v19  }
0x1ad: {  	v37 =	vld [tilespmem:s28+$0x8360];
	[tilespmem:s21+$0xE5D0] =	vst v32  }
0x1ae: {  	v36 =	vld [tilespmem:s28+$0x8370];
	[tilespmem:s21+$0xE5E0] =	vst v30  }
0x1af: {  	v34 =	vld [tilespmem:s28+$0x8380];
	[tilespmem:s21+$0xE5F0] =	vst v44  }
0x1b0: {  	v35 =	vld [tilespmem:s28+$0x8390];
	[tilespmem:s21+$0xE600] =	vst v28  }
0x1b1: {  	v33 =	vld [tilespmem:s28+$0x83A0];
	[tilespmem:s21+$0xE610] =	vst v49  }
0x1b2: {  	v32 =	vld [tilespmem:s28+$0x83B0];
	[tilespmem:s21+$0xE620] =	vst v45  }
0x1b3: {  	v30 =	vld [tilespmem:s28+$0x83C0];
	[tilespmem:s21+$0xE630] =	vst v31  }
0x1b4: {  	v31 =	vld [tilespmem:s28+$0x83D0];
	[tilespmem:s21+$0xE640] =	vst v29  }
0x1b5: {  	v28 =	vld [tilespmem:s28+$0x83E0];
	[tilespmem:s21+$0xE650] =	vst v54  }
0x1b6: {  	v29 =	vld [tilespmem:s28+$0x83F0];
	[tilespmem:s21+$0xE660] =	vst v47  }
0x1b7: {  	v26 =	vld [tilespmem:s28+$0x8400];
	[tilespmem:s21+$0xE670] =	vst v46  }
0x1b8: {  	v27 =	vld [tilespmem:s28+$0x8410];
	[tilespmem:s21+$0xE680] =	vst v25  }
0x1b9: {  	v25 =	vld [tilespmem:s28+$0x8420];
	[tilespmem:s21+$0xE690] =	vst v50  }
0x1ba: {  	v24 =	vld [tilespmem:s28+$0x8430];
	[tilespmem:s21+$0xE6A0] =	vst v55  }
0x1bb: {  	v22 =	vld [tilespmem:s28+$0x8440];
	[tilespmem:s21+$0xE6B0] =	vst v51  }
.Ltmp11:
0x1bc: {  	v23 =	vld [tilespmem:s28+$0x8450];
	[tilespmem:s21+$0xE6C0] =	vst v53;
	(pc) =	sbr.rel @p3 .LBB2_19-.Ltmp11, $4  }
0x1bd: {  	v21 =	vld [tilespmem:s28+$0x8460];
	[tilespmem:s21+$0xE6D0] =	vst v52  }
0x1be: {  	v20 =	vld [tilespmem:s28+$0x8470];
	[tilespmem:s21+$0xE6E0] =	vst v48  }
0x1bf: {  	s16 =	sadd.s32 $0x10, s16;
	v19 =	vld [tilespmem:s28+$0x8480];
	[tilespmem:s21+$0xE6F0] =	vst v18;
	s21 =	smov.u32 s28  }
0x1c0: {  	s25 =	sadd.s32 $0x1000, s25;
	v18 =	vld [tilespmem:s16+$0x0]  }
0x1c1: {  	_ =	sdelay $0x3  }
0x1c2: {  	v48 =	vperm.xlane v18, v2;
	_ =	sdelay $0x1  }
0x1c3: {  	v42 =	vmul.f32 v42, v48  }
0x1c4: {  	v43 =	vmul.f32 v43, v48  }
0x1c5: {  	v53 =	vperm.xlane v18, v3;
	v41 =	vmul.f32 v41, v48;
	[tilespmem:s21+$0xE300] =	vst v42  }
0x1c6: {  	v40 =	vmul.f32 v40, v48;
	[tilespmem:s21+$0xE310] =	vst v43  }
0x1c7: {  	v38 =	vmul.f32 v38, v53;
	[tilespmem:s21+$0xE320] =	vst v41  }
0x1c8: {  	v39 =	vmul.f32 v39, v53;
	[tilespmem:s21+$0xE330] =	vst v40  }
0x1c9: {  	v62 =	vperm.xlane v18, v4;
	v37 =	vmul.f32 v37, v53;
	[tilespmem:s21+$0xE340] =	vst v38  }
0x1ca: {  	v36 =	vmul.f32 v36, v53;
	[tilespmem:s21+$0xE350] =	vst v39  }
0x1cb: {  	v34 =	vmul.f32 v34, v62;
	[tilespmem:s21+$0xE360] =	vst v37  }
0x1cc: {  	v35 =	vmul.f32 v35, v62;
	[tilespmem:s21+$0xE370] =	vst v36  }
0x1cd: {  	v63 =	vperm.xlane v18, v5;
	v33 =	vmul.f32 v33, v62;
	[tilespmem:s21+$0xE380] =	vst v34  }
0x1ce: {  	v32 =	vmul.f32 v32, v62;
	[tilespmem:s21+$0xE390] =	vst v35  }
0x1cf: {  	v30 =	vmul.f32 v30, v63;
	[tilespmem:s21+$0xE3A0] =	vst v33  }
0x1d0: {  	v31 =	vmul.f32 v31, v63;
	[tilespmem:s21+$0xE3B0] =	vst v32  }
0x1d1: {  	v56 =	vperm.xlane v18, v6;
	v28 =	vmul.f32 v28, v63;
	[tilespmem:s21+$0xE3C0] =	vst v30  }
0x1d2: {  	v29 =	vmul.f32 v29, v63;
	[tilespmem:s21+$0xE3D0] =	vst v31  }
0x1d3: {  	v26 =	vmul.f32 v26, v56;
	[tilespmem:s21+$0xE3E0] =	vst v28  }
0x1d4: {  	v44 =	vld [tilespmem:s21+$0x8490];
	v27 =	vmul.f32 v27, v56;
	[tilespmem:s21+$0xE3F0] =	vst v29  }
0x1d5: {  	v45 =	vld [tilespmem:s21+$0x84A0];
	v57 =	vperm.xlane v18, v7;
	v25 =	vmul.f32 v25, v56;
	[tilespmem:s21+$0xE400] =	vst v26  }
0x1d6: {  	v46 =	vld [tilespmem:s21+$0x84B0];
	v24 =	vmul.f32 v24, v56;
	[tilespmem:s21+$0xE410] =	vst v27  }
0x1d7: {  	v47 =	vld [tilespmem:s21+$0x84C0];
	v22 =	vmul.f32 v22, v57;
	[tilespmem:s21+$0xE420] =	vst v25  }
0x1d8: {  	v49 =	vld [tilespmem:s21+$0x84D0];
	v58 =	vperm.xlane v18, v8;
	v23 =	vmul.f32 v23, v57;
	[tilespmem:s21+$0xE430] =	vst v24  }
0x1d9: {  	v50 =	vld [tilespmem:s21+$0x84E0];
	v59 =	vperm.xlane v18, v9;
	v21 =	vmul.f32 v21, v57;
	[tilespmem:s21+$0xE440] =	vst v22  }
0x1da: {  	v51 =	vld [tilespmem:s21+$0x84F0];
	v54 =	vperm.xlane v18, v11;
	v20 =	vmul.f32 v20, v57;
	[tilespmem:s21+$0xE450] =	vst v23  }
0x1db: {  	v55 =	vperm.xlane v18, v12;
	v19 =	vmul.f32 v19, v58;
	[tilespmem:s21+$0xE460] =	vst v21  }
0x1dc: {  	v44 =	vmul.f32 v44, v58;
	v45 =	vmul.f32 v45, v58;
	[tilespmem:s21+$0xE470] =	vst v20  }
0x1dd: {  	v52 =	vld [tilespmem:s21+$0x8500];
	v46 =	vmul.f32 v46, v58;
	v47 =	vmul.f32 v47, v59;
	[tilespmem:s21+$0xE480] =	vst v19  }
0x1de: {  	v60 =	vmul.f32 v49, v59;
	v61 =	vmul.f32 v50, v59;
	[tilespmem:s21+$0xE490] =	vst v44  }
0x1df: {  	v62 =	vperm.xlane v18, v10;
	v50 =	vld [tilespmem:s21+$0x86E0];
	v51 =	vmul.f32 v51, v59;
	[tilespmem:s21+$0xE4A0] =	vst v45  }
0x1e0: {  	v56 =	vperm.xlane v18, v13;
	v57 =	vperm.xlane v18, v14;
	v42 =	vld [tilespmem:s21+$0x8510];
	[tilespmem:s21+$0xE4B0] =	vst v46  }
0x1e1: {  	v58 =	vperm.xlane v18, v15;
	v59 =	vperm.xlane v18, v16;
	v43 =	vld [tilespmem:s21+$0x8520];
	[tilespmem:s21+$0xE4C0] =	vst v47  }
0x1e2: {  	v18 =	vperm.xlane v18, v17;
	v41 =	vld [tilespmem:s21+$0x8530];
	[tilespmem:s21+$0xE4D0] =	vst v60;
	v63 =	vmul.f32 v52, v62  }
0x1e3: {  	v40 =	vld [tilespmem:s21+$0x8540];
	[tilespmem:s21+$0xE4E0] =	vst v61  }
0x1e4: {  	v38 =	vld [tilespmem:s21+$0x8550];
	[tilespmem:s21+$0xE500] =	vst v63;
	v63 =	vmul.f32 v50, v18  }
0x1e5: {  	v39 =	vld [tilespmem:s21+$0x8560];
	[tilespmem:s21+$0xE4F0] =	vst v51;
	v42 =	vmul.f32 v42, v62  }
0x1e6: {  	v37 =	vld [tilespmem:s21+$0x8570];
	v43 =	vmul.f32 v43, v62;
	[tilespmem:s21+$0xE6E0] =	vst v63  }
0x1e7: {  	v36 =	vld [tilespmem:s21+$0x8580];
	v41 =	vmul.f32 v41, v62;
	[tilespmem:s21+$0xE510] =	vst v42  }
0x1e8: {  	v34 =	vld [tilespmem:s21+$0x8590];
	v40 =	vmul.f32 v40, v54;
	[tilespmem:s21+$0xE520] =	vst v43  }
0x1e9: {  	v35 =	vld [tilespmem:s21+$0x85A0];
	v38 =	vmul.f32 v38, v54;
	[tilespmem:s21+$0xE530] =	vst v41  }
0x1ea: {  	v33 =	vld [tilespmem:s21+$0x85B0];
	v39 =	vmul.f32 v39, v54;
	[tilespmem:s21+$0xE540] =	vst v40  }
0x1eb: {  	v32 =	vld [tilespmem:s21+$0x85C0];
	v37 =	vmul.f32 v37, v54;
	[tilespmem:s21+$0xE550] =	vst v38  }
0x1ec: {  	v30 =	vld [tilespmem:s21+$0x85D0];
	v36 =	vmul.f32 v36, v55;
	[tilespmem:s21+$0xE560] =	vst v39  }
0x1ed: {  	v31 =	vld [tilespmem:s21+$0x85E0];
	v34 =	vmul.f32 v34, v55;
	[tilespmem:s21+$0xE570] =	vst v37  }
0x1ee: {  	v28 =	vld [tilespmem:s21+$0x85F0];
	v35 =	vmul.f32 v35, v55;
	[tilespmem:s21+$0xE580] =	vst v36  }
0x1ef: {  	v29 =	vld [tilespmem:s21+$0x8600];
	v33 =	vmul.f32 v33, v55;
	[tilespmem:s21+$0xE590] =	vst v34  }
0x1f0: {  	v26 =	vld [tilespmem:s21+$0x8610];
	v32 =	vmul.f32 v32, v56;
	[tilespmem:s21+$0xE5A0] =	vst v35  }
0x1f1: {  	v27 =	vld [tilespmem:s21+$0x8620];
	v30 =	vmul.f32 v30, v56;
	[tilespmem:s21+$0xE5B0] =	vst v33  }
0x1f2: {  	v25 =	vld [tilespmem:s21+$0x8630];
	v31 =	vmul.f32 v31, v56;
	[tilespmem:s21+$0xE5C0] =	vst v32  }
0x1f3: {  	v24 =	vld [tilespmem:s21+$0x8640];
	v28 =	vmul.f32 v28, v56;
	[tilespmem:s21+$0xE5D0] =	vst v30  }
0x1f4: {  	v22 =	vld [tilespmem:s21+$0x8650];
	v29 =	vmul.f32 v29, v57;
	[tilespmem:s21+$0xE5E0] =	vst v31  }
0x1f5: {  	v23 =	vld [tilespmem:s21+$0x8660];
	v26 =	vmul.f32 v26, v57;
	[tilespmem:s21+$0xE5F0] =	vst v28  }
0x1f6: {  	v21 =	vld [tilespmem:s21+$0x8670];
	v27 =	vmul.f32 v27, v57;
	[tilespmem:s21+$0xE600] =	vst v29  }
0x1f7: {  	v20 =	vld [tilespmem:s21+$0x8680];
	v25 =	vmul.f32 v25, v57;
	[tilespmem:s21+$0xE610] =	vst v26  }
0x1f8: {  	v19 =	vld [tilespmem:s21+$0x8690];
	v24 =	vmul.f32 v24, v58;
	[tilespmem:s21+$0xE620] =	vst v27  }
0x1f9: {  	v44 =	vld [tilespmem:s21+$0x86A0];
	v22 =	vmul.f32 v22, v58;
	[tilespmem:s21+$0xE630] =	vst v25  }
0x1fa: {  	v45 =	vld [tilespmem:s21+$0x86B0];
	v23 =	vmul.f32 v23, v58;
	[tilespmem:s21+$0xE640] =	vst v24  }
0x1fb: {  	v47 =	vld [tilespmem:s21+$0x86D0];
	v21 =	vmul.f32 v21, v58;
	[tilespmem:s21+$0xE650] =	vst v22  }
0x1fc: {  	v46 =	vld [tilespmem:s21+$0x86C0];
	v20 =	vmul.f32 v20, v59;
	[tilespmem:s21+$0xE660] =	vst v23  }
0x1fd: {  	v52 =	vld [tilespmem:s21+$0x86F0];
	v19 =	vmul.f32 v19, v59;
	[tilespmem:s21+$0xE670] =	vst v21  }
0x1fe: {  	v60 =	vmul.f32 v44, v59;
	[tilespmem:s21+$0xE680] =	vst v20  }
0x1ff: {  	v61 =	vmul.f32 v45, v59;
	[tilespmem:s21+$0xE690] =	vst v19  }
0x200: {  	v62 =	vmul.f32 v47, v18;
	[tilespmem:s21+$0xE6A0] =	vst v60  }
.Ltmp12:
0x201: {  	v19 =	vmul.f32 v46, v18;
	[tilespmem:s21+$0xE6B0] =	vst v61;
	(pc) =	sbr.rel @p2 .LBB2_22-.Ltmp12, $4  }
0x202: {  	v18 =	vmul.f32 v52, v18;
	[tilespmem:s21+$0xE6D0] =	vst v62  }
0x203: {  	[tilespmem:s21+$0xE6C0] =	vst v19  }
0x204: {  	s16 =	sshra.s32 s23, $0x2;
	[tilespmem:s21+$0xE6F0] =	vst v18  }
0x205: {  	[spmem:s2] =	stream.indirect.scatter.add.f32 [tilespmem:s9], [sflag:$0x5], $0x40, s16, s5, $0xb8;
	[tilespmem:$0x1AB00] =	vst v63  }
.Ltmp13:
0x206: {  	(pc) =	sbr.rel .LBB2_23-.Ltmp13, $4  }
0x207: {  	_ = 	snop  }
0x208: {  	_ =	swait.ge [sflag:s31], $0x2000  }
0x209: {  	[sflag:s31] =	ssyncset.done $0x0  }
0x20a: {  	[sflag:s31] =	ssyncadd.s32 $0xFFFFE000  }
.LBB2_22:
.Ltmp14:
0x20b: {  	s16 =	sadd.s32 $0x2300, s19;
	(pc) =	sbr.rel @p1 .LBB2_24-.Ltmp14, $4  }
0x20c: {  	[tilespmem:s8], [sflag:$0x2] =	stream.indirect.gather [hbm4b:s4+s5], $0x40, s16, s5, $0xb8;
	[tilespmem:$0x1AB00] =	vst v63  }
0x20d: {  	_ =	swait.ge [sflag:s31], $0x2000  }
0x20e: {  	[sflag:s31] =	ssyncset.done $0x0  }
0x20f: {  	[sflag:s31] =	ssyncadd.s32 $0xFFFFE000  }
.LBB2_23:
0x210: {  	_ =	swait.ge [sflag:s22], $0x2000  }
0x211: {  	[sflag:s22] =	ssyncset.done $0x0  }
0x212: {  	[sflag:s22] =	ssyncadd.s32 $0xFFFFE000  }
.LBB2_24:
0x213: {  	s21 =	simm.s32 $0x0;
	v18 =	vld [tilespmem:s17+$0x0]  }
0x214: {  	v42 =	vld [tilespmem:s21+$0xA300]  }
0x215: {  	v43 =	vld [tilespmem:s21+$0xA310]  }
0x216: {  	v41 =	vld [tilespmem:s21+$0xA320]  }
0x217: {  	v40 =	vld [tilespmem:s21+$0xA330]  }
0x218: {  	v38 =	vld [tilespmem:s21+$0xA340]  }
0x219: {  	v39 =	vld [tilespmem:s21+$0xA350]  }
0x21a: {  	v37 =	vld [tilespmem:s21+$0xA360]  }
0x21b: {  	v36 =	vld [tilespmem:s21+$0xA370]  }
0x21c: {  	v34 =	vld [tilespmem:s21+$0xA380]  }
0x21d: {  	v35 =	vld [tilespmem:s21+$0xA390]  }
0x21e: {  	v33 =	vld [tilespmem:s21+$0xA3A0]  }
0x21f: {  	v32 =	vld [tilespmem:s21+$0xA3B0]  }
0x220: {  	v30 =	vld [tilespmem:s21+$0xA3C0]  }
0x221: {  	v31 =	vld [tilespmem:s21+$0xA3D0]  }
0x222: {  	v28 =	vld [tilespmem:s21+$0xA3E0]  }
0x223: {  	v29 =	vld [tilespmem:s21+$0xA3F0]  }
0x224: {  	v26 =	vld [tilespmem:s21+$0xA400]  }
0x225: {  	v27 =	vld [tilespmem:s21+$0xA410]  }
0x226: {  	v25 =	vld [tilespmem:s21+$0xA420]  }
0x227: {  	v24 =	vld [tilespmem:s21+$0xA430]  }
0x228: {  	v22 =	vld [tilespmem:s21+$0xA440]  }
0x229: {  	v23 =	vld [tilespmem:s21+$0xA450]  }
0x22a: {  	v21 =	vld [tilespmem:s21+$0xA460]  }
0x22b: {  	v20 =	vld [tilespmem:s21+$0xA470]  }
0x22c: {  	s20 =	sadd.s32 $0x400, s20;
	s23 =	simm.s32 $0x1000;
	s16 =	smov.u32 s17;
	v19 =	vld [tilespmem:s21+$0xA480]  }
.LBB2_25:
0x22d: {  	p1 =	sne.s32 s23, $0x7000;
	v44 =	vld [tilespmem:s21+$0xA490]  }
0x22e: {  	v45 =	vld [tilespmem:s21+$0xA4A0]  }
0x22f: {  	v46 =	vld [tilespmem:s21+$0xA4B0]  }
0x230: {  	v47 =	vld [tilespmem:s21+$0xA4C0]  }
0x231: {  	v48 =	vperm.xlane v18, v2;
	v49 =	vperm.xlane v18, v3;
	v50 =	vld [tilespmem:s21+$0xA4D0]  }
0x232: {  	v51 =	vperm.xlane v18, v4;
	v52 =	vperm.xlane v18, v5;
	v53 =	vld [tilespmem:s21+$0xA4E0]  }
0x233: {  	v42 =	vmul.f32 v42, v48;
	v43 =	vmul.f32 v43, v48;
	v54 =	vld [tilespmem:s21+$0xA4F0]  }
0x234: {  	v41 =	vmul.f32 v41, v48;
	v40 =	vmul.f32 v40, v48;
	v48 =	vld [tilespmem:s21+$0xA500]  }
0x235: {  	v38 =	vmul.f32 v38, v49;
	v39 =	vmul.f32 v39, v49;
	[tilespmem:s21+$0x10300] =	vst v42;
	v42 =	vld [tilespmem:s21+$0xA510]  }
0x236: {  	v37 =	vmul.f32 v37, v49;
	v36 =	vmul.f32 v36, v49;
	[tilespmem:s21+$0x10310] =	vst v43;
	v43 =	vld [tilespmem:s21+$0xA520]  }
0x237: {  	v34 =	vmul.f32 v34, v51;
	v35 =	vmul.f32 v35, v51;
	[tilespmem:s21+$0x10320] =	vst v41;
	v41 =	vld [tilespmem:s21+$0xA530]  }
0x238: {  	v33 =	vmul.f32 v33, v51;
	v32 =	vmul.f32 v32, v51;
	[tilespmem:s21+$0x10330] =	vst v40;
	v40 =	vld [tilespmem:s21+$0xA540]  }
0x239: {  	v30 =	vmul.f32 v30, v52;
	v31 =	vmul.f32 v31, v52;
	[tilespmem:s21+$0x10340] =	vst v38;
	v38 =	vld [tilespmem:s21+$0xA550]  }
0x23a: {  	v28 =	vmul.f32 v28, v52;
	v29 =	vmul.f32 v29, v52;
	[tilespmem:s21+$0x10350] =	vst v39;
	v39 =	vld [tilespmem:s21+$0xA560]  }
0x23b: {  	v49 =	vperm.xlane v18, v7;
	[tilespmem:s21+$0x10360] =	vst v37;
	v37 =	vperm.xlane v18, v6;
	v51 =	vld [tilespmem:s21+$0xA570]  }
0x23c: {  	v52 =	vperm.xlane v18, v9;
	[tilespmem:s21+$0x10370] =	vst v36;
	v36 =	vperm.xlane v18, v8;
	v55 =	vld [tilespmem:s21+$0xA580]  }
0x23d: {  	[tilespmem:s21+$0x10380] =	vst v34;
	v26 =	vmul.f32 v26, v37;
	v27 =	vmul.f32 v27, v37;
	v34 =	vld [tilespmem:s21+$0xA590]  }
0x23e: {  	v25 =	vmul.f32 v25, v37;
	v24 =	vmul.f32 v24, v37;
	[tilespmem:s21+$0x10390] =	vst v35;
	v35 =	vld [tilespmem:s21+$0xA5A0]  }
0x23f: {  	v22 =	vmul.f32 v22, v49;
	v23 =	vmul.f32 v23, v49;
	[tilespmem:s21+$0x103A0] =	vst v33;
	v33 =	vld [tilespmem:s21+$0xA5B0]  }
0x240: {  	v21 =	vmul.f32 v21, v49;
	v20 =	vmul.f32 v20, v49;
	[tilespmem:s21+$0x103B0] =	vst v32;
	v32 =	vld [tilespmem:s21+$0xA5C0]  }
0x241: {  	v19 =	vmul.f32 v19, v36;
	[tilespmem:s21+$0x103C0] =	vst v30;
	v30 =	vmul.f32 v44, v36;
	v37 =	vld [tilespmem:s21+$0xA5D0]  }
0x242: {  	[tilespmem:s21+$0x103D0] =	vst v31;
	v31 =	vmul.f32 v45, v36;
	v36 =	vmul.f32 v46, v36;
	v44 =	vld [tilespmem:s21+$0xA5E0]  }
0x243: {  	v45 =	vmul.f32 v50, v52;
	[tilespmem:s21+$0x103E0] =	vst v28;
	v28 =	vmul.f32 v47, v52;
	v46 =	vld [tilespmem:s21+$0xA5F0]  }
0x244: {  	v47 =	vmul.f32 v54, v52;
	[tilespmem:s21+$0x103F0] =	vst v29;
	v29 =	vmul.f32 v53, v52;
	v49 =	vld [tilespmem:s21+$0xA600]  }
0x245: {  	v50 =	vperm.xlane v18, v11;
	[tilespmem:s21+$0x10400] =	vst v26;
	v26 =	vperm.xlane v18, v10;
	v52 =	vld [tilespmem:s21+$0xA610]  }
0x246: {  	v53 =	vperm.xlane v18, v13;
	[tilespmem:s21+$0x10410] =	vst v27;
	v27 =	vperm.xlane v18, v12;
	v54 =	vld [tilespmem:s21+$0xA620]  }
0x247: {  	[tilespmem:s21+$0x10420] =	vst v25;
	v25 =	vmul.f32 v48, v26;
	v42 =	vmul.f32 v42, v26;
	v48 =	vld [tilespmem:s21+$0xA630]  }
0x248: {  	[tilespmem:s21+$0x10430] =	vst v24;
	v24 =	vmul.f32 v43, v26;
	v26 =	vmul.f32 v41, v26;
	v41 =	vld [tilespmem:s21+$0xA640]  }
0x249: {  	v38 =	vmul.f32 v38, v50;
	[tilespmem:s21+$0x10440] =	vst v22;
	v22 =	vmul.f32 v40, v50;
	v40 =	vld [tilespmem:s21+$0xA650]  }
0x24a: {  	[tilespmem:s21+$0x10450] =	vst v23;
	v23 =	vmul.f32 v39, v50;
	v39 =	vmul.f32 v51, v50;
	v43 =	vld [tilespmem:s21+$0xA660]  }
0x24b: {  	v34 =	vmul.f32 v34, v27;
	[tilespmem:s21+$0x10460] =	vst v21;
	v21 =	vmul.f32 v55, v27;
	v50 =	vld [tilespmem:s21+$0xA670]  }
0x24c: {  	[tilespmem:s21+$0x10470] =	vst v20;
	v20 =	vmul.f32 v35, v27;
	v27 =	vmul.f32 v33, v27;
	v33 =	vld [tilespmem:s21+$0xA680]  }
0x24d: {  	[tilespmem:s21+$0x10480] =	vst v19;
	v19 =	vmul.f32 v32, v53;
	v32 =	vmul.f32 v37, v53;
	v35 =	vld [tilespmem:s21+$0xA690]  }
0x24e: {  	[tilespmem:s21+$0x10490] =	vst v30;
	v30 =	vmul.f32 v44, v53;
	v44 =	vmul.f32 v46, v53;
	v37 =	vld [tilespmem:s21+$0xA6A0]  }
0x24f: {  	v46 =	vperm.xlane v18, v15;
	[tilespmem:s21+$0x104A0] =	vst v31;
	v31 =	vperm.xlane v18, v14;
	v51 =	vld [tilespmem:s21+$0xA6B0]  }
0x250: {  	[tilespmem:s21+$0x104B0] =	vst v36;
	v36 =	vperm.xlane v18, v16;
	v18 =	vperm.xlane v18, v17;
	v53 =	vld [tilespmem:s21+$0xA6C0]  }
0x251: {  	[tilespmem:s21+$0x104C0] =	vst v28;
	v28 =	vmul.f32 v49, v31;
	v49 =	vmul.f32 v52, v31;
	v52 =	vld [tilespmem:s21+$0xA6D0]  }
0x252: {  	[tilespmem:s21+$0x104D0] =	vst v45;
	v45 =	vmul.f32 v54, v31;
	v31 =	vmul.f32 v48, v31;
	v48 =	vld [tilespmem:s21+$0xA6E0]  }
0x253: {  	v54 =	vmul.f32 v40, v46;
	[tilespmem:s21+$0x104E0] =	vst v29;
	v29 =	vmul.f32 v41, v46;
	v40 =	vld [tilespmem:s21+$0xA6F0]  }
0x254: {  	[tilespmem:s21+$0x104F0] =	vst v47;
	v47 =	vmul.f32 v43, v46;
	v46 =	vmul.f32 v50, v46  }
0x255: {  	v50 =	vmul.f32 v35, v36;
	[tilespmem:s21+$0x10500] =	vst v25;
	v25 =	vmul.f32 v33, v36  }
0x256: {  	v55 =	vmul.f32 v37, v36;
	v51 =	vmul.f32 v51, v36;
	[tilespmem:s21+$0x10510] =	vst v42  }
0x257: {  	v53 =	vmul.f32 v53, v18;
	v52 =	vmul.f32 v52, v18;
	[tilespmem:s21+$0x10520] =	vst v24  }
0x258: {  	v48 =	vmul.f32 v48, v18;
	[tilespmem:s21+$0x10530] =	vst v26;
	v18 =	vmul.f32 v40, v18  }
0x259: {  	[tilespmem:s21+$0x10540] =	vst v22  }
0x25a: {  	[tilespmem:s21+$0x10550] =	vst v38  }
0x25b: {  	s25 =	sshra.s32 s23, $0x2;
	[tilespmem:s21+$0x10560] =	vst v23  }
0x25c: {  	v42 =	vld [tilespmem:s25+$0xA300];
	[tilespmem:s21+$0x10570] =	vst v39  }
0x25d: {  	v43 =	vld [tilespmem:s25+$0xA310];
	[tilespmem:s21+$0x10580] =	vst v21  }
0x25e: {  	v41 =	vld [tilespmem:s25+$0xA320];
	[tilespmem:s21+$0x10590] =	vst v34  }
0x25f: {  	v40 =	vld [tilespmem:s25+$0xA330];
	[tilespmem:s21+$0x105A0] =	vst v20  }
0x260: {  	v38 =	vld [tilespmem:s25+$0xA340];
	[tilespmem:s21+$0x105B0] =	vst v27  }
0x261: {  	v39 =	vld [tilespmem:s25+$0xA350];
	[tilespmem:s21+$0x105C0] =	vst v19  }
0x262: {  	v37 =	vld [tilespmem:s25+$0xA360];
	[tilespmem:s21+$0x105D0] =	vst v32  }
0x263: {  	v36 =	vld [tilespmem:s25+$0xA370];
	[tilespmem:s21+$0x105E0] =	vst v30  }
0x264: {  	v34 =	vld [tilespmem:s25+$0xA380];
	[tilespmem:s21+$0x105F0] =	vst v44  }
0x265: {  	v35 =	vld [tilespmem:s25+$0xA390];
	[tilespmem:s21+$0x10600] =	vst v28  }
0x266: {  	v33 =	vld [tilespmem:s25+$0xA3A0];
	[tilespmem:s21+$0x10610] =	vst v49  }
0x267: {  	v32 =	vld [tilespmem:s25+$0xA3B0];
	[tilespmem:s21+$0x10620] =	vst v45  }
0x268: {  	v30 =	vld [tilespmem:s25+$0xA3C0];
	[tilespmem:s21+$0x10630] =	vst v31  }
0x269: {  	v31 =	vld [tilespmem:s25+$0xA3D0];
	[tilespmem:s21+$0x10640] =	vst v29  }
0x26a: {  	v28 =	vld [tilespmem:s25+$0xA3E0];
	[tilespmem:s21+$0x10650] =	vst v54  }
0x26b: {  	v29 =	vld [tilespmem:s25+$0xA3F0];
	[tilespmem:s21+$0x10660] =	vst v47  }
0x26c: {  	v26 =	vld [tilespmem:s25+$0xA400];
	[tilespmem:s21+$0x10670] =	vst v46  }
0x26d: {  	v27 =	vld [tilespmem:s25+$0xA410];
	[tilespmem:s21+$0x10680] =	vst v25  }
0x26e: {  	v25 =	vld [tilespmem:s25+$0xA420];
	[tilespmem:s21+$0x10690] =	vst v50  }
0x26f: {  	v24 =	vld [tilespmem:s25+$0xA430];
	[tilespmem:s21+$0x106A0] =	vst v55  }
0x270: {  	v22 =	vld [tilespmem:s25+$0xA440];
	[tilespmem:s21+$0x106B0] =	vst v51  }
.Ltmp15:
0x271: {  	v23 =	vld [tilespmem:s25+$0xA450];
	[tilespmem:s21+$0x106C0] =	vst v53;
	(pc) =	sbr.rel @p1 .LBB2_25-.Ltmp15, $4  }
0x272: {  	v21 =	vld [tilespmem:s25+$0xA460];
	[tilespmem:s21+$0x106D0] =	vst v52  }
0x273: {  	v20 =	vld [tilespmem:s25+$0xA470];
	[tilespmem:s21+$0x106E0] =	vst v48  }
0x274: {  	s16 =	sadd.s32 $0x10, s16;
	v19 =	vld [tilespmem:s25+$0xA480];
	[tilespmem:s21+$0x106F0] =	vst v18;
	s21 =	smov.u32 s25  }
0x275: {  	s23 =	sadd.s32 $0x1000, s23;
	v18 =	vld [tilespmem:s16+$0x0]  }
0x276: {  	_ =	sdelay $0x3  }
0x277: {  	v48 =	vperm.xlane v18, v2;
	_ =	sdelay $0x1  }
0x278: {  	v42 =	vmul.f32 v42, v48  }
0x279: {  	v43 =	vmul.f32 v43, v48  }
0x27a: {  	v53 =	vperm.xlane v18, v3;
	v41 =	vmul.f32 v41, v48;
	[tilespmem:s21+$0x10300] =	vst v42  }
0x27b: {  	v40 =	vmul.f32 v40, v48;
	[tilespmem:s21+$0x10310] =	vst v43  }
0x27c: {  	v38 =	vmul.f32 v38, v53;
	[tilespmem:s21+$0x10320] =	vst v41  }
0x27d: {  	v39 =	vmul.f32 v39, v53;
	[tilespmem:s21+$0x10330] =	vst v40  }
0x27e: {  	v62 =	vperm.xlane v18, v4;
	v37 =	vmul.f32 v37, v53;
	[tilespmem:s21+$0x10340] =	vst v38  }
0x27f: {  	v36 =	vmul.f32 v36, v53;
	[tilespmem:s21+$0x10350] =	vst v39  }
0x280: {  	v34 =	vmul.f32 v34, v62;
	[tilespmem:s21+$0x10360] =	vst v37  }
0x281: {  	v35 =	vmul.f32 v35, v62;
	[tilespmem:s21+$0x10370] =	vst v36  }
0x282: {  	v63 =	vperm.xlane v18, v5;
	v33 =	vmul.f32 v33, v62;
	[tilespmem:s21+$0x10380] =	vst v34  }
0x283: {  	v32 =	vmul.f32 v32, v62;
	[tilespmem:s21+$0x10390] =	vst v35  }
0x284: {  	v30 =	vmul.f32 v30, v63;
	[tilespmem:s21+$0x103A0] =	vst v33  }
0x285: {  	v31 =	vmul.f32 v31, v63;
	[tilespmem:s21+$0x103B0] =	vst v32  }
0x286: {  	v56 =	vperm.xlane v18, v6;
	v28 =	vmul.f32 v28, v63;
	[tilespmem:s21+$0x103C0] =	vst v30  }
0x287: {  	v29 =	vmul.f32 v29, v63;
	[tilespmem:s21+$0x103D0] =	vst v31  }
0x288: {  	v26 =	vmul.f32 v26, v56;
	[tilespmem:s21+$0x103E0] =	vst v28  }
0x289: {  	v44 =	vld [tilespmem:s21+$0xA490];
	v27 =	vmul.f32 v27, v56;
	[tilespmem:s21+$0x103F0] =	vst v29  }
0x28a: {  	v45 =	vld [tilespmem:s21+$0xA4A0];
	v57 =	vperm.xlane v18, v7;
	v25 =	vmul.f32 v25, v56;
	[tilespmem:s21+$0x10400] =	vst v26  }
0x28b: {  	v46 =	vld [tilespmem:s21+$0xA4B0];
	v24 =	vmul.f32 v24, v56;
	[tilespmem:s21+$0x10410] =	vst v27  }
0x28c: {  	v47 =	vld [tilespmem:s21+$0xA4C0];
	v22 =	vmul.f32 v22, v57;
	[tilespmem:s21+$0x10420] =	vst v25  }
0x28d: {  	v49 =	vld [tilespmem:s21+$0xA4D0];
	v58 =	vperm.xlane v18, v8;
	v23 =	vmul.f32 v23, v57;
	[tilespmem:s21+$0x10430] =	vst v24  }
0x28e: {  	v50 =	vld [tilespmem:s21+$0xA4E0];
	v59 =	vperm.xlane v18, v9;
	v21 =	vmul.f32 v21, v57;
	[tilespmem:s21+$0x10440] =	vst v22  }
0x28f: {  	v51 =	vld [tilespmem:s21+$0xA4F0];
	v54 =	vperm.xlane v18, v11;
	v20 =	vmul.f32 v20, v57;
	[tilespmem:s21+$0x10450] =	vst v23  }
0x290: {  	v55 =	vperm.xlane v18, v12;
	v19 =	vmul.f32 v19, v58;
	[tilespmem:s21+$0x10460] =	vst v21  }
0x291: {  	v44 =	vmul.f32 v44, v58;
	v45 =	vmul.f32 v45, v58;
	[tilespmem:s21+$0x10470] =	vst v20  }
0x292: {  	v52 =	vld [tilespmem:s21+$0xA500];
	v46 =	vmul.f32 v46, v58;
	v47 =	vmul.f32 v47, v59;
	[tilespmem:s21+$0x10480] =	vst v19  }
0x293: {  	v60 =	vmul.f32 v49, v59;
	v61 =	vmul.f32 v50, v59;
	[tilespmem:s21+$0x10490] =	vst v44  }
0x294: {  	v62 =	vperm.xlane v18, v10;
	v50 =	vld [tilespmem:s21+$0xA6E0];
	v51 =	vmul.f32 v51, v59;
	[tilespmem:s21+$0x104A0] =	vst v45  }
0x295: {  	v56 =	vperm.xlane v18, v13;
	v57 =	vperm.xlane v18, v14;
	v42 =	vld [tilespmem:s21+$0xA510];
	[tilespmem:s21+$0x104B0] =	vst v46  }
0x296: {  	v58 =	vperm.xlane v18, v15;
	v59 =	vperm.xlane v18, v16;
	v43 =	vld [tilespmem:s21+$0xA520];
	[tilespmem:s21+$0x104C0] =	vst v47  }
0x297: {  	v18 =	vperm.xlane v18, v17;
	v41 =	vld [tilespmem:s21+$0xA530];
	[tilespmem:s21+$0x104D0] =	vst v60;
	v63 =	vmul.f32 v52, v62  }
0x298: {  	v40 =	vld [tilespmem:s21+$0xA540];
	[tilespmem:s21+$0x104E0] =	vst v61  }
0x299: {  	v38 =	vld [tilespmem:s21+$0xA550];
	[tilespmem:s21+$0x10500] =	vst v63;
	v63 =	vmul.f32 v50, v18  }
0x29a: {  	v39 =	vld [tilespmem:s21+$0xA560];
	[tilespmem:s21+$0x104F0] =	vst v51;
	v42 =	vmul.f32 v42, v62  }
0x29b: {  	v37 =	vld [tilespmem:s21+$0xA570];
	v43 =	vmul.f32 v43, v62;
	[tilespmem:s21+$0x106E0] =	vst v63  }
0x29c: {  	v36 =	vld [tilespmem:s21+$0xA580];
	v41 =	vmul.f32 v41, v62;
	[tilespmem:s21+$0x10510] =	vst v42  }
0x29d: {  	v34 =	vld [tilespmem:s21+$0xA590];
	v40 =	vmul.f32 v40, v54;
	[tilespmem:s21+$0x10520] =	vst v43  }
0x29e: {  	v35 =	vld [tilespmem:s21+$0xA5A0];
	v38 =	vmul.f32 v38, v54;
	[tilespmem:s21+$0x10530] =	vst v41  }
0x29f: {  	v33 =	vld [tilespmem:s21+$0xA5B0];
	v39 =	vmul.f32 v39, v54;
	[tilespmem:s21+$0x10540] =	vst v40  }
0x2a0: {  	v32 =	vld [tilespmem:s21+$0xA5C0];
	v37 =	vmul.f32 v37, v54;
	[tilespmem:s21+$0x10550] =	vst v38  }
0x2a1: {  	v30 =	vld [tilespmem:s21+$0xA5D0];
	v36 =	vmul.f32 v36, v55;
	[tilespmem:s21+$0x10560] =	vst v39  }
0x2a2: {  	v31 =	vld [tilespmem:s21+$0xA5E0];
	v34 =	vmul.f32 v34, v55;
	[tilespmem:s21+$0x10570] =	vst v37  }
0x2a3: {  	v28 =	vld [tilespmem:s21+$0xA5F0];
	v35 =	vmul.f32 v35, v55;
	[tilespmem:s21+$0x10580] =	vst v36  }
0x2a4: {  	v29 =	vld [tilespmem:s21+$0xA600];
	v33 =	vmul.f32 v33, v55;
	[tilespmem:s21+$0x10590] =	vst v34  }
0x2a5: {  	v26 =	vld [tilespmem:s21+$0xA610];
	v32 =	vmul.f32 v32, v56;
	[tilespmem:s21+$0x105A0] =	vst v35  }
0x2a6: {  	v27 =	vld [tilespmem:s21+$0xA620];
	v30 =	vmul.f32 v30, v56;
	[tilespmem:s21+$0x105B0] =	vst v33  }
0x2a7: {  	v25 =	vld [tilespmem:s21+$0xA630];
	v31 =	vmul.f32 v31, v56;
	[tilespmem:s21+$0x105C0] =	vst v32  }
0x2a8: {  	v24 =	vld [tilespmem:s21+$0xA640];
	v28 =	vmul.f32 v28, v56;
	[tilespmem:s21+$0x105D0] =	vst v30  }
0x2a9: {  	v22 =	vld [tilespmem:s21+$0xA650];
	v29 =	vmul.f32 v29, v57;
	[tilespmem:s21+$0x105E0] =	vst v31  }
0x2aa: {  	v23 =	vld [tilespmem:s21+$0xA660];
	v26 =	vmul.f32 v26, v57;
	[tilespmem:s21+$0x105F0] =	vst v28  }
0x2ab: {  	v21 =	vld [tilespmem:s21+$0xA670];
	v27 =	vmul.f32 v27, v57;
	[tilespmem:s21+$0x10600] =	vst v29  }
0x2ac: {  	v20 =	vld [tilespmem:s21+$0xA680];
	v25 =	vmul.f32 v25, v57;
	[tilespmem:s21+$0x10610] =	vst v26  }
0x2ad: {  	v19 =	vld [tilespmem:s21+$0xA690];
	v24 =	vmul.f32 v24, v58;
	[tilespmem:s21+$0x10620] =	vst v27  }
0x2ae: {  	v44 =	vld [tilespmem:s21+$0xA6A0];
	v22 =	vmul.f32 v22, v58;
	[tilespmem:s21+$0x10630] =	vst v25  }
0x2af: {  	v45 =	vld [tilespmem:s21+$0xA6B0];
	v23 =	vmul.f32 v23, v58;
	[tilespmem:s21+$0x10640] =	vst v24  }
0x2b0: {  	v47 =	vld [tilespmem:s21+$0xA6D0];
	v21 =	vmul.f32 v21, v58;
	[tilespmem:s21+$0x10650] =	vst v22  }
0x2b1: {  	v46 =	vld [tilespmem:s21+$0xA6C0];
	v20 =	vmul.f32 v20, v59;
	[tilespmem:s21+$0x10660] =	vst v23  }
0x2b2: {  	v52 =	vld [tilespmem:s21+$0xA6F0];
	v19 =	vmul.f32 v19, v59;
	[tilespmem:s21+$0x10670] =	vst v21  }
0x2b3: {  	v60 =	vmul.f32 v44, v59;
	[tilespmem:s21+$0x10680] =	vst v20  }
0x2b4: {  	v61 =	vmul.f32 v45, v59;
	[tilespmem:s21+$0x10690] =	vst v19  }
0x2b5: {  	p1 =	seq.s32 s18, $0x15;
	v62 =	vmul.f32 v47, v18;
	[tilespmem:s21+$0x106A0] =	vst v60  }
.Ltmp16:
0x2b6: {  	v19 =	vmul.f32 v46, v18;
	[tilespmem:s21+$0x106B0] =	vst v61;
	(pc) =	sbr.rel @p1 .LBB2_28-.Ltmp16, $4  }
0x2b7: {  	v18 =	vmul.f32 v52, v18;
	[tilespmem:s21+$0x106D0] =	vst v62  }
0x2b8: {  	[tilespmem:s21+$0x106C0] =	vst v19  }
0x2b9: {  	s16 =	sshra.s32 s20, $0x2;
	[tilespmem:s21+$0x106F0] =	vst v18  }
0x2ba: {  	[spmem:s2] =	stream.indirect.scatter.add.f32 [tilespmem:s12], [sflag:$0x6], $0x40, s16, s5, $0xb8;
	[tilespmem:$0x1AB00] =	vst v63  }
.Ltmp17:
0x2bb: {  	(pc) =	sbr.rel .LBB2_12-.Ltmp17, $4  }
0x2bc: {  	_ = 	snop  }
0x2bd: {  	s16 =	sadd.s32 $0x2380, s19;
	s18 =	sadd.s32 $0x1, s18  }
0x2be: {  	s15 =	sadd.s32 $0x180, s15;
	s26 =	sadd.s32 $0x180, s26;
	s17 =	sadd.s32 $0x180, s17  }
0x2bf: {  	[tilespmem:s10], [sflag:$0x3] =	stream.indirect.gather [hbm4b:s4+s5], $0x40, s16, s5, $0xb8;
	[tilespmem:$0x1AB00] =	vst v63  }
.LBB2_28:
0x2c0: {  	_ =	swait.ge [sflag:s13], $0x2000  }
0x2c1: {  	[sflag:s13] =	ssyncset.done $0x0  }
0x2c2: {  	[sflag:s13] =	ssyncadd.s32 $0xFFFFE000  }
0x2c3: {  	_ =	swait.ge [sflag:s7], $0x2000  }
0x2c4: {  	[sflag:s7] =	ssyncset.done $0x0  }
0x2c5: {  	[sflag:s7] =	ssyncadd.s32 $0xFFFFE000  }
0x2c6: {  	_ =	swait.ge [sflag:s22], $0x2000  }
0x2c7: {  	[sflag:s22] =	ssyncset.done $0x0  }
0x2c8: {  	s15 =	sshll.u32 s14, $0x10;
	[sflag:s22] =	ssyncadd.s32 $0xFFFFE000  }
0x2c9: {  	s16 =	stileid.u32;
	s28 =	sshrl.u32 s11, $0x3;
	[bflag:$0x0] =	sbarrier.arrive $0xFFFF  }
0x2ca: {  	p1 =	sne.s32 s14, $0x7;
	s16 =	sshll.u32 s16, $0x6;
	s17 =	rddreg [dreg:$0x17]  }
.Ltmp18:
0x2cb: {  	s16 =	sor.u32 $0x1C07, s16;
	s15 =	sadd.s32 s15, s17;
	(pc) =	sbr.rel @!p1 .LBB2_29-.Ltmp18, $4  }
0x2cc: {  	[hbm:s15], [sflag:s16] =	dma.local [spmem:s28], $0x1000  }
0x2cd: {  	_ =	swait.ge [sflag:s30], $0x1000  }
0x2ce: {  	[sflag:s30] =	ssyncset.done $0x0  }
0x2cf: {  	[sflag:s30] =	ssyncadd.s32 $0xFFFFF000  }
0x2d0: {  	[spmem:s11] =	stream.linear.scatter [tilespmem:s0], [sflag:$0x7], $0x800, $0x38;
	[tilespmem:$0x1AB00] =	vst v63  }
0x2d1: {  	_ =	swait.ge [sflag:s30], $0x800  }
0x2d2: {  	[sflag:s30] =	ssyncset.done $0x0  }
0x2d3: {  	s15 =	rddreg [dreg:$0xd];
	[sflag:s30] =	ssyncadd.s32 $0xFFFFF800  }
0x2d4: {  	[spmem:s15] =	stream.linear.scatter [tilespmem:s0], [sflag:$0x7], $0x800, $0x38;
	[tilespmem:$0x1AB00] =	vst v63  }
0x2d5: {  	_ =	swait.ge [sflag:s30], $0x800  }
0x2d6: {  	[sflag:s30] =	ssyncset.done $0x0  }
0x2d7: {  	s25 =	rddreg [dreg:$0xe];
	[sflag:s30] =	ssyncadd.s32 $0xFFFFF800  }
0x2d8: {  	[spmem:s25] =	stream.linear.scatter [tilespmem:s0], [sflag:$0x7], $0x800, $0x38;
	[tilespmem:$0x1AB00] =	vst v63  }
0x2d9: {  	_ =	swait.ge [sflag:s30], $0x800  }
0x2da: {  	[sflag:s30] =	ssyncset.done $0x0  }
0x2db: {  	s26 =	rddreg [dreg:$0xf];
	[sflag:s30] =	ssyncadd.s32 $0xFFFFF800  }
0x2dc: {  	[spmem:s26] =	stream.linear.scatter [tilespmem:s0], [sflag:$0x7], $0x800, $0x38;
	[tilespmem:$0x1AB00] =	vst v63  }
0x2dd: {  	_ =	swait.ge [sflag:s30], $0x800  }
0x2de: {  	[sflag:s30] =	ssyncset.done $0x0  }
0x2df: {  	s28 =	rddreg [dreg:$0x10];
	[sflag:s30] =	ssyncadd.s32 $0xFFFFF800  }
0x2e0: {  	[spmem:s28] =	stream.linear.scatter [tilespmem:s0], [sflag:$0x7], $0x800, $0x38;
	[tilespmem:$0x1AB00] =	vst v63  }
0x2e1: {  	_ =	swait.ge [sflag:s30], $0x800  }
0x2e2: {  	[sflag:s30] =	ssyncset.done $0x0  }
0x2e3: {  	s16 =	rddreg [dreg:$0x11];
	[sflag:s30] =	ssyncadd.s32 $0xFFFFF800  }
0x2e4: {  	[spmem:s16] =	stream.linear.scatter [tilespmem:s0], [sflag:$0x7], $0x800, $0x38;
	[tilespmem:$0x1AB00] =	vst v63  }
0x2e5: {  	_ =	swait.ge [sflag:s30], $0x800  }
0x2e6: {  	[sflag:s30] =	ssyncset.done $0x0  }
0x2e7: {  	s17 =	rddreg [dreg:$0x12];
	[sflag:s30] =	ssyncadd.s32 $0xFFFFF800  }
0x2e8: {  	[spmem:s17] =	stream.linear.scatter [tilespmem:s0], [sflag:$0x7], $0x800, $0x38;
	[tilespmem:$0x1AB00] =	vst v63  }
0x2e9: {  	_ =	swait.ge [sflag:s30], $0x800  }
0x2ea: {  	[sflag:s30] =	ssyncset.done $0x0  }
0x2eb: {  	s18 =	rddreg [dreg:$0x13];
	[sflag:s30] =	ssyncadd.s32 $0xFFFFF800  }
0x2ec: {  	[spmem:s18] =	stream.linear.scatter [tilespmem:s0], [sflag:$0x7], $0x800, $0x38;
	[tilespmem:$0x1AB00] =	vst v63  }
0x2ed: {  	_ =	swait.ge [sflag:s30], $0x800  }
0x2ee: {  	[sflag:s30] =	ssyncset.done $0x0  }
0x2ef: {  	s19 =	rddreg [dreg:$0x14];
	[sflag:s30] =	ssyncadd.s32 $0xFFFFF800  }
0x2f0: {  	[spmem:s19] =	stream.linear.scatter [tilespmem:s0], [sflag:$0x7], $0x800, $0x38;
	[tilespmem:$0x1AB00] =	vst v63  }
0x2f1: {  	_ =	swait.ge [sflag:s30], $0x800  }
0x2f2: {  	[sflag:s30] =	ssyncset.done $0x0  }
0x2f3: {  	s20 =	rddreg [dreg:$0x15];
	[sflag:s30] =	ssyncadd.s32 $0xFFFFF800  }
0x2f4: {  	[spmem:s20] =	stream.linear.scatter [tilespmem:s0], [sflag:$0x7], $0x800, $0x38;
	[tilespmem:$0x1AB00] =	vst v63  }
0x2f5: {  	_ =	swait.ge [sflag:s30], $0x800  }
0x2f6: {  	[sflag:s30] =	ssyncset.done $0x0  }
0x2f7: {  	s21 =	rddreg [dreg:$0x16];
	[sflag:s30] =	ssyncadd.s32 $0xFFFFF800  }
0x2f8: {  	[spmem:s21] =	stream.linear.scatter [tilespmem:s0], [sflag:$0x7], $0x800, $0x38;
	[tilespmem:$0x1AB00] =	vst v63  }
0x2f9: {  	_ =	swait.ge [sflag:s30], $0x800  }
0x2fa: {  	[sflag:s30] =	ssyncset.done $0x0  }
0x2fb: {  	s23 =	rddreg [dreg:$0x18];
	[sflag:s30] =	ssyncadd.s32 $0xFFFFF800  }
0x2fc: {  	[spmem:s23] =	stream.linear.scatter [tilespmem:s0], [sflag:$0x7], $0x800, $0x38;
	[tilespmem:$0x1AB00] =	vst v63  }
0x2fd: {  	_ =	swait.ge [sflag:s30], $0x800  }
0x2fe: {  	[sflag:s30] =	ssyncset.done $0x0  }
0x2ff: {  	s25 =	rddreg [dreg:$0x1a];
	[sflag:s30] =	ssyncadd.s32 $0xFFFFF800  }
0x300: {  	[spmem:s25] =	stream.linear.scatter [tilespmem:s0], [sflag:$0x7], $0x800, $0x38;
	[tilespmem:$0x1AB00] =	vst v63  }
0x301: {  	_ =	swait.ge [sflag:s30], $0x800  }
0x302: {  	[sflag:s30] =	ssyncset.done $0x0  }
0x303: {  	s26 =	rddreg [dreg:$0x1b];
	[sflag:s30] =	ssyncadd.s32 $0xFFFFF800  }
0x304: {  	[spmem:s26] =	stream.linear.scatter [tilespmem:s0], [sflag:$0x7], $0x800, $0x38;
	[tilespmem:$0x1AB00] =	vst v63  }
0x305: {  	_ =	swait.ge [sflag:s30], $0x800  }
0x306: {  	[sflag:s30] =	ssyncset.done $0x0  }
0x307: {  	s28 =	rddreg [dreg:$0x1c];
	[sflag:s30] =	ssyncadd.s32 $0xFFFFF800  }
0x308: {  	[spmem:s28] =	stream.linear.scatter [tilespmem:s0], [sflag:$0x7], $0x800, $0x38;
	[tilespmem:$0x1AB00] =	vst v63  }
0x309: {  	_ =	swait.ge [sflag:s30], $0x800  }
0x30a: {  	[sflag:s30] =	ssyncset.done $0x0  }
0x30b: {  	[sflag:s30] =	ssyncadd.s32 $0xFFFFF800  }
0x30c: {  	[spmem:s29] =	stream.linear.scatter [tilespmem:s0], [sflag:$0x7], $0x800, $0x38;
	[tilespmem:$0x1AB00] =	vst v63  }
0x30d: {  	_ =	swait.ge [sflag:s30], $0x800  }
0x30e: {  	s14 =	sadd.s32 $0x1, s14;
	[sflag:s30] =	ssyncset.done $0x0  }
0x30f: {  	s15 =	simm.s32 $0x0;
	s16 =	simm.s32 $0x40;
	[sflag:s30] =	ssyncadd.s32 $0xFFFFF800  }
.LBB2_31:
0x310: {  	p1 =	sne.s32 s16, $0x83C0;
	v18 =	vld [tilespmem:s15+$0x2100];
	_ =	sdelay $0x1  }
.Ltmp19:
0x311: {  	(pc) =	sbr.rel @p1 .LBB2_31-.Ltmp19, $3  }
0x312: {  	_ =	sdelay $0x1  }
0x313: {  	v18 =	vadd.s32 $0x4000, v18  }
0x314: {  	[tilespmem:s15+$0x2100] =	vst v18;
	s15 =	sshra.s32 s16, $0x2;
	s16 =	sadd.s32 $0x40, s16  }
0x315: {  	v18 =	vld [tilespmem:s15+$0x2100];
	_ =	sdelay $0x2  }
0x316: {  	p1 =	sne.s32 s14, $0x8  }
.Ltmp20:
0x317: {  	_ = 	snop;
	(pc) =	sbr.rel @p1 .LBB2_11-.Ltmp20, $4  }
.Ltmp21:
0x318: {  	v18 =	vadd.s32 $0x4000, v18;
	(pc) =	sbr.rel @!p1 .LBB2_33-.Ltmp21, $4  }
0x319: {  	[tilespmem:s15+$0x2100] =	vst v18  }
0x31a: {  	[bflag:$0x0] =	sbarrier.arrive $0xFFFF  }
0x31b: {  	_ = 	snop  }
0x31c: {  	_ = 	snop  }
.LBB2_34:
0x31d: {  	_ =	sfence.sel $0x180000  }
0x31e: {  	[bflag:$0x0] =	sbarrier.arrive $0xFFFF  }
0x31f: {  	_ =	strace $0x90000047  }
0x320: {  	s0 =	stileid.u32;
	[bflag:$0x2] =	sbarrier.arrive $0xFFFF  }
0x321: {  	p0 =	sne.s32 s0, $0x0;
	s0 =	rddreg [dreg:$0x6]  }
0x322: {  	s0 =	sadd.s32 @!p0 $0x100000, s0  }
0x323: {  	[sflag:s0] =	ssyncadd.tile.s32 @!p0 $0x1;
	_ =	shalt  }
.Lfunc_end2:
_tile_overlayer_lowered:
.L_overlay_start_2:
0x324: {  	(tag) =	ssettag $0x2  }
0x325: {  	s0 =	rddreg [dreg:$0x0];
	s2 =	stileid.u32  }
0x326: {  	s1 =	rddreg [dreg:$0x1];
	p0 =	sne.s32 s2, $0x0  }
0x327: {  	s3 =	rddreg [dreg:$0x2];
	[bflag:$0x3] =	sbarrier.arrive $0xFFFF;
	s2 =	simm.s32 @!p0 $0x1C07  }
0x328: {  	[timem:s3], [sflag:s2] =	dma.local @!p0 [hbm:s0], s1  }
0x329: {  	s0 =	simm.s32 @!p0 $0x7  }
0x32a: {  	_ =	swait.ge @!p0 [sflag:s0], s1  }
0x32b: {  	s1 =	ssub.s32 @!p0 $0x0, s1;
	[sflag:s0] =	ssyncset.done @!p0 $0x0  }
0x32c: {  	[sflag:s0] =	ssyncadd.s32 @!p0 s1  }
0x32d: {  	[bflag:$0x3] =	sbarrier.arrive $0xFFFF  }
0x32e: {  	_ =	shalt  }

// kernel: sparse-core-data-format-call.cloned.1.call-start
scs
called_computation_lowered:
.L_overlay_start_0:
0x0: {  	s2 =	sld [smem:$0x3FD9]  }
0x1: {  	s3 =	sld [smem:$0x3FFE];
	_ =	sdelay $0x1  }
0x2: {  	s1 =	srdreg.scid  }
0x3: {  	s0 =	sand.u32 $0x1, s1  }
0x4: {  	s18 =	sshll.u32 s0, $0xA;
	s2 =	sadd.s32 s3, s2  }
0x5: {  	s2 =	sadd.s32 s2, s18  }
0x6: {  	[smem:$0x3FC4] =	sst s2  }
0x7: {  	_ = 	snop  }
0x8: {  	s2 =	sld [smem:$0x3FD0];
	(tm) =	ssettm $0x1  }
0x9: {  	s19 =	sld [smem:$0x3FFB];
	_ =	sdelay $0x3  }
0xa: {  	_ =	strace s19  }
0xb: {  	s3 =	sld [smem:$0x3FFC];
	_ =	sdelay $0x3  }
0xc: {  	_ =	strace s3  }
0xd: {  	s3 =	sld [smem:$0x3FFD];
	_ =	sdelay $0x3  }
0xe: {  	_ =	strace s3  }
0xf: {  	_ =	strace $0x8FFFFFFF  }
0x10: {  	s20 =	sld [smem:$0x3FDB];
	_ =	sdelay $0x1  }
0x11: {  	s4 =	simm.s32 $_scs_section_size  }
0x12: {  	s5 =	simm.s32 $_size__tile_overlayer_lowered;
	s6 =	simm.s32 $_tile_overlayer_lowered  }
0x13: {  	s23 =	simm.s32 $0x1BFF;
	s22 =	sshll.u32 s6, $0x1;
	s3 =	sadd.s32 s4, s20  }
0x14: {  	s7 =	simm.s32 $0x0;
	s21 =	sshll.u32 s5, $0x1;
	s5 =	sadd.s32 s22, s3  }
0x15: {  	[timem:s7], [sflag:s23] =	dma.local [hbm:s5], s21  }
0x16: {  	_ =	swait.ge [sflag:s23], s21  }
0x17: {  	s4 =	ssub.s32 $0x0, s21;
	[sflag:s23] =	ssyncset.done $0x0  }
0x18: {  	[sflag:s23] =	ssyncadd.s32 s4;
	_ =	sdelay $0x1  }
0x19: {  	s24 =	simm.s32 $0x1B8B  }
0x1a: {  	_ =	swait.ge [sflag:s24], $0x1  }
0x1b: {  	[sflag:s24] =	ssyncset.done $0x0  }
0x1c: {  	s26 =	simm.s32 $0x1B8E;
	s25 =	sld [smem:$0x3FFE];
	[sflag:s24] =	ssyncadd.s32 $0xFFFFFFFF  }
0x1d: {  	s27 =	simm.s32 $execute0_lowered;
	[smem:$0x3FD2] =	sst s26  }
0x1e: {  	s5 =	sshll.u32 s27, $0x1;
	_ =	strace $0x80000049;
	[dreg:$0x1] =	wrdreg $0xFFFFFFFF  }
0x1f: {  	s28 =	simm.s32 $_size_execute0_lowered;
	s3 =	sadd.s32 s3, s5;
	[dreg:$0x0] =	wrdreg $0x0  }
0x20: {  	s5 =	sshll.u32 s28, $0x1;
	[dreg:$0x2] =	wrdreg s3  }
0x21: {  	[dreg:$0x3] =	wrdreg s5  }
0x22: {  	[dreg:$0x4] =	wrdreg $0xC0  }
0x23: {  	_ =	task [dreg:s7], $0x5FFFF  }
0x24: {  	[dreg:$0x1] =	wrdreg $0xFFFFFFFF  }
0x25: {  	[dreg:$0x0] =	wrdreg $0x60  }
0x26: {  	[dreg:$0x2] =	wrdreg s25  }
0x27: {  	[dreg:$0x3] =	wrdreg s2  }
0x28: {  	[dreg:$0x4] =	wrdreg $0x9  }
0x29: {  	_ =	task.clear_ibuf [dreg:s7], $0x5FFFF;
	_ =	strace $0x90000049  }
0x2a: {  	s29 =	simm.s32 $0x9;
	_ =	strace $0x8000004B  }
0x2b: {  	_ =	swait.ge [sflag:s29], $0x1  }
0x2c: {  	[sflag:s29] =	ssyncadd.s32 $0xFFFFFFFF  }
0x2d: {  	_ =	strace $0x9000004B  }
0x2e: {  	_ =	sfence  }
0x2f: {  	s30 =	sld [smem:$0x0];
	_ =	sdelay $0x2  }
0x30: {  	s31 =	sshll.u32 s1, $0xD;
	s1 =	sshrl.u32 s1, $0x2  }
0x31: {  	s3 =	sand.u32 $0x4000, s31;
	s1 =	sadd.s32 s1, s30  }
0x32: {  	s0 =	sor.u32 s3, s0;
	s1 =	sshll.u32 s1, $0x11  }
0x33: {  	s0 =	sor.u32 s1, s0  }
0x34: {  	s0 =	sadd.s32 $0x8F2B, s0  }
0x35: {  	[sflag:s0] =	ssyncadd.remote.s32 $0x1  }
0x36: {  	_ =	sfence.sel $0xFFFF  }
0x37: {  	[dreg:$0x0] =	wrdreg $0xFFFFFFFF;
	(pc) =	sbr.abs _section_cstart, $3  }
0x38: {  	[dreg:$0x1] =	wrdreg $0xFFFFFFFF  }
0x39: {  	_ =	task.clear_ibuf [dreg:s7], $0x2FFFF;
	_ =	strace $0x9FFFFFFF  }
0x3a: {  	(tm) =	ssettm $0x7FFFFFFF  }
0x3b: {  	_ =	shalt  }
tec
execute0_lowered:
.L_overlay_start_1:
0x0: {  	(tag) =	ssettag $0x1  }
0x1: {  	s8 =	rddreg [dreg:$0x0]  }
0x2: {  	s0 =	stileid.u32;
	s1 =	srdreg.scid  }
0x3: {  	s2 =	rddreg [dreg:$0x1];
	s31 =	simm.s32 $0x2;
	s14 =	simm.s32 $0x0  }
0x4: {  	s15 =	simm.s32 $0x0;
	s13 =	simm.s32 $0x0;
	s3 =	sshll.u32 s0, $0x1  }
0x5: {  	s4 =	sshll.u32 s0, $0x4;
	s1 =	sshll.u32 s1, $0x8;
	s3 =	sand.u32 $0xE, s3  }
0x6: {  	s4 =	sor.u32 s4, s1;
	s1 =	rddreg [dreg:$0x2];
	_ =	strace $0x8000004A  }
0x7: {  	s4 =	sand.u32 $0x180, s4;
	s5 =	ssub.s32 $0x10, s3;
	s12 =	smov.u32 s3  }
0x8: {  	s6 =	sand.u32 $0xE, s5;
	s7 =	ssub.s32 $0x2000, s4;
	s10 =	sshrl.u32 s5, $0x4  }
0x9: {  	p0 =	sne.s32 s6, $0x0;
	s6 =	simm.s32 $0x1;
	s9 =	sand.u32 $0x180, s7  }
0xa: {  	s6 =	simm.s32 @!p0 $0x0;
	p0 =	sne.s32 s9, $0x0;
	s9 =	simm.s32 $0x1  }
.Ltmp0:
0xb: {  	s7 =	sshrl.u32 s7, $0x9;
	s9 =	simm.s32 @!p0 $0x0;
	(pc) =	sbr.rel .LBB1_1-.Ltmp0, $4  }
0xc: {  	s5 =	simm.s32 $0x1;
	s6 =	sadd.s32 s6, s10;
	s7 =	sadd.s32 s9, s7  }
0xd: {  	s11 =	smov.u32 s4;
	[sflag:s5] =	ssyncpa.u1 $0x0;
	s6 =	smul.u32 s6, s7  }
0xe: {  	[sflag:s31] =	ssyncpa.u1 $0x0;
	p0 =	por $0x0, $0x0;
	s10 =	simm.s32 $0x10000  }
0xf: {  	s7 =	sadd.s32 $0x800, s8;
	s8 =	sadd.s32 $0x20800, s8;
	s9 =	sadd.s32 $0x1, s6  }
.LBB1_7:
0x10: {  	s16 =	sadd.s32 $0x200, s11  }
0x11: {  	s14 =	sadd.s32 $0x10, s12;
	s18 =	smov.u32 s12;
	p2 =	sgt.s32 s16, $0x1FFF  }
0x12: {  	s18 =	smov.u32 @p2 s14  }
0x13: {  	s16 =	smov.u32 @p2 s4;
	p2 =	sgt.s32 s18, $0xF  }
0x14: {  	s18 =	smov.u32 @p2 s3;
	p2 =	sne.s32 s13, s9  }
.Ltmp1:
0x15: {  	p1 =	slt.u32 s13, $0x2;
	(pc) =	sbr.rel @!p2 .LBB1_8-.Ltmp1, $4  }
0x16: {  	s17 =	simm.s32 @!p1 $0x2  }
0x17: {  	s15 =	smov.u32 s12;
	p0 =	por !p0, !p0;
	_ =	swait.ge @!p1 [sflag:s17], $0x4000  }
0x18: {  	s14 =	smov.u32 s11;
	[sflag:s17] =	ssyncset.done @!p1 $0x0;
	s11 =	smov.u32 s16  }
0x19: {  	s13 =	sadd.s32 $0x1, s13;
	[sflag:s17] =	ssyncadd.s32 @!p1 $0xFFFFC000;
	s12 =	smov.u32 s18  }
.LBB1_1:
0x1a: {  	p1 =	sge.u32 s13, s6  }
0x1b: {  	s16 =	sxor.u32 @!p1 $0xFFFFFFFF, s13;
	s17 =	sshll.u32 @!p1 s12, $0x11  }
0x1c: {  	s18 =	sshll.u32 @!p1 s11, $0x4;
	s20 =	simm.s32 @!p1 $0x40;
	s21 =	simm.s32 @!p1 $0x80  }
0x1d: {  	s16 =	sshll.u32 @!p1 s16, $0xE;
	s18 =	sand.u32 @!p1 $0x1FFF0, s18;
	s19 =	sadd.s32 @!p1 s7, s17  }
0x1e: {  	s17 =	sadd.s32 @!p1 s17, s8;
	s16 =	sand.u32 @!p1 $0x4000, s16;
	s19 =	sadd.s32 @!p1 s18, s19  }
0x1f: {  	[tilespmem:s16], [sflag:$0x1] =	stream.strided.gather @!p1 [hbm4b:s19+s20], $0x2000, s21, s20, $0x38;
	[tilespmem:$0x10100] =	vst v63  }
0x20: {  	s31 =	sadd.s32 $0xFFFFFFFF, s13;
	s17 =	sadd.s32 @!p1 s18, s17;
	s16 =	sor.u32 @!p1 $0x2000, s16  }
0x21: {  	[tilespmem:s16], [sflag:$0x1] =	stream.strided.gather @!p1 [hbm4b:s17+s20], $0x2000, s21, s20, $0x38;
	[tilespmem:$0x10100] =	vst v63  }
0x22: {  	p1 =	sge.u32 s31, s6  }
.Ltmp2:
0x23: {  	_ = 	snop;
	(pc) =	sbr.rel @p1 .LBB1_7-.Ltmp2, $1  }
0x24: {  	_ =	sdelay $0x3  }
0x25: {  	s16 =	simm.s32 $0x1;
	s18 =	sand.u32 $0x1, s13  }
0x26: {  	_ =	swait.ge [sflag:s5], $0x4000;
	s16 =	simm.s32 @!p0 $0x0;
	s18 =	smul.u32 $0x10200, s18  }
0x27: {  	p2 =	por $0x1, $0x1;
	[sflag:s5] =	ssyncset.done $0x0;
	s17 =	smul.u32 $0x10200, s16  }
0x28: {  	s19 =	sshll.u32 s16, $0x10;
	[sflag:s5] =	ssyncadd.s32 $0xFFFFC000;
	s30 =	sshrl.u32 s18, $0x2  }
0x29: {  	s31 =	sshrl.u32 s19, $0x2;
	s19 =	simm.s32 $0x0;
	s17 =	sshrl.u32 s17, $0x2  }
0x2a: {  	s16 =	sor.u32 $0x8000, s30;
	s18 =	sadd.s32 $0x20, s31;
	s17 =	sor.u32 $0x8000, s17  }
.LBB1_3:
0x2b: {  	s20 =	sshll.u32 s19, $0xD  }
0x2c: {  	s20 =	sand.u32 $0x3FFFE000, s20  }
0x2d: {  	s22 =	sadd.s32 s20, s18  }
0x2e: {  	s31 =	smul.u32 $0x8100, s19;
	v3 =	vld [tilespmem:s22+$0x10]  }
0x2f: {  	v1 =	vld [tilespmem:s22+$0xFFFFFFF0]  }
0x30: {  	s19 =	sshra.s32 s31, $0x2;
	v0 =	vld [tilespmem:s22+$0x0]  }
0x31: {  	s19 =	sadd.s32 s19, s17;
	v2 =	vld [tilespmem:s22+$0xFFFFFFE0]  }
0x32: {  	s20 =	sadd.s32 $0x0, s19  }
0x33: {  	p1 =	por p2, p2;
	s21 =	simm.s32 $0x4;
	s22 =	sadd.s32 $0x40, s22;
	[tilespmem:s20+$0x1830 ss:$0x81] =	vst.msk $0xffff, v3  }
.LBB1_4:
0x34: {  	v3 =	vld [tilespmem:s22+$0x10];
	p2 =	sne.s32 s21, $0x1FC;
	[tilespmem:s20+$0x810 ss:$0x81] =	vst.msk $0xffff, v1;
	s23 =	smov.u32 s21;
	s21 =	sadd.s32 $0x4, s21  }
.Ltmp3:
0x35: {  	v1 =	vld [tilespmem:s22+$0xFFFFFFF0];
	[tilespmem:s20+$0x1020 ss:$0x81] =	vst.msk $0xffff, v0;
	(pc) =	sbr.rel @p2 .LBB1_4-.Ltmp3, $4  }
0x36: {  	v0 =	vld [tilespmem:s22+$0x0];
	[tilespmem:s20+$0x0 ss:$0x81] =	vst.msk $0xffff, v2  }
0x37: {  	s20 =	sshra.s32 s23, $0x2;
	v2 =	vld [tilespmem:s22+$0xFFFFFFE0]  }
0x38: {  	s20 =	sadd.s32 s20, s19  }
0x39: {  	s22 =	sadd.s32 $0x40, s22;
	[tilespmem:s20+$0x1830 ss:$0x81] =	vst.msk $0xffff, v3  }
.Ltmp4:
0x3a: {  	(pc) =	sbr.rel @p1 .LBB1_3-.Ltmp4, $4  }
0x3b: {  	_ = 	snop  }
0x3c: {  	[tilespmem:s20+$0x810 ss:$0x81] =	vst.msk $0xffff, v1  }
0x3d: {  	[tilespmem:s20+$0x1020 ss:$0x81] =	vst.msk $0xffff, v0  }
0x3e: {  	s19 =	simm.s32 $0x1;
	p2 =	por $0x0, $0x0;
	[tilespmem:s20+$0x0 ss:$0x81] =	vst.msk $0xffff, v2  }
0x3f: {  	s17 =	sshll.u32 s14, $0x3;
	s18 =	sand.u32 $0x78, s14;
	s15 =	sshll.u32 s15, $0x10  }
.Ltmp5:
0x40: {  	s30 =	sand.u32 $0xFC00, s14;
	s17 =	sand.u32 $0x1C00, s17;
	(pc) =	sbr.rel .LBB1_7-.Ltmp5, $4  }
0x41: {  	s31 =	sand.u32 $0x7, s14;
	s15 =	sadd.s32 s2, s15;
	s17 =	sor.u32 s18, s17  }
0x42: {  	s14 =	sshll.u32 s31, $0x12;
	s15 =	sadd.s32 s30, s15;
	s17 =	sshrl.u32 s17, $0x3  }
0x43: {  	s14 =	sor.u32 $0x400, s14;
	s15 =	sadd.s32 s17, s15  }
0x44: {  	[hbm4b:s15+s14] =	stream.strided.scatter [tilespmem:s16], [sflag:$0x2], $0x4000, s10, s14, $0x20;
	[tilespmem:$0x10100] =	vst v63  }
.LBB1_8:
0x45: {  	_ =	sfence.sel $0x180000  }
0x46: {  	s2 =	simm.s32 $0x1;
	[bflag:$0x0] =	sbarrier.arrive $0xFFFF  }
0x47: {  	s31 =	simm.s32 $0x2;
	[sflag:s2] =	ssyncpa.u1 $0x1  }
0x48: {  	[sflag:s31] =	ssyncpa.u1 $0x1  }
0x49: {  	p0 =	sne.s32 s0, $0x0;
	_ =	strace $0x9000004A  }
0x4a: {  	s0 =	sadd.s32 @!p0 $0x100000, s1;
	[bflag:$0x2] =	sbarrier.arrive $0xFFFF  }
0x4b: {  	[sflag:s0] =	ssyncadd.tile.s32 @!p0 $0x1;
	_ =	shalt  }
.Lfunc_end1:
_tile_overlayer_lowered:
.L_overlay_start_2:
0x4c: {  	(tag) =	ssettag $0x2  }
0x4d: {  	s0 =	rddreg [dreg:$0x0];
	s2 =	stileid.u32  }
0x4e: {  	s1 =	rddreg [dreg:$0x1];
	p0 =	sne.s32 s2, $0x0  }
0x4f: {  	s3 =	rddreg [dreg:$0x2];
	[bflag:$0x3] =	sbarrier.arrive $0xFFFF;
	s2 =	simm.s32 @!p0 $0x1C01  }
0x50: {  	[timem:s3], [sflag:s2] =	dma.local @!p0 [hbm:s0], s1  }
0x51: {  	s0 =	simm.s32 @!p0 $0x1  }
0x52: {  	_ =	swait.ge @!p0 [sflag:s0], s1  }
0x53: {  	s1 =	ssub.s32 @!p0 $0x0, s1;
	[sflag:s0] =	ssyncset.done @!p0 $0x0  }
0x54: {  	[sflag:s0] =	ssyncadd.s32 @!p0 s1  }
0x55: {  	[bflag:$0x3] =	sbarrier.arrive $0xFFFF  }
0x56: {  	_ =	shalt  }

</sc_bundles>
